<compile_context>
chip_gen: v7x
topology: tpu7x:2x2x1
jax: 0.10.2.dev20260603
libtpu: 0.0.44.dev20260713+nightly
codegen_flags: <defaults>
</compile_context>

<pallas_src>
import functools

import jax
import jax.numpy as jnp
from jax import lax
from jax.experimental import pallas as pl
from jax.experimental.pallas import tpu as pltpu
from jax.experimental.pallas import tpu_sc as plsc

NUM_CORES = 2
NUM_SUBCORES = 16
NUM_WORKERS = NUM_CORES * NUM_SUBCORES
CHUNK = 1024
NBUF = 4

SB = 2048


def _make_relayout(Q: int, dq: int, V: int):
    assert dq == 16
    Vp = ((V + 127) // 128) * 128
    n_full = V // SB
    rem = Vp - n_full * SB
    rows_per_q = Vp * dq // 128
    mesh = plsc.VectorSubcoreMesh(core_axis_name="c", subcore_axis_name="s")
    wpq = NUM_WORKERS // Q

    @functools.partial(
        pl.kernel,
        mesh=mesh,
        out_type=jax.ShapeDtypeStruct((Q * Vp * dq,), jnp.float32),
        scratch_types=[
            pltpu.VMEM((dq, SB), jnp.float32),
            pltpu.VMEM((dq, SB), jnp.float32),
            pltpu.VMEM((SB * dq,), jnp.float32),
            pltpu.SemaphoreType.DMA,
            pltpu.SemaphoreType.DMA,
        ],
        compiler_params=pltpu.CompilerParams(
            use_tc_tiling_on_sc=True, needs_layout_passes=False
        ),
    )
    def relayout_kernel(tab_t_hbm, out_hbm, in0, in1, out_v, sem0, sem1):
        in_bufs = (in0, in1)
        in_sems = (sem0, sem1)
        wid = lax.axis_index("s") * NUM_CORES + lax.axis_index("c")
        q = wid // wpq
        lane = jnp.arange(16, dtype=jnp.int32)
        nk = n_full // wpq

        def in_copy(k, b):
            v0 = (wid % wpq + k * wpq) * SB
            return pltpu.make_async_copy(
                tab_t_hbm.at[q, :, pl.ds(pl.multiple_of(v0, 128), SB)],
                in_bufs[b],
                in_sems[b],
            )

        def transpose(in_v, width):
            for d in range(dq):
                @plsc.parallel_loop(0, width // 16, 1, unroll=8,
                                    carry=lane * dq + d)
                def _(c, idx):
                    vec = in_v[d, pl.ds(c * 16, 16)]
                    plsc.store_scatter(out_v, [idx], vec)
                    return idx + 16 * dq

        def out_copy(k, width):
            v0 = (wid % wpq + k * wpq) * SB
            off = (q * Vp + v0) * dq
            pltpu.sync_copy(
                out_v.at[pl.ds(0, width * dq)],
                out_hbm.at[pl.ds(pl.multiple_of(off, 1024), width * dq)],
            )

        in_copy(0, 0).start()

        @pl.loop(0, nk, step=2)
        def _(k):
            for b in range(2):
                kb = k + b

                @pl.when(kb + 1 < nk)
                def _():
                    in_copy(kb + 1, 1 - b).start()

                in_copy(kb, b).wait()
                transpose(in_bufs[b], SB)
                out_copy(kb, SB)

        if rem:
            @pl.when(wid % wpq == (n_full % wpq))
            def _():
                v0 = lax.min(wid, 0) + n_full * SB
                pltpu.sync_copy(
                    tab_t_hbm.at[q, :, pl.ds(pl.multiple_of(v0, 128), rem)],
                    in_bufs[0].at[:, pl.ds(0, rem)],
                )
                transpose(in_bufs[0], rem)
                off = (q * Vp + v0) * dq
                pltpu.sync_copy(
                    out_v.at[pl.ds(0, rem * dq)],
                    out_hbm.at[pl.ds(pl.multiple_of(off, 1024), rem * dq)],
                )

    return relayout_kernel


def _make_lookup(B: int, Q: int, T: int, V: int, dq: int):
    pairs = B * Q
    assert pairs % NUM_WORKERS == 0
    pairs_per_worker = pairs // NUM_WORKERS
    assert T % CHUNK == 0
    chunks_per_pair = T // CHUNK
    nsteps = pairs_per_worker * chunks_per_pair
    idx_per_worker = pairs_per_worker * T
    mesh = plsc.VectorSubcoreMesh(core_axis_name="c", subcore_axis_name="s")

    @functools.partial(
        pl.kernel,
        mesh=mesh,
        out_type=jax.ShapeDtypeStruct((B * T, Q * dq), jnp.float32),
        scratch_types=(
            [pltpu.VMEM((idx_per_worker,), jnp.int32)]
            + [pltpu.VMEM((CHUNK, dq), jnp.float32)] * NBUF
            + [pltpu.SemaphoreType.DMA] * (2 * NBUF)
        ),
        compiler_params=pltpu.CompilerParams(use_tc_tiling_on_sc=False),
    )
    def lookup_kernel(tables_hbm, codes_hbm, out_hbm, idx_v, *bufs_and_sems):
        rows = bufs_and_sems[:NBUF]
        gsems = bufs_and_sems[NBUF : 2 * NBUF]
        ssems = bufs_and_sems[2 * NBUF :]
        wid = lax.axis_index("s") * NUM_CORES + lax.axis_index("c")
        pair0 = wid * pairs_per_worker

        for p in range(pairs_per_worker):
            pair = pair0 + p
            pltpu.sync_copy(
                codes_hbm.at[pair // Q, pair % Q], idx_v.at[pl.ds(p * T, T)]
            )

        def step_coords(j):
            pair = pair0 + j // chunks_per_pair
            t0 = (j % chunks_per_pair) * CHUNK
            b = pair // Q
            q = pair % Q
            return b, q, t0

        gathers = [None] * nsteps
        stores = [None] * nsteps

        def start_gather(j):
            _, q, _ = step_coords(j)
            bb = j % NBUF
            gathers[j] = pltpu.async_copy(
                tables_hbm.at[q].at[idx_v.at[pl.ds(j * CHUNK, CHUNK)]],
                rows[bb],
                gsems[bb],
            )

        for j in range(min(NBUF, nsteps)):
            start_gather(j)
        for j in range(nsteps):
            b, q, t0 = step_coords(j)
            bb = j % NBUF
            gathers[j].wait()
            stores[j] = pltpu.async_copy(
                rows[bb],
                out_hbm.at[pl.ds(b * T + t0, CHUNK), pl.ds(q * dq, dq)],
                ssems[bb],
            )
            if j + NBUF < nsteps:
                stores[j].wait()
                start_gather(j + NBUF)
        for j in range(max(0, nsteps - NBUF), nsteps):
            stores[j].wait()

    return lookup_kernel


def kernel(codes, tables):
    B, Q, T = codes.shape
    V = tables.shape[1]
    dq = tables.shape[2]
    Vp = ((V + 127) // 128) * 128
    tab_lin = _make_relayout(Q, dq, V)(tables.transpose(0, 2, 1))
    tab = tab_lin.reshape(Q, Vp, dq)
    out = _make_lookup(B, Q, T, Vp, dq)(tab, codes)
    return out.reshape(B, T, Q * dq)

# --- scband reference (transcript-rebuilt; emitter-appended) ---
"""Pipeline reference for scband-multi-quantizer-embedding-79937931313556 (READ-ONLY COPY).

The authoritative reference and input builder live on the scoring server;
editing this copy changes nothing except your own understanding.
"""

import jax, jax.numpy as jnp
import numpy as np

NUM_QUANTIZERS = 8
VOCAB_SIZE = 100000
EMBED_DIM = 128
B = 16
T = 2048


def setup_inputs(seed: int = 0) -> dict:
    key = jax.random.key(seed)
    k1, k2 = jax.random.split(key)
    codes = jax.random.randint(k1, (B, NUM_QUANTIZERS, T), 0, VOCAB_SIZE, dtype=jnp.int32)
    # Stacked embedding tables: [Q, vocab, embed_dim // Q]
    tables = jax.random.normal(k2, (NUM_QUANTIZERS, VOCAB_SIZE, EMBED_DIM // NUM_QUANTIZERS), dtype=jnp.float32) * 0.02
    return {"codes": codes, "tables": tables}


def reference(codes, tables):
    # codes: [B, Q, T] int; tables: [Q, V, D/Q] float32
    # Faithful translation: per-quantizer embedding lookup, concat along feature dim.
    Q = tables.shape[0]
    embeds = []
    for q in range(Q):
        embeds.append(jnp.take(tables[q], codes[:, q], axis=0))  # [B, T, D/Q]
    return jnp.concatenate(embeds, axis=-1)  # [B, T, D]

if __name__ == "__main__":
    import jax
    _d = setup_inputs()
    print(jax.jit(kernel)(*tuple(_d.values())))

</pallas_src>

<mosaic_0001>
#map = affine_map<(d0, d1) -> (0, 0, 0)>
#map1 = affine_map<(d0, d1) -> (0, 0)>
module attributes {stable_mosaic.version = 14 : i64} {
  func.func @lookup_kernel(%arg0: i32, %arg1: i32, %arg2: memref<8x100096x16xf32, #tpu.memory_space<hbm>>, %arg3: memref<16x8x2048xi32, #tpu.memory_space<hbm>>, %arg4: memref<32768x128xf32, #tpu.memory_space<hbm>>, %arg5: memref<8192xi32, #tpu.memory_space<vmem>>, %arg6: memref<1024x16xf32, #tpu.memory_space<vmem>>, %arg7: memref<1024x16xf32, #tpu.memory_space<vmem>>, %arg8: memref<1024x16xf32, #tpu.memory_space<vmem>>, %arg9: memref<1024x16xf32, #tpu.memory_space<vmem>>, %arg10: memref<!tpu.dma_semaphore, #tpu.memory_space<semaphore_mem>>, %arg11: memref<!tpu.dma_semaphore, #tpu.memory_space<semaphore_mem>>, %arg12: memref<!tpu.dma_semaphore, #tpu.memory_space<semaphore_mem>>, %arg13: memref<!tpu.dma_semaphore, #tpu.memory_space<semaphore_mem>>, %arg14: memref<!tpu.dma_semaphore, #tpu.memory_space<semaphore_mem>>, %arg15: memref<!tpu.dma_semaphore, #tpu.memory_space<semaphore_mem>>, %arg16: memref<!tpu.dma_semaphore, #tpu.memory_space<semaphore_mem>>, %arg17: memref<!tpu.dma_semaphore, #tpu.memory_space<semaphore_mem>>) attributes {dimension_semantics = [#tpu.dimension_semantics<core_parallel>, #tpu.dimension_semantics<subcore_parallel>], iteration_bounds = array<i64: 2, 16>, scalar_prefetch = 0 : i64, scratch_operands = 13 : i64, tpu.core_type = #tpu.core_type<sc_vector_subcore>, window_params = [{transform_indices = #map}, {transform_indices = #map}, {transform_indices = #map1}]} {
    %mul3A = arith.constant 2 : i32
    %mul3A_0 = arith.muli %arg1, %mul3A : i32
    %add3A = arith.addi %mul3A_0, %arg0 : i32
    %mul3A_1 = arith.constant 4 : i32
    %mul3A_2 = arith.muli %add3A, %mul3A_1 : i32
    %add3A_3 = arith.constant 0 : i32
    %add3A_4 = arith.addi %mul3A_2, %add3A_3 : i32
    %jit3A = arith.constant 8 : i32
    %div3A = arith.divsi %add3A_4, %jit3A : i32
    %sign3A = arith.constant 0 : i32
    %sign3A_5 = arith.cmpi sgt, %add3A_4, %sign3A : i32
    %sign3A_6 = arith.extui %sign3A_5 : i1 to i32
    %sign3A_7 = arith.constant 0 : i32
    %sign3A_8 = arith.cmpi slt, %add3A_4, %sign3A_7 : i32
    %sign3A_9 = arith.extui %sign3A_8 : i1 to i32
    %sign3A_10 = arith.subi %sign3A_6, %sign3A_9 : i32
    %sign3A_11 = arith.constant 0 : i32
    %sign3A_12 = arith.cmpi sgt, %jit3A, %sign3A_11 : i32
    %sign3A_13 = arith.extui %sign3A_12 : i1 to i32
    %sign3A_14 = arith.constant 0 : i32
    %sign3A_15 = arith.cmpi slt, %jit3A, %sign3A_14 : i32
    %sign3A_16 = arith.extui %sign3A_15 : i1 to i32
    %sign3A_17 = arith.subi %sign3A_13, %sign3A_16 : i32
    %ne3A = arith.cmpi ne, %sign3A_10, %sign3A_17 : i32
    %rem3A = arith.remsi %add3A_4, %jit3A : i32
    %ne3A_18 = arith.constant 0 : i32
    %ne3A_19 = arith.cmpi ne, %rem3A, %ne3A_18 : i32
    %and3A = arith.andi %ne3A, %ne3A_19 : i1
    %sub3A = arith.constant 1 : i32
    %sub3A_20 = arith.subi %div3A, %sub3A : i32
    %select_n3A = arith.select %and3A, %sub3A_20, %div3A : i32
    %jit3A_21 = arith.constant 8 : i32
    %eq3A = arith.constant 0 : i32
    %eq3A_22 = arith.cmpi eq, %jit3A_21, %eq3A : i32
    %jit3A_23 = arith.constant 1 : i32
    %select_n3A_24 = arith.select %eq3A_22, %jit3A_23, %jit3A_21 : i32
    %rem3A_25 = arith.remsi %add3A_4, %select_n3A_24 : i32
    %ne3A_26 = arith.constant 0 : i32
    %ne3A_27 = arith.cmpi ne, %rem3A_25, %ne3A_26 : i32
    %lt3A = arith.constant 0 : i32
    %lt3A_28 = arith.cmpi slt, %rem3A_25, %lt3A : i32
    %lt3A_29 = arith.constant 0 : i32
    %lt3A_30 = arith.cmpi slt, %select_n3A_24, %lt3A_29 : i32
    %ne3A_31 = arith.xori %lt3A_28, %lt3A_30 : i1
    %and3A_32 = arith.andi %ne3A_31, %ne3A_27 : i1
    %add3A_33 = arith.addi %rem3A_25, %select_n3A_24 : i32
    %select_n3A_34 = arith.select %and3A_32, %add3A_33, %rem3A_25 : i32
    "tpu.region"() ({
      %run_scoped3A = tpu.sem_alloc : memref<!tpu.dma_semaphore, #tpu.memory_space<semaphore_mem>>
      %dma_start3A_1055 = arith.constant 0 : i32
      %dma_start3A_1056 = tpu.memref_slice %arg5[%dma_start3A_1055] : memref<8192xi32, #tpu.memory_space<vmem>> -> memref<2048xi32, #tpu.memory_space<vmem>>
      %dma_start3A_1057 = arith.constant 0 : i32
      %dma_start3A_1058 = tpu.memref_slice %arg3[%select_n3A, %select_n3A_34, %dma_start3A_1057] : memref<16x8x2048xi32, #tpu.memory_space<hbm>> -> memref<1x1x2048xi32, #tpu.memory_space<hbm>>
      %dma_start3A_1059 = tpu.memref_squeeze %dma_start3A_1058 : memref<1x1x2048xi32, #tpu.memory_space<hbm>> -> memref<2048xi32, #tpu.memory_space<hbm>>
      %dma_start3A_1060 = arith.constant 0 : i32
      %dma_start3A_1061 = tpu.memref_slice %arg5[%dma_start3A_1060] : memref<8192xi32, #tpu.memory_space<vmem>> -> memref<2048xi32, #tpu.memory_space<vmem>>
      %dma_start3A_1062 = arith.constant 0 : i32
      %dma_start3A_1063 = tpu.memref_slice %arg3[%select_n3A, %select_n3A_34, %dma_start3A_1062] : memref<16x8x2048xi32, #tpu.memory_space<hbm>> -> memref<1x1x2048xi32, #tpu.memory_space<hbm>>
      %dma_start3A_1064 = tpu.memref_squeeze %dma_start3A_1063 : memref<1x1x2048xi32, #tpu.memory_space<hbm>> -> memref<2048xi32, #tpu.memory_space<hbm>>
      tpu.enqueue_dma source(%dma_start3A_1064 : memref<2048xi32, #tpu.memory_space<hbm>>) target(%dma_start3A_1061 : memref<2048xi32, #tpu.memory_space<vmem>>) target_semaphore(%run_scoped3A : memref<!tpu.dma_semaphore, #tpu.memory_space<semaphore_mem>>)
      %dma_wait3A_1065 = arith.constant 0 : i32
      %dma_wait3A_1066 = tpu.memref_slice %arg5[%dma_wait3A_1065] : memref<8192xi32, #tpu.memory_space<vmem>> -> memref<2048xi32, #tpu.memory_space<vmem>>
      %dma_wait3A_1067 = arith.constant 0 : i32
      %dma_wait3A_1068 = tpu.memref_slice %arg3[%select_n3A, %select_n3A_34, %dma_wait3A_1067] : memref<16x8x2048xi32, #tpu.memory_space<hbm>> -> memref<1x1x2048xi32, #tpu.memory_space<hbm>>
      %dma_wait3A_1069 = tpu.memref_squeeze %dma_wait3A_1068 : memref<1x1x2048xi32, #tpu.memory_space<hbm>> -> memref<2048xi32, #tpu.memory_space<hbm>>
      %dma_wait3A_1070 = arith.constant 0 : i32
      %dma_wait3A_1071 = tpu.memref_slice %arg5[%dma_wait3A_1070] : memref<8192xi32, #tpu.memory_space<vmem>> -> memref<2048xi32, #tpu.memory_space<vmem>>
      %dma_wait3A_1072 = arith.constant 0 : i32
      %dma_wait3A_1073 = tpu.memref_slice %arg3[%select_n3A, %select_n3A_34, %dma_wait3A_1072] : memref<16x8x2048xi32, #tpu.memory_space<hbm>> -> memref<1x1x2048xi32, #tpu.memory_space<hbm>>
      %dma_wait3A_1074 = tpu.memref_squeeze %dma_wait3A_1073 : memref<1x1x2048xi32, #tpu.memory_space<hbm>> -> memref<2048xi32, #tpu.memory_space<hbm>>
      tpu.wait_dma2 semaphore(%run_scoped3A : memref<!tpu.dma_semaphore, #tpu.memory_space<semaphore_mem>>) src(%dma_wait3A_1074 : memref<2048xi32, #tpu.memory_space<hbm>>) dst(%dma_wait3A_1071 : memref<2048xi32, #tpu.memory_space<vmem>>)
      tpu.yield
    }) : () -> ()
    %add3A_35 = arith.constant 1 : i32
    %add3A_36 = arith.addi %mul3A_2, %add3A_35 : i32
    %jit3A_37 = arith.constant 8 : i32
    %div3A_38 = arith.divsi %add3A_36, %jit3A_37 : i32
    %sign3A_39 = arith.constant 0 : i32
    %sign3A_40 = arith.cmpi sgt, %add3A_36, %sign3A_39 : i32
    %sign3A_41 = arith.extui %sign3A_40 : i1 to i32
    %sign3A_42 = arith.constant 0 : i32
    %sign3A_43 = arith.cmpi slt, %add3A_36, %sign3A_42 : i32
    %sign3A_44 = arith.extui %sign3A_43 : i1 to i32
    %sign3A_45 = arith.subi %sign3A_41, %sign3A_44 : i32
    %sign3A_46 = arith.constant 0 : i32
    %sign3A_47 = arith.cmpi sgt, %jit3A_37, %sign3A_46 : i32
    %sign3A_48 = arith.extui %sign3A_47 : i1 to i32
    %sign3A_49 = arith.constant 0 : i32
    %sign3A_50 = arith.cmpi slt, %jit3A_37, %sign3A_49 : i32
    %sign3A_51 = arith.extui %sign3A_50 : i1 to i32
    %sign3A_52 = arith.subi %sign3A_48, %sign3A_51 : i32
    %ne3A_53 = arith.cmpi ne, %sign3A_45, %sign3A_52 : i32
    %rem3A_54 = arith.remsi %add3A_36, %jit3A_37 : i32
    %ne3A_55 = arith.constant 0 : i32
    %ne3A_56 = arith.cmpi ne, %rem3A_54, %ne3A_55 : i32
    %and3A_57 = arith.andi %ne3A_53, %ne3A_56 : i1
    %sub3A_58 = arith.constant 1 : i32
    %sub3A_59 = arith.subi %div3A_38, %sub3A_58 : i32
    %select_n3A_60 = arith.select %and3A_57, %sub3A_59, %div3A_38 : i32
    %jit3A_61 = arith.constant 8 : i32
    %eq3A_62 = arith.constant 0 : i32
    %eq3A_63 = arith.cmpi eq, %jit3A_61, %eq3A_62 : i32
    %jit3A_64 = arith.constant 1 : i32
    %select_n3A_65 = arith.select %eq3A_63, %jit3A_64, %jit3A_61 : i32
    %rem3A_66 = arith.remsi %add3A_36, %select_n3A_65 : i32
    %ne3A_67 = arith.constant 0 : i32
    %ne3A_68 = arith.cmpi ne, %rem3A_66, %ne3A_67 : i32
    %lt3A_69 = arith.constant 0 : i32
    %lt3A_70 = arith.cmpi slt, %rem3A_66, %lt3A_69 : i32
    %lt3A_71 = arith.constant 0 : i32
    %lt3A_72 = arith.cmpi slt, %select_n3A_65, %lt3A_71 : i32
    %ne3A_73 = arith.xori %lt3A_70, %lt3A_72 : i1
    %and3A_74 = arith.andi %ne3A_73, %ne3A_68 : i1
    %add3A_75 = arith.addi %rem3A_66, %select_n3A_65 : i32
    %select_n3A_76 = arith.select %and3A_74, %add3A_75, %rem3A_66 : i32
    "tpu.region"() ({
      %run_scoped3A = tpu.sem_alloc : memref<!tpu.dma_semaphore, #tpu.memory_space<semaphore_mem>>
      %dma_start3A_1055 = arith.constant 2048 : i32
      %dma_start3A_1056 = tpu.memref_slice %arg5[%dma_start3A_1055] : memref<8192xi32, #tpu.memory_space<vmem>> -> memref<2048xi32, #tpu.memory_space<vmem>>
      %dma_start3A_1057 = arith.constant 0 : i32
      %dma_start3A_1058 = tpu.memref_slice %arg3[%select_n3A_60, %select_n3A_76, %dma_start3A_1057] : memref<16x8x2048xi32, #tpu.memory_space<hbm>> -> memref<1x1x2048xi32, #tpu.memory_space<hbm>>
      %dma_start3A_1059 = tpu.memref_squeeze %dma_start3A_1058 : memref<1x1x2048xi32, #tpu.memory_space<hbm>> -> memref<2048xi32, #tpu.memory_space<hbm>>
      %dma_start3A_1060 = arith.constant 2048 : i32
      %dma_start3A_1061 = tpu.memref_slice %arg5[%dma_start3A_1060] : memref<8192xi32, #tpu.memory_space<vmem>> -> memref<2048xi32, #tpu.memory_space<vmem>>
      %dma_start3A_1062 = arith.constant 0 : i32
      %dma_start3A_1063 = tpu.memref_slice %arg3[%select_n3A_60, %select_n3A_76, %dma_start3A_1062] : memref<16x8x2048xi32, #tpu.memory_space<hbm>> -> memref<1x1x2048xi32, #tpu.memory_space<hbm>>
      %dma_start3A_1064 = tpu.memref_squeeze %dma_start3A_1063 : memref<1x1x2048xi32, #tpu.memory_space<hbm>> -> memref<2048xi32, #tpu.memory_space<hbm>>
      tpu.enqueue_dma source(%dma_start3A_1064 : memref<2048xi32, #tpu.memory_space<hbm>>) target(%dma_start3A_1061 : memref<2048xi32, #tpu.memory_space<vmem>>) target_semaphore(%run_scoped3A : memref<!tpu.dma_semaphore, #tpu.memory_space<semaphore_mem>>)
      %dma_wait3A_1065 = arith.constant 2048 : i32
      %dma_wait3A_1066 = tpu.memref_slice %arg5[%dma_wait3A_1065] : memref<8192xi32, #tpu.memory_space<vmem>> -> memref<2048xi32, #tpu.memory_space<vmem>>
      %dma_wait3A_1067 = arith.constant 0 : i32
      %dma_wait3A_1068 = tpu.memref_slice %arg3[%select_n3A_60, %select_n3A_76, %dma_wait3A_1067] : memref<16x8x2048xi32, #tpu.memory_space<hbm>> -> memref<1x1x2048xi32, #tpu.memory_space<hbm>>
      %dma_wait3A_1069 = tpu.memref_squeeze %dma_wait3A_1068 : memref<1x1x2048xi32, #tpu.memory_space<hbm>> -> memref<2048xi32, #tpu.memory_space<hbm>>
      %dma_wait3A_1070 = arith.constant 2048 : i32
      %dma_wait3A_1071 = tpu.memref_slice %arg5[%dma_wait3A_1070] : memref<8192xi32, #tpu.memory_space<vmem>> -> memref<2048xi32, #tpu.memory_space<vmem>>
      %dma_wait3A_1072 = arith.constant 0 : i32
      %dma_wait3A_1073 = tpu.memref_slice %arg3[%select_n3A_60, %select_n3A_76, %dma_wait3A_1072] : memref<16x8x2048xi32, #tpu.memory_space<hbm>> -> memref<1x1x2048xi32, #tpu.memory_space<hbm>>
      %dma_wait3A_1074 = tpu.memref_squeeze %dma_wait3A_1073 : memref<1x1x2048xi32, #tpu.memory_space<hbm>> -> memref<2048xi32, #tpu.memory_space<hbm>>
      tpu.wait_dma2 semaphore(%run_scoped3A : memref<!tpu.dma_semaphore, #tpu.memory_space<semaphore_mem>>) src(%dma_wait3A_1074 : memref<2048xi32, #tpu.memory_space<hbm>>) dst(%dma_wait3A_1071 : memref<2048xi32, #tpu.memory_space<vmem>>)
      tpu.yield
    }) : () -> ()
    %add3A_77 = arith.constant 2 : i32
    %add3A_78 = arith.addi %mul3A_2, %add3A_77 : i32
    %jit3A_79 = arith.constant 8 : i32
    %div3A_80 = arith.divsi %add3A_78, %jit3A_79 : i32
    %sign3A_81 = arith.constant 0 : i32
    %sign3A_82 = arith.cmpi sgt, %add3A_78, %sign3A_81 : i32
    %sign3A_83 = arith.extui %sign3A_82 : i1 to i32
    %sign3A_84 = arith.constant 0 : i32
    %sign3A_85 = arith.cmpi slt, %add3A_78, %sign3A_84 : i32
    %sign3A_86 = arith.extui %sign3A_85 : i1 to i32
    %sign3A_87 = arith.subi %sign3A_83, %sign3A_86 : i32
    %sign3A_88 = arith.constant 0 : i32
    %sign3A_89 = arith.cmpi sgt, %jit3A_79, %sign3A_88 : i32
    %sign3A_90 = arith.extui %sign3A_89 : i1 to i32
    %sign3A_91 = arith.constant 0 : i32
    %sign3A_92 = arith.cmpi slt, %jit3A_79, %sign3A_91 : i32
    %sign3A_93 = arith.extui %sign3A_92 : i1 to i32
    %sign3A_94 = arith.subi %sign3A_90, %sign3A_93 : i32
    %ne3A_95 = arith.cmpi ne, %sign3A_87, %sign3A_94 : i32
    %rem3A_96 = arith.remsi %add3A_78, %jit3A_79 : i32
    %ne3A_97 = arith.constant 0 : i32
    %ne3A_98 = arith.cmpi ne, %rem3A_96, %ne3A_97 : i32
    %and3A_99 = arith.andi %ne3A_95, %ne3A_98 : i1
    %sub3A_100 = arith.constant 1 : i32
    %sub3A_101 = arith.subi %div3A_80, %sub3A_100 : i32
    %select_n3A_102 = arith.select %and3A_99, %sub3A_101, %div3A_80 : i32
    %jit3A_103 = arith.constant 8 : i32
    %eq3A_104 = arith.constant 0 : i32
    %eq3A_105 = arith.cmpi eq, %jit3A_103, %eq3A_104 : i32
    %jit3A_106 = arith.constant 1 : i32
    %select_n3A_107 = arith.select %eq3A_105, %jit3A_106, %jit3A_103 : i32
    %rem3A_108 = arith.remsi %add3A_78, %select_n3A_107 : i32
    %ne3A_109 = arith.constant 0 : i32
    %ne3A_110 = arith.cmpi ne, %rem3A_108, %ne3A_109 : i32
    %lt3A_111 = arith.constant 0 : i32
    %lt3A_112 = arith.cmpi slt, %rem3A_108, %lt3A_111 : i32
    %lt3A_113 = arith.constant 0 : i32
    %lt3A_114 = arith.cmpi slt, %select_n3A_107, %lt3A_113 : i32
    %ne3A_115 = arith.xori %lt3A_112, %lt3A_114 : i1
    %and3A_116 = arith.andi %ne3A_115, %ne3A_110 : i1
    %add3A_117 = arith.addi %rem3A_108, %select_n3A_107 : i32
    %select_n3A_118 = arith.select %and3A_116, %add3A_117, %rem3A_108 : i32
    "tpu.region"() ({
      %run_scoped3A = tpu.sem_alloc : memref<!tpu.dma_semaphore, #tpu.memory_space<semaphore_mem>>
      %dma_start3A_1055 = arith.constant 4096 : i32
      %dma_start3A_1056 = tpu.memref_slice %arg5[%dma_start3A_1055] : memref<8192xi32, #tpu.memory_space<vmem>> -> memref<2048xi32, #tpu.memory_space<vmem>>
      %dma_start3A_1057 = arith.constant 0 : i32
      %dma_start3A_1058 = tpu.memref_slice %arg3[%select_n3A_102, %select_n3A_118, %dma_start3A_1057] : memref<16x8x2048xi32, #tpu.memory_space<hbm>> -> memref<1x1x2048xi32, #tpu.memory_space<hbm>>
      %dma_start3A_1059 = tpu.memref_squeeze %dma_start3A_1058 : memref<1x1x2048xi32, #tpu.memory_space<hbm>> -> memref<2048xi32, #tpu.memory_space<hbm>>
      %dma_start3A_1060 = arith.constant 4096 : i32
      %dma_start3A_1061 = tpu.memref_slice %arg5[%dma_start3A_1060] : memref<8192xi32, #tpu.memory_space<vmem>> -> memref<2048xi32, #tpu.memory_space<vmem>>
      %dma_start3A_1062 = arith.constant 0 : i32
      %dma_start3A_1063 = tpu.memref_slice %arg3[%select_n3A_102, %select_n3A_118, %dma_start3A_1062] : memref<16x8x2048xi32, #tpu.memory_space<hbm>> -> memref<1x1x2048xi32, #tpu.memory_space<hbm>>
      %dma_start3A_1064 = tpu.memref_squeeze %dma_start3A_1063 : memref<1x1x2048xi32, #tpu.memory_space<hbm>> -> memref<2048xi32, #tpu.memory_space<hbm>>
      tpu.enqueue_dma source(%dma_start3A_1064 : memref<2048xi32, #tpu.memory_space<hbm>>) target(%dma_start3A_1061 : memref<2048xi32, #tpu.memory_space<vmem>>) target_semaphore(%run_scoped3A : memref<!tpu.dma_semaphore, #tpu.memory_space<semaphore_mem>>)
      %dma_wait3A_1065 = arith.constant 4096 : i32
      %dma_wait3A_1066 = tpu.memref_slice %arg5[%dma_wait3A_1065] : memref<8192xi32, #tpu.memory_space<vmem>> -> memref<2048xi32, #tpu.memory_space<vmem>>
      %dma_wait3A_1067 = arith.constant 0 : i32
      %dma_wait3A_1068 = tpu.memref_slice %arg3[%select_n3A_102, %select_n3A_118, %dma_wait3A_1067] : memref<16x8x2048xi32, #tpu.memory_space<hbm>> -> memref<1x1x2048xi32, #tpu.memory_space<hbm>>
      %dma_wait3A_1069 = tpu.memref_squeeze %dma_wait3A_1068 : memref<1x1x2048xi32, #tpu.memory_space<hbm>> -> memref<2048xi32, #tpu.memory_space<hbm>>
      %dma_wait3A_1070 = arith.constant 4096 : i32
      %dma_wait3A_1071 = tpu.memref_slice %arg5[%dma_wait3A_1070] : memref<8192xi32, #tpu.memory_space<vmem>> -> memref<2048xi32, #tpu.memory_space<vmem>>
      %dma_wait3A_1072 = arith.constant 0 : i32
      %dma_wait3A_1073 = tpu.memref_slice %arg3[%select_n3A_102, %select_n3A_118, %dma_wait3A_1072] : memref<16x8x2048xi32, #tpu.memory_space<hbm>> -> memref<1x1x2048xi32, #tpu.memory_space<hbm>>
      %dma_wait3A_1074 = tpu.memref_squeeze %dma_wait3A_1073 : memref<1x1x2048xi32, #tpu.memory_space<hbm>> -> memref<2048xi32, #tpu.memory_space<hbm>>
      tpu.wait_dma2 semaphore(%run_scoped3A : memref<!tpu.dma_semaphore, #tpu.memory_space<semaphore_mem>>) src(%dma_wait3A_1074 : memref<2048xi32, #tpu.memory_space<hbm>>) dst(%dma_wait3A_1071 : memref<2048xi32, #tpu.memory_space<vmem>>)
      tpu.yield
    }) : () -> ()
    %add3A_119 = arith.constant 3 : i32
    %add3A_120 = arith.addi %mul3A_2, %add3A_119 : i32
    %jit3A_121 = arith.constant 8 : i32
    %div3A_122 = arith.divsi %add3A_120, %jit3A_121 : i32
    %sign3A_123 = arith.constant 0 : i32
    %sign3A_124 = arith.cmpi sgt, %add3A_120, %sign3A_123 : i32
    %sign3A_125 = arith.extui %sign3A_124 : i1 to i32
    %sign3A_126 = arith.constant 0 : i32
    %sign3A_127 = arith.cmpi slt, %add3A_120, %sign3A_126 : i32
    %sign3A_128 = arith.extui %sign3A_127 : i1 to i32
    %sign3A_129 = arith.subi %sign3A_125, %sign3A_128 : i32
    %sign3A_130 = arith.constant 0 : i32
    %sign3A_131 = arith.cmpi sgt, %jit3A_121, %sign3A_130 : i32
    %sign3A_132 = arith.extui %sign3A_131 : i1 to i32
    %sign3A_133 = arith.constant 0 : i32
    %sign3A_134 = arith.cmpi slt, %jit3A_121, %sign3A_133 : i32
    %sign3A_135 = arith.extui %sign3A_134 : i1 to i32
    %sign3A_136 = arith.subi %sign3A_132, %sign3A_135 : i32
    %ne3A_137 = arith.cmpi ne, %sign3A_129, %sign3A_136 : i32
    %rem3A_138 = arith.remsi %add3A_120, %jit3A_121 : i32
    %ne3A_139 = arith.constant 0 : i32
    %ne3A_140 = arith.cmpi ne, %rem3A_138, %ne3A_139 : i32
    %and3A_141 = arith.andi %ne3A_137, %ne3A_140 : i1
    %sub3A_142 = arith.constant 1 : i32
    %sub3A_143 = arith.subi %div3A_122, %sub3A_142 : i32
    %select_n3A_144 = arith.select %and3A_141, %sub3A_143, %div3A_122 : i32
    %jit3A_145 = arith.constant 8 : i32
    %eq3A_146 = arith.constant 0 : i32
    %eq3A_147 = arith.cmpi eq, %jit3A_145, %eq3A_146 : i32
    %jit3A_148 = arith.constant 1 : i32
    %select_n3A_149 = arith.select %eq3A_147, %jit3A_148, %jit3A_145 : i32
    %rem3A_150 = arith.remsi %add3A_120, %select_n3A_149 : i32
    %ne3A_151 = arith.constant 0 : i32
    %ne3A_152 = arith.cmpi ne, %rem3A_150, %ne3A_151 : i32
    %lt3A_153 = arith.constant 0 : i32
    %lt3A_154 = arith.cmpi slt, %rem3A_150, %lt3A_153 : i32
    %lt3A_155 = arith.constant 0 : i32
    %lt3A_156 = arith.cmpi slt, %select_n3A_149, %lt3A_155 : i32
    %ne3A_157 = arith.xori %lt3A_154, %lt3A_156 : i1
    %and3A_158 = arith.andi %ne3A_157, %ne3A_152 : i1
    %add3A_159 = arith.addi %rem3A_150, %select_n3A_149 : i32
    %select_n3A_160 = arith.select %and3A_158, %add3A_159, %rem3A_150 : i32
    "tpu.region"() ({
      %run_scoped3A = tpu.sem_alloc : memref<!tpu.dma_semaphore, #tpu.memory_space<semaphore_mem>>
      %dma_start3A_1055 = arith.constant 6144 : i32
      %dma_start3A_1056 = tpu.memref_slice %arg5[%dma_start3A_1055] : memref<8192xi32, #tpu.memory_space<vmem>> -> memref<2048xi32, #tpu.memory_space<vmem>>
      %dma_start3A_1057 = arith.constant 0 : i32
      %dma_start3A_1058 = tpu.memref_slice %arg3[%select_n3A_144, %select_n3A_160, %dma_start3A_1057] : memref<16x8x2048xi32, #tpu.memory_space<hbm>> -> memref<1x1x2048xi32, #tpu.memory_space<hbm>>
      %dma_start3A_1059 = tpu.memref_squeeze %dma_start3A_1058 : memref<1x1x2048xi32, #tpu.memory_space<hbm>> -> memref<2048xi32, #tpu.memory_space<hbm>>
      %dma_start3A_1060 = arith.constant 6144 : i32
      %dma_start3A_1061 = tpu.memref_slice %arg5[%dma_start3A_1060] : memref<8192xi32, #tpu.memory_space<vmem>> -> memref<2048xi32, #tpu.memory_space<vmem>>
      %dma_start3A_1062 = arith.constant 0 : i32
      %dma_start3A_1063 = tpu.memref_slice %arg3[%select_n3A_144, %select_n3A_160, %dma_start3A_1062] : memref<16x8x2048xi32, #tpu.memory_space<hbm>> -> memref<1x1x2048xi32, #tpu.memory_space<hbm>>
      %dma_start3A_1064 = tpu.memref_squeeze %dma_start3A_1063 : memref<1x1x2048xi32, #tpu.memory_space<hbm>> -> memref<2048xi32, #tpu.memory_space<hbm>>
      tpu.enqueue_dma source(%dma_start3A_1064 : memref<2048xi32, #tpu.memory_space<hbm>>) target(%dma_start3A_1061 : memref<2048xi32, #tpu.memory_space<vmem>>) target_semaphore(%run_scoped3A : memref<!tpu.dma_semaphore, #tpu.memory_space<semaphore_mem>>)
      %dma_wait3A_1065 = arith.constant 6144 : i32
      %dma_wait3A_1066 = tpu.memref_slice %arg5[%dma_wait3A_1065] : memref<8192xi32, #tpu.memory_space<vmem>> -> memref<2048xi32, #tpu.memory_space<vmem>>
      %dma_wait3A_1067 = arith.constant 0 : i32
      %dma_wait3A_1068 = tpu.memref_slice %arg3[%select_n3A_144, %select_n3A_160, %dma_wait3A_1067] : memref<16x8x2048xi32, #tpu.memory_space<hbm>> -> memref<1x1x2048xi32, #tpu.memory_space<hbm>>
      %dma_wait3A_1069 = tpu.memref_squeeze %dma_wait3A_1068 : memref<1x1x2048xi32, #tpu.memory_space<hbm>> -> memref<2048xi32, #tpu.memory_space<hbm>>
      %dma_wait3A_1070 = arith.constant 6144 : i32
      %dma_wait3A_1071 = tpu.memref_slice %arg5[%dma_wait3A_1070] : memref<8192xi32, #tpu.memory_space<vmem>> -> memref<2048xi32, #tpu.memory_space<vmem>>
      %dma_wait3A_1072 = arith.constant 0 : i32
      %dma_wait3A_1073 = tpu.memref_slice %arg3[%select_n3A_144, %select_n3A_160, %dma_wait3A_1072] : memref<16x8x2048xi32, #tpu.memory_space<hbm>> -> memref<1x1x2048xi32, #tpu.memory_space<hbm>>
      %dma_wait3A_1074 = tpu.memref_squeeze %dma_wait3A_1073 : memref<1x1x2048xi32, #tpu.memory_space<hbm>> -> memref<2048xi32, #tpu.memory_space<hbm>>
      tpu.wait_dma2 semaphore(%run_scoped3A : memref<!tpu.dma_semaphore, #tpu.memory_space<semaphore_mem>>) src(%dma_wait3A_1074 : memref<2048xi32, #tpu.memory_space<hbm>>) dst(%dma_wait3A_1071 : memref<2048xi32, #tpu.memory_space<vmem>>)
      tpu.yield
    }) : () -> ()
    %add3A_161 = arith.constant 0 : i32
    %add3A_162 = arith.addi %mul3A_2, %add3A_161 : i32
    %jit3A_163 = arith.constant 8 : i32
    %div3A_164 = arith.divsi %add3A_162, %jit3A_163 : i32
    %sign3A_165 = arith.constant 0 : i32
    %sign3A_166 = arith.cmpi sgt, %add3A_162, %sign3A_165 : i32
    %sign3A_167 = arith.extui %sign3A_166 : i1 to i32
    %sign3A_168 = arith.constant 0 : i32
    %sign3A_169 = arith.cmpi slt, %add3A_162, %sign3A_168 : i32
    %sign3A_170 = arith.extui %sign3A_169 : i1 to i32
    %sign3A_171 = arith.subi %sign3A_167, %sign3A_170 : i32
    %sign3A_172 = arith.constant 0 : i32
    %sign3A_173 = arith.cmpi sgt, %jit3A_163, %sign3A_172 : i32
    %sign3A_174 = arith.extui %sign3A_173 : i1 to i32
    %sign3A_175 = arith.constant 0 : i32
    %sign3A_176 = arith.cmpi slt, %jit3A_163, %sign3A_175 : i32
    %sign3A_177 = arith.extui %sign3A_176 : i1 to i32
    %sign3A_178 = arith.subi %sign3A_174, %sign3A_177 : i32
    %ne3A_179 = arith.cmpi ne, %sign3A_171, %sign3A_178 : i32
    %rem3A_180 = arith.remsi %add3A_162, %jit3A_163 : i32
    %ne3A_181 = arith.constant 0 : i32
    %ne3A_182 = arith.cmpi ne, %rem3A_180, %ne3A_181 : i32
    %and3A_183 = arith.andi %ne3A_179, %ne3A_182 : i1
    %sub3A_184 = arith.constant 1 : i32
    %sub3A_185 = arith.subi %div3A_164, %sub3A_184 : i32
    %select_n3A_186 = arith.select %and3A_183, %sub3A_185, %div3A_164 : i32
    %jit3A_187 = arith.constant 8 : i32
    %eq3A_188 = arith.constant 0 : i32
    %eq3A_189 = arith.cmpi eq, %jit3A_187, %eq3A_188 : i32
    %jit3A_190 = arith.constant 1 : i32
    %select_n3A_191 = arith.select %eq3A_189, %jit3A_190, %jit3A_187 : i32
    %rem3A_192 = arith.remsi %add3A_162, %select_n3A_191 : i32
    %ne3A_193 = arith.constant 0 : i32
    %ne3A_194 = arith.cmpi ne, %rem3A_192, %ne3A_193 : i32
    %lt3A_195 = arith.constant 0 : i32
    %lt3A_196 = arith.cmpi slt, %rem3A_192, %lt3A_195 : i32
    %lt3A_197 = arith.constant 0 : i32
    %lt3A_198 = arith.cmpi slt, %select_n3A_191, %lt3A_197 : i32
    %ne3A_199 = arith.xori %lt3A_196, %lt3A_198 : i1
    %and3A_200 = arith.andi %ne3A_199, %ne3A_194 : i1
    %add3A_201 = arith.addi %rem3A_192, %select_n3A_191 : i32
    %select_n3A_202 = arith.select %and3A_200, %add3A_201, %rem3A_192 : i32
    %dma_start3A = arith.constant 0 : i32
    %dma_start3A_203 = tpu.memref_slice %arg5[%dma_start3A] : memref<8192xi32, #tpu.memory_space<vmem>> -> memref<1024xi32, #tpu.memory_space<vmem>>
    %dma_start3A_204 = arith.constant 0 : i32
    %dma_start3A_205 = arith.constant 0 : i32
    %dma_start3A_206 = tpu.memref_slice %arg2[%select_n3A_202, %dma_start3A_204, %dma_start3A_205] : memref<8x100096x16xf32, #tpu.memory_space<hbm>> -> memref<1x100096x16xf32, #tpu.memory_space<hbm>>
    %dma_start3A_207 = tpu.memref_squeeze %dma_start3A_206 : memref<1x100096x16xf32, #tpu.memory_space<hbm>> -> memref<100096x16xf32, #tpu.memory_space<hbm>>
    %dma_start3A_208 = arith.constant 0 : i32
    %dma_start3A_209 = arith.constant 0 : i32
    %dma_start3A_210 = tpu.memref_slice %dma_start3A_207[%dma_start3A_208, %dma_start3A_209] : memref<100096x16xf32, #tpu.memory_space<hbm>> -> memref<100096x16xf32, #tpu.memory_space<hbm>>
    tpu.enqueue_indirect_dma source(%dma_start3A_210 : memref<100096x16xf32, #tpu.memory_space<hbm>>) target(%arg6 : memref<1024x16xf32, #tpu.memory_space<vmem>>) offsets(%dma_start3A_203 : memref<1024xi32, #tpu.memory_space<vmem>>) semaphore(%arg10 : memref<!tpu.dma_semaphore, #tpu.memory_space<semaphore_mem>>)
    %add3A_211 = arith.constant 0 : i32
    %add3A_212 = arith.addi %mul3A_2, %add3A_211 : i32
    %jit3A_213 = arith.constant 8 : i32
    %div3A_214 = arith.divsi %add3A_212, %jit3A_213 : i32
    %sign3A_215 = arith.constant 0 : i32
    %sign3A_216 = arith.cmpi sgt, %add3A_212, %sign3A_215 : i32
    %sign3A_217 = arith.extui %sign3A_216 : i1 to i32
    %sign3A_218 = arith.constant 0 : i32
    %sign3A_219 = arith.cmpi slt, %add3A_212, %sign3A_218 : i32
    %sign3A_220 = arith.extui %sign3A_219 : i1 to i32
    %sign3A_221 = arith.subi %sign3A_217, %sign3A_220 : i32
    %sign3A_222 = arith.constant 0 : i32
    %sign3A_223 = arith.cmpi sgt, %jit3A_213, %sign3A_222 : i32
    %sign3A_224 = arith.extui %sign3A_223 : i1 to i32
    %sign3A_225 = arith.constant 0 : i32
    %sign3A_226 = arith.cmpi slt, %jit3A_213, %sign3A_225 : i32
    %sign3A_227 = arith.extui %sign3A_226 : i1 to i32
    %sign3A_228 = arith.subi %sign3A_224, %sign3A_227 : i32
    %ne3A_229 = arith.cmpi ne, %sign3A_221, %sign3A_228 : i32
    %rem3A_230 = arith.remsi %add3A_212, %jit3A_213 : i32
    %ne3A_231 = arith.constant 0 : i32
    %ne3A_232 = arith.cmpi ne, %rem3A_230, %ne3A_231 : i32
    %and3A_233 = arith.andi %ne3A_229, %ne3A_232 : i1
    %sub3A_234 = arith.constant 1 : i32
    %sub3A_235 = arith.subi %div3A_214, %sub3A_234 : i32
    %select_n3A_236 = arith.select %and3A_233, %sub3A_235, %div3A_214 : i32
    %jit3A_237 = arith.constant 8 : i32
    %eq3A_238 = arith.constant 0 : i32
    %eq3A_239 = arith.cmpi eq, %jit3A_237, %eq3A_238 : i32
    %jit3A_240 = arith.constant 1 : i32
    %select_n3A_241 = arith.select %eq3A_239, %jit3A_240, %jit3A_237 : i32
    %rem3A_242 = arith.remsi %add3A_212, %select_n3A_241 : i32
    %ne3A_243 = arith.constant 0 : i32
    %ne3A_244 = arith.cmpi ne, %rem3A_242, %ne3A_243 : i32
    %lt3A_245 = arith.constant 0 : i32
    %lt3A_246 = arith.cmpi slt, %rem3A_242, %lt3A_245 : i32
    %lt3A_247 = arith.constant 0 : i32
    %lt3A_248 = arith.cmpi slt, %select_n3A_241, %lt3A_247 : i32
    %ne3A_249 = arith.xori %lt3A_246, %lt3A_248 : i1
    %and3A_250 = arith.andi %ne3A_249, %ne3A_244 : i1
    %add3A_251 = arith.addi %rem3A_242, %select_n3A_241 : i32
    %select_n3A_252 = arith.select %and3A_250, %add3A_251, %rem3A_242 : i32
    %dma_start3A_253 = arith.constant 1024 : i32
    %dma_start3A_254 = tpu.memref_slice %arg5[%dma_start3A_253] : memref<8192xi32, #tpu.memory_space<vmem>> -> memref<1024xi32, #tpu.memory_space<vmem>>
    %dma_start3A_255 = arith.constant 0 : i32
    %dma_start3A_256 = arith.constant 0 : i32
    %dma_start3A_257 = tpu.memref_slice %arg2[%select_n3A_252, %dma_start3A_255, %dma_start3A_256] : memref<8x100096x16xf32, #tpu.memory_space<hbm>> -> memref<1x100096x16xf32, #tpu.memory_space<hbm>>
    %dma_start3A_258 = tpu.memref_squeeze %dma_start3A_257 : memref<1x100096x16xf32, #tpu.memory_space<hbm>> -> memref<100096x16xf32, #tpu.memory_space<hbm>>
    %dma_start3A_259 = arith.constant 0 : i32
    %dma_start3A_260 = arith.constant 0 : i32
    %dma_start3A_261 = tpu.memref_slice %dma_start3A_258[%dma_start3A_259, %dma_start3A_260] : memref<100096x16xf32, #tpu.memory_space<hbm>> -> memref<100096x16xf32, #tpu.memory_space<hbm>>
    tpu.enqueue_indirect_dma source(%dma_start3A_261 : memref<100096x16xf32, #tpu.memory_space<hbm>>) target(%arg7 : memref<1024x16xf32, #tpu.memory_space<vmem>>) offsets(%dma_start3A_254 : memref<1024xi32, #tpu.memory_space<vmem>>) semaphore(%arg11 : memref<!tpu.dma_semaphore, #tpu.memory_space<semaphore_mem>>)
    %add3A_262 = arith.constant 1 : i32
    %add3A_263 = arith.addi %mul3A_2, %add3A_262 : i32
    %jit3A_264 = arith.constant 8 : i32
    %div3A_265 = arith.divsi %add3A_263, %jit3A_264 : i32
    %sign3A_266 = arith.constant 0 : i32
    %sign3A_267 = arith.cmpi sgt, %add3A_263, %sign3A_266 : i32
    %sign3A_268 = arith.extui %sign3A_267 : i1 to i32
    %sign3A_269 = arith.constant 0 : i32
    %sign3A_270 = arith.cmpi slt, %add3A_263, %sign3A_269 : i32
    %sign3A_271 = arith.extui %sign3A_270 : i1 to i32
    %sign3A_272 = arith.subi %sign3A_268, %sign3A_271 : i32
    %sign3A_273 = arith.constant 0 : i32
    %sign3A_274 = arith.cmpi sgt, %jit3A_264, %sign3A_273 : i32
    %sign3A_275 = arith.extui %sign3A_274 : i1 to i32
    %sign3A_276 = arith.constant 0 : i32
    %sign3A_277 = arith.cmpi slt, %jit3A_264, %sign3A_276 : i32
    %sign3A_278 = arith.extui %sign3A_277 : i1 to i32
    %sign3A_279 = arith.subi %sign3A_275, %sign3A_278 : i32
    %ne3A_280 = arith.cmpi ne, %sign3A_272, %sign3A_279 : i32
    %rem3A_281 = arith.remsi %add3A_263, %jit3A_264 : i32
    %ne3A_282 = arith.constant 0 : i32
    %ne3A_283 = arith.cmpi ne, %rem3A_281, %ne3A_282 : i32
    %and3A_284 = arith.andi %ne3A_280, %ne3A_283 : i1
    %sub3A_285 = arith.constant 1 : i32
    %sub3A_286 = arith.subi %div3A_265, %sub3A_285 : i32
    %select_n3A_287 = arith.select %and3A_284, %sub3A_286, %div3A_265 : i32
    %jit3A_288 = arith.constant 8 : i32
    %eq3A_289 = arith.constant 0 : i32
    %eq3A_290 = arith.cmpi eq, %jit3A_288, %eq3A_289 : i32
    %jit3A_291 = arith.constant 1 : i32
    %select_n3A_292 = arith.select %eq3A_290, %jit3A_291, %jit3A_288 : i32
    %rem3A_293 = arith.remsi %add3A_263, %select_n3A_292 : i32
    %ne3A_294 = arith.constant 0 : i32
    %ne3A_295 = arith.cmpi ne, %rem3A_293, %ne3A_294 : i32
    %lt3A_296 = arith.constant 0 : i32
    %lt3A_297 = arith.cmpi slt, %rem3A_293, %lt3A_296 : i32
    %lt3A_298 = arith.constant 0 : i32
    %lt3A_299 = arith.cmpi slt, %select_n3A_292, %lt3A_298 : i32
    %ne3A_300 = arith.xori %lt3A_297, %lt3A_299 : i1
    %and3A_301 = arith.andi %ne3A_300, %ne3A_295 : i1
    %add3A_302 = arith.addi %rem3A_293, %select_n3A_292 : i32
    %select_n3A_303 = arith.select %and3A_301, %add3A_302, %rem3A_293 : i32
    %dma_start3A_304 = arith.constant 2048 : i32
    %dma_start3A_305 = tpu.memref_slice %arg5[%dma_start3A_304] : memref<8192xi32, #tpu.memory_space<vmem>> -> memref<1024xi32, #tpu.memory_space<vmem>>
    %dma_start3A_306 = arith.constant 0 : i32
    %dma_start3A_307 = arith.constant 0 : i32
    %dma_start3A_308 = tpu.memref_slice %arg2[%select_n3A_303, %dma_start3A_306, %dma_start3A_307] : memref<8x100096x16xf32, #tpu.memory_space<hbm>> -> memref<1x100096x16xf32, #tpu.memory_space<hbm>>
    %dma_start3A_309 = tpu.memref_squeeze %dma_start3A_308 : memref<1x100096x16xf32, #tpu.memory_space<hbm>> -> memref<100096x16xf32, #tpu.memory_space<hbm>>
    %dma_start3A_310 = arith.constant 0 : i32
    %dma_start3A_311 = arith.constant 0 : i32
    %dma_start3A_312 = tpu.memref_slice %dma_start3A_309[%dma_start3A_310, %dma_start3A_311] : memref<100096x16xf32, #tpu.memory_space<hbm>> -> memref<100096x16xf32, #tpu.memory_space<hbm>>
    tpu.enqueue_indirect_dma source(%dma_start3A_312 : memref<100096x16xf32, #tpu.memory_space<hbm>>) target(%arg8 : memref<1024x16xf32, #tpu.memory_space<vmem>>) offsets(%dma_start3A_305 : memref<1024xi32, #tpu.memory_space<vmem>>) semaphore(%arg12 : memref<!tpu.dma_semaphore, #tpu.memory_space<semaphore_mem>>)
    %add3A_313 = arith.constant 1 : i32
    %add3A_314 = arith.addi %mul3A_2, %add3A_313 : i32
    %jit3A_315 = arith.constant 8 : i32
    %div3A_316 = arith.divsi %add3A_314, %jit3A_315 : i32
    %sign3A_317 = arith.constant 0 : i32
    %sign3A_318 = arith.cmpi sgt, %add3A_314, %sign3A_317 : i32
    %sign3A_319 = arith.extui %sign3A_318 : i1 to i32
    %sign3A_320 = arith.constant 0 : i32
    %sign3A_321 = arith.cmpi slt, %add3A_314, %sign3A_320 : i32
    %sign3A_322 = arith.extui %sign3A_321 : i1 to i32
    %sign3A_323 = arith.subi %sign3A_319, %sign3A_322 : i32
    %sign3A_324 = arith.constant 0 : i32
    %sign3A_325 = arith.cmpi sgt, %jit3A_315, %sign3A_324 : i32
    %sign3A_326 = arith.extui %sign3A_325 : i1 to i32
    %sign3A_327 = arith.constant 0 : i32
    %sign3A_328 = arith.cmpi slt, %jit3A_315, %sign3A_327 : i32
    %sign3A_329 = arith.extui %sign3A_328 : i1 to i32
    %sign3A_330 = arith.subi %sign3A_326, %sign3A_329 : i32
    %ne3A_331 = arith.cmpi ne, %sign3A_323, %sign3A_330 : i32
    %rem3A_332 = arith.remsi %add3A_314, %jit3A_315 : i32
    %ne3A_333 = arith.constant 0 : i32
    %ne3A_334 = arith.cmpi ne, %rem3A_332, %ne3A_333 : i32
    %and3A_335 = arith.andi %ne3A_331, %ne3A_334 : i1
    %sub3A_336 = arith.constant 1 : i32
    %sub3A_337 = arith.subi %div3A_316, %sub3A_336 : i32
    %select_n3A_338 = arith.select %and3A_335, %sub3A_337, %div3A_316 : i32
    %jit3A_339 = arith.constant 8 : i32
    %eq3A_340 = arith.constant 0 : i32
    %eq3A_341 = arith.cmpi eq, %jit3A_339, %eq3A_340 : i32
    %jit3A_342 = arith.constant 1 : i32
    %select_n3A_343 = arith.select %eq3A_341, %jit3A_342, %jit3A_339 : i32
    %rem3A_344 = arith.remsi %add3A_314, %select_n3A_343 : i32
    %ne3A_345 = arith.constant 0 : i32
    %ne3A_346 = arith.cmpi ne, %rem3A_344, %ne3A_345 : i32
    %lt3A_347 = arith.constant 0 : i32
    %lt3A_348 = arith.cmpi slt, %rem3A_344, %lt3A_347 : i32
    %lt3A_349 = arith.constant 0 : i32
    %lt3A_350 = arith.cmpi slt, %select_n3A_343, %lt3A_349 : i32
    %ne3A_351 = arith.xori %lt3A_348, %lt3A_350 : i1
    %and3A_352 = arith.andi %ne3A_351, %ne3A_346 : i1
    %add3A_353 = arith.addi %rem3A_344, %select_n3A_343 : i32
    %select_n3A_354 = arith.select %and3A_352, %add3A_353, %rem3A_344 : i32
    %dma_start3A_355 = arith.constant 3072 : i32
    %dma_start3A_356 = tpu.memref_slice %arg5[%dma_start3A_355] : memref<8192xi32, #tpu.memory_space<vmem>> -> memref<1024xi32, #tpu.memory_space<vmem>>
    %dma_start3A_357 = arith.constant 0 : i32
    %dma_start3A_358 = arith.constant 0 : i32
    %dma_start3A_359 = tpu.memref_slice %arg2[%select_n3A_354, %dma_start3A_357, %dma_start3A_358] : memref<8x100096x16xf32, #tpu.memory_space<hbm>> -> memref<1x100096x16xf32, #tpu.memory_space<hbm>>
    %dma_start3A_360 = tpu.memref_squeeze %dma_start3A_359 : memref<1x100096x16xf32, #tpu.memory_space<hbm>> -> memref<100096x16xf32, #tpu.memory_space<hbm>>
    %dma_start3A_361 = arith.constant 0 : i32
    %dma_start3A_362 = arith.constant 0 : i32
    %dma_start3A_363 = tpu.memref_slice %dma_start3A_360[%dma_start3A_361, %dma_start3A_362] : memref<100096x16xf32, #tpu.memory_space<hbm>> -> memref<100096x16xf32, #tpu.memory_space<hbm>>
    tpu.enqueue_indirect_dma source(%dma_start3A_363 : memref<100096x16xf32, #tpu.memory_space<hbm>>) target(%arg9 : memref<1024x16xf32, #tpu.memory_space<vmem>>) offsets(%dma_start3A_356 : memref<1024xi32, #tpu.memory_space<vmem>>) semaphore(%arg13 : memref<!tpu.dma_semaphore, #tpu.memory_space<semaphore_mem>>)
    %add3A_364 = arith.constant 0 : i32
    %add3A_365 = arith.addi %mul3A_2, %add3A_364 : i32
    %jit3A_366 = arith.constant 8 : i32
    %div3A_367 = arith.divsi %add3A_365, %jit3A_366 : i32
    %sign3A_368 = arith.constant 0 : i32
    %sign3A_369 = arith.cmpi sgt, %add3A_365, %sign3A_368 : i32
    %sign3A_370 = arith.extui %sign3A_369 : i1 to i32
    %sign3A_371 = arith.constant 0 : i32
    %sign3A_372 = arith.cmpi slt, %add3A_365, %sign3A_371 : i32
    %sign3A_373 = arith.extui %sign3A_372 : i1 to i32
    %sign3A_374 = arith.subi %sign3A_370, %sign3A_373 : i32
    %sign3A_375 = arith.constant 0 : i32
    %sign3A_376 = arith.cmpi sgt, %jit3A_366, %sign3A_375 : i32
    %sign3A_377 = arith.extui %sign3A_376 : i1 to i32
    %sign3A_378 = arith.constant 0 : i32
    %sign3A_379 = arith.cmpi slt, %jit3A_366, %sign3A_378 : i32
    %sign3A_380 = arith.extui %sign3A_379 : i1 to i32
    %sign3A_381 = arith.subi %sign3A_377, %sign3A_380 : i32
    %ne3A_382 = arith.cmpi ne, %sign3A_374, %sign3A_381 : i32
    %rem3A_383 = arith.remsi %add3A_365, %jit3A_366 : i32
    %ne3A_384 = arith.constant 0 : i32
    %ne3A_385 = arith.cmpi ne, %rem3A_383, %ne3A_384 : i32
    %and3A_386 = arith.andi %ne3A_382, %ne3A_385 : i1
    %sub3A_387 = arith.constant 1 : i32
    %sub3A_388 = arith.subi %div3A_367, %sub3A_387 : i32
    %select_n3A_389 = arith.select %and3A_386, %sub3A_388, %div3A_367 : i32
    %jit3A_390 = arith.constant 8 : i32
    %eq3A_391 = arith.constant 0 : i32
    %eq3A_392 = arith.cmpi eq, %jit3A_390, %eq3A_391 : i32
    %jit3A_393 = arith.constant 1 : i32
    %select_n3A_394 = arith.select %eq3A_392, %jit3A_393, %jit3A_390 : i32
    %rem3A_395 = arith.remsi %add3A_365, %select_n3A_394 : i32
    %ne3A_396 = arith.constant 0 : i32
    %ne3A_397 = arith.cmpi ne, %rem3A_395, %ne3A_396 : i32
    %lt3A_398 = arith.constant 0 : i32
    %lt3A_399 = arith.cmpi slt, %rem3A_395, %lt3A_398 : i32
    %lt3A_400 = arith.constant 0 : i32
    %lt3A_401 = arith.cmpi slt, %select_n3A_394, %lt3A_400 : i32
    %ne3A_402 = arith.xori %lt3A_399, %lt3A_401 : i1
    %and3A_403 = arith.andi %ne3A_402, %ne3A_397 : i1
    %add3A_404 = arith.addi %rem3A_395, %select_n3A_394 : i32
    %select_n3A_405 = arith.select %and3A_403, %add3A_404, %rem3A_395 : i32
    %dma_wait3A = arith.constant 0 : i32
    %dma_wait3A_406 = tpu.memref_slice %arg5[%dma_wait3A] : memref<8192xi32, #tpu.memory_space<vmem>> -> memref<1024xi32, #tpu.memory_space<vmem>>
    %dma_wait3A_407 = arith.constant 0 : i32
    %dma_wait3A_408 = arith.constant 0 : i32
    %dma_wait3A_409 = tpu.memref_slice %arg2[%select_n3A_202, %dma_wait3A_407, %dma_wait3A_408] : memref<8x100096x16xf32, #tpu.memory_space<hbm>> -> memref<1x100096x16xf32, #tpu.memory_space<hbm>>
    %dma_wait3A_410 = tpu.memref_squeeze %dma_wait3A_409 : memref<1x100096x16xf32, #tpu.memory_space<hbm>> -> memref<100096x16xf32, #tpu.memory_space<hbm>>
    %dma_wait3A_411 = arith.constant 0 : i32
    %dma_wait3A_412 = arith.constant 0 : i32
    %dma_wait3A_413 = tpu.memref_slice %dma_wait3A_410[%dma_wait3A_411, %dma_wait3A_412] : memref<100096x16xf32, #tpu.memory_space<hbm>> -> memref<100096x16xf32, #tpu.memory_space<hbm>>
    tpu.wait_indirect_dma semaphore(%arg10 : memref<!tpu.dma_semaphore, #tpu.memory_space<semaphore_mem>>) src(%dma_wait3A_413 : memref<100096x16xf32, #tpu.memory_space<hbm>>) dst(%arg6 : memref<1024x16xf32, #tpu.memory_space<vmem>>)
    %mul3A_414 = arith.constant 2048 : i32
    %mul3A_415 = arith.muli %select_n3A_389, %mul3A_414 : i32
    %add3A_416 = arith.constant 0 : i32
    %add3A_417 = arith.addi %mul3A_415, %add3A_416 : i32
    %mul3A_418 = arith.constant 16 : i32
    %mul3A_419 = arith.muli %select_n3A_405, %mul3A_418 : i32
    %dma_start3A_420 = tpu.memref_slice %arg4[%add3A_417, %mul3A_419] : memref<32768x128xf32, #tpu.memory_space<hbm>> -> memref<1024x16xf32, #tpu.memory_space<hbm>>
    %dma_start3A_421 = tpu.memref_slice %arg4[%add3A_417, %mul3A_419] : memref<32768x128xf32, #tpu.memory_space<hbm>> -> memref<1024x16xf32, #tpu.memory_space<hbm>>
    tpu.enqueue_dma source(%arg6 : memref<1024x16xf32, #tpu.memory_space<vmem>>) target(%dma_start3A_421 : memref<1024x16xf32, #tpu.memory_space<hbm>>) target_semaphore(%arg14 : memref<!tpu.dma_semaphore, #tpu.memory_space<semaphore_mem>>)
    %dma_wait3A_422 = tpu.memref_slice %arg4[%add3A_417, %mul3A_419] : memref<32768x128xf32, #tpu.memory_space<hbm>> -> memref<1024x16xf32, #tpu.memory_space<hbm>>
    %dma_wait3A_423 = tpu.memref_slice %arg4[%add3A_417, %mul3A_419] : memref<32768x128xf32, #tpu.memory_space<hbm>> -> memref<1024x16xf32, #tpu.memory_space<hbm>>
    tpu.wait_dma2 semaphore(%arg14 : memref<!tpu.dma_semaphore, #tpu.memory_space<semaphore_mem>>) src(%arg6 : memref<1024x16xf32, #tpu.memory_space<vmem>>) dst(%dma_wait3A_423 : memref<1024x16xf32, #tpu.memory_space<hbm>>)
    %add3A_424 = arith.constant 2 : i32
    %add3A_425 = arith.addi %mul3A_2, %add3A_424 : i32
    %jit3A_426 = arith.constant 8 : i32
    %div3A_427 = arith.divsi %add3A_425, %jit3A_426 : i32
    %sign3A_428 = arith.constant 0 : i32
    %sign3A_429 = arith.cmpi sgt, %add3A_425, %sign3A_428 : i32
    %sign3A_430 = arith.extui %sign3A_429 : i1 to i32
    %sign3A_431 = arith.constant 0 : i32
    %sign3A_432 = arith.cmpi slt, %add3A_425, %sign3A_431 : i32
    %sign3A_433 = arith.extui %sign3A_432 : i1 to i32
    %sign3A_434 = arith.subi %sign3A_430, %sign3A_433 : i32
    %sign3A_435 = arith.constant 0 : i32
    %sign3A_436 = arith.cmpi sgt, %jit3A_426, %sign3A_435 : i32
    %sign3A_437 = arith.extui %sign3A_436 : i1 to i32
    %sign3A_438 = arith.constant 0 : i32
    %sign3A_439 = arith.cmpi slt, %jit3A_426, %sign3A_438 : i32
    %sign3A_440 = arith.extui %sign3A_439 : i1 to i32
    %sign3A_441 = arith.subi %sign3A_437, %sign3A_440 : i32
    %ne3A_442 = arith.cmpi ne, %sign3A_434, %sign3A_441 : i32
    %rem3A_443 = arith.remsi %add3A_425, %jit3A_426 : i32
    %ne3A_444 = arith.constant 0 : i32
    %ne3A_445 = arith.cmpi ne, %rem3A_443, %ne3A_444 : i32
    %and3A_446 = arith.andi %ne3A_442, %ne3A_445 : i1
    %sub3A_447 = arith.constant 1 : i32
    %sub3A_448 = arith.subi %div3A_427, %sub3A_447 : i32
    %select_n3A_449 = arith.select %and3A_446, %sub3A_448, %div3A_427 : i32
    %jit3A_450 = arith.constant 8 : i32
    %eq3A_451 = arith.constant 0 : i32
    %eq3A_452 = arith.cmpi eq, %jit3A_450, %eq3A_451 : i32
    %jit3A_453 = arith.constant 1 : i32
    %select_n3A_454 = arith.select %eq3A_452, %jit3A_453, %jit3A_450 : i32
    %rem3A_455 = arith.remsi %add3A_425, %select_n3A_454 : i32
    %ne3A_456 = arith.constant 0 : i32
    %ne3A_457 = arith.cmpi ne, %rem3A_455, %ne3A_456 : i32
    %lt3A_458 = arith.constant 0 : i32
    %lt3A_459 = arith.cmpi slt, %rem3A_455, %lt3A_458 : i32
    %lt3A_460 = arith.constant 0 : i32
    %lt3A_461 = arith.cmpi slt, %select_n3A_454, %lt3A_460 : i32
    %ne3A_462 = arith.xori %lt3A_459, %lt3A_461 : i1
    %and3A_463 = arith.andi %ne3A_462, %ne3A_457 : i1
    %add3A_464 = arith.addi %rem3A_455, %select_n3A_454 : i32
    %select_n3A_465 = arith.select %and3A_463, %add3A_464, %rem3A_455 : i32
    %dma_start3A_466 = arith.constant 4096 : i32
    %dma_start3A_467 = tpu.memref_slice %arg5[%dma_start3A_466] : memref<8192xi32, #tpu.memory_space<vmem>> -> memref<1024xi32, #tpu.memory_space<vmem>>
    %dma_start3A_468 = arith.constant 0 : i32
    %dma_start3A_469 = arith.constant 0 : i32
    %dma_start3A_470 = tpu.memref_slice %arg2[%select_n3A_465, %dma_start3A_468, %dma_start3A_469] : memref<8x100096x16xf32, #tpu.memory_space<hbm>> -> memref<1x100096x16xf32, #tpu.memory_space<hbm>>
    %dma_start3A_471 = tpu.memref_squeeze %dma_start3A_470 : memref<1x100096x16xf32, #tpu.memory_space<hbm>> -> memref<100096x16xf32, #tpu.memory_space<hbm>>
    %dma_start3A_472 = arith.constant 0 : i32
    %dma_start3A_473 = arith.constant 0 : i32
    %dma_start3A_474 = tpu.memref_slice %dma_start3A_471[%dma_start3A_472, %dma_start3A_473] : memref<100096x16xf32, #tpu.memory_space<hbm>> -> memref<100096x16xf32, #tpu.memory_space<hbm>>
    tpu.enqueue_indirect_dma source(%dma_start3A_474 : memref<100096x16xf32, #tpu.memory_space<hbm>>) target(%arg6 : memref<1024x16xf32, #tpu.memory_space<vmem>>) offsets(%dma_start3A_467 : memref<1024xi32, #tpu.memory_space<vmem>>) semaphore(%arg10 : memref<!tpu.dma_semaphore, #tpu.memory_space<semaphore_mem>>)
    %add3A_475 = arith.constant 0 : i32
    %add3A_476 = arith.addi %mul3A_2, %add3A_475 : i32
    %jit3A_477 = arith.constant 8 : i32
    %div3A_478 = arith.divsi %add3A_476, %jit3A_477 : i32
    %sign3A_479 = arith.constant 0 : i32
    %sign3A_480 = arith.cmpi sgt, %add3A_476, %sign3A_479 : i32
    %sign3A_481 = arith.extui %sign3A_480 : i1 to i32
    %sign3A_482 = arith.constant 0 : i32
    %sign3A_483 = arith.cmpi slt, %add3A_476, %sign3A_482 : i32
    %sign3A_484 = arith.extui %sign3A_483 : i1 to i32
    %sign3A_485 = arith.subi %sign3A_481, %sign3A_484 : i32
    %sign3A_486 = arith.constant 0 : i32
    %sign3A_487 = arith.cmpi sgt, %jit3A_477, %sign3A_486 : i32
    %sign3A_488 = arith.extui %sign3A_487 : i1 to i32
    %sign3A_489 = arith.constant 0 : i32
    %sign3A_490 = arith.cmpi slt, %jit3A_477, %sign3A_489 : i32
    %sign3A_491 = arith.extui %sign3A_490 : i1 to i32
    %sign3A_492 = arith.subi %sign3A_488, %sign3A_491 : i32
    %ne3A_493 = arith.cmpi ne, %sign3A_485, %sign3A_492 : i32
    %rem3A_494 = arith.remsi %add3A_476, %jit3A_477 : i32
    %ne3A_495 = arith.constant 0 : i32
    %ne3A_496 = arith.cmpi ne, %rem3A_494, %ne3A_495 : i32
    %and3A_497 = arith.andi %ne3A_493, %ne3A_496 : i1
    %sub3A_498 = arith.constant 1 : i32
    %sub3A_499 = arith.subi %div3A_478, %sub3A_498 : i32
    %select_n3A_500 = arith.select %and3A_497, %sub3A_499, %div3A_478 : i32
    %jit3A_501 = arith.constant 8 : i32
    %eq3A_502 = arith.constant 0 : i32
    %eq3A_503 = arith.cmpi eq, %jit3A_501, %eq3A_502 : i32
    %jit3A_504 = arith.constant 1 : i32
    %select_n3A_505 = arith.select %eq3A_503, %jit3A_504, %jit3A_501 : i32
    %rem3A_506 = arith.remsi %add3A_476, %select_n3A_505 : i32
    %ne3A_507 = arith.constant 0 : i32
    %ne3A_508 = arith.cmpi ne, %rem3A_506, %ne3A_507 : i32
    %lt3A_509 = arith.constant 0 : i32
    %lt3A_510 = arith.cmpi slt, %rem3A_506, %lt3A_509 : i32
    %lt3A_511 = arith.constant 0 : i32
    %lt3A_512 = arith.cmpi slt, %select_n3A_505, %lt3A_511 : i32
    %ne3A_513 = arith.xori %lt3A_510, %lt3A_512 : i1
    %and3A_514 = arith.andi %ne3A_513, %ne3A_508 : i1
    %add3A_515 = arith.addi %rem3A_506, %select_n3A_505 : i32
    %select_n3A_516 = arith.select %and3A_514, %add3A_515, %rem3A_506 : i32
    %dma_wait3A_517 = arith.constant 1024 : i32
    %dma_wait3A_518 = tpu.memref_slice %arg5[%dma_wait3A_517] : memref<8192xi32, #tpu.memory_space<vmem>> -> memref<1024xi32, #tpu.memory_space<vmem>>
    %dma_wait3A_519 = arith.constant 0 : i32
    %dma_wait3A_520 = arith.constant 0 : i32
    %dma_wait3A_521 = tpu.memref_slice %arg2[%select_n3A_252, %dma_wait3A_519, %dma_wait3A_520] : memref<8x100096x16xf32, #tpu.memory_space<hbm>> -> memref<1x100096x16xf32, #tpu.memory_space<hbm>>
    %dma_wait3A_522 = tpu.memref_squeeze %dma_wait3A_521 : memref<1x100096x16xf32, #tpu.memory_space<hbm>> -> memref<100096x16xf32, #tpu.memory_space<hbm>>
    %dma_wait3A_523 = arith.constant 0 : i32
    %dma_wait3A_524 = arith.constant 0 : i32
    %dma_wait3A_525 = tpu.memref_slice %dma_wait3A_522[%dma_wait3A_523, %dma_wait3A_524] : memref<100096x16xf32, #tpu.memory_space<hbm>> -> memref<100096x16xf32, #tpu.memory_space<hbm>>
    tpu.wait_indirect_dma semaphore(%arg11 : memref<!tpu.dma_semaphore, #tpu.memory_space<semaphore_mem>>) src(%dma_wait3A_525 : memref<100096x16xf32, #tpu.memory_space<hbm>>) dst(%arg7 : memref<1024x16xf32, #tpu.memory_space<vmem>>)
    %mul3A_526 = arith.constant 2048 : i32
    %mul3A_527 = arith.muli %select_n3A_500, %mul3A_526 : i32
    %add3A_528 = arith.constant 1024 : i32
    %add3A_529 = arith.addi %mul3A_527, %add3A_528 : i32
    %mul3A_530 = arith.constant 16 : i32
    %mul3A_531 = arith.muli %select_n3A_516, %mul3A_530 : i32
    %dma_start3A_532 = tpu.memref_slice %arg4[%add3A_529, %mul3A_531] : memref<32768x128xf32, #tpu.memory_space<hbm>> -> memref<1024x16xf32, #tpu.memory_space<hbm>>
    %dma_start3A_533 = tpu.memref_slice %arg4[%add3A_529, %mul3A_531] : memref<32768x128xf32, #tpu.memory_space<hbm>> -> memref<1024x16xf32, #tpu.memory_space<hbm>>
    tpu.enqueue_dma source(%arg7 : memref<1024x16xf32, #tpu.memory_space<vmem>>) target(%dma_start3A_533 : memref<1024x16xf32, #tpu.memory_space<hbm>>) target_semaphore(%arg15 : memref<!tpu.dma_semaphore, #tpu.memory_space<semaphore_mem>>)
    %dma_wait3A_534 = tpu.memref_slice %arg4[%add3A_529, %mul3A_531] : memref<32768x128xf32, #tpu.memory_space<hbm>> -> memref<1024x16xf32, #tpu.memory_space<hbm>>
    %dma_wait3A_535 = tpu.memref_slice %arg4[%add3A_529, %mul3A_531] : memref<32768x128xf32, #tpu.memory_space<hbm>> -> memref<1024x16xf32, #tpu.memory_space<hbm>>
    tpu.wait_dma2 semaphore(%arg15 : memref<!tpu.dma_semaphore, #tpu.memory_space<semaphore_mem>>) src(%arg7 : memref<1024x16xf32, #tpu.memory_space<vmem>>) dst(%dma_wait3A_535 : memref<1024x16xf32, #tpu.memory_space<hbm>>)
    %add3A_536 = arith.constant 2 : i32
    %add3A_537 = arith.addi %mul3A_2, %add3A_536 : i32
    %jit3A_538 = arith.constant 8 : i32
    %div3A_539 = arith.divsi %add3A_537, %jit3A_538 : i32
    %sign3A_540 = arith.constant 0 : i32
    %sign3A_541 = arith.cmpi sgt, %add3A_537, %sign3A_540 : i32
    %sign3A_542 = arith.extui %sign3A_541 : i1 to i32
    %sign3A_543 = arith.constant 0 : i32
    %sign3A_544 = arith.cmpi slt, %add3A_537, %sign3A_543 : i32
    %sign3A_545 = arith.extui %sign3A_544 : i1 to i32
    %sign3A_546 = arith.subi %sign3A_542, %sign3A_545 : i32
    %sign3A_547 = arith.constant 0 : i32
    %sign3A_548 = arith.cmpi sgt, %jit3A_538, %sign3A_547 : i32
    %sign3A_549 = arith.extui %sign3A_548 : i1 to i32
    %sign3A_550 = arith.constant 0 : i32
    %sign3A_551 = arith.cmpi slt, %jit3A_538, %sign3A_550 : i32
    %sign3A_552 = arith.extui %sign3A_551 : i1 to i32
    %sign3A_553 = arith.subi %sign3A_549, %sign3A_552 : i32
    %ne3A_554 = arith.cmpi ne, %sign3A_546, %sign3A_553 : i32
    %rem3A_555 = arith.remsi %add3A_537, %jit3A_538 : i32
    %ne3A_556 = arith.constant 0 : i32
    %ne3A_557 = arith.cmpi ne, %rem3A_555, %ne3A_556 : i32
    %and3A_558 = arith.andi %ne3A_554, %ne3A_557 : i1
    %sub3A_559 = arith.constant 1 : i32
    %sub3A_560 = arith.subi %div3A_539, %sub3A_559 : i32
    %select_n3A_561 = arith.select %and3A_558, %sub3A_560, %div3A_539 : i32
    %jit3A_562 = arith.constant 8 : i32
    %eq3A_563 = arith.constant 0 : i32
    %eq3A_564 = arith.cmpi eq, %jit3A_562, %eq3A_563 : i32
    %jit3A_565 = arith.constant 1 : i32
    %select_n3A_566 = arith.select %eq3A_564, %jit3A_565, %jit3A_562 : i32
    %rem3A_567 = arith.remsi %add3A_537, %select_n3A_566 : i32
    %ne3A_568 = arith.constant 0 : i32
    %ne3A_569 = arith.cmpi ne, %rem3A_567, %ne3A_568 : i32
    %lt3A_570 = arith.constant 0 : i32
    %lt3A_571 = arith.cmpi slt, %rem3A_567, %lt3A_570 : i32
    %lt3A_572 = arith.constant 0 : i32
    %lt3A_573 = arith.cmpi slt, %select_n3A_566, %lt3A_572 : i32
    %ne3A_574 = arith.xori %lt3A_571, %lt3A_573 : i1
    %and3A_575 = arith.andi %ne3A_574, %ne3A_569 : i1
    %add3A_576 = arith.addi %rem3A_567, %select_n3A_566 : i32
    %select_n3A_577 = arith.select %and3A_575, %add3A_576, %rem3A_567 : i32
    %dma_start3A_578 = arith.constant 5120 : i32
    %dma_start3A_579 = tpu.memref_slice %arg5[%dma_start3A_578] : memref<8192xi32, #tpu.memory_space<vmem>> -> memref<1024xi32, #tpu.memory_space<vmem>>
    %dma_start3A_580 = arith.constant 0 : i32
    %dma_start3A_581 = arith.constant 0 : i32
    %dma_start3A_582 = tpu.memref_slice %arg2[%select_n3A_577, %dma_start3A_580, %dma_start3A_581] : memref<8x100096x16xf32, #tpu.memory_space<hbm>> -> memref<1x100096x16xf32, #tpu.memory_space<hbm>>
    %dma_start3A_583 = tpu.memref_squeeze %dma_start3A_582 : memref<1x100096x16xf32, #tpu.memory_space<hbm>> -> memref<100096x16xf32, #tpu.memory_space<hbm>>
    %dma_start3A_584 = arith.constant 0 : i32
    %dma_start3A_585 = arith.constant 0 : i32
    %dma_start3A_586 = tpu.memref_slice %dma_start3A_583[%dma_start3A_584, %dma_start3A_585] : memref<100096x16xf32, #tpu.memory_space<hbm>> -> memref<100096x16xf32, #tpu.memory_space<hbm>>
    tpu.enqueue_indirect_dma source(%dma_start3A_586 : memref<100096x16xf32, #tpu.memory_space<hbm>>) target(%arg7 : memref<1024x16xf32, #tpu.memory_space<vmem>>) offsets(%dma_start3A_579 : memref<1024xi32, #tpu.memory_space<vmem>>) semaphore(%arg11 : memref<!tpu.dma_semaphore, #tpu.memory_space<semaphore_mem>>)
    %add3A_587 = arith.constant 1 : i32
    %add3A_588 = arith.addi %mul3A_2, %add3A_587 : i32
    %jit3A_589 = arith.constant 8 : i32
    %div3A_590 = arith.divsi %add3A_588, %jit3A_589 : i32
    %sign3A_591 = arith.constant 0 : i32
    %sign3A_592 = arith.cmpi sgt, %add3A_588, %sign3A_591 : i32
    %sign3A_593 = arith.extui %sign3A_592 : i1 to i32
    %sign3A_594 = arith.constant 0 : i32
    %sign3A_595 = arith.cmpi slt, %add3A_588, %sign3A_594 : i32
    %sign3A_596 = arith.extui %sign3A_595 : i1 to i32
    %sign3A_597 = arith.subi %sign3A_593, %sign3A_596 : i32
    %sign3A_598 = arith.constant 0 : i32
    %sign3A_599 = arith.cmpi sgt, %jit3A_589, %sign3A_598 : i32
    %sign3A_600 = arith.extui %sign3A_599 : i1 to i32
    %sign3A_601 = arith.constant 0 : i32
    %sign3A_602 = arith.cmpi slt, %jit3A_589, %sign3A_601 : i32
    %sign3A_603 = arith.extui %sign3A_602 : i1 to i32
    %sign3A_604 = arith.subi %sign3A_600, %sign3A_603 : i32
    %ne3A_605 = arith.cmpi ne, %sign3A_597, %sign3A_604 : i32
    %rem3A_606 = arith.remsi %add3A_588, %jit3A_589 : i32
    %ne3A_607 = arith.constant 0 : i32
    %ne3A_608 = arith.cmpi ne, %rem3A_606, %ne3A_607 : i32
    %and3A_609 = arith.andi %ne3A_605, %ne3A_608 : i1
    %sub3A_610 = arith.constant 1 : i32
    %sub3A_611 = arith.subi %div3A_590, %sub3A_610 : i32
    %select_n3A_612 = arith.select %and3A_609, %sub3A_611, %div3A_590 : i32
    %jit3A_613 = arith.constant 8 : i32
    %eq3A_614 = arith.constant 0 : i32
    %eq3A_615 = arith.cmpi eq, %jit3A_613, %eq3A_614 : i32
    %jit3A_616 = arith.constant 1 : i32
    %select_n3A_617 = arith.select %eq3A_615, %jit3A_616, %jit3A_613 : i32
    %rem3A_618 = arith.remsi %add3A_588, %select_n3A_617 : i32
    %ne3A_619 = arith.constant 0 : i32
    %ne3A_620 = arith.cmpi ne, %rem3A_618, %ne3A_619 : i32
    %lt3A_621 = arith.constant 0 : i32
    %lt3A_622 = arith.cmpi slt, %rem3A_618, %lt3A_621 : i32
    %lt3A_623 = arith.constant 0 : i32
    %lt3A_624 = arith.cmpi slt, %select_n3A_617, %lt3A_623 : i32
    %ne3A_625 = arith.xori %lt3A_622, %lt3A_624 : i1
    %and3A_626 = arith.andi %ne3A_625, %ne3A_620 : i1
    %add3A_627 = arith.addi %rem3A_618, %select_n3A_617 : i32
    %select_n3A_628 = arith.select %and3A_626, %add3A_627, %rem3A_618 : i32
    %dma_wait3A_629 = arith.constant 2048 : i32
    %dma_wait3A_630 = tpu.memref_slice %arg5[%dma_wait3A_629] : memref<8192xi32, #tpu.memory_space<vmem>> -> memref<1024xi32, #tpu.memory_space<vmem>>
    %dma_wait3A_631 = arith.constant 0 : i32
    %dma_wait3A_632 = arith.constant 0 : i32
    %dma_wait3A_633 = tpu.memref_slice %arg2[%select_n3A_303, %dma_wait3A_631, %dma_wait3A_632] : memref<8x100096x16xf32, #tpu.memory_space<hbm>> -> memref<1x100096x16xf32, #tpu.memory_space<hbm>>
    %dma_wait3A_634 = tpu.memref_squeeze %dma_wait3A_633 : memref<1x100096x16xf32, #tpu.memory_space<hbm>> -> memref<100096x16xf32, #tpu.memory_space<hbm>>
    %dma_wait3A_635 = arith.constant 0 : i32
    %dma_wait3A_636 = arith.constant 0 : i32
    %dma_wait3A_637 = tpu.memref_slice %dma_wait3A_634[%dma_wait3A_635, %dma_wait3A_636] : memref<100096x16xf32, #tpu.memory_space<hbm>> -> memref<100096x16xf32, #tpu.memory_space<hbm>>
    tpu.wait_indirect_dma semaphore(%arg12 : memref<!tpu.dma_semaphore, #tpu.memory_space<semaphore_mem>>) src(%dma_wait3A_637 : memref<100096x16xf32, #tpu.memory_space<hbm>>) dst(%arg8 : memref<1024x16xf32, #tpu.memory_space<vmem>>)
    %mul3A_638 = arith.constant 2048 : i32
    %mul3A_639 = arith.muli %select_n3A_612, %mul3A_638 : i32
    %add3A_640 = arith.constant 0 : i32
    %add3A_641 = arith.addi %mul3A_639, %add3A_640 : i32
    %mul3A_642 = arith.constant 16 : i32
    %mul3A_643 = arith.muli %select_n3A_628, %mul3A_642 : i32
    %dma_start3A_644 = tpu.memref_slice %arg4[%add3A_641, %mul3A_643] : memref<32768x128xf32, #tpu.memory_space<hbm>> -> memref<1024x16xf32, #tpu.memory_space<hbm>>
    %dma_start3A_645 = tpu.memref_slice %arg4[%add3A_641, %mul3A_643] : memref<32768x128xf32, #tpu.memory_space<hbm>> -> memref<1024x16xf32, #tpu.memory_space<hbm>>
    tpu.enqueue_dma source(%arg8 : memref<1024x16xf32, #tpu.memory_space<vmem>>) target(%dma_start3A_645 : memref<1024x16xf32, #tpu.memory_space<hbm>>) target_semaphore(%arg16 : memref<!tpu.dma_semaphore, #tpu.memory_space<semaphore_mem>>)
    %dma_wait3A_646 = tpu.memref_slice %arg4[%add3A_641, %mul3A_643] : memref<32768x128xf32, #tpu.memory_space<hbm>> -> memref<1024x16xf32, #tpu.memory_space<hbm>>
    %dma_wait3A_647 = tpu.memref_slice %arg4[%add3A_641, %mul3A_643] : memref<32768x128xf32, #tpu.memory_space<hbm>> -> memref<1024x16xf32, #tpu.memory_space<hbm>>
    tpu.wait_dma2 semaphore(%arg16 : memref<!tpu.dma_semaphore, #tpu.memory_space<semaphore_mem>>) src(%arg8 : memref<1024x16xf32, #tpu.memory_space<vmem>>) dst(%dma_wait3A_647 : memref<1024x16xf32, #tpu.memory_space<hbm>>)
    %add3A_648 = arith.constant 3 : i32
    %add3A_649 = arith.addi %mul3A_2, %add3A_648 : i32
    %jit3A_650 = arith.constant 8 : i32
    %div3A_651 = arith.divsi %add3A_649, %jit3A_650 : i32
    %sign3A_652 = arith.constant 0 : i32
    %sign3A_653 = arith.cmpi sgt, %add3A_649, %sign3A_652 : i32
    %sign3A_654 = arith.extui %sign3A_653 : i1 to i32
    %sign3A_655 = arith.constant 0 : i32
    %sign3A_656 = arith.cmpi slt, %add3A_649, %sign3A_655 : i32
    %sign3A_657 = arith.extui %sign3A_656 : i1 to i32
    %sign3A_658 = arith.subi %sign3A_654, %sign3A_657 : i32
    %sign3A_659 = arith.constant 0 : i32
    %sign3A_660 = arith.cmpi sgt, %jit3A_650, %sign3A_659 : i32
    %sign3A_661 = arith.extui %sign3A_660 : i1 to i32
    %sign3A_662 = arith.constant 0 : i32
    %sign3A_663 = arith.cmpi slt, %jit3A_650, %sign3A_662 : i32
    %sign3A_664 = arith.extui %sign3A_663 : i1 to i32
    %sign3A_665 = arith.subi %sign3A_661, %sign3A_664 : i32
    %ne3A_666 = arith.cmpi ne, %sign3A_658, %sign3A_665 : i32
    %rem3A_667 = arith.remsi %add3A_649, %jit3A_650 : i32
    %ne3A_668 = arith.constant 0 : i32
    %ne3A_669 = arith.cmpi ne, %rem3A_667, %ne3A_668 : i32
    %and3A_670 = arith.andi %ne3A_666, %ne3A_669 : i1
    %sub3A_671 = arith.constant 1 : i32
    %sub3A_672 = arith.subi %div3A_651, %sub3A_671 : i32
    %select_n3A_673 = arith.select %and3A_670, %sub3A_672, %div3A_651 : i32
    %jit3A_674 = arith.constant 8 : i32
    %eq3A_675 = arith.constant 0 : i32
    %eq3A_676 = arith.cmpi eq, %jit3A_674, %eq3A_675 : i32
    %jit3A_677 = arith.constant 1 : i32
    %select_n3A_678 = arith.select %eq3A_676, %jit3A_677, %jit3A_674 : i32
    %rem3A_679 = arith.remsi %add3A_649, %select_n3A_678 : i32
    %ne3A_680 = arith.constant 0 : i32
    %ne3A_681 = arith.cmpi ne, %rem3A_679, %ne3A_680 : i32
    %lt3A_682 = arith.constant 0 : i32
    %lt3A_683 = arith.cmpi slt, %rem3A_679, %lt3A_682 : i32
    %lt3A_684 = arith.constant 0 : i32
    %lt3A_685 = arith.cmpi slt, %select_n3A_678, %lt3A_684 : i32
    %ne3A_686 = arith.xori %lt3A_683, %lt3A_685 : i1
    %and3A_687 = arith.andi %ne3A_686, %ne3A_681 : i1
    %add3A_688 = arith.addi %rem3A_679, %select_n3A_678 : i32
    %select_n3A_689 = arith.select %and3A_687, %add3A_688, %rem3A_679 : i32
    %dma_start3A_690 = arith.constant 6144 : i32
    %dma_start3A_691 = tpu.memref_slice %arg5[%dma_start3A_690] : memref<8192xi32, #tpu.memory_space<vmem>> -> memref<1024xi32, #tpu.memory_space<vmem>>
    %dma_start3A_692 = arith.constant 0 : i32
    %dma_start3A_693 = arith.constant 0 : i32
    %dma_start3A_694 = tpu.memref_slice %arg2[%select_n3A_689, %dma_start3A_692, %dma_start3A_693] : memref<8x100096x16xf32, #tpu.memory_space<hbm>> -> memref<1x100096x16xf32, #tpu.memory_space<hbm>>
    %dma_start3A_695 = tpu.memref_squeeze %dma_start3A_694 : memref<1x100096x16xf32, #tpu.memory_space<hbm>> -> memref<100096x16xf32, #tpu.memory_space<hbm>>
    %dma_start3A_696 = arith.constant 0 : i32
    %dma_start3A_697 = arith.constant 0 : i32
    %dma_start3A_698 = tpu.memref_slice %dma_start3A_695[%dma_start3A_696, %dma_start3A_697] : memref<100096x16xf32, #tpu.memory_space<hbm>> -> memref<100096x16xf32, #tpu.memory_space<hbm>>
    tpu.enqueue_indirect_dma source(%dma_start3A_698 : memref<100096x16xf32, #tpu.memory_space<hbm>>) target(%arg8 : memref<1024x16xf32, #tpu.memory_space<vmem>>) offsets(%dma_start3A_691 : memref<1024xi32, #tpu.memory_space<vmem>>) semaphore(%arg12 : memref<!tpu.dma_semaphore, #tpu.memory_space<semaphore_mem>>)
    %add3A_699 = arith.constant 1 : i32
    %add3A_700 = arith.addi %mul3A_2, %add3A_699 : i32
    %jit3A_701 = arith.constant 8 : i32
    %div3A_702 = arith.divsi %add3A_700, %jit3A_701 : i32
    %sign3A_703 = arith.constant 0 : i32
    %sign3A_704 = arith.cmpi sgt, %add3A_700, %sign3A_703 : i32
    %sign3A_705 = arith.extui %sign3A_704 : i1 to i32
    %sign3A_706 = arith.constant 0 : i32
    %sign3A_707 = arith.cmpi slt, %add3A_700, %sign3A_706 : i32
    %sign3A_708 = arith.extui %sign3A_707 : i1 to i32
    %sign3A_709 = arith.subi %sign3A_705, %sign3A_708 : i32
    %sign3A_710 = arith.constant 0 : i32
    %sign3A_711 = arith.cmpi sgt, %jit3A_701, %sign3A_710 : i32
    %sign3A_712 = arith.extui %sign3A_711 : i1 to i32
    %sign3A_713 = arith.constant 0 : i32
    %sign3A_714 = arith.cmpi slt, %jit3A_701, %sign3A_713 : i32
    %sign3A_715 = arith.extui %sign3A_714 : i1 to i32
    %sign3A_716 = arith.subi %sign3A_712, %sign3A_715 : i32
    %ne3A_717 = arith.cmpi ne, %sign3A_709, %sign3A_716 : i32
    %rem3A_718 = arith.remsi %add3A_700, %jit3A_701 : i32
    %ne3A_719 = arith.constant 0 : i32
    %ne3A_720 = arith.cmpi ne, %rem3A_718, %ne3A_719 : i32
    %and3A_721 = arith.andi %ne3A_717, %ne3A_720 : i1
    %sub3A_722 = arith.constant 1 : i32
    %sub3A_723 = arith.subi %div3A_702, %sub3A_722 : i32
    %select_n3A_724 = arith.select %and3A_721, %sub3A_723, %div3A_702 : i32
    %jit3A_725 = arith.constant 8 : i32
    %eq3A_726 = arith.constant 0 : i32
    %eq3A_727 = arith.cmpi eq, %jit3A_725, %eq3A_726 : i32
    %jit3A_728 = arith.constant 1 : i32
    %select_n3A_729 = arith.select %eq3A_727, %jit3A_728, %jit3A_725 : i32
    %rem3A_730 = arith.remsi %add3A_700, %select_n3A_729 : i32
    %ne3A_731 = arith.constant 0 : i32
    %ne3A_732 = arith.cmpi ne, %rem3A_730, %ne3A_731 : i32
    %lt3A_733 = arith.constant 0 : i32
    %lt3A_734 = arith.cmpi slt, %rem3A_730, %lt3A_733 : i32
    %lt3A_735 = arith.constant 0 : i32
    %lt3A_736 = arith.cmpi slt, %select_n3A_729, %lt3A_735 : i32
    %ne3A_737 = arith.xori %lt3A_734, %lt3A_736 : i1
    %and3A_738 = arith.andi %ne3A_737, %ne3A_732 : i1
    %add3A_739 = arith.addi %rem3A_730, %select_n3A_729 : i32
    %select_n3A_740 = arith.select %and3A_738, %add3A_739, %rem3A_730 : i32
    %dma_wait3A_741 = arith.constant 3072 : i32
    %dma_wait3A_742 = tpu.memref_slice %arg5[%dma_wait3A_741] : memref<8192xi32, #tpu.memory_space<vmem>> -> memref<1024xi32, #tpu.memory_space<vmem>>
    %dma_wait3A_743 = arith.constant 0 : i32
    %dma_wait3A_744 = arith.constant 0 : i32
    %dma_wait3A_745 = tpu.memref_slice %arg2[%select_n3A_354, %dma_wait3A_743, %dma_wait3A_744] : memref<8x100096x16xf32, #tpu.memory_space<hbm>> -> memref<1x100096x16xf32, #tpu.memory_space<hbm>>
    %dma_wait3A_746 = tpu.memref_squeeze %dma_wait3A_745 : memref<1x100096x16xf32, #tpu.memory_space<hbm>> -> memref<100096x16xf32, #tpu.memory_space<hbm>>
    %dma_wait3A_747 = arith.constant 0 : i32
    %dma_wait3A_748 = arith.constant 0 : i32
    %dma_wait3A_749 = tpu.memref_slice %dma_wait3A_746[%dma_wait3A_747, %dma_wait3A_748] : memref<100096x16xf32, #tpu.memory_space<hbm>> -> memref<100096x16xf32, #tpu.memory_space<hbm>>
    tpu.wait_indirect_dma semaphore(%arg13 : memref<!tpu.dma_semaphore, #tpu.memory_space<semaphore_mem>>) src(%dma_wait3A_749 : memref<100096x16xf32, #tpu.memory_space<hbm>>) dst(%arg9 : memref<1024x16xf32, #tpu.memory_space<vmem>>)
    %mul3A_750 = arith.constant 2048 : i32
    %mul3A_751 = arith.muli %select_n3A_724, %mul3A_750 : i32
    %add3A_752 = arith.constant 1024 : i32
    %add3A_753 = arith.addi %mul3A_751, %add3A_752 : i32
    %mul3A_754 = arith.constant 16 : i32
    %mul3A_755 = arith.muli %select_n3A_740, %mul3A_754 : i32
    %dma_start3A_756 = tpu.memref_slice %arg4[%add3A_753, %mul3A_755] : memref<32768x128xf32, #tpu.memory_space<hbm>> -> memref<1024x16xf32, #tpu.memory_space<hbm>>
    %dma_start3A_757 = tpu.memref_slice %arg4[%add3A_753, %mul3A_755] : memref<32768x128xf32, #tpu.memory_space<hbm>> -> memref<1024x16xf32, #tpu.memory_space<hbm>>
    tpu.enqueue_dma source(%arg9 : memref<1024x16xf32, #tpu.memory_space<vmem>>) target(%dma_start3A_757 : memref<1024x16xf32, #tpu.memory_space<hbm>>) target_semaphore(%arg17 : memref<!tpu.dma_semaphore, #tpu.memory_space<semaphore_mem>>)
    %dma_wait3A_758 = tpu.memref_slice %arg4[%add3A_753, %mul3A_755] : memref<32768x128xf32, #tpu.memory_space<hbm>> -> memref<1024x16xf32, #tpu.memory_space<hbm>>
    %dma_wait3A_759 = tpu.memref_slice %arg4[%add3A_753, %mul3A_755] : memref<32768x128xf32, #tpu.memory_space<hbm>> -> memref<1024x16xf32, #tpu.memory_space<hbm>>
    tpu.wait_dma2 semaphore(%arg17 : memref<!tpu.dma_semaphore, #tpu.memory_space<semaphore_mem>>) src(%arg9 : memref<1024x16xf32, #tpu.memory_space<vmem>>) dst(%dma_wait3A_759 : memref<1024x16xf32, #tpu.memory_space<hbm>>)
    %add3A_760 = arith.constant 3 : i32
    %add3A_761 = arith.addi %mul3A_2, %add3A_760 : i32
    %jit3A_762 = arith.constant 8 : i32
    %div3A_763 = arith.divsi %add3A_761, %jit3A_762 : i32
    %sign3A_764 = arith.constant 0 : i32
    %sign3A_765 = arith.cmpi sgt, %add3A_761, %sign3A_764 : i32
    %sign3A_766 = arith.extui %sign3A_765 : i1 to i32
    %sign3A_767 = arith.constant 0 : i32
    %sign3A_768 = arith.cmpi slt, %add3A_761, %sign3A_767 : i32
    %sign3A_769 = arith.extui %sign3A_768 : i1 to i32
    %sign3A_770 = arith.subi %sign3A_766, %sign3A_769 : i32
    %sign3A_771 = arith.constant 0 : i32
    %sign3A_772 = arith.cmpi sgt, %jit3A_762, %sign3A_771 : i32
    %sign3A_773 = arith.extui %sign3A_772 : i1 to i32
    %sign3A_774 = arith.constant 0 : i32
    %sign3A_775 = arith.cmpi slt, %jit3A_762, %sign3A_774 : i32
    %sign3A_776 = arith.extui %sign3A_775 : i1 to i32
    %sign3A_777 = arith.subi %sign3A_773, %sign3A_776 : i32
    %ne3A_778 = arith.cmpi ne, %sign3A_770, %sign3A_777 : i32
    %rem3A_779 = arith.remsi %add3A_761, %jit3A_762 : i32
    %ne3A_780 = arith.constant 0 : i32
    %ne3A_781 = arith.cmpi ne, %rem3A_779, %ne3A_780 : i32
    %and3A_782 = arith.andi %ne3A_778, %ne3A_781 : i1
    %sub3A_783 = arith.constant 1 : i32
    %sub3A_784 = arith.subi %div3A_763, %sub3A_783 : i32
    %select_n3A_785 = arith.select %and3A_782, %sub3A_784, %div3A_763 : i32
    %jit3A_786 = arith.constant 8 : i32
    %eq3A_787 = arith.constant 0 : i32
    %eq3A_788 = arith.cmpi eq, %jit3A_786, %eq3A_787 : i32
    %jit3A_789 = arith.constant 1 : i32
    %select_n3A_790 = arith.select %eq3A_788, %jit3A_789, %jit3A_786 : i32
    %rem3A_791 = arith.remsi %add3A_761, %select_n3A_790 : i32
    %ne3A_792 = arith.constant 0 : i32
    %ne3A_793 = arith.cmpi ne, %rem3A_791, %ne3A_792 : i32
    %lt3A_794 = arith.constant 0 : i32
    %lt3A_795 = arith.cmpi slt, %rem3A_791, %lt3A_794 : i32
    %lt3A_796 = arith.constant 0 : i32
    %lt3A_797 = arith.cmpi slt, %select_n3A_790, %lt3A_796 : i32
    %ne3A_798 = arith.xori %lt3A_795, %lt3A_797 : i1
    %and3A_799 = arith.andi %ne3A_798, %ne3A_793 : i1
    %add3A_800 = arith.addi %rem3A_791, %select_n3A_790 : i32
    %select_n3A_801 = arith.select %and3A_799, %add3A_800, %rem3A_791 : i32
    %dma_start3A_802 = arith.constant 7168 : i32
    %dma_start3A_803 = tpu.memref_slice %arg5[%dma_start3A_802] : memref<8192xi32, #tpu.memory_space<vmem>> -> memref<1024xi32, #tpu.memory_space<vmem>>
    %dma_start3A_804 = arith.constant 0 : i32
    %dma_start3A_805 = arith.constant 0 : i32
    %dma_start3A_806 = tpu.memref_slice %arg2[%select_n3A_801, %dma_start3A_804, %dma_start3A_805] : memref<8x100096x16xf32, #tpu.memory_space<hbm>> -> memref<1x100096x16xf32, #tpu.memory_space<hbm>>
    %dma_start3A_807 = tpu.memref_squeeze %dma_start3A_806 : memref<1x100096x16xf32, #tpu.memory_space<hbm>> -> memref<100096x16xf32, #tpu.memory_space<hbm>>
    %dma_start3A_808 = arith.constant 0 : i32
    %dma_start3A_809 = arith.constant 0 : i32
    %dma_start3A_810 = tpu.memref_slice %dma_start3A_807[%dma_start3A_808, %dma_start3A_809] : memref<100096x16xf32, #tpu.memory_space<hbm>> -> memref<100096x16xf32, #tpu.memory_space<hbm>>
    tpu.enqueue_indirect_dma source(%dma_start3A_810 : memref<100096x16xf32, #tpu.memory_space<hbm>>) target(%arg9 : memref<1024x16xf32, #tpu.memory_space<vmem>>) offsets(%dma_start3A_803 : memref<1024xi32, #tpu.memory_space<vmem>>) semaphore(%arg13 : memref<!tpu.dma_semaphore, #tpu.memory_space<semaphore_mem>>)
    %add3A_811 = arith.constant 2 : i32
    %add3A_812 = arith.addi %mul3A_2, %add3A_811 : i32
    %jit3A_813 = arith.constant 8 : i32
    %div3A_814 = arith.divsi %add3A_812, %jit3A_813 : i32
    %sign3A_815 = arith.constant 0 : i32
    %sign3A_816 = arith.cmpi sgt, %add3A_812, %sign3A_815 : i32
    %sign3A_817 = arith.extui %sign3A_816 : i1 to i32
    %sign3A_818 = arith.constant 0 : i32
    %sign3A_819 = arith.cmpi slt, %add3A_812, %sign3A_818 : i32
    %sign3A_820 = arith.extui %sign3A_819 : i1 to i32
    %sign3A_821 = arith.subi %sign3A_817, %sign3A_820 : i32
    %sign3A_822 = arith.constant 0 : i32
    %sign3A_823 = arith.cmpi sgt, %jit3A_813, %sign3A_822 : i32
    %sign3A_824 = arith.extui %sign3A_823 : i1 to i32
    %sign3A_825 = arith.constant 0 : i32
    %sign3A_826 = arith.cmpi slt, %jit3A_813, %sign3A_825 : i32
    %sign3A_827 = arith.extui %sign3A_826 : i1 to i32
    %sign3A_828 = arith.subi %sign3A_824, %sign3A_827 : i32
    %ne3A_829 = arith.cmpi ne, %sign3A_821, %sign3A_828 : i32
    %rem3A_830 = arith.remsi %add3A_812, %jit3A_813 : i32
    %ne3A_831 = arith.constant 0 : i32
    %ne3A_832 = arith.cmpi ne, %rem3A_830, %ne3A_831 : i32
    %and3A_833 = arith.andi %ne3A_829, %ne3A_832 : i1
    %sub3A_834 = arith.constant 1 : i32
    %sub3A_835 = arith.subi %div3A_814, %sub3A_834 : i32
    %select_n3A_836 = arith.select %and3A_833, %sub3A_835, %div3A_814 : i32
    %jit3A_837 = arith.constant 8 : i32
    %eq3A_838 = arith.constant 0 : i32
    %eq3A_839 = arith.cmpi eq, %jit3A_837, %eq3A_838 : i32
    %jit3A_840 = arith.constant 1 : i32
    %select_n3A_841 = arith.select %eq3A_839, %jit3A_840, %jit3A_837 : i32
    %rem3A_842 = arith.remsi %add3A_812, %select_n3A_841 : i32
    %ne3A_843 = arith.constant 0 : i32
    %ne3A_844 = arith.cmpi ne, %rem3A_842, %ne3A_843 : i32
    %lt3A_845 = arith.constant 0 : i32
    %lt3A_846 = arith.cmpi slt, %rem3A_842, %lt3A_845 : i32
    %lt3A_847 = arith.constant 0 : i32
    %lt3A_848 = arith.cmpi slt, %select_n3A_841, %lt3A_847 : i32
    %ne3A_849 = arith.xori %lt3A_846, %lt3A_848 : i1
    %and3A_850 = arith.andi %ne3A_849, %ne3A_844 : i1
    %add3A_851 = arith.addi %rem3A_842, %select_n3A_841 : i32
    %select_n3A_852 = arith.select %and3A_850, %add3A_851, %rem3A_842 : i32
    %dma_wait3A_853 = arith.constant 4096 : i32
    %dma_wait3A_854 = tpu.memref_slice %arg5[%dma_wait3A_853] : memref<8192xi32, #tpu.memory_space<vmem>> -> memref<1024xi32, #tpu.memory_space<vmem>>
    %dma_wait3A_855 = arith.constant 0 : i32
    %dma_wait3A_856 = arith.constant 0 : i32
    %dma_wait3A_857 = tpu.memref_slice %arg2[%select_n3A_465, %dma_wait3A_855, %dma_wait3A_856] : memref<8x100096x16xf32, #tpu.memory_space<hbm>> -> memref<1x100096x16xf32, #tpu.memory_space<hbm>>
    %dma_wait3A_858 = tpu.memref_squeeze %dma_wait3A_857 : memref<1x100096x16xf32, #tpu.memory_space<hbm>> -> memref<100096x16xf32, #tpu.memory_space<hbm>>
    %dma_wait3A_859 = arith.constant 0 : i32
    %dma_wait3A_860 = arith.constant 0 : i32
    %dma_wait3A_861 = tpu.memref_slice %dma_wait3A_858[%dma_wait3A_859, %dma_wait3A_860] : memref<100096x16xf32, #tpu.memory_space<hbm>> -> memref<100096x16xf32, #tpu.memory_space<hbm>>
    tpu.wait_indirect_dma semaphore(%arg10 : memref<!tpu.dma_semaphore, #tpu.memory_space<semaphore_mem>>) src(%dma_wait3A_861 : memref<100096x16xf32, #tpu.memory_space<hbm>>) dst(%arg6 : memref<1024x16xf32, #tpu.memory_space<vmem>>)
    %mul3A_862 = arith.constant 2048 : i32
    %mul3A_863 = arith.muli %select_n3A_836, %mul3A_862 : i32
    %add3A_864 = arith.constant 0 : i32
    %add3A_865 = arith.addi %mul3A_863, %add3A_864 : i32
    %mul3A_866 = arith.constant 16 : i32
    %mul3A_867 = arith.muli %select_n3A_852, %mul3A_866 : i32
    %dma_start3A_868 = tpu.memref_slice %arg4[%add3A_865, %mul3A_867] : memref<32768x128xf32, #tpu.memory_space<hbm>> -> memref<1024x16xf32, #tpu.memory_space<hbm>>
    %dma_start3A_869 = tpu.memref_slice %arg4[%add3A_865, %mul3A_867] : memref<32768x128xf32, #tpu.memory_space<hbm>> -> memref<1024x16xf32, #tpu.memory_space<hbm>>
    tpu.enqueue_dma source(%arg6 : memref<1024x16xf32, #tpu.memory_space<vmem>>) target(%dma_start3A_869 : memref<1024x16xf32, #tpu.memory_space<hbm>>) target_semaphore(%arg14 : memref<!tpu.dma_semaphore, #tpu.memory_space<semaphore_mem>>)
    %add3A_870 = arith.constant 2 : i32
    %add3A_871 = arith.addi %mul3A_2, %add3A_870 : i32
    %jit3A_872 = arith.constant 8 : i32
    %div3A_873 = arith.divsi %add3A_871, %jit3A_872 : i32
    %sign3A_874 = arith.constant 0 : i32
    %sign3A_875 = arith.cmpi sgt, %add3A_871, %sign3A_874 : i32
    %sign3A_876 = arith.extui %sign3A_875 : i1 to i32
    %sign3A_877 = arith.constant 0 : i32
    %sign3A_878 = arith.cmpi slt, %add3A_871, %sign3A_877 : i32
    %sign3A_879 = arith.extui %sign3A_878 : i1 to i32
    %sign3A_880 = arith.subi %sign3A_876, %sign3A_879 : i32
    %sign3A_881 = arith.constant 0 : i32
    %sign3A_882 = arith.cmpi sgt, %jit3A_872, %sign3A_881 : i32
    %sign3A_883 = arith.extui %sign3A_882 : i1 to i32
    %sign3A_884 = arith.constant 0 : i32
    %sign3A_885 = arith.cmpi slt, %jit3A_872, %sign3A_884 : i32
    %sign3A_886 = arith.extui %sign3A_885 : i1 to i32
    %sign3A_887 = arith.subi %sign3A_883, %sign3A_886 : i32
    %ne3A_888 = arith.cmpi ne, %sign3A_880, %sign3A_887 : i32
    %rem3A_889 = arith.remsi %add3A_871, %jit3A_872 : i32
    %ne3A_890 = arith.constant 0 : i32
    %ne3A_891 = arith.cmpi ne, %rem3A_889, %ne3A_890 : i32
    %and3A_892 = arith.andi %ne3A_888, %ne3A_891 : i1
    %sub3A_893 = arith.constant 1 : i32
    %sub3A_894 = arith.subi %div3A_873, %sub3A_893 : i32
    %select_n3A_895 = arith.select %and3A_892, %sub3A_894, %div3A_873 : i32
    %jit3A_896 = arith.constant 8 : i32
    %eq3A_897 = arith.constant 0 : i32
    %eq3A_898 = arith.cmpi eq, %jit3A_896, %eq3A_897 : i32
    %jit3A_899 = arith.constant 1 : i32
    %select_n3A_900 = arith.select %eq3A_898, %jit3A_899, %jit3A_896 : i32
    %rem3A_901 = arith.remsi %add3A_871, %select_n3A_900 : i32
    %ne3A_902 = arith.constant 0 : i32
    %ne3A_903 = arith.cmpi ne, %rem3A_901, %ne3A_902 : i32
    %lt3A_904 = arith.constant 0 : i32
    %lt3A_905 = arith.cmpi slt, %rem3A_901, %lt3A_904 : i32
    %lt3A_906 = arith.constant 0 : i32
    %lt3A_907 = arith.cmpi slt, %select_n3A_900, %lt3A_906 : i32
    %ne3A_908 = arith.xori %lt3A_905, %lt3A_907 : i1
    %and3A_909 = arith.andi %ne3A_908, %ne3A_903 : i1
    %add3A_910 = arith.addi %rem3A_901, %select_n3A_900 : i32
    %select_n3A_911 = arith.select %and3A_909, %add3A_910, %rem3A_901 : i32
    %dma_wait3A_912 = arith.constant 5120 : i32
    %dma_wait3A_913 = tpu.memref_slice %arg5[%dma_wait3A_912] : memref<8192xi32, #tpu.memory_space<vmem>> -> memref<1024xi32, #tpu.memory_space<vmem>>
    %dma_wait3A_914 = arith.constant 0 : i32
    %dma_wait3A_915 = arith.constant 0 : i32
    %dma_wait3A_916 = tpu.memref_slice %arg2[%select_n3A_577, %dma_wait3A_914, %dma_wait3A_915] : memref<8x100096x16xf32, #tpu.memory_space<hbm>> -> memref<1x100096x16xf32, #tpu.memory_space<hbm>>
    %dma_wait3A_917 = tpu.memref_squeeze %dma_wait3A_916 : memref<1x100096x16xf32, #tpu.memory_space<hbm>> -> memref<100096x16xf32, #tpu.memory_space<hbm>>
    %dma_wait3A_918 = arith.constant 0 : i32
    %dma_wait3A_919 = arith.constant 0 : i32
    %dma_wait3A_920 = tpu.memref_slice %dma_wait3A_917[%dma_wait3A_918, %dma_wait3A_919] : memref<100096x16xf32, #tpu.memory_space<hbm>> -> memref<100096x16xf32, #tpu.memory_space<hbm>>
    tpu.wait_indirect_dma semaphore(%arg11 : memref<!tpu.dma_semaphore, #tpu.memory_space<semaphore_mem>>) src(%dma_wait3A_920 : memref<100096x16xf32, #tpu.memory_space<hbm>>) dst(%arg7 : memref<1024x16xf32, #tpu.memory_space<vmem>>)
    %mul3A_921 = arith.constant 2048 : i32
    %mul3A_922 = arith.muli %select_n3A_895, %mul3A_921 : i32
    %add3A_923 = arith.constant 1024 : i32
    %add3A_924 = arith.addi %mul3A_922, %add3A_923 : i32
    %mul3A_925 = arith.constant 16 : i32
    %mul3A_926 = arith.muli %select_n3A_911, %mul3A_925 : i32
    %dma_start3A_927 = tpu.memref_slice %arg4[%add3A_924, %mul3A_926] : memref<32768x128xf32, #tpu.memory_space<hbm>> -> memref<1024x16xf32, #tpu.memory_space<hbm>>
    %dma_start3A_928 = tpu.memref_slice %arg4[%add3A_924, %mul3A_926] : memref<32768x128xf32, #tpu.memory_space<hbm>> -> memref<1024x16xf32, #tpu.memory_space<hbm>>
    tpu.enqueue_dma source(%arg7 : memref<1024x16xf32, #tpu.memory_space<vmem>>) target(%dma_start3A_928 : memref<1024x16xf32, #tpu.memory_space<hbm>>) target_semaphore(%arg15 : memref<!tpu.dma_semaphore, #tpu.memory_space<semaphore_mem>>)
    %add3A_929 = arith.constant 3 : i32
    %add3A_930 = arith.addi %mul3A_2, %add3A_929 : i32
    %jit3A_931 = arith.constant 8 : i32
    %div3A_932 = arith.divsi %add3A_930, %jit3A_931 : i32
    %sign3A_933 = arith.constant 0 : i32
    %sign3A_934 = arith.cmpi sgt, %add3A_930, %sign3A_933 : i32
    %sign3A_935 = arith.extui %sign3A_934 : i1 to i32
    %sign3A_936 = arith.constant 0 : i32
    %sign3A_937 = arith.cmpi slt, %add3A_930, %sign3A_936 : i32
    %sign3A_938 = arith.extui %sign3A_937 : i1 to i32
    %sign3A_939 = arith.subi %sign3A_935, %sign3A_938 : i32
    %sign3A_940 = arith.constant 0 : i32
    %sign3A_941 = arith.cmpi sgt, %jit3A_931, %sign3A_940 : i32
    %sign3A_942 = arith.extui %sign3A_941 : i1 to i32
    %sign3A_943 = arith.constant 0 : i32
    %sign3A_944 = arith.cmpi slt, %jit3A_931, %sign3A_943 : i32
    %sign3A_945 = arith.extui %sign3A_944 : i1 to i32
    %sign3A_946 = arith.subi %sign3A_942, %sign3A_945 : i32
    %ne3A_947 = arith.cmpi ne, %sign3A_939, %sign3A_946 : i32
    %rem3A_948 = arith.remsi %add3A_930, %jit3A_931 : i32
    %ne3A_949 = arith.constant 0 : i32
    %ne3A_950 = arith.cmpi ne, %rem3A_948, %ne3A_949 : i32
    %and3A_951 = arith.andi %ne3A_947, %ne3A_950 : i1
    %sub3A_952 = arith.constant 1 : i32
    %sub3A_953 = arith.subi %div3A_932, %sub3A_952 : i32
    %select_n3A_954 = arith.select %and3A_951, %sub3A_953, %div3A_932 : i32
    %jit3A_955 = arith.constant 8 : i32
    %eq3A_956 = arith.constant 0 : i32
    %eq3A_957 = arith.cmpi eq, %jit3A_955, %eq3A_956 : i32
    %jit3A_958 = arith.constant 1 : i32
    %select_n3A_959 = arith.select %eq3A_957, %jit3A_958, %jit3A_955 : i32
    %rem3A_960 = arith.remsi %add3A_930, %select_n3A_959 : i32
    %ne3A_961 = arith.constant 0 : i32
    %ne3A_962 = arith.cmpi ne, %rem3A_960, %ne3A_961 : i32
    %lt3A_963 = arith.constant 0 : i32
    %lt3A_964 = arith.cmpi slt, %rem3A_960, %lt3A_963 : i32
    %lt3A_965 = arith.constant 0 : i32
    %lt3A_966 = arith.cmpi slt, %select_n3A_959, %lt3A_965 : i32
    %ne3A_967 = arith.xori %lt3A_964, %lt3A_966 : i1
    %and3A_968 = arith.andi %ne3A_967, %ne3A_962 : i1
    %add3A_969 = arith.addi %rem3A_960, %select_n3A_959 : i32
    %select_n3A_970 = arith.select %and3A_968, %add3A_969, %rem3A_960 : i32
    %dma_wait3A_971 = arith.constant 6144 : i32
    %dma_wait3A_972 = tpu.memref_slice %arg5[%dma_wait3A_971] : memref<8192xi32, #tpu.memory_space<vmem>> -> memref<1024xi32, #tpu.memory_space<vmem>>
    %dma_wait3A_973 = arith.constant 0 : i32
    %dma_wait3A_974 = arith.constant 0 : i32
    %dma_wait3A_975 = tpu.memref_slice %arg2[%select_n3A_689, %dma_wait3A_973, %dma_wait3A_974] : memref<8x100096x16xf32, #tpu.memory_space<hbm>> -> memref<1x100096x16xf32, #tpu.memory_space<hbm>>
    %dma_wait3A_976 = tpu.memref_squeeze %dma_wait3A_975 : memref<1x100096x16xf32, #tpu.memory_space<hbm>> -> memref<100096x16xf32, #tpu.memory_space<hbm>>
    %dma_wait3A_977 = arith.constant 0 : i32
    %dma_wait3A_978 = arith.constant 0 : i32
    %dma_wait3A_979 = tpu.memref_slice %dma_wait3A_976[%dma_wait3A_977, %dma_wait3A_978] : memref<100096x16xf32, #tpu.memory_space<hbm>> -> memref<100096x16xf32, #tpu.memory_space<hbm>>
    tpu.wait_indirect_dma semaphore(%arg12 : memref<!tpu.dma_semaphore, #tpu.memory_space<semaphore_mem>>) src(%dma_wait3A_979 : memref<100096x16xf32, #tpu.memory_space<hbm>>) dst(%arg8 : memref<1024x16xf32, #tpu.memory_space<vmem>>)
    %mul3A_980 = arith.constant 2048 : i32
    %mul3A_981 = arith.muli %select_n3A_954, %mul3A_980 : i32
    %add3A_982 = arith.constant 0 : i32
    %add3A_983 = arith.addi %mul3A_981, %add3A_982 : i32
    %mul3A_984 = arith.constant 16 : i32
    %mul3A_985 = arith.muli %select_n3A_970, %mul3A_984 : i32
    %dma_start3A_986 = tpu.memref_slice %arg4[%add3A_983, %mul3A_985] : memref<32768x128xf32, #tpu.memory_space<hbm>> -> memref<1024x16xf32, #tpu.memory_space<hbm>>
    %dma_start3A_987 = tpu.memref_slice %arg4[%add3A_983, %mul3A_985] : memref<32768x128xf32, #tpu.memory_space<hbm>> -> memref<1024x16xf32, #tpu.memory_space<hbm>>
    tpu.enqueue_dma source(%arg8 : memref<1024x16xf32, #tpu.memory_space<vmem>>) target(%dma_start3A_987 : memref<1024x16xf32, #tpu.memory_space<hbm>>) target_semaphore(%arg16 : memref<!tpu.dma_semaphore, #tpu.memory_space<semaphore_mem>>)
    %add3A_988 = arith.constant 3 : i32
    %add3A_989 = arith.addi %mul3A_2, %add3A_988 : i32
    %jit3A_990 = arith.constant 8 : i32
    %div3A_991 = arith.divsi %add3A_989, %jit3A_990 : i32
    %sign3A_992 = arith.constant 0 : i32
    %sign3A_993 = arith.cmpi sgt, %add3A_989, %sign3A_992 : i32
    %sign3A_994 = arith.extui %sign3A_993 : i1 to i32
    %sign3A_995 = arith.constant 0 : i32
    %sign3A_996 = arith.cmpi slt, %add3A_989, %sign3A_995 : i32
    %sign3A_997 = arith.extui %sign3A_996 : i1 to i32
    %sign3A_998 = arith.subi %sign3A_994, %sign3A_997 : i32
    %sign3A_999 = arith.constant 0 : i32
    %sign3A_1000 = arith.cmpi sgt, %jit3A_990, %sign3A_999 : i32
    %sign3A_1001 = arith.extui %sign3A_1000 : i1 to i32
    %sign3A_1002 = arith.constant 0 : i32
    %sign3A_1003 = arith.cmpi slt, %jit3A_990, %sign3A_1002 : i32
    %sign3A_1004 = arith.extui %sign3A_1003 : i1 to i32
    %sign3A_1005 = arith.subi %sign3A_1001, %sign3A_1004 : i32
    %ne3A_1006 = arith.cmpi ne, %sign3A_998, %sign3A_1005 : i32
    %rem3A_1007 = arith.remsi %add3A_989, %jit3A_990 : i32
    %ne3A_1008 = arith.constant 0 : i32
    %ne3A_1009 = arith.cmpi ne, %rem3A_1007, %ne3A_1008 : i32
    %and3A_1010 = arith.andi %ne3A_1006, %ne3A_1009 : i1
    %sub3A_1011 = arith.constant 1 : i32
    %sub3A_1012 = arith.subi %div3A_991, %sub3A_1011 : i32
    %select_n3A_1013 = arith.select %and3A_1010, %sub3A_1012, %div3A_991 : i32
    %jit3A_1014 = arith.constant 8 : i32
    %eq3A_1015 = arith.constant 0 : i32
    %eq3A_1016 = arith.cmpi eq, %jit3A_1014, %eq3A_1015 : i32
    %jit3A_1017 = arith.constant 1 : i32
    %select_n3A_1018 = arith.select %eq3A_1016, %jit3A_1017, %jit3A_1014 : i32
    %rem3A_1019 = arith.remsi %add3A_989, %select_n3A_1018 : i32
    %ne3A_1020 = arith.constant 0 : i32
    %ne3A_1021 = arith.cmpi ne, %rem3A_1019, %ne3A_1020 : i32
    %lt3A_1022 = arith.constant 0 : i32
    %lt3A_1023 = arith.cmpi slt, %rem3A_1019, %lt3A_1022 : i32
    %lt3A_1024 = arith.constant 0 : i32
    %lt3A_1025 = arith.cmpi slt, %select_n3A_1018, %lt3A_1024 : i32
    %ne3A_1026 = arith.xori %lt3A_1023, %lt3A_1025 : i1
    %and3A_1027 = arith.andi %ne3A_1026, %ne3A_1021 : i1
    %add3A_1028 = arith.addi %rem3A_1019, %select_n3A_1018 : i32
    %select_n3A_1029 = arith.select %and3A_1027, %add3A_1028, %rem3A_1019 : i32
    %dma_wait3A_1030 = arith.constant 7168 : i32
    %dma_wait3A_1031 = tpu.memref_slice %arg5[%dma_wait3A_1030] : memref<8192xi32, #tpu.memory_space<vmem>> -> memref<1024xi32, #tpu.memory_space<vmem>>
    %dma_wait3A_1032 = arith.constant 0 : i32
    %dma_wait3A_1033 = arith.constant 0 : i32
    %dma_wait3A_1034 = tpu.memref_slice %arg2[%select_n3A_801, %dma_wait3A_1032, %dma_wait3A_1033] : memref<8x100096x16xf32, #tpu.memory_space<hbm>> -> memref<1x100096x16xf32, #tpu.memory_space<hbm>>
    %dma_wait3A_1035 = tpu.memref_squeeze %dma_wait3A_1034 : memref<1x100096x16xf32, #tpu.memory_space<hbm>> -> memref<100096x16xf32, #tpu.memory_space<hbm>>
    %dma_wait3A_1036 = arith.constant 0 : i32
    %dma_wait3A_1037 = arith.constant 0 : i32
    %dma_wait3A_1038 = tpu.memref_slice %dma_wait3A_1035[%dma_wait3A_1036, %dma_wait3A_1037] : memref<100096x16xf32, #tpu.memory_space<hbm>> -> memref<100096x16xf32, #tpu.memory_space<hbm>>
    tpu.wait_indirect_dma semaphore(%arg13 : memref<!tpu.dma_semaphore, #tpu.memory_space<semaphore_mem>>) src(%dma_wait3A_1038 : memref<100096x16xf32, #tpu.memory_space<hbm>>) dst(%arg9 : memref<1024x16xf32, #tpu.memory_space<vmem>>)
    %mul3A_1039 = arith.constant 2048 : i32
    %mul3A_1040 = arith.muli %select_n3A_1013, %mul3A_1039 : i32
    %add3A_1041 = arith.constant 1024 : i32
    %add3A_1042 = arith.addi %mul3A_1040, %add3A_1041 : i32
    %mul3A_1043 = arith.constant 16 : i32
    %mul3A_1044 = arith.muli %select_n3A_1029, %mul3A_1043 : i32
    %dma_start3A_1045 = tpu.memref_slice %arg4[%add3A_1042, %mul3A_1044] : memref<32768x128xf32, #tpu.memory_space<hbm>> -> memref<1024x16xf32, #tpu.memory_space<hbm>>
    %dma_start3A_1046 = tpu.memref_slice %arg4[%add3A_1042, %mul3A_1044] : memref<32768x128xf32, #tpu.memory_space<hbm>> -> memref<1024x16xf32, #tpu.memory_space<hbm>>
    tpu.enqueue_dma source(%arg9 : memref<1024x16xf32, #tpu.memory_space<vmem>>) target(%dma_start3A_1046 : memref<1024x16xf32, #tpu.memory_space<hbm>>) target_semaphore(%arg17 : memref<!tpu.dma_semaphore, #tpu.memory_space<semaphore_mem>>)
    %dma_wait3A_1047 = tpu.memref_slice %arg4[%add3A_865, %mul3A_867] : memref<32768x128xf32, #tpu.memory_space<hbm>> -> memref<1024x16xf32, #tpu.memory_space<hbm>>
    %dma_wait3A_1048 = tpu.memref_slice %arg4[%add3A_865, %mul3A_867] : memref<32768x128xf32, #tpu.memory_space<hbm>> -> memref<1024x16xf32, #tpu.memory_space<hbm>>
    tpu.wait_dma2 semaphore(%arg14 : memref<!tpu.dma_semaphore, #tpu.memory_space<semaphore_mem>>) src(%arg6 : memref<1024x16xf32, #tpu.memory_space<vmem>>) dst(%dma_wait3A_1048 : memref<1024x16xf32, #tpu.memory_space<hbm>>)
    %dma_wait3A_1049 = tpu.memref_slice %arg4[%add3A_924, %mul3A_926] : memref<32768x128xf32, #tpu.memory_space<hbm>> -> memref<1024x16xf32, #tpu.memory_space<hbm>>
    %dma_wait3A_1050 = tpu.memref_slice %arg4[%add3A_924, %mul3A_926] : memref<32768x128xf32, #tpu.memory_space<hbm>> -> memref<1024x16xf32, #tpu.memory_space<hbm>>
    tpu.wait_dma2 semaphore(%arg15 : memref<!tpu.dma_semaphore, #tpu.memory_space<semaphore_mem>>) src(%arg7 : memref<1024x16xf32, #tpu.memory_space<vmem>>) dst(%dma_wait3A_1050 : memref<1024x16xf32, #tpu.memory_space<hbm>>)
    %dma_wait3A_1051 = tpu.memref_slice %arg4[%add3A_983, %mul3A_985] : memref<32768x128xf32, #tpu.memory_space<hbm>> -> memref<1024x16xf32, #tpu.memory_space<hbm>>
    %dma_wait3A_1052 = tpu.memref_slice %arg4[%add3A_983, %mul3A_985] : memref<32768x128xf32, #tpu.memory_space<hbm>> -> memref<1024x16xf32, #tpu.memory_space<hbm>>
    tpu.wait_dma2 semaphore(%arg16 : memref<!tpu.dma_semaphore, #tpu.memory_space<semaphore_mem>>) src(%arg8 : memref<1024x16xf32, #tpu.memory_space<vmem>>) dst(%dma_wait3A_1052 : memref<1024x16xf32, #tpu.memory_space<hbm>>)
    %dma_wait3A_1053 = tpu.memref_slice %arg4[%add3A_1042, %mul3A_1044] : memref<32768x128xf32, #tpu.memory_space<hbm>> -> memref<1024x16xf32, #tpu.memory_space<hbm>>
    %dma_wait3A_1054 = tpu.memref_slice %arg4[%add3A_1042, %mul3A_1044] : memref<32768x128xf32, #tpu.memory_space<hbm>> -> memref<1024x16xf32, #tpu.memory_space<hbm>>
    tpu.wait_dma2 semaphore(%arg17 : memref<!tpu.dma_semaphore, #tpu.memory_space<semaphore_mem>>) src(%arg9 : memref<1024x16xf32, #tpu.memory_space<vmem>>) dst(%dma_wait3A_1054 : memref<1024x16xf32, #tpu.memory_space<hbm>>)
    return
  }
}

#map = affine_map<(d0, d1) -> (0, 0, 0)>
#map1 = affine_map<(d0, d1) -> (0)>
module attributes {stable_mosaic.version = 14 : i64} {
  func.func @relayout_kernel(%arg0: i32, %arg1: i32, %arg2: memref<8x16x100000xf32, #tpu.memory_space<hbm>>, %arg3: memref<12812288xf32, #tpu.memory_space<hbm>>, %arg4: memref<16x2048xf32, #tpu.memory_space<vmem>>, %arg5: memref<16x2048xf32, #tpu.memory_space<vmem>>, %arg6: memref<32768xf32, #tpu.memory_space<vmem>>, %arg7: memref<!tpu.dma_semaphore, #tpu.memory_space<semaphore_mem>>, %arg8: memref<!tpu.dma_semaphore, #tpu.memory_space<semaphore_mem>>) attributes {dimension_semantics = [#tpu.dimension_semantics<core_parallel>, #tpu.dimension_semantics<subcore_parallel>], iteration_bounds = array<i64: 2, 16>, scalar_prefetch = 0 : i64, scratch_operands = 5 : i64, tpu.core_type = #tpu.core_type<sc_vector_subcore>, window_params = [{transform_indices = #map}, {transform_indices = #map1}]} {
    %mul3A = arith.constant 2 : i32
    %mul3A_0 = arith.muli %arg1, %mul3A : i32
    %add3A = arith.addi %mul3A_0, %arg0 : i32
    %jit3A = arith.constant 4 : i32
    %div3A = arith.divsi %add3A, %jit3A : i32
    %sign3A = arith.constant 0 : i32
    %sign3A_1 = arith.cmpi sgt, %add3A, %sign3A : i32
    %sign3A_2 = arith.extui %sign3A_1 : i1 to i32
    %sign3A_3 = arith.constant 0 : i32
    %sign3A_4 = arith.cmpi slt, %add3A, %sign3A_3 : i32
    %sign3A_5 = arith.extui %sign3A_4 : i1 to i32
    %sign3A_6 = arith.subi %sign3A_2, %sign3A_5 : i32
    %sign3A_7 = arith.constant 0 : i32
    %sign3A_8 = arith.cmpi sgt, %jit3A, %sign3A_7 : i32
    %sign3A_9 = arith.extui %sign3A_8 : i1 to i32
    %sign3A_10 = arith.constant 0 : i32
    %sign3A_11 = arith.cmpi slt, %jit3A, %sign3A_10 : i32
    %sign3A_12 = arith.extui %sign3A_11 : i1 to i32
    %sign3A_13 = arith.subi %sign3A_9, %sign3A_12 : i32
    %ne3A = arith.cmpi ne, %sign3A_6, %sign3A_13 : i32
    %rem3A = arith.remsi %add3A, %jit3A : i32
    %ne3A_14 = arith.constant 0 : i32
    %ne3A_15 = arith.cmpi ne, %rem3A, %ne3A_14 : i32
    %and3A = arith.andi %ne3A, %ne3A_15 : i1
    %sub3A = arith.constant 1 : i32
    %sub3A_16 = arith.subi %div3A, %sub3A : i32
    %select_n3A = arith.select %and3A, %sub3A_16, %div3A : i32
    %iota3A = tpu.iota {dimensions = array<i32: 0>} : vector<16xi32>
    %jit3A_17 = arith.constant 4 : i32
    %eq3A = arith.constant 0 : i32
    %eq3A_18 = arith.cmpi eq, %jit3A_17, %eq3A : i32
    %jit3A_19 = arith.constant 1 : i32
    %select_n3A_20 = arith.select %eq3A_18, %jit3A_19, %jit3A_17 : i32
    %rem3A_21 = arith.remsi %add3A, %select_n3A_20 : i32
    %ne3A_22 = arith.constant 0 : i32
    %ne3A_23 = arith.cmpi ne, %rem3A_21, %ne3A_22 : i32
    %lt3A = arith.constant 0 : i32
    %lt3A_24 = arith.cmpi slt, %rem3A_21, %lt3A : i32
    %lt3A_25 = arith.constant 0 : i32
    %lt3A_26 = arith.cmpi slt, %select_n3A_20, %lt3A_25 : i32
    %ne3A_27 = arith.xori %lt3A_24, %lt3A_26 : i1
    %and3A_28 = arith.andi %ne3A_27, %ne3A_23 : i1
    %add3A_29 = arith.addi %rem3A_21, %select_n3A_20 : i32
    %select_n3A_30 = arith.select %and3A_28, %add3A_29, %rem3A_21 : i32
    %add3A_31 = arith.constant 0 : i32
    %add3A_32 = arith.addi %select_n3A_30, %add3A_31 : i32
    %mul3A_33 = arith.constant 2048 : i32
    %mul3A_34 = arith.muli %add3A_32, %mul3A_33 : i32
    %multiple_of3A = tpu.assume_multiple %mul3A_34, 128 : i32
    %dma_start3A = arith.constant 0 : i32
    %dma_start3A_35 = tpu.memref_slice %arg2[%select_n3A, %dma_start3A, %multiple_of3A] : memref<8x16x100000xf32, #tpu.memory_space<hbm>> -> memref<1x16x2048xf32, #tpu.memory_space<hbm>>
    %dma_start3A_36 = tpu.memref_squeeze %dma_start3A_35 : memref<1x16x2048xf32, #tpu.memory_space<hbm>> -> memref<16x2048xf32, #tpu.memory_space<hbm>>
    %dma_start3A_37 = arith.constant 0 : i32
    %dma_start3A_38 = tpu.memref_slice %arg2[%select_n3A, %dma_start3A_37, %multiple_of3A] : memref<8x16x100000xf32, #tpu.memory_space<hbm>> -> memref<1x16x2048xf32, #tpu.memory_space<hbm>>
    %dma_start3A_39 = tpu.memref_squeeze %dma_start3A_38 : memref<1x16x2048xf32, #tpu.memory_space<hbm>> -> memref<16x2048xf32, #tpu.memory_space<hbm>>
    tpu.enqueue_dma source(%dma_start3A_39 : memref<16x2048xf32, #tpu.memory_space<hbm>>) target(%arg4 : memref<16x2048xf32, #tpu.memory_space<vmem>>) target_semaphore(%arg7 : memref<!tpu.dma_semaphore, #tpu.memory_space<semaphore_mem>>)
    %scan3A = arith.constant 0 : i32
    %scan3A_40 = arith.constant 6 : i32
    %scan3A_41 = arith.addi %scan3A, %scan3A_40 : i32
    %scan3A_42 = arith.constant 1 : i32
    scf.for %scan3A_63 = %scan3A to %scan3A_41 step %scan3A_42  : i32 {
      %mul3A_64 = arith.constant 2 : i32
      %mul3A_65 = arith.muli %scan3A_63, %mul3A_64 : i32
      %add3A_66 = arith.constant 0 : i32
      %add3A_67 = arith.addi %add3A_66, %mul3A_65 : i32
      %add3A_68 = arith.constant 0 : i32
      %add3A_69 = arith.addi %add3A_67, %add3A_68 : i32
      %add3A_70 = arith.constant 1 : i32
      %add3A_71 = arith.addi %add3A_69, %add3A_70 : i32
      %lt3A_72 = arith.constant 12 : i32
      %lt3A_73 = arith.cmpi slt, %add3A_71, %lt3A_72 : i32
      %convert_element_type3A_74 = arith.extui %lt3A_73 : i1 to i32
      %cond3A_75 = arith.constant 0 : i32
      %cond3A_76 = arith.cmpi ne, %convert_element_type3A_74, %cond3A_75 : i32
      scf.if %cond3A_76 {
        %add3A_514 = arith.constant 1 : i32
        %add3A_515 = arith.addi %add3A_69, %add3A_514 : i32
        %jit3A_516 = arith.constant 4 : i32
        %eq3A_517 = arith.constant 0 : i32
        %eq3A_518 = arith.cmpi eq, %jit3A_516, %eq3A_517 : i32
        %jit3A_519 = arith.constant 1 : i32
        %select_n3A_520 = arith.select %eq3A_518, %jit3A_519, %jit3A_516 : i32
        %rem3A_521 = arith.remsi %add3A, %select_n3A_520 : i32
        %ne3A_522 = arith.constant 0 : i32
        %ne3A_523 = arith.cmpi ne, %rem3A_521, %ne3A_522 : i32
        %lt3A_524 = arith.constant 0 : i32
        %lt3A_525 = arith.cmpi slt, %rem3A_521, %lt3A_524 : i32
        %lt3A_526 = arith.constant 0 : i32
        %lt3A_527 = arith.cmpi slt, %select_n3A_520, %lt3A_526 : i32
        %ne3A_528 = arith.xori %lt3A_525, %lt3A_527 : i1
        %and3A_529 = arith.andi %ne3A_528, %ne3A_523 : i1
        %add3A_530 = arith.addi %rem3A_521, %select_n3A_520 : i32
        %select_n3A_531 = arith.select %and3A_529, %add3A_530, %rem3A_521 : i32
        %mul3A_532 = arith.constant 4 : i32
        %mul3A_533 = arith.muli %add3A_515, %mul3A_532 : i32
        %add3A_534 = arith.addi %select_n3A_531, %mul3A_533 : i32
        %mul3A_535 = arith.constant 2048 : i32
        %mul3A_536 = arith.muli %add3A_534, %mul3A_535 : i32
        %multiple_of3A_537 = tpu.assume_multiple %mul3A_536, 128 : i32
        %dma_start3A_538 = arith.constant 0 : i32
        %dma_start3A_539 = tpu.memref_slice %arg2[%select_n3A, %dma_start3A_538, %multiple_of3A_537] : memref<8x16x100000xf32, #tpu.memory_space<hbm>> -> memref<1x16x2048xf32, #tpu.memory_space<hbm>>
        %dma_start3A_540 = tpu.memref_squeeze %dma_start3A_539 : memref<1x16x2048xf32, #tpu.memory_space<hbm>> -> memref<16x2048xf32, #tpu.memory_space<hbm>>
        %dma_start3A_541 = arith.constant 0 : i32
        %dma_start3A_542 = tpu.memref_slice %arg2[%select_n3A, %dma_start3A_541, %multiple_of3A_537] : memref<8x16x100000xf32, #tpu.memory_space<hbm>> -> memref<1x16x2048xf32, #tpu.memory_space<hbm>>
        %dma_start3A_543 = tpu.memref_squeeze %dma_start3A_542 : memref<1x16x2048xf32, #tpu.memory_space<hbm>> -> memref<16x2048xf32, #tpu.memory_space<hbm>>
        tpu.enqueue_dma source(%dma_start3A_543 : memref<16x2048xf32, #tpu.memory_space<hbm>>) target(%arg5 : memref<16x2048xf32, #tpu.memory_space<vmem>>) target_semaphore(%arg8 : memref<!tpu.dma_semaphore, #tpu.memory_space<semaphore_mem>>)
      } else {
      }
      %jit3A_77 = arith.constant 4 : i32
      %eq3A_78 = arith.constant 0 : i32
      %eq3A_79 = arith.cmpi eq, %jit3A_77, %eq3A_78 : i32
      %jit3A_80 = arith.constant 1 : i32
      %select_n3A_81 = arith.select %eq3A_79, %jit3A_80, %jit3A_77 : i32
      %rem3A_82 = arith.remsi %add3A, %select_n3A_81 : i32
      %ne3A_83 = arith.constant 0 : i32
      %ne3A_84 = arith.cmpi ne, %rem3A_82, %ne3A_83 : i32
      %lt3A_85 = arith.constant 0 : i32
      %lt3A_86 = arith.cmpi slt, %rem3A_82, %lt3A_85 : i32
      %lt3A_87 = arith.constant 0 : i32
      %lt3A_88 = arith.cmpi slt, %select_n3A_81, %lt3A_87 : i32
      %ne3A_89 = arith.xori %lt3A_86, %lt3A_88 : i1
      %and3A_90 = arith.andi %ne3A_89, %ne3A_84 : i1
      %add3A_91 = arith.addi %rem3A_82, %select_n3A_81 : i32
      %select_n3A_92 = arith.select %and3A_90, %add3A_91, %rem3A_82 : i32
      %mul3A_93 = arith.constant 4 : i32
      %mul3A_94 = arith.muli %add3A_69, %mul3A_93 : i32
      %add3A_95 = arith.addi %select_n3A_92, %mul3A_94 : i32
      %mul3A_96 = arith.constant 2048 : i32
      %mul3A_97 = arith.muli %add3A_95, %mul3A_96 : i32
      %multiple_of3A_98 = tpu.assume_multiple %mul3A_97, 128 : i32
      %dma_wait3A = arith.constant 0 : i32
      %dma_wait3A_99 = tpu.memref_slice %arg2[%select_n3A, %dma_wait3A, %multiple_of3A_98] : memref<8x16x100000xf32, #tpu.memory_space<hbm>> -> memref<1x16x2048xf32, #tpu.memory_space<hbm>>
      %dma_wait3A_100 = tpu.memref_squeeze %dma_wait3A_99 : memref<1x16x2048xf32, #tpu.memory_space<hbm>> -> memref<16x2048xf32, #tpu.memory_space<hbm>>
      %dma_wait3A_101 = arith.constant 0 : i32
      %dma_wait3A_102 = tpu.memref_slice %arg2[%select_n3A, %dma_wait3A_101, %multiple_of3A_98] : memref<8x16x100000xf32, #tpu.memory_space<hbm>> -> memref<1x16x2048xf32, #tpu.memory_space<hbm>>
      %dma_wait3A_103 = tpu.memref_squeeze %dma_wait3A_102 : memref<1x16x2048xf32, #tpu.memory_space<hbm>> -> memref<16x2048xf32, #tpu.memory_space<hbm>>
      tpu.wait_dma2 semaphore(%arg7 : memref<!tpu.dma_semaphore, #tpu.memory_space<semaphore_mem>>) src(%dma_wait3A_103 : memref<16x2048xf32, #tpu.memory_space<hbm>>) dst(%arg4 : memref<16x2048xf32, #tpu.memory_space<vmem>>)
      %mul3A_104 = arith.constant 16 : i32
      %mul3A_105 = vector.broadcast %mul3A_104 : i32 to vector<16xi32>
      %mul3A_106 = arith.muli %iota3A, %mul3A_105 : vector<16xi32>
      %add3A_107 = arith.constant 0 : i32
      %add3A_108 = vector.broadcast %add3A_107 : i32 to vector<16xi32>
      %add3A_109 = arith.addi %mul3A_106, %add3A_108 : vector<16xi32>
      %parallel_loop3A = arith.constant 0 : i32
      %parallel_loop3A_110 = arith.constant 128 : i32
      %parallel_loop3A_111 = arith.constant 1 : i32
      %parallel_loop3A_112 = scf.for %parallel_loop3A_514 = %parallel_loop3A to %parallel_loop3A_110 step %parallel_loop3A_111 iter_args(%parallel_loop3A_515 = %add3A_109) -> (vector<16xi32>)  : i32 {
        %parallel_loop3A_516 = arith.constant 16 : i32
        %parallel_loop3A_517 = arith.muli %parallel_loop3A_514, %parallel_loop3A_516 : i32
        %parallel_loop3A_518 = arith.constant 0 : i32
        %parallel_loop3A_519 = arith.index_cast %parallel_loop3A_518 : i32 to index
        %parallel_loop3A_520 = arith.index_cast %parallel_loop3A_517 : i32 to index
        %parallel_loop3A_521 = tpu.vector_load %arg4[%parallel_loop3A_519, %parallel_loop3A_520] {strides = array<i32>} : memref<16x2048xf32, #tpu.memory_space<vmem>>, vector<16xf32>,
        tpu.vector_store_idx %arg6[%parallel_loop3A_515], %parallel_loop3A_521 : memref<32768xf32, #tpu.memory_space<vmem>>[vector<16xi32>], vector<16xf32>,
        %parallel_loop3A_522 = arith.constant 256 : i32
        %parallel_loop3A_523 = vector.broadcast %parallel_loop3A_522 : i32 to vector<16xi32>
        %parallel_loop3A_524 = arith.addi %parallel_loop3A_515, %parallel_loop3A_523 : vector<16xi32>
        scf.yield %parallel_loop3A_524 : vector<16xi32>
      } {sc.loop_unroll_factor = 8 : i64, sc.parallel_access}
      %mul3A_113 = arith.constant 16 : i32
      %mul3A_114 = vector.broadcast %mul3A_113 : i32 to vector<16xi32>
      %mul3A_115 = arith.muli %iota3A, %mul3A_114 : vector<16xi32>
      %add3A_116 = arith.constant 1 : i32
      %add3A_117 = vector.broadcast %add3A_116 : i32 to vector<16xi32>
      %add3A_118 = arith.addi %mul3A_115, %add3A_117 : vector<16xi32>
      %parallel_loop3A_119 = arith.constant 0 : i32
      %parallel_loop3A_120 = arith.constant 128 : i32
      %parallel_loop3A_121 = arith.constant 1 : i32
      %parallel_loop3A_122 = scf.for %parallel_loop3A_514 = %parallel_loop3A_119 to %parallel_loop3A_120 step %parallel_loop3A_121 iter_args(%parallel_loop3A_515 = %add3A_118) -> (vector<16xi32>)  : i32 {
        %parallel_loop3A_516 = arith.constant 16 : i32
        %parallel_loop3A_517 = arith.muli %parallel_loop3A_514, %parallel_loop3A_516 : i32
        %parallel_loop3A_518 = arith.constant 1 : i32
        %parallel_loop3A_519 = arith.index_cast %parallel_loop3A_518 : i32 to index
        %parallel_loop3A_520 = arith.index_cast %parallel_loop3A_517 : i32 to index
        %parallel_loop3A_521 = tpu.vector_load %arg4[%parallel_loop3A_519, %parallel_loop3A_520] {strides = array<i32>} : memref<16x2048xf32, #tpu.memory_space<vmem>>, vector<16xf32>,
        tpu.vector_store_idx %arg6[%parallel_loop3A_515], %parallel_loop3A_521 : memref<32768xf32, #tpu.memory_space<vmem>>[vector<16xi32>], vector<16xf32>,
        %parallel_loop3A_522 = arith.constant 256 : i32
        %parallel_loop3A_523 = vector.broadcast %parallel_loop3A_522 : i32 to vector<16xi32>
        %parallel_loop3A_524 = arith.addi %parallel_loop3A_515, %parallel_loop3A_523 : vector<16xi32>
        scf.yield %parallel_loop3A_524 : vector<16xi32>
      } {sc.loop_unroll_factor = 8 : i64, sc.parallel_access}
      %mul3A_123 = arith.constant 16 : i32
      %mul3A_124 = vector.broadcast %mul3A_123 : i32 to vector<16xi32>
      %mul3A_125 = arith.muli %iota3A, %mul3A_124 : vector<16xi32>
      %add3A_126 = arith.constant 2 : i32
      %add3A_127 = vector.broadcast %add3A_126 : i32 to vector<16xi32>
      %add3A_128 = arith.addi %mul3A_125, %add3A_127 : vector<16xi32>
      %parallel_loop3A_129 = arith.constant 0 : i32
      %parallel_loop3A_130 = arith.constant 128 : i32
      %parallel_loop3A_131 = arith.constant 1 : i32
      %parallel_loop3A_132 = scf.for %parallel_loop3A_514 = %parallel_loop3A_129 to %parallel_loop3A_130 step %parallel_loop3A_131 iter_args(%parallel_loop3A_515 = %add3A_128) -> (vector<16xi32>)  : i32 {
        %parallel_loop3A_516 = arith.constant 16 : i32
        %parallel_loop3A_517 = arith.muli %parallel_loop3A_514, %parallel_loop3A_516 : i32
        %parallel_loop3A_518 = arith.constant 2 : i32
        %parallel_loop3A_519 = arith.index_cast %parallel_loop3A_518 : i32 to index
        %parallel_loop3A_520 = arith.index_cast %parallel_loop3A_517 : i32 to index
        %parallel_loop3A_521 = tpu.vector_load %arg4[%parallel_loop3A_519, %parallel_loop3A_520] {strides = array<i32>} : memref<16x2048xf32, #tpu.memory_space<vmem>>, vector<16xf32>,
        tpu.vector_store_idx %arg6[%parallel_loop3A_515], %parallel_loop3A_521 : memref<32768xf32, #tpu.memory_space<vmem>>[vector<16xi32>], vector<16xf32>,
        %parallel_loop3A_522 = arith.constant 256 : i32
        %parallel_loop3A_523 = vector.broadcast %parallel_loop3A_522 : i32 to vector<16xi32>
        %parallel_loop3A_524 = arith.addi %parallel_loop3A_515, %parallel_loop3A_523 : vector<16xi32>
        scf.yield %parallel_loop3A_524 : vector<16xi32>
      } {sc.loop_unroll_factor = 8 : i64, sc.parallel_access}
      %mul3A_133 = arith.constant 16 : i32
      %mul3A_134 = vector.broadcast %mul3A_133 : i32 to vector<16xi32>
      %mul3A_135 = arith.muli %iota3A, %mul3A_134 : vector<16xi32>
      %add3A_136 = arith.constant 3 : i32
      %add3A_137 = vector.broadcast %add3A_136 : i32 to vector<16xi32>
      %add3A_138 = arith.addi %mul3A_135, %add3A_137 : vector<16xi32>
      %parallel_loop3A_139 = arith.constant 0 : i32
      %parallel_loop3A_140 = arith.constant 128 : i32
      %parallel_loop3A_141 = arith.constant 1 : i32
      %parallel_loop3A_142 = scf.for %parallel_loop3A_514 = %parallel_loop3A_139 to %parallel_loop3A_140 step %parallel_loop3A_141 iter_args(%parallel_loop3A_515 = %add3A_138) -> (vector<16xi32>)  : i32 {
        %parallel_loop3A_516 = arith.constant 16 : i32
        %parallel_loop3A_517 = arith.muli %parallel_loop3A_514, %parallel_loop3A_516 : i32
        %parallel_loop3A_518 = arith.constant 3 : i32
        %parallel_loop3A_519 = arith.index_cast %parallel_loop3A_518 : i32 to index
        %parallel_loop3A_520 = arith.index_cast %parallel_loop3A_517 : i32 to index
        %parallel_loop3A_521 = tpu.vector_load %arg4[%parallel_loop3A_519, %parallel_loop3A_520] {strides = array<i32>} : memref<16x2048xf32, #tpu.memory_space<vmem>>, vector<16xf32>,
        tpu.vector_store_idx %arg6[%parallel_loop3A_515], %parallel_loop3A_521 : memref<32768xf32, #tpu.memory_space<vmem>>[vector<16xi32>], vector<16xf32>,
        %parallel_loop3A_522 = arith.constant 256 : i32
        %parallel_loop3A_523 = vector.broadcast %parallel_loop3A_522 : i32 to vector<16xi32>
        %parallel_loop3A_524 = arith.addi %parallel_loop3A_515, %parallel_loop3A_523 : vector<16xi32>
        scf.yield %parallel_loop3A_524 : vector<16xi32>
      } {sc.loop_unroll_factor = 8 : i64, sc.parallel_access}
      %mul3A_143 = arith.constant 16 : i32
      %mul3A_144 = vector.broadcast %mul3A_143 : i32 to vector<16xi32>
      %mul3A_145 = arith.muli %iota3A, %mul3A_144 : vector<16xi32>
      %add3A_146 = arith.constant 4 : i32
      %add3A_147 = vector.broadcast %add3A_146 : i32 to vector<16xi32>
      %add3A_148 = arith.addi %mul3A_145, %add3A_147 : vector<16xi32>
      %parallel_loop3A_149 = arith.constant 0 : i32
      %parallel_loop3A_150 = arith.constant 128 : i32
      %parallel_loop3A_151 = arith.constant 1 : i32
      %parallel_loop3A_152 = scf.for %parallel_loop3A_514 = %parallel_loop3A_149 to %parallel_loop3A_150 step %parallel_loop3A_151 iter_args(%parallel_loop3A_515 = %add3A_148) -> (vector<16xi32>)  : i32 {
        %parallel_loop3A_516 = arith.constant 16 : i32
        %parallel_loop3A_517 = arith.muli %parallel_loop3A_514, %parallel_loop3A_516 : i32
        %parallel_loop3A_518 = arith.constant 4 : i32
        %parallel_loop3A_519 = arith.index_cast %parallel_loop3A_518 : i32 to index
        %parallel_loop3A_520 = arith.index_cast %parallel_loop3A_517 : i32 to index
        %parallel_loop3A_521 = tpu.vector_load %arg4[%parallel_loop3A_519, %parallel_loop3A_520] {strides = array<i32>} : memref<16x2048xf32, #tpu.memory_space<vmem>>, vector<16xf32>,
        tpu.vector_store_idx %arg6[%parallel_loop3A_515], %parallel_loop3A_521 : memref<32768xf32, #tpu.memory_space<vmem>>[vector<16xi32>], vector<16xf32>,
        %parallel_loop3A_522 = arith.constant 256 : i32
        %parallel_loop3A_523 = vector.broadcast %parallel_loop3A_522 : i32 to vector<16xi32>
        %parallel_loop3A_524 = arith.addi %parallel_loop3A_515, %parallel_loop3A_523 : vector<16xi32>
        scf.yield %parallel_loop3A_524 : vector<16xi32>
      } {sc.loop_unroll_factor = 8 : i64, sc.parallel_access}
      %mul3A_153 = arith.constant 16 : i32
      %mul3A_154 = vector.broadcast %mul3A_153 : i32 to vector<16xi32>
      %mul3A_155 = arith.muli %iota3A, %mul3A_154 : vector<16xi32>
      %add3A_156 = arith.constant 5 : i32
      %add3A_157 = vector.broadcast %add3A_156 : i32 to vector<16xi32>
      %add3A_158 = arith.addi %mul3A_155, %add3A_157 : vector<16xi32>
      %parallel_loop3A_159 = arith.constant 0 : i32
      %parallel_loop3A_160 = arith.constant 128 : i32
      %parallel_loop3A_161 = arith.constant 1 : i32
      %parallel_loop3A_162 = scf.for %parallel_loop3A_514 = %parallel_loop3A_159 to %parallel_loop3A_160 step %parallel_loop3A_161 iter_args(%parallel_loop3A_515 = %add3A_158) -> (vector<16xi32>)  : i32 {
        %parallel_loop3A_516 = arith.constant 16 : i32
        %parallel_loop3A_517 = arith.muli %parallel_loop3A_514, %parallel_loop3A_516 : i32
        %parallel_loop3A_518 = arith.constant 5 : i32
        %parallel_loop3A_519 = arith.index_cast %parallel_loop3A_518 : i32 to index
        %parallel_loop3A_520 = arith.index_cast %parallel_loop3A_517 : i32 to index
        %parallel_loop3A_521 = tpu.vector_load %arg4[%parallel_loop3A_519, %parallel_loop3A_520] {strides = array<i32>} : memref<16x2048xf32, #tpu.memory_space<vmem>>, vector<16xf32>,
        tpu.vector_store_idx %arg6[%parallel_loop3A_515], %parallel_loop3A_521 : memref<32768xf32, #tpu.memory_space<vmem>>[vector<16xi32>], vector<16xf32>,
        %parallel_loop3A_522 = arith.constant 256 : i32
        %parallel_loop3A_523 = vector.broadcast %parallel_loop3A_522 : i32 to vector<16xi32>
        %parallel_loop3A_524 = arith.addi %parallel_loop3A_515, %parallel_loop3A_523 : vector<16xi32>
        scf.yield %parallel_loop3A_524 : vector<16xi32>
      } {sc.loop_unroll_factor = 8 : i64, sc.parallel_access}
      %mul3A_163 = arith.constant 16 : i32
      %mul3A_164 = vector.broadcast %mul3A_163 : i32 to vector<16xi32>
      %mul3A_165 = arith.muli %iota3A, %mul3A_164 : vector<16xi32>
      %add3A_166 = arith.constant 6 : i32
      %add3A_167 = vector.broadcast %add3A_166 : i32 to vector<16xi32>
      %add3A_168 = arith.addi %mul3A_165, %add3A_167 : vector<16xi32>
      %parallel_loop3A_169 = arith.constant 0 : i32
      %parallel_loop3A_170 = arith.constant 128 : i32
      %parallel_loop3A_171 = arith.constant 1 : i32
      %parallel_loop3A_172 = scf.for %parallel_loop3A_514 = %parallel_loop3A_169 to %parallel_loop3A_170 step %parallel_loop3A_171 iter_args(%parallel_loop3A_515 = %add3A_168) -> (vector<16xi32>)  : i32 {
        %parallel_loop3A_516 = arith.constant 16 : i32
        %parallel_loop3A_517 = arith.muli %parallel_loop3A_514, %parallel_loop3A_516 : i32
        %parallel_loop3A_518 = arith.constant 6 : i32
        %parallel_loop3A_519 = arith.index_cast %parallel_loop3A_518 : i32 to index
        %parallel_loop3A_520 = arith.index_cast %parallel_loop3A_517 : i32 to index
        %parallel_loop3A_521 = tpu.vector_load %arg4[%parallel_loop3A_519, %parallel_loop3A_520] {strides = array<i32>} : memref<16x2048xf32, #tpu.memory_space<vmem>>, vector<16xf32>,
        tpu.vector_store_idx %arg6[%parallel_loop3A_515], %parallel_loop3A_521 : memref<32768xf32, #tpu.memory_space<vmem>>[vector<16xi32>], vector<16xf32>,
        %parallel_loop3A_522 = arith.constant 256 : i32
        %parallel_loop3A_523 = vector.broadcast %parallel_loop3A_522 : i32 to vector<16xi32>
        %parallel_loop3A_524 = arith.addi %parallel_loop3A_515, %parallel_loop3A_523 : vector<16xi32>
        scf.yield %parallel_loop3A_524 : vector<16xi32>
      } {sc.loop_unroll_factor = 8 : i64, sc.parallel_access}
      %mul3A_173 = arith.constant 16 : i32
      %mul3A_174 = vector.broadcast %mul3A_173 : i32 to vector<16xi32>
      %mul3A_175 = arith.muli %iota3A, %mul3A_174 : vector<16xi32>
      %add3A_176 = arith.constant 7 : i32
      %add3A_177 = vector.broadcast %add3A_176 : i32 to vector<16xi32>
      %add3A_178 = arith.addi %mul3A_175, %add3A_177 : vector<16xi32>
      %parallel_loop3A_179 = arith.constant 0 : i32
      %parallel_loop3A_180 = arith.constant 128 : i32
      %parallel_loop3A_181 = arith.constant 1 : i32
      %parallel_loop3A_182 = scf.for %parallel_loop3A_514 = %parallel_loop3A_179 to %parallel_loop3A_180 step %parallel_loop3A_181 iter_args(%parallel_loop3A_515 = %add3A_178) -> (vector<16xi32>)  : i32 {
        %parallel_loop3A_516 = arith.constant 16 : i32
        %parallel_loop3A_517 = arith.muli %parallel_loop3A_514, %parallel_loop3A_516 : i32
        %parallel_loop3A_518 = arith.constant 7 : i32
        %parallel_loop3A_519 = arith.index_cast %parallel_loop3A_518 : i32 to index
        %parallel_loop3A_520 = arith.index_cast %parallel_loop3A_517 : i32 to index
        %parallel_loop3A_521 = tpu.vector_load %arg4[%parallel_loop3A_519, %parallel_loop3A_520] {strides = array<i32>} : memref<16x2048xf32, #tpu.memory_space<vmem>>, vector<16xf32>,
        tpu.vector_store_idx %arg6[%parallel_loop3A_515], %parallel_loop3A_521 : memref<32768xf32, #tpu.memory_space<vmem>>[vector<16xi32>], vector<16xf32>,
        %parallel_loop3A_522 = arith.constant 256 : i32
        %parallel_loop3A_523 = vector.broadcast %parallel_loop3A_522 : i32 to vector<16xi32>
        %parallel_loop3A_524 = arith.addi %parallel_loop3A_515, %parallel_loop3A_523 : vector<16xi32>
        scf.yield %parallel_loop3A_524 : vector<16xi32>
      } {sc.loop_unroll_factor = 8 : i64, sc.parallel_access}
      %mul3A_183 = arith.constant 16 : i32
      %mul3A_184 = vector.broadcast %mul3A_183 : i32 to vector<16xi32>
      %mul3A_185 = arith.muli %iota3A, %mul3A_184 : vector<16xi32>
      %add3A_186 = arith.constant 8 : i32
      %add3A_187 = vector.broadcast %add3A_186 : i32 to vector<16xi32>
      %add3A_188 = arith.addi %mul3A_185, %add3A_187 : vector<16xi32>
      %parallel_loop3A_189 = arith.constant 0 : i32
      %parallel_loop3A_190 = arith.constant 128 : i32
      %parallel_loop3A_191 = arith.constant 1 : i32
      %parallel_loop3A_192 = scf.for %parallel_loop3A_514 = %parallel_loop3A_189 to %parallel_loop3A_190 step %parallel_loop3A_191 iter_args(%parallel_loop3A_515 = %add3A_188) -> (vector<16xi32>)  : i32 {
        %parallel_loop3A_516 = arith.constant 16 : i32
        %parallel_loop3A_517 = arith.muli %parallel_loop3A_514, %parallel_loop3A_516 : i32
        %parallel_loop3A_518 = arith.constant 8 : i32
        %parallel_loop3A_519 = arith.index_cast %parallel_loop3A_518 : i32 to index
        %parallel_loop3A_520 = arith.index_cast %parallel_loop3A_517 : i32 to index
        %parallel_loop3A_521 = tpu.vector_load %arg4[%parallel_loop3A_519, %parallel_loop3A_520] {strides = array<i32>} : memref<16x2048xf32, #tpu.memory_space<vmem>>, vector<16xf32>,
        tpu.vector_store_idx %arg6[%parallel_loop3A_515], %parallel_loop3A_521 : memref<32768xf32, #tpu.memory_space<vmem>>[vector<16xi32>], vector<16xf32>,
        %parallel_loop3A_522 = arith.constant 256 : i32
        %parallel_loop3A_523 = vector.broadcast %parallel_loop3A_522 : i32 to vector<16xi32>
        %parallel_loop3A_524 = arith.addi %parallel_loop3A_515, %parallel_loop3A_523 : vector<16xi32>
        scf.yield %parallel_loop3A_524 : vector<16xi32>
      } {sc.loop_unroll_factor = 8 : i64, sc.parallel_access}
      %mul3A_193 = arith.constant 16 : i32
      %mul3A_194 = vector.broadcast %mul3A_193 : i32 to vector<16xi32>
      %mul3A_195 = arith.muli %iota3A, %mul3A_194 : vector<16xi32>
      %add3A_196 = arith.constant 9 : i32
      %add3A_197 = vector.broadcast %add3A_196 : i32 to vector<16xi32>
      %add3A_198 = arith.addi %mul3A_195, %add3A_197 : vector<16xi32>
      %parallel_loop3A_199 = arith.constant 0 : i32
      %parallel_loop3A_200 = arith.constant 128 : i32
      %parallel_loop3A_201 = arith.constant 1 : i32
      %parallel_loop3A_202 = scf.for %parallel_loop3A_514 = %parallel_loop3A_199 to %parallel_loop3A_200 step %parallel_loop3A_201 iter_args(%parallel_loop3A_515 = %add3A_198) -> (vector<16xi32>)  : i32 {
        %parallel_loop3A_516 = arith.constant 16 : i32
        %parallel_loop3A_517 = arith.muli %parallel_loop3A_514, %parallel_loop3A_516 : i32
        %parallel_loop3A_518 = arith.constant 9 : i32
        %parallel_loop3A_519 = arith.index_cast %parallel_loop3A_518 : i32 to index
        %parallel_loop3A_520 = arith.index_cast %parallel_loop3A_517 : i32 to index
        %parallel_loop3A_521 = tpu.vector_load %arg4[%parallel_loop3A_519, %parallel_loop3A_520] {strides = array<i32>} : memref<16x2048xf32, #tpu.memory_space<vmem>>, vector<16xf32>,
        tpu.vector_store_idx %arg6[%parallel_loop3A_515], %parallel_loop3A_521 : memref<32768xf32, #tpu.memory_space<vmem>>[vector<16xi32>], vector<16xf32>,
        %parallel_loop3A_522 = arith.constant 256 : i32
        %parallel_loop3A_523 = vector.broadcast %parallel_loop3A_522 : i32 to vector<16xi32>
        %parallel_loop3A_524 = arith.addi %parallel_loop3A_515, %parallel_loop3A_523 : vector<16xi32>
        scf.yield %parallel_loop3A_524 : vector<16xi32>
      } {sc.loop_unroll_factor = 8 : i64, sc.parallel_access}
      %mul3A_203 = arith.constant 16 : i32
      %mul3A_204 = vector.broadcast %mul3A_203 : i32 to vector<16xi32>
      %mul3A_205 = arith.muli %iota3A, %mul3A_204 : vector<16xi32>
      %add3A_206 = arith.constant 10 : i32
      %add3A_207 = vector.broadcast %add3A_206 : i32 to vector<16xi32>
      %add3A_208 = arith.addi %mul3A_205, %add3A_207 : vector<16xi32>
      %parallel_loop3A_209 = arith.constant 0 : i32
      %parallel_loop3A_210 = arith.constant 128 : i32
      %parallel_loop3A_211 = arith.constant 1 : i32
      %parallel_loop3A_212 = scf.for %parallel_loop3A_514 = %parallel_loop3A_209 to %parallel_loop3A_210 step %parallel_loop3A_211 iter_args(%parallel_loop3A_515 = %add3A_208) -> (vector<16xi32>)  : i32 {
        %parallel_loop3A_516 = arith.constant 16 : i32
        %parallel_loop3A_517 = arith.muli %parallel_loop3A_514, %parallel_loop3A_516 : i32
        %parallel_loop3A_518 = arith.constant 10 : i32
        %parallel_loop3A_519 = arith.index_cast %parallel_loop3A_518 : i32 to index
        %parallel_loop3A_520 = arith.index_cast %parallel_loop3A_517 : i32 to index
        %parallel_loop3A_521 = tpu.vector_load %arg4[%parallel_loop3A_519, %parallel_loop3A_520] {strides = array<i32>} : memref<16x2048xf32, #tpu.memory_space<vmem>>, vector<16xf32>,
        tpu.vector_store_idx %arg6[%parallel_loop3A_515], %parallel_loop3A_521 : memref<32768xf32, #tpu.memory_space<vmem>>[vector<16xi32>], vector<16xf32>,
        %parallel_loop3A_522 = arith.constant 256 : i32
        %parallel_loop3A_523 = vector.broadcast %parallel_loop3A_522 : i32 to vector<16xi32>
        %parallel_loop3A_524 = arith.addi %parallel_loop3A_515, %parallel_loop3A_523 : vector<16xi32>
        scf.yield %parallel_loop3A_524 : vector<16xi32>
      } {sc.loop_unroll_factor = 8 : i64, sc.parallel_access}
      %mul3A_213 = arith.constant 16 : i32
      %mul3A_214 = vector.broadcast %mul3A_213 : i32 to vector<16xi32>
      %mul3A_215 = arith.muli %iota3A, %mul3A_214 : vector<16xi32>
      %add3A_216 = arith.constant 11 : i32
      %add3A_217 = vector.broadcast %add3A_216 : i32 to vector<16xi32>
      %add3A_218 = arith.addi %mul3A_215, %add3A_217 : vector<16xi32>
      %parallel_loop3A_219 = arith.constant 0 : i32
      %parallel_loop3A_220 = arith.constant 128 : i32
      %parallel_loop3A_221 = arith.constant 1 : i32
      %parallel_loop3A_222 = scf.for %parallel_loop3A_514 = %parallel_loop3A_219 to %parallel_loop3A_220 step %parallel_loop3A_221 iter_args(%parallel_loop3A_515 = %add3A_218) -> (vector<16xi32>)  : i32 {
        %parallel_loop3A_516 = arith.constant 16 : i32
        %parallel_loop3A_517 = arith.muli %parallel_loop3A_514, %parallel_loop3A_516 : i32
        %parallel_loop3A_518 = arith.constant 11 : i32
        %parallel_loop3A_519 = arith.index_cast %parallel_loop3A_518 : i32 to index
        %parallel_loop3A_520 = arith.index_cast %parallel_loop3A_517 : i32 to index
        %parallel_loop3A_521 = tpu.vector_load %arg4[%parallel_loop3A_519, %parallel_loop3A_520] {strides = array<i32>} : memref<16x2048xf32, #tpu.memory_space<vmem>>, vector<16xf32>,
        tpu.vector_store_idx %arg6[%parallel_loop3A_515], %parallel_loop3A_521 : memref<32768xf32, #tpu.memory_space<vmem>>[vector<16xi32>], vector<16xf32>,
        %parallel_loop3A_522 = arith.constant 256 : i32
        %parallel_loop3A_523 = vector.broadcast %parallel_loop3A_522 : i32 to vector<16xi32>
        %parallel_loop3A_524 = arith.addi %parallel_loop3A_515, %parallel_loop3A_523 : vector<16xi32>
        scf.yield %parallel_loop3A_524 : vector<16xi32>
      } {sc.loop_unroll_factor = 8 : i64, sc.parallel_access}
      %mul3A_223 = arith.constant 16 : i32
      %mul3A_224 = vector.broadcast %mul3A_223 : i32 to vector<16xi32>
      %mul3A_225 = arith.muli %iota3A, %mul3A_224 : vector<16xi32>
      %add3A_226 = arith.constant 12 : i32
      %add3A_227 = vector.broadcast %add3A_226 : i32 to vector<16xi32>
      %add3A_228 = arith.addi %mul3A_225, %add3A_227 : vector<16xi32>
      %parallel_loop3A_229 = arith.constant 0 : i32
      %parallel_loop3A_230 = arith.constant 128 : i32
      %parallel_loop3A_231 = arith.constant 1 : i32
      %parallel_loop3A_232 = scf.for %parallel_loop3A_514 = %parallel_loop3A_229 to %parallel_loop3A_230 step %parallel_loop3A_231 iter_args(%parallel_loop3A_515 = %add3A_228) -> (vector<16xi32>)  : i32 {
        %parallel_loop3A_516 = arith.constant 16 : i32
        %parallel_loop3A_517 = arith.muli %parallel_loop3A_514, %parallel_loop3A_516 : i32
        %parallel_loop3A_518 = arith.constant 12 : i32
        %parallel_loop3A_519 = arith.index_cast %parallel_loop3A_518 : i32 to index
        %parallel_loop3A_520 = arith.index_cast %parallel_loop3A_517 : i32 to index
        %parallel_loop3A_521 = tpu.vector_load %arg4[%parallel_loop3A_519, %parallel_loop3A_520] {strides = array<i32>} : memref<16x2048xf32, #tpu.memory_space<vmem>>, vector<16xf32>,
        tpu.vector_store_idx %arg6[%parallel_loop3A_515], %parallel_loop3A_521 : memref<32768xf32, #tpu.memory_space<vmem>>[vector<16xi32>], vector<16xf32>,
        %parallel_loop3A_522 = arith.constant 256 : i32
        %parallel_loop3A_523 = vector.broadcast %parallel_loop3A_522 : i32 to vector<16xi32>
        %parallel_loop3A_524 = arith.addi %parallel_loop3A_515, %parallel_loop3A_523 : vector<16xi32>
        scf.yield %parallel_loop3A_524 : vector<16xi32>
      } {sc.loop_unroll_factor = 8 : i64, sc.parallel_access}
      %mul3A_233 = arith.constant 16 : i32
      %mul3A_234 = vector.broadcast %mul3A_233 : i32 to vector<16xi32>
      %mul3A_235 = arith.muli %iota3A, %mul3A_234 : vector<16xi32>
      %add3A_236 = arith.constant 13 : i32
      %add3A_237 = vector.broadcast %add3A_236 : i32 to vector<16xi32>
      %add3A_238 = arith.addi %mul3A_235, %add3A_237 : vector<16xi32>
      %parallel_loop3A_239 = arith.constant 0 : i32
      %parallel_loop3A_240 = arith.constant 128 : i32
      %parallel_loop3A_241 = arith.constant 1 : i32
      %parallel_loop3A_242 = scf.for %parallel_loop3A_514 = %parallel_loop3A_239 to %parallel_loop3A_240 step %parallel_loop3A_241 iter_args(%parallel_loop3A_515 = %add3A_238) -> (vector<16xi32>)  : i32 {
        %parallel_loop3A_516 = arith.constant 16 : i32
        %parallel_loop3A_517 = arith.muli %parallel_loop3A_514, %parallel_loop3A_516 : i32
        %parallel_loop3A_518 = arith.constant 13 : i32
        %parallel_loop3A_519 = arith.index_cast %parallel_loop3A_518 : i32 to index
        %parallel_loop3A_520 = arith.index_cast %parallel_loop3A_517 : i32 to index
        %parallel_loop3A_521 = tpu.vector_load %arg4[%parallel_loop3A_519, %parallel_loop3A_520] {strides = array<i32>} : memref<16x2048xf32, #tpu.memory_space<vmem>>, vector<16xf32>,
        tpu.vector_store_idx %arg6[%parallel_loop3A_515], %parallel_loop3A_521 : memref<32768xf32, #tpu.memory_space<vmem>>[vector<16xi32>], vector<16xf32>,
        %parallel_loop3A_522 = arith.constant 256 : i32
        %parallel_loop3A_523 = vector.broadcast %parallel_loop3A_522 : i32 to vector<16xi32>
        %parallel_loop3A_524 = arith.addi %parallel_loop3A_515, %parallel_loop3A_523 : vector<16xi32>
        scf.yield %parallel_loop3A_524 : vector<16xi32>
      } {sc.loop_unroll_factor = 8 : i64, sc.parallel_access}
      %mul3A_243 = arith.constant 16 : i32
      %mul3A_244 = vector.broadcast %mul3A_243 : i32 to vector<16xi32>
      %mul3A_245 = arith.muli %iota3A, %mul3A_244 : vector<16xi32>
      %add3A_246 = arith.constant 14 : i32
      %add3A_247 = vector.broadcast %add3A_246 : i32 to vector<16xi32>
      %add3A_248 = arith.addi %mul3A_245, %add3A_247 : vector<16xi32>
      %parallel_loop3A_249 = arith.constant 0 : i32
      %parallel_loop3A_250 = arith.constant 128 : i32
      %parallel_loop3A_251 = arith.constant 1 : i32
      %parallel_loop3A_252 = scf.for %parallel_loop3A_514 = %parallel_loop3A_249 to %parallel_loop3A_250 step %parallel_loop3A_251 iter_args(%parallel_loop3A_515 = %add3A_248) -> (vector<16xi32>)  : i32 {
        %parallel_loop3A_516 = arith.constant 16 : i32
        %parallel_loop3A_517 = arith.muli %parallel_loop3A_514, %parallel_loop3A_516 : i32
        %parallel_loop3A_518 = arith.constant 14 : i32
        %parallel_loop3A_519 = arith.index_cast %parallel_loop3A_518 : i32 to index
        %parallel_loop3A_520 = arith.index_cast %parallel_loop3A_517 : i32 to index
        %parallel_loop3A_521 = tpu.vector_load %arg4[%parallel_loop3A_519, %parallel_loop3A_520] {strides = array<i32>} : memref<16x2048xf32, #tpu.memory_space<vmem>>, vector<16xf32>,
        tpu.vector_store_idx %arg6[%parallel_loop3A_515], %parallel_loop3A_521 : memref<32768xf32, #tpu.memory_space<vmem>>[vector<16xi32>], vector<16xf32>,
        %parallel_loop3A_522 = arith.constant 256 : i32
        %parallel_loop3A_523 = vector.broadcast %parallel_loop3A_522 : i32 to vector<16xi32>
        %parallel_loop3A_524 = arith.addi %parallel_loop3A_515, %parallel_loop3A_523 : vector<16xi32>
        scf.yield %parallel_loop3A_524 : vector<16xi32>
      } {sc.loop_unroll_factor = 8 : i64, sc.parallel_access}
      %mul3A_253 = arith.constant 16 : i32
      %mul3A_254 = vector.broadcast %mul3A_253 : i32 to vector<16xi32>
      %mul3A_255 = arith.muli %iota3A, %mul3A_254 : vector<16xi32>
      %add3A_256 = arith.constant 15 : i32
      %add3A_257 = vector.broadcast %add3A_256 : i32 to vector<16xi32>
      %add3A_258 = arith.addi %mul3A_255, %add3A_257 : vector<16xi32>
      %parallel_loop3A_259 = arith.constant 0 : i32
      %parallel_loop3A_260 = arith.constant 128 : i32
      %parallel_loop3A_261 = arith.constant 1 : i32
      %parallel_loop3A_262 = scf.for %parallel_loop3A_514 = %parallel_loop3A_259 to %parallel_loop3A_260 step %parallel_loop3A_261 iter_args(%parallel_loop3A_515 = %add3A_258) -> (vector<16xi32>)  : i32 {
        %parallel_loop3A_516 = arith.constant 16 : i32
        %parallel_loop3A_517 = arith.muli %parallel_loop3A_514, %parallel_loop3A_516 : i32
        %parallel_loop3A_518 = arith.constant 15 : i32
        %parallel_loop3A_519 = arith.index_cast %parallel_loop3A_518 : i32 to index
        %parallel_loop3A_520 = arith.index_cast %parallel_loop3A_517 : i32 to index
        %parallel_loop3A_521 = tpu.vector_load %arg4[%parallel_loop3A_519, %parallel_loop3A_520] {strides = array<i32>} : memref<16x2048xf32, #tpu.memory_space<vmem>>, vector<16xf32>,
        tpu.vector_store_idx %arg6[%parallel_loop3A_515], %parallel_loop3A_521 : memref<32768xf32, #tpu.memory_space<vmem>>[vector<16xi32>], vector<16xf32>,
        %parallel_loop3A_522 = arith.constant 256 : i32
        %parallel_loop3A_523 = vector.broadcast %parallel_loop3A_522 : i32 to vector<16xi32>
        %parallel_loop3A_524 = arith.addi %parallel_loop3A_515, %parallel_loop3A_523 : vector<16xi32>
        scf.yield %parallel_loop3A_524 : vector<16xi32>
      } {sc.loop_unroll_factor = 8 : i64, sc.parallel_access}
      %jit3A_263 = arith.constant 4 : i32
      %eq3A_264 = arith.constant 0 : i32
      %eq3A_265 = arith.cmpi eq, %jit3A_263, %eq3A_264 : i32
      %jit3A_266 = arith.constant 1 : i32
      %select_n3A_267 = arith.select %eq3A_265, %jit3A_266, %jit3A_263 : i32
      %rem3A_268 = arith.remsi %add3A, %select_n3A_267 : i32
      %ne3A_269 = arith.constant 0 : i32
      %ne3A_270 = arith.cmpi ne, %rem3A_268, %ne3A_269 : i32
      %lt3A_271 = arith.constant 0 : i32
      %lt3A_272 = arith.cmpi slt, %rem3A_268, %lt3A_271 : i32
      %lt3A_273 = arith.constant 0 : i32
      %lt3A_274 = arith.cmpi slt, %select_n3A_267, %lt3A_273 : i32
      %ne3A_275 = arith.xori %lt3A_272, %lt3A_274 : i1
      %and3A_276 = arith.andi %ne3A_275, %ne3A_270 : i1
      %add3A_277 = arith.addi %rem3A_268, %select_n3A_267 : i32
      %select_n3A_278 = arith.select %and3A_276, %add3A_277, %rem3A_268 : i32
      %mul3A_279 = arith.constant 4 : i32
      %mul3A_280 = arith.muli %add3A_69, %mul3A_279 : i32
      %add3A_281 = arith.addi %select_n3A_278, %mul3A_280 : i32
      %mul3A_282 = arith.constant 2048 : i32
      %mul3A_283 = arith.muli %add3A_281, %mul3A_282 : i32
      %mul3A_284 = arith.constant 100096 : i32
      %mul3A_285 = arith.muli %select_n3A, %mul3A_284 : i32
      %add3A_286 = arith.addi %mul3A_285, %mul3A_283 : i32
      %mul3A_287 = arith.constant 16 : i32
      %mul3A_288 = arith.muli %add3A_286, %mul3A_287 : i32
      %multiple_of3A_289 = tpu.assume_multiple %mul3A_288, 1024 : i32
      "tpu.region"() ({
        %run_scoped3A = tpu.sem_alloc : memref<!tpu.dma_semaphore, #tpu.memory_space<semaphore_mem>>
        %dma_start3A_514 = arith.constant 0 : i32
        %dma_start3A_515 = tpu.memref_slice %arg6[%dma_start3A_514] : memref<32768xf32, #tpu.memory_space<vmem>> -> memref<32768xf32, #tpu.memory_space<vmem>>
        %dma_start3A_516 = tpu.memref_slice %arg3[%multiple_of3A_289] : memref<12812288xf32, #tpu.memory_space<hbm>> -> memref<32768xf32, #tpu.memory_space<hbm>>
        %dma_start3A_517 = tpu.memref_slice %arg3[%multiple_of3A_289] : memref<12812288xf32, #tpu.memory_space<hbm>> -> memref<32768xf32, #tpu.memory_space<hbm>>
        %dma_start3A_518 = arith.constant 0 : i32
        %dma_start3A_519 = tpu.memref_slice %arg6[%dma_start3A_518] : memref<32768xf32, #tpu.memory_space<vmem>> -> memref<32768xf32, #tpu.memory_space<vmem>>
        tpu.enqueue_dma source(%dma_start3A_519 : memref<32768xf32, #tpu.memory_space<vmem>>) target(%dma_start3A_517 : memref<32768xf32, #tpu.memory_space<hbm>>) target_semaphore(%run_scoped3A : memref<!tpu.dma_semaphore, #tpu.memory_space<semaphore_mem>>)
        %dma_wait3A_520 = arith.constant 0 : i32
        %dma_wait3A_521 = tpu.memref_slice %arg6[%dma_wait3A_520] : memref<32768xf32, #tpu.memory_space<vmem>> -> memref<32768xf32, #tpu.memory_space<vmem>>
        %dma_wait3A_522 = tpu.memref_slice %arg3[%multiple_of3A_289] : memref<12812288xf32, #tpu.memory_space<hbm>> -> memref<32768xf32, #tpu.memory_space<hbm>>
        %dma_wait3A_523 = tpu.memref_slice %arg3[%multiple_of3A_289] : memref<12812288xf32, #tpu.memory_space<hbm>> -> memref<32768xf32, #tpu.memory_space<hbm>>
        %dma_wait3A_524 = arith.constant 0 : i32
        %dma_wait3A_525 = tpu.memref_slice %arg6[%dma_wait3A_524] : memref<32768xf32, #tpu.memory_space<vmem>> -> memref<32768xf32, #tpu.memory_space<vmem>>
        tpu.wait_dma2 semaphore(%run_scoped3A : memref<!tpu.dma_semaphore, #tpu.memory_space<semaphore_mem>>) src(%dma_wait3A_525 : memref<32768xf32, #tpu.memory_space<vmem>>) dst(%dma_wait3A_523 : memref<32768xf32, #tpu.memory_space<hbm>>)
        tpu.yield
      }) : () -> ()
      %add3A_290 = arith.constant 1 : i32
      %add3A_291 = arith.addi %add3A_67, %add3A_290 : i32
      %add3A_292 = arith.constant 1 : i32
      %add3A_293 = arith.addi %add3A_291, %add3A_292 : i32
      %lt3A_294 = arith.constant 12 : i32
      %lt3A_295 = arith.cmpi slt, %add3A_293, %lt3A_294 : i32
      %convert_element_type3A_296 = arith.extui %lt3A_295 : i1 to i32
      %cond3A_297 = arith.constant 0 : i32
      %cond3A_298 = arith.cmpi ne, %convert_element_type3A_296, %cond3A_297 : i32
      scf.if %cond3A_298 {
        %add3A_514 = arith.constant 1 : i32
        %add3A_515 = arith.addi %add3A_291, %add3A_514 : i32
        %jit3A_516 = arith.constant 4 : i32
        %eq3A_517 = arith.constant 0 : i32
        %eq3A_518 = arith.cmpi eq, %jit3A_516, %eq3A_517 : i32
        %jit3A_519 = arith.constant 1 : i32
        %select_n3A_520 = arith.select %eq3A_518, %jit3A_519, %jit3A_516 : i32
        %rem3A_521 = arith.remsi %add3A, %select_n3A_520 : i32
        %ne3A_522 = arith.constant 0 : i32
        %ne3A_523 = arith.cmpi ne, %rem3A_521, %ne3A_522 : i32
        %lt3A_524 = arith.constant 0 : i32
        %lt3A_525 = arith.cmpi slt, %rem3A_521, %lt3A_524 : i32
        %lt3A_526 = arith.constant 0 : i32
        %lt3A_527 = arith.cmpi slt, %select_n3A_520, %lt3A_526 : i32
        %ne3A_528 = arith.xori %lt3A_525, %lt3A_527 : i1
        %and3A_529 = arith.andi %ne3A_528, %ne3A_523 : i1
        %add3A_530 = arith.addi %rem3A_521, %select_n3A_520 : i32
        %select_n3A_531 = arith.select %and3A_529, %add3A_530, %rem3A_521 : i32
        %mul3A_532 = arith.constant 4 : i32
        %mul3A_533 = arith.muli %add3A_515, %mul3A_532 : i32
        %add3A_534 = arith.addi %select_n3A_531, %mul3A_533 : i32
        %mul3A_535 = arith.constant 2048 : i32
        %mul3A_536 = arith.muli %add3A_534, %mul3A_535 : i32
        %multiple_of3A_537 = tpu.assume_multiple %mul3A_536, 128 : i32
        %dma_start3A_538 = arith.constant 0 : i32
        %dma_start3A_539 = tpu.memref_slice %arg2[%select_n3A, %dma_start3A_538, %multiple_of3A_537] : memref<8x16x100000xf32, #tpu.memory_space<hbm>> -> memref<1x16x2048xf32, #tpu.memory_space<hbm>>
        %dma_start3A_540 = tpu.memref_squeeze %dma_start3A_539 : memref<1x16x2048xf32, #tpu.memory_space<hbm>> -> memref<16x2048xf32, #tpu.memory_space<hbm>>
        %dma_start3A_541 = arith.constant 0 : i32
        %dma_start3A_542 = tpu.memref_slice %arg2[%select_n3A, %dma_start3A_541, %multiple_of3A_537] : memref<8x16x100000xf32, #tpu.memory_space<hbm>> -> memref<1x16x2048xf32, #tpu.memory_space<hbm>>
        %dma_start3A_543 = tpu.memref_squeeze %dma_start3A_542 : memref<1x16x2048xf32, #tpu.memory_space<hbm>> -> memref<16x2048xf32, #tpu.memory_space<hbm>>
        tpu.enqueue_dma source(%dma_start3A_543 : memref<16x2048xf32, #tpu.memory_space<hbm>>) target(%arg4 : memref<16x2048xf32, #tpu.memory_space<vmem>>) target_semaphore(%arg7 : memref<!tpu.dma_semaphore, #tpu.memory_space<semaphore_mem>>)
      } else {
      }
      %jit3A_299 = arith.constant 4 : i32
      %eq3A_300 = arith.constant 0 : i32
      %eq3A_301 = arith.cmpi eq, %jit3A_299, %eq3A_300 : i32
      %jit3A_302 = arith.constant 1 : i32
      %select_n3A_303 = arith.select %eq3A_301, %jit3A_302, %jit3A_299 : i32
      %rem3A_304 = arith.remsi %add3A, %select_n3A_303 : i32
      %ne3A_305 = arith.constant 0 : i32
      %ne3A_306 = arith.cmpi ne, %rem3A_304, %ne3A_305 : i32
      %lt3A_307 = arith.constant 0 : i32
      %lt3A_308 = arith.cmpi slt, %rem3A_304, %lt3A_307 : i32
      %lt3A_309 = arith.constant 0 : i32
      %lt3A_310 = arith.cmpi slt, %select_n3A_303, %lt3A_309 : i32
      %ne3A_311 = arith.xori %lt3A_308, %lt3A_310 : i1
      %and3A_312 = arith.andi %ne3A_311, %ne3A_306 : i1
      %add3A_313 = arith.addi %rem3A_304, %select_n3A_303 : i32
      %select_n3A_314 = arith.select %and3A_312, %add3A_313, %rem3A_304 : i32
      %mul3A_315 = arith.constant 4 : i32
      %mul3A_316 = arith.muli %add3A_291, %mul3A_315 : i32
      %add3A_317 = arith.addi %select_n3A_314, %mul3A_316 : i32
      %mul3A_318 = arith.constant 2048 : i32
      %mul3A_319 = arith.muli %add3A_317, %mul3A_318 : i32
      %multiple_of3A_320 = tpu.assume_multiple %mul3A_319, 128 : i32
      %dma_wait3A_321 = arith.constant 0 : i32
      %dma_wait3A_322 = tpu.memref_slice %arg2[%select_n3A, %dma_wait3A_321, %multiple_of3A_320] : memref<8x16x100000xf32, #tpu.memory_space<hbm>> -> memref<1x16x2048xf32, #tpu.memory_space<hbm>>
      %dma_wait3A_323 = tpu.memref_squeeze %dma_wait3A_322 : memref<1x16x2048xf32, #tpu.memory_space<hbm>> -> memref<16x2048xf32, #tpu.memory_space<hbm>>
      %dma_wait3A_324 = arith.constant 0 : i32
      %dma_wait3A_325 = tpu.memref_slice %arg2[%select_n3A, %dma_wait3A_324, %multiple_of3A_320] : memref<8x16x100000xf32, #tpu.memory_space<hbm>> -> memref<1x16x2048xf32, #tpu.memory_space<hbm>>
      %dma_wait3A_326 = tpu.memref_squeeze %dma_wait3A_325 : memref<1x16x2048xf32, #tpu.memory_space<hbm>> -> memref<16x2048xf32, #tpu.memory_space<hbm>>
      tpu.wait_dma2 semaphore(%arg8 : memref<!tpu.dma_semaphore, #tpu.memory_space<semaphore_mem>>) src(%dma_wait3A_326 : memref<16x2048xf32, #tpu.memory_space<hbm>>) dst(%arg5 : memref<16x2048xf32, #tpu.memory_space<vmem>>)
      %mul3A_327 = arith.constant 16 : i32
      %mul3A_328 = vector.broadcast %mul3A_327 : i32 to vector<16xi32>
      %mul3A_329 = arith.muli %iota3A, %mul3A_328 : vector<16xi32>
      %add3A_330 = arith.constant 0 : i32
      %add3A_331 = vector.broadcast %add3A_330 : i32 to vector<16xi32>
      %add3A_332 = arith.addi %mul3A_329, %add3A_331 : vector<16xi32>
      %parallel_loop3A_333 = arith.constant 0 : i32
      %parallel_loop3A_334 = arith.constant 128 : i32
      %parallel_loop3A_335 = arith.constant 1 : i32
      %parallel_loop3A_336 = scf.for %parallel_loop3A_514 = %parallel_loop3A_333 to %parallel_loop3A_334 step %parallel_loop3A_335 iter_args(%parallel_loop3A_515 = %add3A_332) -> (vector<16xi32>)  : i32 {
        %parallel_loop3A_516 = arith.constant 16 : i32
        %parallel_loop3A_517 = arith.muli %parallel_loop3A_514, %parallel_loop3A_516 : i32
        %parallel_loop3A_518 = arith.constant 0 : i32
        %parallel_loop3A_519 = arith.index_cast %parallel_loop3A_518 : i32 to index
        %parallel_loop3A_520 = arith.index_cast %parallel_loop3A_517 : i32 to index
        %parallel_loop3A_521 = tpu.vector_load %arg5[%parallel_loop3A_519, %parallel_loop3A_520] {strides = array<i32>} : memref<16x2048xf32, #tpu.memory_space<vmem>>, vector<16xf32>,
        tpu.vector_store_idx %arg6[%parallel_loop3A_515], %parallel_loop3A_521 : memref<32768xf32, #tpu.memory_space<vmem>>[vector<16xi32>], vector<16xf32>,
        %parallel_loop3A_522 = arith.constant 256 : i32
        %parallel_loop3A_523 = vector.broadcast %parallel_loop3A_522 : i32 to vector<16xi32>
        %parallel_loop3A_524 = arith.addi %parallel_loop3A_515, %parallel_loop3A_523 : vector<16xi32>
        scf.yield %parallel_loop3A_524 : vector<16xi32>
      } {sc.loop_unroll_factor = 8 : i64, sc.parallel_access}
      %mul3A_337 = arith.constant 16 : i32
      %mul3A_338 = vector.broadcast %mul3A_337 : i32 to vector<16xi32>
      %mul3A_339 = arith.muli %iota3A, %mul3A_338 : vector<16xi32>
      %add3A_340 = arith.constant 1 : i32
      %add3A_341 = vector.broadcast %add3A_340 : i32 to vector<16xi32>
      %add3A_342 = arith.addi %mul3A_339, %add3A_341 : vector<16xi32>
      %parallel_loop3A_343 = arith.constant 0 : i32
      %parallel_loop3A_344 = arith.constant 128 : i32
      %parallel_loop3A_345 = arith.constant 1 : i32
      %parallel_loop3A_346 = scf.for %parallel_loop3A_514 = %parallel_loop3A_343 to %parallel_loop3A_344 step %parallel_loop3A_345 iter_args(%parallel_loop3A_515 = %add3A_342) -> (vector<16xi32>)  : i32 {
        %parallel_loop3A_516 = arith.constant 16 : i32
        %parallel_loop3A_517 = arith.muli %parallel_loop3A_514, %parallel_loop3A_516 : i32
        %parallel_loop3A_518 = arith.constant 1 : i32
        %parallel_loop3A_519 = arith.index_cast %parallel_loop3A_518 : i32 to index
        %parallel_loop3A_520 = arith.index_cast %parallel_loop3A_517 : i32 to index
        %parallel_loop3A_521 = tpu.vector_load %arg5[%parallel_loop3A_519, %parallel_loop3A_520] {strides = array<i32>} : memref<16x2048xf32, #tpu.memory_space<vmem>>, vector<16xf32>,
        tpu.vector_store_idx %arg6[%parallel_loop3A_515], %parallel_loop3A_521 : memref<32768xf32, #tpu.memory_space<vmem>>[vector<16xi32>], vector<16xf32>,
        %parallel_loop3A_522 = arith.constant 256 : i32
        %parallel_loop3A_523 = vector.broadcast %parallel_loop3A_522 : i32 to vector<16xi32>
        %parallel_loop3A_524 = arith.addi %parallel_loop3A_515, %parallel_loop3A_523 : vector<16xi32>
        scf.yield %parallel_loop3A_524 : vector<16xi32>
      } {sc.loop_unroll_factor = 8 : i64, sc.parallel_access}
      %mul3A_347 = arith.constant 16 : i32
      %mul3A_348 = vector.broadcast %mul3A_347 : i32 to vector<16xi32>
      %mul3A_349 = arith.muli %iota3A, %mul3A_348 : vector<16xi32>
      %add3A_350 = arith.constant 2 : i32
      %add3A_351 = vector.broadcast %add3A_350 : i32 to vector<16xi32>
      %add3A_352 = arith.addi %mul3A_349, %add3A_351 : vector<16xi32>
      %parallel_loop3A_353 = arith.constant 0 : i32
      %parallel_loop3A_354 = arith.constant 128 : i32
      %parallel_loop3A_355 = arith.constant 1 : i32
      %parallel_loop3A_356 = scf.for %parallel_loop3A_514 = %parallel_loop3A_353 to %parallel_loop3A_354 step %parallel_loop3A_355 iter_args(%parallel_loop3A_515 = %add3A_352) -> (vector<16xi32>)  : i32 {
        %parallel_loop3A_516 = arith.constant 16 : i32
        %parallel_loop3A_517 = arith.muli %parallel_loop3A_514, %parallel_loop3A_516 : i32
        %parallel_loop3A_518 = arith.constant 2 : i32
        %parallel_loop3A_519 = arith.index_cast %parallel_loop3A_518 : i32 to index
        %parallel_loop3A_520 = arith.index_cast %parallel_loop3A_517 : i32 to index
        %parallel_loop3A_521 = tpu.vector_load %arg5[%parallel_loop3A_519, %parallel_loop3A_520] {strides = array<i32>} : memref<16x2048xf32, #tpu.memory_space<vmem>>, vector<16xf32>,
        tpu.vector_store_idx %arg6[%parallel_loop3A_515], %parallel_loop3A_521 : memref<32768xf32, #tpu.memory_space<vmem>>[vector<16xi32>], vector<16xf32>,
        %parallel_loop3A_522 = arith.constant 256 : i32
        %parallel_loop3A_523 = vector.broadcast %parallel_loop3A_522 : i32 to vector<16xi32>
        %parallel_loop3A_524 = arith.addi %parallel_loop3A_515, %parallel_loop3A_523 : vector<16xi32>
        scf.yield %parallel_loop3A_524 : vector<16xi32>
      } {sc.loop_unroll_factor = 8 : i64, sc.parallel_access}
      %mul3A_357 = arith.constant 16 : i32
      %mul3A_358 = vector.broadcast %mul3A_357 : i32 to vector<16xi32>
      %mul3A_359 = arith.muli %iota3A, %mul3A_358 : vector<16xi32>
      %add3A_360 = arith.constant 3 : i32
      %add3A_361 = vector.broadcast %add3A_360 : i32 to vector<16xi32>
      %add3A_362 = arith.addi %mul3A_359, %add3A_361 : vector<16xi32>
      %parallel_loop3A_363 = arith.constant 0 : i32
      %parallel_loop3A_364 = arith.constant 128 : i32
      %parallel_loop3A_365 = arith.constant 1 : i32
      %parallel_loop3A_366 = scf.for %parallel_loop3A_514 = %parallel_loop3A_363 to %parallel_loop3A_364 step %parallel_loop3A_365 iter_args(%parallel_loop3A_515 = %add3A_362) -> (vector<16xi32>)  : i32 {
        %parallel_loop3A_516 = arith.constant 16 : i32
        %parallel_loop3A_517 = arith.muli %parallel_loop3A_514, %parallel_loop3A_516 : i32
        %parallel_loop3A_518 = arith.constant 3 : i32
        %parallel_loop3A_519 = arith.index_cast %parallel_loop3A_518 : i32 to index
        %parallel_loop3A_520 = arith.index_cast %parallel_loop3A_517 : i32 to index
        %parallel_loop3A_521 = tpu.vector_load %arg5[%parallel_loop3A_519, %parallel_loop3A_520] {strides = array<i32>} : memref<16x2048xf32, #tpu.memory_space<vmem>>, vector<16xf32>,
        tpu.vector_store_idx %arg6[%parallel_loop3A_515], %parallel_loop3A_521 : memref<32768xf32, #tpu.memory_space<vmem>>[vector<16xi32>], vector<16xf32>,
        %parallel_loop3A_522 = arith.constant 256 : i32
        %parallel_loop3A_523 = vector.broadcast %parallel_loop3A_522 : i32 to vector<16xi32>
        %parallel_loop3A_524 = arith.addi %parallel_loop3A_515, %parallel_loop3A_523 : vector<16xi32>
        scf.yield %parallel_loop3A_524 : vector<16xi32>
      } {sc.loop_unroll_factor = 8 : i64, sc.parallel_access}
      %mul3A_367 = arith.constant 16 : i32
      %mul3A_368 = vector.broadcast %mul3A_367 : i32 to vector<16xi32>
      %mul3A_369 = arith.muli %iota3A, %mul3A_368 : vector<16xi32>
      %add3A_370 = arith.constant 4 : i32
      %add3A_371 = vector.broadcast %add3A_370 : i32 to vector<16xi32>
      %add3A_372 = arith.addi %mul3A_369, %add3A_371 : vector<16xi32>
      %parallel_loop3A_373 = arith.constant 0 : i32
      %parallel_loop3A_374 = arith.constant 128 : i32
      %parallel_loop3A_375 = arith.constant 1 : i32
      %parallel_loop3A_376 = scf.for %parallel_loop3A_514 = %parallel_loop3A_373 to %parallel_loop3A_374 step %parallel_loop3A_375 iter_args(%parallel_loop3A_515 = %add3A_372) -> (vector<16xi32>)  : i32 {
        %parallel_loop3A_516 = arith.constant 16 : i32
        %parallel_loop3A_517 = arith.muli %parallel_loop3A_514, %parallel_loop3A_516 : i32
        %parallel_loop3A_518 = arith.constant 4 : i32
        %parallel_loop3A_519 = arith.index_cast %parallel_loop3A_518 : i32 to index
        %parallel_loop3A_520 = arith.index_cast %parallel_loop3A_517 : i32 to index
        %parallel_loop3A_521 = tpu.vector_load %arg5[%parallel_loop3A_519, %parallel_loop3A_520] {strides = array<i32>} : memref<16x2048xf32, #tpu.memory_space<vmem>>, vector<16xf32>,
        tpu.vector_store_idx %arg6[%parallel_loop3A_515], %parallel_loop3A_521 : memref<32768xf32, #tpu.memory_space<vmem>>[vector<16xi32>], vector<16xf32>,
        %parallel_loop3A_522 = arith.constant 256 : i32
        %parallel_loop3A_523 = vector.broadcast %parallel_loop3A_522 : i32 to vector<16xi32>
        %parallel_loop3A_524 = arith.addi %parallel_loop3A_515, %parallel_loop3A_523 : vector<16xi32>
        scf.yield %parallel_loop3A_524 : vector<16xi32>
      } {sc.loop_unroll_factor = 8 : i64, sc.parallel_access}
      %mul3A_377 = arith.constant 16 : i32
      %mul3A_378 = vector.broadcast %mul3A_377 : i32 to vector<16xi32>
      %mul3A_379 = arith.muli %iota3A, %mul3A_378 : vector<16xi32>
      %add3A_380 = arith.constant 5 : i32
      %add3A_381 = vector.broadcast %add3A_380 : i32 to vector<16xi32>
      %add3A_382 = arith.addi %mul3A_379, %add3A_381 : vector<16xi32>
      %parallel_loop3A_383 = arith.constant 0 : i32
      %parallel_loop3A_384 = arith.constant 128 : i32
      %parallel_loop3A_385 = arith.constant 1 : i32
      %parallel_loop3A_386 = scf.for %parallel_loop3A_514 = %parallel_loop3A_383 to %parallel_loop3A_384 step %parallel_loop3A_385 iter_args(%parallel_loop3A_515 = %add3A_382) -> (vector<16xi32>)  : i32 {
        %parallel_loop3A_516 = arith.constant 16 : i32
        %parallel_loop3A_517 = arith.muli %parallel_loop3A_514, %parallel_loop3A_516 : i32
        %parallel_loop3A_518 = arith.constant 5 : i32
        %parallel_loop3A_519 = arith.index_cast %parallel_loop3A_518 : i32 to index
        %parallel_loop3A_520 = arith.index_cast %parallel_loop3A_517 : i32 to index
        %parallel_loop3A_521 = tpu.vector_load %arg5[%parallel_loop3A_519, %parallel_loop3A_520] {strides = array<i32>} : memref<16x2048xf32, #tpu.memory_space<vmem>>, vector<16xf32>,
        tpu.vector_store_idx %arg6[%parallel_loop3A_515], %parallel_loop3A_521 : memref<32768xf32, #tpu.memory_space<vmem>>[vector<16xi32>], vector<16xf32>,
        %parallel_loop3A_522 = arith.constant 256 : i32
        %parallel_loop3A_523 = vector.broadcast %parallel_loop3A_522 : i32 to vector<16xi32>
        %parallel_loop3A_524 = arith.addi %parallel_loop3A_515, %parallel_loop3A_523 : vector<16xi32>
        scf.yield %parallel_loop3A_524 : vector<16xi32>
      } {sc.loop_unroll_factor = 8 : i64, sc.parallel_access}
      %mul3A_387 = arith.constant 16 : i32
      %mul3A_388 = vector.broadcast %mul3A_387 : i32 to vector<16xi32>
      %mul3A_389 = arith.muli %iota3A, %mul3A_388 : vector<16xi32>
      %add3A_390 = arith.constant 6 : i32
      %add3A_391 = vector.broadcast %add3A_390 : i32 to vector<16xi32>
      %add3A_392 = arith.addi %mul3A_389, %add3A_391 : vector<16xi32>
      %parallel_loop3A_393 = arith.constant 0 : i32
      %parallel_loop3A_394 = arith.constant 128 : i32
      %parallel_loop3A_395 = arith.constant 1 : i32
      %parallel_loop3A_396 = scf.for %parallel_loop3A_514 = %parallel_loop3A_393 to %parallel_loop3A_394 step %parallel_loop3A_395 iter_args(%parallel_loop3A_515 = %add3A_392) -> (vector<16xi32>)  : i32 {
        %parallel_loop3A_516 = arith.constant 16 : i32
        %parallel_loop3A_517 = arith.muli %parallel_loop3A_514, %parallel_loop3A_516 : i32
        %parallel_loop3A_518 = arith.constant 6 : i32
        %parallel_loop3A_519 = arith.index_cast %parallel_loop3A_518 : i32 to index
        %parallel_loop3A_520 = arith.index_cast %parallel_loop3A_517 : i32 to index
        %parallel_loop3A_521 = tpu.vector_load %arg5[%parallel_loop3A_519, %parallel_loop3A_520] {strides = array<i32>} : memref<16x2048xf32, #tpu.memory_space<vmem>>, vector<16xf32>,
        tpu.vector_store_idx %arg6[%parallel_loop3A_515], %parallel_loop3A_521 : memref<32768xf32, #tpu.memory_space<vmem>>[vector<16xi32>], vector<16xf32>,
        %parallel_loop3A_522 = arith.constant 256 : i32
        %parallel_loop3A_523 = vector.broadcast %parallel_loop3A_522 : i32 to vector<16xi32>
        %parallel_loop3A_524 = arith.addi %parallel_loop3A_515, %parallel_loop3A_523 : vector<16xi32>
        scf.yield %parallel_loop3A_524 : vector<16xi32>
      } {sc.loop_unroll_factor = 8 : i64, sc.parallel_access}
      %mul3A_397 = arith.constant 16 : i32
      %mul3A_398 = vector.broadcast %mul3A_397 : i32 to vector<16xi32>
      %mul3A_399 = arith.muli %iota3A, %mul3A_398 : vector<16xi32>
      %add3A_400 = arith.constant 7 : i32
      %add3A_401 = vector.broadcast %add3A_400 : i32 to vector<16xi32>
      %add3A_402 = arith.addi %mul3A_399, %add3A_401 : vector<16xi32>
      %parallel_loop3A_403 = arith.constant 0 : i32
      %parallel_loop3A_404 = arith.constant 128 : i32
      %parallel_loop3A_405 = arith.constant 1 : i32
      %parallel_loop3A_406 = scf.for %parallel_loop3A_514 = %parallel_loop3A_403 to %parallel_loop3A_404 step %parallel_loop3A_405 iter_args(%parallel_loop3A_515 = %add3A_402) -> (vector<16xi32>)  : i32 {
        %parallel_loop3A_516 = arith.constant 16 : i32
        %parallel_loop3A_517 = arith.muli %parallel_loop3A_514, %parallel_loop3A_516 : i32
        %parallel_loop3A_518 = arith.constant 7 : i32
        %parallel_loop3A_519 = arith.index_cast %parallel_loop3A_518 : i32 to index
        %parallel_loop3A_520 = arith.index_cast %parallel_loop3A_517 : i32 to index
        %parallel_loop3A_521 = tpu.vector_load %arg5[%parallel_loop3A_519, %parallel_loop3A_520] {strides = array<i32>} : memref<16x2048xf32, #tpu.memory_space<vmem>>, vector<16xf32>,
        tpu.vector_store_idx %arg6[%parallel_loop3A_515], %parallel_loop3A_521 : memref<32768xf32, #tpu.memory_space<vmem>>[vector<16xi32>], vector<16xf32>,
        %parallel_loop3A_522 = arith.constant 256 : i32
        %parallel_loop3A_523 = vector.broadcast %parallel_loop3A_522 : i32 to vector<16xi32>
        %parallel_loop3A_524 = arith.addi %parallel_loop3A_515, %parallel_loop3A_523 : vector<16xi32>
        scf.yield %parallel_loop3A_524 : vector<16xi32>
      } {sc.loop_unroll_factor = 8 : i64, sc.parallel_access}
      %mul3A_407 = arith.constant 16 : i32
      %mul3A_408 = vector.broadcast %mul3A_407 : i32 to vector<16xi32>
      %mul3A_409 = arith.muli %iota3A, %mul3A_408 : vector<16xi32>
      %add3A_410 = arith.constant 8 : i32
      %add3A_411 = vector.broadcast %add3A_410 : i32 to vector<16xi32>
      %add3A_412 = arith.addi %mul3A_409, %add3A_411 : vector<16xi32>
      %parallel_loop3A_413 = arith.constant 0 : i32
      %parallel_loop3A_414 = arith.constant 128 : i32
      %parallel_loop3A_415 = arith.constant 1 : i32
      %parallel_loop3A_416 = scf.for %parallel_loop3A_514 = %parallel_loop3A_413 to %parallel_loop3A_414 step %parallel_loop3A_415 iter_args(%parallel_loop3A_515 = %add3A_412) -> (vector<16xi32>)  : i32 {
        %parallel_loop3A_516 = arith.constant 16 : i32
        %parallel_loop3A_517 = arith.muli %parallel_loop3A_514, %parallel_loop3A_516 : i32
        %parallel_loop3A_518 = arith.constant 8 : i32
        %parallel_loop3A_519 = arith.index_cast %parallel_loop3A_518 : i32 to index
        %parallel_loop3A_520 = arith.index_cast %parallel_loop3A_517 : i32 to index
        %parallel_loop3A_521 = tpu.vector_load %arg5[%parallel_loop3A_519, %parallel_loop3A_520] {strides = array<i32>} : memref<16x2048xf32, #tpu.memory_space<vmem>>, vector<16xf32>,
        tpu.vector_store_idx %arg6[%parallel_loop3A_515], %parallel_loop3A_521 : memref<32768xf32, #tpu.memory_space<vmem>>[vector<16xi32>], vector<16xf32>,
        %parallel_loop3A_522 = arith.constant 256 : i32
        %parallel_loop3A_523 = vector.broadcast %parallel_loop3A_522 : i32 to vector<16xi32>
        %parallel_loop3A_524 = arith.addi %parallel_loop3A_515, %parallel_loop3A_523 : vector<16xi32>
        scf.yield %parallel_loop3A_524 : vector<16xi32>
      } {sc.loop_unroll_factor = 8 : i64, sc.parallel_access}
      %mul3A_417 = arith.constant 16 : i32
      %mul3A_418 = vector.broadcast %mul3A_417 : i32 to vector<16xi32>
      %mul3A_419 = arith.muli %iota3A, %mul3A_418 : vector<16xi32>
      %add3A_420 = arith.constant 9 : i32
      %add3A_421 = vector.broadcast %add3A_420 : i32 to vector<16xi32>
      %add3A_422 = arith.addi %mul3A_419, %add3A_421 : vector<16xi32>
      %parallel_loop3A_423 = arith.constant 0 : i32
      %parallel_loop3A_424 = arith.constant 128 : i32
      %parallel_loop3A_425 = arith.constant 1 : i32
      %parallel_loop3A_426 = scf.for %parallel_loop3A_514 = %parallel_loop3A_423 to %parallel_loop3A_424 step %parallel_loop3A_425 iter_args(%parallel_loop3A_515 = %add3A_422) -> (vector<16xi32>)  : i32 {
        %parallel_loop3A_516 = arith.constant 16 : i32
        %parallel_loop3A_517 = arith.muli %parallel_loop3A_514, %parallel_loop3A_516 : i32
        %parallel_loop3A_518 = arith.constant 9 : i32
        %parallel_loop3A_519 = arith.index_cast %parallel_loop3A_518 : i32 to index
        %parallel_loop3A_520 = arith.index_cast %parallel_loop3A_517 : i32 to index
        %parallel_loop3A_521 = tpu.vector_load %arg5[%parallel_loop3A_519, %parallel_loop3A_520] {strides = array<i32>} : memref<16x2048xf32, #tpu.memory_space<vmem>>, vector<16xf32>,
        tpu.vector_store_idx %arg6[%parallel_loop3A_515], %parallel_loop3A_521 : memref<32768xf32, #tpu.memory_space<vmem>>[vector<16xi32>], vector<16xf32>,
        %parallel_loop3A_522 = arith.constant 256 : i32
        %parallel_loop3A_523 = vector.broadcast %parallel_loop3A_522 : i32 to vector<16xi32>
        %parallel_loop3A_524 = arith.addi %parallel_loop3A_515, %parallel_loop3A_523 : vector<16xi32>
        scf.yield %parallel_loop3A_524 : vector<16xi32>
      } {sc.loop_unroll_factor = 8 : i64, sc.parallel_access}
      %mul3A_427 = arith.constant 16 : i32
      %mul3A_428 = vector.broadcast %mul3A_427 : i32 to vector<16xi32>
      %mul3A_429 = arith.muli %iota3A, %mul3A_428 : vector<16xi32>
      %add3A_430 = arith.constant 10 : i32
      %add3A_431 = vector.broadcast %add3A_430 : i32 to vector<16xi32>
      %add3A_432 = arith.addi %mul3A_429, %add3A_431 : vector<16xi32>
      %parallel_loop3A_433 = arith.constant 0 : i32
      %parallel_loop3A_434 = arith.constant 128 : i32
      %parallel_loop3A_435 = arith.constant 1 : i32
      %parallel_loop3A_436 = scf.for %parallel_loop3A_514 = %parallel_loop3A_433 to %parallel_loop3A_434 step %parallel_loop3A_435 iter_args(%parallel_loop3A_515 = %add3A_432) -> (vector<16xi32>)  : i32 {
        %parallel_loop3A_516 = arith.constant 16 : i32
        %parallel_loop3A_517 = arith.muli %parallel_loop3A_514, %parallel_loop3A_516 : i32
        %parallel_loop3A_518 = arith.constant 10 : i32
        %parallel_loop3A_519 = arith.index_cast %parallel_loop3A_518 : i32 to index
        %parallel_loop3A_520 = arith.index_cast %parallel_loop3A_517 : i32 to index
        %parallel_loop3A_521 = tpu.vector_load %arg5[%parallel_loop3A_519, %parallel_loop3A_520] {strides = array<i32>} : memref<16x2048xf32, #tpu.memory_space<vmem>>, vector<16xf32>,
        tpu.vector_store_idx %arg6[%parallel_loop3A_515], %parallel_loop3A_521 : memref<32768xf32, #tpu.memory_space<vmem>>[vector<16xi32>], vector<16xf32>,
        %parallel_loop3A_522 = arith.constant 256 : i32
        %parallel_loop3A_523 = vector.broadcast %parallel_loop3A_522 : i32 to vector<16xi32>
        %parallel_loop3A_524 = arith.addi %parallel_loop3A_515, %parallel_loop3A_523 : vector<16xi32>
        scf.yield %parallel_loop3A_524 : vector<16xi32>
      } {sc.loop_unroll_factor = 8 : i64, sc.parallel_access}
      %mul3A_437 = arith.constant 16 : i32
      %mul3A_438 = vector.broadcast %mul3A_437 : i32 to vector<16xi32>
      %mul3A_439 = arith.muli %iota3A, %mul3A_438 : vector<16xi32>
      %add3A_440 = arith.constant 11 : i32
      %add3A_441 = vector.broadcast %add3A_440 : i32 to vector<16xi32>
      %add3A_442 = arith.addi %mul3A_439, %add3A_441 : vector<16xi32>
      %parallel_loop3A_443 = arith.constant 0 : i32
      %parallel_loop3A_444 = arith.constant 128 : i32
      %parallel_loop3A_445 = arith.constant 1 : i32
      %parallel_loop3A_446 = scf.for %parallel_loop3A_514 = %parallel_loop3A_443 to %parallel_loop3A_444 step %parallel_loop3A_445 iter_args(%parallel_loop3A_515 = %add3A_442) -> (vector<16xi32>)  : i32 {
        %parallel_loop3A_516 = arith.constant 16 : i32
        %parallel_loop3A_517 = arith.muli %parallel_loop3A_514, %parallel_loop3A_516 : i32
        %parallel_loop3A_518 = arith.constant 11 : i32
        %parallel_loop3A_519 = arith.index_cast %parallel_loop3A_518 : i32 to index
        %parallel_loop3A_520 = arith.index_cast %parallel_loop3A_517 : i32 to index
        %parallel_loop3A_521 = tpu.vector_load %arg5[%parallel_loop3A_519, %parallel_loop3A_520] {strides = array<i32>} : memref<16x2048xf32, #tpu.memory_space<vmem>>, vector<16xf32>,
        tpu.vector_store_idx %arg6[%parallel_loop3A_515], %parallel_loop3A_521 : memref<32768xf32, #tpu.memory_space<vmem>>[vector<16xi32>], vector<16xf32>,
        %parallel_loop3A_522 = arith.constant 256 : i32
        %parallel_loop3A_523 = vector.broadcast %parallel_loop3A_522 : i32 to vector<16xi32>
        %parallel_loop3A_524 = arith.addi %parallel_loop3A_515, %parallel_loop3A_523 : vector<16xi32>
        scf.yield %parallel_loop3A_524 : vector<16xi32>
      } {sc.loop_unroll_factor = 8 : i64, sc.parallel_access}
      %mul3A_447 = arith.constant 16 : i32
      %mul3A_448 = vector.broadcast %mul3A_447 : i32 to vector<16xi32>
      %mul3A_449 = arith.muli %iota3A, %mul3A_448 : vector<16xi32>
      %add3A_450 = arith.constant 12 : i32
      %add3A_451 = vector.broadcast %add3A_450 : i32 to vector<16xi32>
      %add3A_452 = arith.addi %mul3A_449, %add3A_451 : vector<16xi32>
      %parallel_loop3A_453 = arith.constant 0 : i32
      %parallel_loop3A_454 = arith.constant 128 : i32
      %parallel_loop3A_455 = arith.constant 1 : i32
      %parallel_loop3A_456 = scf.for %parallel_loop3A_514 = %parallel_loop3A_453 to %parallel_loop3A_454 step %parallel_loop3A_455 iter_args(%parallel_loop3A_515 = %add3A_452) -> (vector<16xi32>)  : i32 {
        %parallel_loop3A_516 = arith.constant 16 : i32
        %parallel_loop3A_517 = arith.muli %parallel_loop3A_514, %parallel_loop3A_516 : i32
        %parallel_loop3A_518 = arith.constant 12 : i32
        %parallel_loop3A_519 = arith.index_cast %parallel_loop3A_518 : i32 to index
        %parallel_loop3A_520 = arith.index_cast %parallel_loop3A_517 : i32 to index
        %parallel_loop3A_521 = tpu.vector_load %arg5[%parallel_loop3A_519, %parallel_loop3A_520] {strides = array<i32>} : memref<16x2048xf32, #tpu.memory_space<vmem>>, vector<16xf32>,
        tpu.vector_store_idx %arg6[%parallel_loop3A_515], %parallel_loop3A_521 : memref<32768xf32, #tpu.memory_space<vmem>>[vector<16xi32>], vector<16xf32>,
        %parallel_loop3A_522 = arith.constant 256 : i32
        %parallel_loop3A_523 = vector.broadcast %parallel_loop3A_522 : i32 to vector<16xi32>
        %parallel_loop3A_524 = arith.addi %parallel_loop3A_515, %parallel_loop3A_523 : vector<16xi32>
        scf.yield %parallel_loop3A_524 : vector<16xi32>
      } {sc.loop_unroll_factor = 8 : i64, sc.parallel_access}
      %mul3A_457 = arith.constant 16 : i32
      %mul3A_458 = vector.broadcast %mul3A_457 : i32 to vector<16xi32>
      %mul3A_459 = arith.muli %iota3A, %mul3A_458 : vector<16xi32>
      %add3A_460 = arith.constant 13 : i32
      %add3A_461 = vector.broadcast %add3A_460 : i32 to vector<16xi32>
      %add3A_462 = arith.addi %mul3A_459, %add3A_461 : vector<16xi32>
      %parallel_loop3A_463 = arith.constant 0 : i32
      %parallel_loop3A_464 = arith.constant 128 : i32
      %parallel_loop3A_465 = arith.constant 1 : i32
      %parallel_loop3A_466 = scf.for %parallel_loop3A_514 = %parallel_loop3A_463 to %parallel_loop3A_464 step %parallel_loop3A_465 iter_args(%parallel_loop3A_515 = %add3A_462) -> (vector<16xi32>)  : i32 {
        %parallel_loop3A_516 = arith.constant 16 : i32
        %parallel_loop3A_517 = arith.muli %parallel_loop3A_514, %parallel_loop3A_516 : i32
        %parallel_loop3A_518 = arith.constant 13 : i32
        %parallel_loop3A_519 = arith.index_cast %parallel_loop3A_518 : i32 to index
        %parallel_loop3A_520 = arith.index_cast %parallel_loop3A_517 : i32 to index
        %parallel_loop3A_521 = tpu.vector_load %arg5[%parallel_loop3A_519, %parallel_loop3A_520] {strides = array<i32>} : memref<16x2048xf32, #tpu.memory_space<vmem>>, vector<16xf32>,
        tpu.vector_store_idx %arg6[%parallel_loop3A_515], %parallel_loop3A_521 : memref<32768xf32, #tpu.memory_space<vmem>>[vector<16xi32>], vector<16xf32>,
        %parallel_loop3A_522 = arith.constant 256 : i32
        %parallel_loop3A_523 = vector.broadcast %parallel_loop3A_522 : i32 to vector<16xi32>
        %parallel_loop3A_524 = arith.addi %parallel_loop3A_515, %parallel_loop3A_523 : vector<16xi32>
        scf.yield %parallel_loop3A_524 : vector<16xi32>
      } {sc.loop_unroll_factor = 8 : i64, sc.parallel_access}
      %mul3A_467 = arith.constant 16 : i32
      %mul3A_468 = vector.broadcast %mul3A_467 : i32 to vector<16xi32>
      %mul3A_469 = arith.muli %iota3A, %mul3A_468 : vector<16xi32>
      %add3A_470 = arith.constant 14 : i32
      %add3A_471 = vector.broadcast %add3A_470 : i32 to vector<16xi32>
      %add3A_472 = arith.addi %mul3A_469, %add3A_471 : vector<16xi32>
      %parallel_loop3A_473 = arith.constant 0 : i32
      %parallel_loop3A_474 = arith.constant 128 : i32
      %parallel_loop3A_475 = arith.constant 1 : i32
      %parallel_loop3A_476 = scf.for %parallel_loop3A_514 = %parallel_loop3A_473 to %parallel_loop3A_474 step %parallel_loop3A_475 iter_args(%parallel_loop3A_515 = %add3A_472) -> (vector<16xi32>)  : i32 {
        %parallel_loop3A_516 = arith.constant 16 : i32
        %parallel_loop3A_517 = arith.muli %parallel_loop3A_514, %parallel_loop3A_516 : i32
        %parallel_loop3A_518 = arith.constant 14 : i32
        %parallel_loop3A_519 = arith.index_cast %parallel_loop3A_518 : i32 to index
        %parallel_loop3A_520 = arith.index_cast %parallel_loop3A_517 : i32 to index
        %parallel_loop3A_521 = tpu.vector_load %arg5[%parallel_loop3A_519, %parallel_loop3A_520] {strides = array<i32>} : memref<16x2048xf32, #tpu.memory_space<vmem>>, vector<16xf32>,
        tpu.vector_store_idx %arg6[%parallel_loop3A_515], %parallel_loop3A_521 : memref<32768xf32, #tpu.memory_space<vmem>>[vector<16xi32>], vector<16xf32>,
        %parallel_loop3A_522 = arith.constant 256 : i32
        %parallel_loop3A_523 = vector.broadcast %parallel_loop3A_522 : i32 to vector<16xi32>
        %parallel_loop3A_524 = arith.addi %parallel_loop3A_515, %parallel_loop3A_523 : vector<16xi32>
        scf.yield %parallel_loop3A_524 : vector<16xi32>
      } {sc.loop_unroll_factor = 8 : i64, sc.parallel_access}
      %mul3A_477 = arith.constant 16 : i32
      %mul3A_478 = vector.broadcast %mul3A_477 : i32 to vector<16xi32>
      %mul3A_479 = arith.muli %iota3A, %mul3A_478 : vector<16xi32>
      %add3A_480 = arith.constant 15 : i32
      %add3A_481 = vector.broadcast %add3A_480 : i32 to vector<16xi32>
      %add3A_482 = arith.addi %mul3A_479, %add3A_481 : vector<16xi32>
      %parallel_loop3A_483 = arith.constant 0 : i32
      %parallel_loop3A_484 = arith.constant 128 : i32
      %parallel_loop3A_485 = arith.constant 1 : i32
      %parallel_loop3A_486 = scf.for %parallel_loop3A_514 = %parallel_loop3A_483 to %parallel_loop3A_484 step %parallel_loop3A_485 iter_args(%parallel_loop3A_515 = %add3A_482) -> (vector<16xi32>)  : i32 {
        %parallel_loop3A_516 = arith.constant 16 : i32
        %parallel_loop3A_517 = arith.muli %parallel_loop3A_514, %parallel_loop3A_516 : i32
        %parallel_loop3A_518 = arith.constant 15 : i32
        %parallel_loop3A_519 = arith.index_cast %parallel_loop3A_518 : i32 to index
        %parallel_loop3A_520 = arith.index_cast %parallel_loop3A_517 : i32 to index
        %parallel_loop3A_521 = tpu.vector_load %arg5[%parallel_loop3A_519, %parallel_loop3A_520] {strides = array<i32>} : memref<16x2048xf32, #tpu.memory_space<vmem>>, vector<16xf32>,
        tpu.vector_store_idx %arg6[%parallel_loop3A_515], %parallel_loop3A_521 : memref<32768xf32, #tpu.memory_space<vmem>>[vector<16xi32>], vector<16xf32>,
        %parallel_loop3A_522 = arith.constant 256 : i32
        %parallel_loop3A_523 = vector.broadcast %parallel_loop3A_522 : i32 to vector<16xi32>
        %parallel_loop3A_524 = arith.addi %parallel_loop3A_515, %parallel_loop3A_523 : vector<16xi32>
        scf.yield %parallel_loop3A_524 : vector<16xi32>
      } {sc.loop_unroll_factor = 8 : i64, sc.parallel_access}
      %jit3A_487 = arith.constant 4 : i32
      %eq3A_488 = arith.constant 0 : i32
      %eq3A_489 = arith.cmpi eq, %jit3A_487, %eq3A_488 : i32
      %jit3A_490 = arith.constant 1 : i32
      %select_n3A_491 = arith.select %eq3A_489, %jit3A_490, %jit3A_487 : i32
      %rem3A_492 = arith.remsi %add3A, %select_n3A_491 : i32
      %ne3A_493 = arith.constant 0 : i32
      %ne3A_494 = arith.cmpi ne, %rem3A_492, %ne3A_493 : i32
      %lt3A_495 = arith.constant 0 : i32
      %lt3A_496 = arith.cmpi slt, %rem3A_492, %lt3A_495 : i32
      %lt3A_497 = arith.constant 0 : i32
      %lt3A_498 = arith.cmpi slt, %select_n3A_491, %lt3A_497 : i32
      %ne3A_499 = arith.xori %lt3A_496, %lt3A_498 : i1
      %and3A_500 = arith.andi %ne3A_499, %ne3A_494 : i1
      %add3A_501 = arith.addi %rem3A_492, %select_n3A_491 : i32
      %select_n3A_502 = arith.select %and3A_500, %add3A_501, %rem3A_492 : i32
      %mul3A_503 = arith.constant 4 : i32
      %mul3A_504 = arith.muli %add3A_291, %mul3A_503 : i32
      %add3A_505 = arith.addi %select_n3A_502, %mul3A_504 : i32
      %mul3A_506 = arith.constant 2048 : i32
      %mul3A_507 = arith.muli %add3A_505, %mul3A_506 : i32
      %mul3A_508 = arith.constant 100096 : i32
      %mul3A_509 = arith.muli %select_n3A, %mul3A_508 : i32
      %add3A_510 = arith.addi %mul3A_509, %mul3A_507 : i32
      %mul3A_511 = arith.constant 16 : i32
      %mul3A_512 = arith.muli %add3A_510, %mul3A_511 : i32
      %multiple_of3A_513 = tpu.assume_multiple %mul3A_512, 1024 : i32
      "tpu.region"() ({
        %run_scoped3A = tpu.sem_alloc : memref<!tpu.dma_semaphore, #tpu.memory_space<semaphore_mem>>
        %dma_start3A_514 = arith.constant 0 : i32
        %dma_start3A_515 = tpu.memref_slice %arg6[%dma_start3A_514] : memref<32768xf32, #tpu.memory_space<vmem>> -> memref<32768xf32, #tpu.memory_space<vmem>>
        %dma_start3A_516 = tpu.memref_slice %arg3[%multiple_of3A_513] : memref<12812288xf32, #tpu.memory_space<hbm>> -> memref<32768xf32, #tpu.memory_space<hbm>>
        %dma_start3A_517 = tpu.memref_slice %arg3[%multiple_of3A_513] : memref<12812288xf32, #tpu.memory_space<hbm>> -> memref<32768xf32, #tpu.memory_space<hbm>>
        %dma_start3A_518 = arith.constant 0 : i32
        %dma_start3A_519 = tpu.memref_slice %arg6[%dma_start3A_518] : memref<32768xf32, #tpu.memory_space<vmem>> -> memref<32768xf32, #tpu.memory_space<vmem>>
        tpu.enqueue_dma source(%dma_start3A_519 : memref<32768xf32, #tpu.memory_space<vmem>>) target(%dma_start3A_517 : memref<32768xf32, #tpu.memory_space<hbm>>) target_semaphore(%run_scoped3A : memref<!tpu.dma_semaphore, #tpu.memory_space<semaphore_mem>>)
        %dma_wait3A_520 = arith.constant 0 : i32
        %dma_wait3A_521 = tpu.memref_slice %arg6[%dma_wait3A_520] : memref<32768xf32, #tpu.memory_space<vmem>> -> memref<32768xf32, #tpu.memory_space<vmem>>
        %dma_wait3A_522 = tpu.memref_slice %arg3[%multiple_of3A_513] : memref<12812288xf32, #tpu.memory_space<hbm>> -> memref<32768xf32, #tpu.memory_space<hbm>>
        %dma_wait3A_523 = tpu.memref_slice %arg3[%multiple_of3A_513] : memref<12812288xf32, #tpu.memory_space<hbm>> -> memref<32768xf32, #tpu.memory_space<hbm>>
        %dma_wait3A_524 = arith.constant 0 : i32
        %dma_wait3A_525 = tpu.memref_slice %arg6[%dma_wait3A_524] : memref<32768xf32, #tpu.memory_space<vmem>> -> memref<32768xf32, #tpu.memory_space<vmem>>
        tpu.wait_dma2 semaphore(%run_scoped3A : memref<!tpu.dma_semaphore, #tpu.memory_space<semaphore_mem>>) src(%dma_wait3A_525 : memref<32768xf32, #tpu.memory_space<vmem>>) dst(%dma_wait3A_523 : memref<32768xf32, #tpu.memory_space<hbm>>)
        tpu.yield
      }) : () -> ()
    }
    %scan3A_43 = arith.constant 6 : i32
    %jit3A_44 = arith.constant 4 : i32
    %eq3A_45 = arith.constant 0 : i32
    %eq3A_46 = arith.cmpi eq, %jit3A_44, %eq3A_45 : i32
    %jit3A_47 = arith.constant 1 : i32
    %select_n3A_48 = arith.select %eq3A_46, %jit3A_47, %jit3A_44 : i32
    %rem3A_49 = arith.remsi %add3A, %select_n3A_48 : i32
    %ne3A_50 = arith.constant 0 : i32
    %ne3A_51 = arith.cmpi ne, %rem3A_49, %ne3A_50 : i32
    %lt3A_52 = arith.constant 0 : i32
    %lt3A_53 = arith.cmpi slt, %rem3A_49, %lt3A_52 : i32
    %lt3A_54 = arith.constant 0 : i32
    %lt3A_55 = arith.cmpi slt, %select_n3A_48, %lt3A_54 : i32
    %ne3A_56 = arith.xori %lt3A_53, %lt3A_55 : i1
    %and3A_57 = arith.andi %ne3A_56, %ne3A_51 : i1
    %add3A_58 = arith.addi %rem3A_49, %select_n3A_48 : i32
    %select_n3A_59 = arith.select %and3A_57, %add3A_58, %rem3A_49 : i32
    %eq3A_60 = arith.constant 0 : i32
    %eq3A_61 = arith.cmpi eq, %select_n3A_59, %eq3A_60 : i32
    %convert_element_type3A = arith.extui %eq3A_61 : i1 to i32
    %cond3A = arith.constant 0 : i32
    %cond3A_62 = arith.cmpi ne, %convert_element_type3A, %cond3A : i32
    scf.if %cond3A_62 {
      %min3A = arith.constant 0 : i32
      %min3A_63 = arith.minsi %add3A, %min3A : i32
      %add3A_64 = arith.constant 98304 : i32
      %add3A_65 = arith.addi %min3A_63, %add3A_64 : i32
      %multiple_of3A_66 = tpu.assume_multiple %add3A_65, 128 : i32
      "tpu.region"() ({
        %run_scoped3A = tpu.sem_alloc : memref<!tpu.dma_semaphore, #tpu.memory_space<semaphore_mem>>
        %dma_start3A_232 = arith.constant 0 : i32
        %dma_start3A_233 = arith.constant 0 : i32
        %dma_start3A_234 = tpu.memref_slice %arg4[%dma_start3A_232, %dma_start3A_233] : memref<16x2048xf32, #tpu.memory_space<vmem>> -> memref<16x1792xf32, #tpu.memory_space<vmem>>
        %dma_start3A_235 = arith.constant 0 : i32
        %dma_start3A_236 = tpu.memref_slice %arg2[%select_n3A, %dma_start3A_235, %multiple_of3A_66] : memref<8x16x100000xf32, #tpu.memory_space<hbm>> -> memref<1x16x1792xf32, #tpu.memory_space<hbm>>
        %dma_start3A_237 = tpu.memref_squeeze %dma_start3A_236 : memref<1x16x1792xf32, #tpu.memory_space<hbm>> -> memref<16x1792xf32, #tpu.memory_space<hbm>>
        %dma_start3A_238 = arith.constant 0 : i32
        %dma_start3A_239 = arith.constant 0 : i32
        %dma_start3A_240 = tpu.memref_slice %arg4[%dma_start3A_238, %dma_start3A_239] : memref<16x2048xf32, #tpu.memory_space<vmem>> -> memref<16x1792xf32, #tpu.memory_space<vmem>>
        %dma_start3A_241 = arith.constant 0 : i32
        %dma_start3A_242 = tpu.memref_slice %arg2[%select_n3A, %dma_start3A_241, %multiple_of3A_66] : memref<8x16x100000xf32, #tpu.memory_space<hbm>> -> memref<1x16x1792xf32, #tpu.memory_space<hbm>>
        %dma_start3A_243 = tpu.memref_squeeze %dma_start3A_242 : memref<1x16x1792xf32, #tpu.memory_space<hbm>> -> memref<16x1792xf32, #tpu.memory_space<hbm>>
        tpu.enqueue_dma source(%dma_start3A_243 : memref<16x1792xf32, #tpu.memory_space<hbm>>) target(%dma_start3A_240 : memref<16x1792xf32, #tpu.memory_space<vmem>>) target_semaphore(%run_scoped3A : memref<!tpu.dma_semaphore, #tpu.memory_space<semaphore_mem>>)
        %dma_wait3A = arith.constant 0 : i32
        %dma_wait3A_244 = arith.constant 0 : i32
        %dma_wait3A_245 = tpu.memref_slice %arg4[%dma_wait3A, %dma_wait3A_244] : memref<16x2048xf32, #tpu.memory_space<vmem>> -> memref<16x1792xf32, #tpu.memory_space<vmem>>
        %dma_wait3A_246 = arith.constant 0 : i32
        %dma_wait3A_247 = tpu.memref_slice %arg2[%select_n3A, %dma_wait3A_246, %multiple_of3A_66] : memref<8x16x100000xf32, #tpu.memory_space<hbm>> -> memref<1x16x1792xf32, #tpu.memory_space<hbm>>
        %dma_wait3A_248 = tpu.memref_squeeze %dma_wait3A_247 : memref<1x16x1792xf32, #tpu.memory_space<hbm>> -> memref<16x1792xf32, #tpu.memory_space<hbm>>
        %dma_wait3A_249 = arith.constant 0 : i32
        %dma_wait3A_250 = arith.constant 0 : i32
        %dma_wait3A_251 = tpu.memref_slice %arg4[%dma_wait3A_249, %dma_wait3A_250] : memref<16x2048xf32, #tpu.memory_space<vmem>> -> memref<16x1792xf32, #tpu.memory_space<vmem>>
        %dma_wait3A_252 = arith.constant 0 : i32
        %dma_wait3A_253 = tpu.memref_slice %arg2[%select_n3A, %dma_wait3A_252, %multiple_of3A_66] : memref<8x16x100000xf32, #tpu.memory_space<hbm>> -> memref<1x16x1792xf32, #tpu.memory_space<hbm>>
        %dma_wait3A_254 = tpu.memref_squeeze %dma_wait3A_253 : memref<1x16x1792xf32, #tpu.memory_space<hbm>> -> memref<16x1792xf32, #tpu.memory_space<hbm>>
        tpu.wait_dma2 semaphore(%run_scoped3A : memref<!tpu.dma_semaphore, #tpu.memory_space<semaphore_mem>>) src(%dma_wait3A_254 : memref<16x1792xf32, #tpu.memory_space<hbm>>) dst(%dma_wait3A_251 : memref<16x1792xf32, #tpu.memory_space<vmem>>)
        tpu.yield
      }) : () -> ()
      %mul3A_67 = arith.constant 16 : i32
      %mul3A_68 = vector.broadcast %mul3A_67 : i32 to vector<16xi32>
      %mul3A_69 = arith.muli %iota3A, %mul3A_68 : vector<16xi32>
      %add3A_70 = arith.constant 0 : i32
      %add3A_71 = vector.broadcast %add3A_70 : i32 to vector<16xi32>
      %add3A_72 = arith.addi %mul3A_69, %add3A_71 : vector<16xi32>
      %parallel_loop3A = arith.constant 0 : i32
      %parallel_loop3A_73 = arith.constant 112 : i32
      %parallel_loop3A_74 = arith.constant 1 : i32
      %parallel_loop3A_75 = scf.for %parallel_loop3A_232 = %parallel_loop3A to %parallel_loop3A_73 step %parallel_loop3A_74 iter_args(%parallel_loop3A_233 = %add3A_72) -> (vector<16xi32>)  : i32 {
        %parallel_loop3A_234 = arith.constant 16 : i32
        %parallel_loop3A_235 = arith.muli %parallel_loop3A_232, %parallel_loop3A_234 : i32
        %parallel_loop3A_236 = arith.constant 0 : i32
        %parallel_loop3A_237 = arith.index_cast %parallel_loop3A_236 : i32 to index
        %parallel_loop3A_238 = arith.index_cast %parallel_loop3A_235 : i32 to index
        %parallel_loop3A_239 = tpu.vector_load %arg4[%parallel_loop3A_237, %parallel_loop3A_238] {strides = array<i32>} : memref<16x2048xf32, #tpu.memory_space<vmem>>, vector<16xf32>,
        tpu.vector_store_idx %arg6[%parallel_loop3A_233], %parallel_loop3A_239 : memref<32768xf32, #tpu.memory_space<vmem>>[vector<16xi32>], vector<16xf32>,
        %parallel_loop3A_240 = arith.constant 256 : i32
        %parallel_loop3A_241 = vector.broadcast %parallel_loop3A_240 : i32 to vector<16xi32>
        %parallel_loop3A_242 = arith.addi %parallel_loop3A_233, %parallel_loop3A_241 : vector<16xi32>
        scf.yield %parallel_loop3A_242 : vector<16xi32>
      } {sc.loop_unroll_factor = 8 : i64, sc.parallel_access}
      %mul3A_76 = arith.constant 16 : i32
      %mul3A_77 = vector.broadcast %mul3A_76 : i32 to vector<16xi32>
      %mul3A_78 = arith.muli %iota3A, %mul3A_77 : vector<16xi32>
      %add3A_79 = arith.constant 1 : i32
      %add3A_80 = vector.broadcast %add3A_79 : i32 to vector<16xi32>
      %add3A_81 = arith.addi %mul3A_78, %add3A_80 : vector<16xi32>
      %parallel_loop3A_82 = arith.constant 0 : i32
      %parallel_loop3A_83 = arith.constant 112 : i32
      %parallel_loop3A_84 = arith.constant 1 : i32
      %parallel_loop3A_85 = scf.for %parallel_loop3A_232 = %parallel_loop3A_82 to %parallel_loop3A_83 step %parallel_loop3A_84 iter_args(%parallel_loop3A_233 = %add3A_81) -> (vector<16xi32>)  : i32 {
        %parallel_loop3A_234 = arith.constant 16 : i32
        %parallel_loop3A_235 = arith.muli %parallel_loop3A_232, %parallel_loop3A_234 : i32
        %parallel_loop3A_236 = arith.constant 1 : i32
        %parallel_loop3A_237 = arith.index_cast %parallel_loop3A_236 : i32 to index
        %parallel_loop3A_238 = arith.index_cast %parallel_loop3A_235 : i32 to index
        %parallel_loop3A_239 = tpu.vector_load %arg4[%parallel_loop3A_237, %parallel_loop3A_238] {strides = array<i32>} : memref<16x2048xf32, #tpu.memory_space<vmem>>, vector<16xf32>,
        tpu.vector_store_idx %arg6[%parallel_loop3A_233], %parallel_loop3A_239 : memref<32768xf32, #tpu.memory_space<vmem>>[vector<16xi32>], vector<16xf32>,
        %parallel_loop3A_240 = arith.constant 256 : i32
        %parallel_loop3A_241 = vector.broadcast %parallel_loop3A_240 : i32 to vector<16xi32>
        %parallel_loop3A_242 = arith.addi %parallel_loop3A_233, %parallel_loop3A_241 : vector<16xi32>
        scf.yield %parallel_loop3A_242 : vector<16xi32>
      } {sc.loop_unroll_factor = 8 : i64, sc.parallel_access}
      %mul3A_86 = arith.constant 16 : i32
      %mul3A_87 = vector.broadcast %mul3A_86 : i32 to vector<16xi32>
      %mul3A_88 = arith.muli %iota3A, %mul3A_87 : vector<16xi32>
      %add3A_89 = arith.constant 2 : i32
      %add3A_90 = vector.broadcast %add3A_89 : i32 to vector<16xi32>
      %add3A_91 = arith.addi %mul3A_88, %add3A_90 : vector<16xi32>
      %parallel_loop3A_92 = arith.constant 0 : i32
      %parallel_loop3A_93 = arith.constant 112 : i32
      %parallel_loop3A_94 = arith.constant 1 : i32
      %parallel_loop3A_95 = scf.for %parallel_loop3A_232 = %parallel_loop3A_92 to %parallel_loop3A_93 step %parallel_loop3A_94 iter_args(%parallel_loop3A_233 = %add3A_91) -> (vector<16xi32>)  : i32 {
        %parallel_loop3A_234 = arith.constant 16 : i32
        %parallel_loop3A_235 = arith.muli %parallel_loop3A_232, %parallel_loop3A_234 : i32
        %parallel_loop3A_236 = arith.constant 2 : i32
        %parallel_loop3A_237 = arith.index_cast %parallel_loop3A_236 : i32 to index
        %parallel_loop3A_238 = arith.index_cast %parallel_loop3A_235 : i32 to index
        %parallel_loop3A_239 = tpu.vector_load %arg4[%parallel_loop3A_237, %parallel_loop3A_238] {strides = array<i32>} : memref<16x2048xf32, #tpu.memory_space<vmem>>, vector<16xf32>,
        tpu.vector_store_idx %arg6[%parallel_loop3A_233], %parallel_loop3A_239 : memref<32768xf32, #tpu.memory_space<vmem>>[vector<16xi32>], vector<16xf32>,
        %parallel_loop3A_240 = arith.constant 256 : i32
        %parallel_loop3A_241 = vector.broadcast %parallel_loop3A_240 : i32 to vector<16xi32>
        %parallel_loop3A_242 = arith.addi %parallel_loop3A_233, %parallel_loop3A_241 : vector<16xi32>
        scf.yield %parallel_loop3A_242 : vector<16xi32>
      } {sc.loop_unroll_factor = 8 : i64, sc.parallel_access}
      %mul3A_96 = arith.constant 16 : i32
      %mul3A_97 = vector.broadcast %mul3A_96 : i32 to vector<16xi32>
      %mul3A_98 = arith.muli %iota3A, %mul3A_97 : vector<16xi32>
      %add3A_99 = arith.constant 3 : i32
      %add3A_100 = vector.broadcast %add3A_99 : i32 to vector<16xi32>
      %add3A_101 = arith.addi %mul3A_98, %add3A_100 : vector<16xi32>
      %parallel_loop3A_102 = arith.constant 0 : i32
      %parallel_loop3A_103 = arith.constant 112 : i32
      %parallel_loop3A_104 = arith.constant 1 : i32
      %parallel_loop3A_105 = scf.for %parallel_loop3A_232 = %parallel_loop3A_102 to %parallel_loop3A_103 step %parallel_loop3A_104 iter_args(%parallel_loop3A_233 = %add3A_101) -> (vector<16xi32>)  : i32 {
        %parallel_loop3A_234 = arith.constant 16 : i32
        %parallel_loop3A_235 = arith.muli %parallel_loop3A_232, %parallel_loop3A_234 : i32
        %parallel_loop3A_236 = arith.constant 3 : i32
        %parallel_loop3A_237 = arith.index_cast %parallel_loop3A_236 : i32 to index
        %parallel_loop3A_238 = arith.index_cast %parallel_loop3A_235 : i32 to index
        %parallel_loop3A_239 = tpu.vector_load %arg4[%parallel_loop3A_237, %parallel_loop3A_238] {strides = array<i32>} : memref<16x2048xf32, #tpu.memory_space<vmem>>, vector<16xf32>,
        tpu.vector_store_idx %arg6[%parallel_loop3A_233], %parallel_loop3A_239 : memref<32768xf32, #tpu.memory_space<vmem>>[vector<16xi32>], vector<16xf32>,
        %parallel_loop3A_240 = arith.constant 256 : i32
        %parallel_loop3A_241 = vector.broadcast %parallel_loop3A_240 : i32 to vector<16xi32>
        %parallel_loop3A_242 = arith.addi %parallel_loop3A_233, %parallel_loop3A_241 : vector<16xi32>
        scf.yield %parallel_loop3A_242 : vector<16xi32>
      } {sc.loop_unroll_factor = 8 : i64, sc.parallel_access}
      %mul3A_106 = arith.constant 16 : i32
      %mul3A_107 = vector.broadcast %mul3A_106 : i32 to vector<16xi32>
      %mul3A_108 = arith.muli %iota3A, %mul3A_107 : vector<16xi32>
      %add3A_109 = arith.constant 4 : i32
      %add3A_110 = vector.broadcast %add3A_109 : i32 to vector<16xi32>
      %add3A_111 = arith.addi %mul3A_108, %add3A_110 : vector<16xi32>
      %parallel_loop3A_112 = arith.constant 0 : i32
      %parallel_loop3A_113 = arith.constant 112 : i32
      %parallel_loop3A_114 = arith.constant 1 : i32
      %parallel_loop3A_115 = scf.for %parallel_loop3A_232 = %parallel_loop3A_112 to %parallel_loop3A_113 step %parallel_loop3A_114 iter_args(%parallel_loop3A_233 = %add3A_111) -> (vector<16xi32>)  : i32 {
        %parallel_loop3A_234 = arith.constant 16 : i32
        %parallel_loop3A_235 = arith.muli %parallel_loop3A_232, %parallel_loop3A_234 : i32
        %parallel_loop3A_236 = arith.constant 4 : i32
        %parallel_loop3A_237 = arith.index_cast %parallel_loop3A_236 : i32 to index
        %parallel_loop3A_238 = arith.index_cast %parallel_loop3A_235 : i32 to index
        %parallel_loop3A_239 = tpu.vector_load %arg4[%parallel_loop3A_237, %parallel_loop3A_238] {strides = array<i32>} : memref<16x2048xf32, #tpu.memory_space<vmem>>, vector<16xf32>,
        tpu.vector_store_idx %arg6[%parallel_loop3A_233], %parallel_loop3A_239 : memref<32768xf32, #tpu.memory_space<vmem>>[vector<16xi32>], vector<16xf32>,
        %parallel_loop3A_240 = arith.constant 256 : i32
        %parallel_loop3A_241 = vector.broadcast %parallel_loop3A_240 : i32 to vector<16xi32>
        %parallel_loop3A_242 = arith.addi %parallel_loop3A_233, %parallel_loop3A_241 : vector<16xi32>
        scf.yield %parallel_loop3A_242 : vector<16xi32>
      } {sc.loop_unroll_factor = 8 : i64, sc.parallel_access}
      %mul3A_116 = arith.constant 16 : i32
      %mul3A_117 = vector.broadcast %mul3A_116 : i32 to vector<16xi32>
      %mul3A_118 = arith.muli %iota3A, %mul3A_117 : vector<16xi32>
      %add3A_119 = arith.constant 5 : i32
      %add3A_120 = vector.broadcast %add3A_119 : i32 to vector<16xi32>
      %add3A_121 = arith.addi %mul3A_118, %add3A_120 : vector<16xi32>
      %parallel_loop3A_122 = arith.constant 0 : i32
      %parallel_loop3A_123 = arith.constant 112 : i32
      %parallel_loop3A_124 = arith.constant 1 : i32
      %parallel_loop3A_125 = scf.for %parallel_loop3A_232 = %parallel_loop3A_122 to %parallel_loop3A_123 step %parallel_loop3A_124 iter_args(%parallel_loop3A_233 = %add3A_121) -> (vector<16xi32>)  : i32 {
        %parallel_loop3A_234 = arith.constant 16 : i32
        %parallel_loop3A_235 = arith.muli %parallel_loop3A_232, %parallel_loop3A_234 : i32
        %parallel_loop3A_236 = arith.constant 5 : i32
        %parallel_loop3A_237 = arith.index_cast %parallel_loop3A_236 : i32 to index
        %parallel_loop3A_238 = arith.index_cast %parallel_loop3A_235 : i32 to index
        %parallel_loop3A_239 = tpu.vector_load %arg4[%parallel_loop3A_237, %parallel_loop3A_238] {strides = array<i32>} : memref<16x2048xf32, #tpu.memory_space<vmem>>, vector<16xf32>,
        tpu.vector_store_idx %arg6[%parallel_loop3A_233], %parallel_loop3A_239 : memref<32768xf32, #tpu.memory_space<vmem>>[vector<16xi32>], vector<16xf32>,
        %parallel_loop3A_240 = arith.constant 256 : i32
        %parallel_loop3A_241 = vector.broadcast %parallel_loop3A_240 : i32 to vector<16xi32>
        %parallel_loop3A_242 = arith.addi %parallel_loop3A_233, %parallel_loop3A_241 : vector<16xi32>
        scf.yield %parallel_loop3A_242 : vector<16xi32>
      } {sc.loop_unroll_factor = 8 : i64, sc.parallel_access}
      %mul3A_126 = arith.constant 16 : i32
      %mul3A_127 = vector.broadcast %mul3A_126 : i32 to vector<16xi32>
      %mul3A_128 = arith.muli %iota3A, %mul3A_127 : vector<16xi32>
      %add3A_129 = arith.constant 6 : i32
      %add3A_130 = vector.broadcast %add3A_129 : i32 to vector<16xi32>
      %add3A_131 = arith.addi %mul3A_128, %add3A_130 : vector<16xi32>
      %parallel_loop3A_132 = arith.constant 0 : i32
      %parallel_loop3A_133 = arith.constant 112 : i32
      %parallel_loop3A_134 = arith.constant 1 : i32
      %parallel_loop3A_135 = scf.for %parallel_loop3A_232 = %parallel_loop3A_132 to %parallel_loop3A_133 step %parallel_loop3A_134 iter_args(%parallel_loop3A_233 = %add3A_131) -> (vector<16xi32>)  : i32 {
        %parallel_loop3A_234 = arith.constant 16 : i32
        %parallel_loop3A_235 = arith.muli %parallel_loop3A_232, %parallel_loop3A_234 : i32
        %parallel_loop3A_236 = arith.constant 6 : i32
        %parallel_loop3A_237 = arith.index_cast %parallel_loop3A_236 : i32 to index
        %parallel_loop3A_238 = arith.index_cast %parallel_loop3A_235 : i32 to index
        %parallel_loop3A_239 = tpu.vector_load %arg4[%parallel_loop3A_237, %parallel_loop3A_238] {strides = array<i32>} : memref<16x2048xf32, #tpu.memory_space<vmem>>, vector<16xf32>,
        tpu.vector_store_idx %arg6[%parallel_loop3A_233], %parallel_loop3A_239 : memref<32768xf32, #tpu.memory_space<vmem>>[vector<16xi32>], vector<16xf32>,
        %parallel_loop3A_240 = arith.constant 256 : i32
        %parallel_loop3A_241 = vector.broadcast %parallel_loop3A_240 : i32 to vector<16xi32>
        %parallel_loop3A_242 = arith.addi %parallel_loop3A_233, %parallel_loop3A_241 : vector<16xi32>
        scf.yield %parallel_loop3A_242 : vector<16xi32>
      } {sc.loop_unroll_factor = 8 : i64, sc.parallel_access}
      %mul3A_136 = arith.constant 16 : i32
      %mul3A_137 = vector.broadcast %mul3A_136 : i32 to vector<16xi32>
      %mul3A_138 = arith.muli %iota3A, %mul3A_137 : vector<16xi32>
      %add3A_139 = arith.constant 7 : i32
      %add3A_140 = vector.broadcast %add3A_139 : i32 to vector<16xi32>
      %add3A_141 = arith.addi %mul3A_138, %add3A_140 : vector<16xi32>
      %parallel_loop3A_142 = arith.constant 0 : i32
      %parallel_loop3A_143 = arith.constant 112 : i32
      %parallel_loop3A_144 = arith.constant 1 : i32
      %parallel_loop3A_145 = scf.for %parallel_loop3A_232 = %parallel_loop3A_142 to %parallel_loop3A_143 step %parallel_loop3A_144 iter_args(%parallel_loop3A_233 = %add3A_141) -> (vector<16xi32>)  : i32 {
        %parallel_loop3A_234 = arith.constant 16 : i32
        %parallel_loop3A_235 = arith.muli %parallel_loop3A_232, %parallel_loop3A_234 : i32
        %parallel_loop3A_236 = arith.constant 7 : i32
        %parallel_loop3A_237 = arith.index_cast %parallel_loop3A_236 : i32 to index
        %parallel_loop3A_238 = arith.index_cast %parallel_loop3A_235 : i32 to index
        %parallel_loop3A_239 = tpu.vector_load %arg4[%parallel_loop3A_237, %parallel_loop3A_238] {strides = array<i32>} : memref<16x2048xf32, #tpu.memory_space<vmem>>, vector<16xf32>,
        tpu.vector_store_idx %arg6[%parallel_loop3A_233], %parallel_loop3A_239 : memref<32768xf32, #tpu.memory_space<vmem>>[vector<16xi32>], vector<16xf32>,
        %parallel_loop3A_240 = arith.constant 256 : i32
        %parallel_loop3A_241 = vector.broadcast %parallel_loop3A_240 : i32 to vector<16xi32>
        %parallel_loop3A_242 = arith.addi %parallel_loop3A_233, %parallel_loop3A_241 : vector<16xi32>
        scf.yield %parallel_loop3A_242 : vector<16xi32>
      } {sc.loop_unroll_factor = 8 : i64, sc.parallel_access}
      %mul3A_146 = arith.constant 16 : i32
      %mul3A_147 = vector.broadcast %mul3A_146 : i32 to vector<16xi32>
      %mul3A_148 = arith.muli %iota3A, %mul3A_147 : vector<16xi32>
      %add3A_149 = arith.constant 8 : i32
      %add3A_150 = vector.broadcast %add3A_149 : i32 to vector<16xi32>
      %add3A_151 = arith.addi %mul3A_148, %add3A_150 : vector<16xi32>
      %parallel_loop3A_152 = arith.constant 0 : i32
      %parallel_loop3A_153 = arith.constant 112 : i32
      %parallel_loop3A_154 = arith.constant 1 : i32
      %parallel_loop3A_155 = scf.for %parallel_loop3A_232 = %parallel_loop3A_152 to %parallel_loop3A_153 step %parallel_loop3A_154 iter_args(%parallel_loop3A_233 = %add3A_151) -> (vector<16xi32>)  : i32 {
        %parallel_loop3A_234 = arith.constant 16 : i32
        %parallel_loop3A_235 = arith.muli %parallel_loop3A_232, %parallel_loop3A_234 : i32
        %parallel_loop3A_236 = arith.constant 8 : i32
        %parallel_loop3A_237 = arith.index_cast %parallel_loop3A_236 : i32 to index
        %parallel_loop3A_238 = arith.index_cast %parallel_loop3A_235 : i32 to index
        %parallel_loop3A_239 = tpu.vector_load %arg4[%parallel_loop3A_237, %parallel_loop3A_238] {strides = array<i32>} : memref<16x2048xf32, #tpu.memory_space<vmem>>, vector<16xf32>,
        tpu.vector_store_idx %arg6[%parallel_loop3A_233], %parallel_loop3A_239 : memref<32768xf32, #tpu.memory_space<vmem>>[vector<16xi32>], vector<16xf32>,
        %parallel_loop3A_240 = arith.constant 256 : i32
        %parallel_loop3A_241 = vector.broadcast %parallel_loop3A_240 : i32 to vector<16xi32>
        %parallel_loop3A_242 = arith.addi %parallel_loop3A_233, %parallel_loop3A_241 : vector<16xi32>
        scf.yield %parallel_loop3A_242 : vector<16xi32>
      } {sc.loop_unroll_factor = 8 : i64, sc.parallel_access}
      %mul3A_156 = arith.constant 16 : i32
      %mul3A_157 = vector.broadcast %mul3A_156 : i32 to vector<16xi32>
      %mul3A_158 = arith.muli %iota3A, %mul3A_157 : vector<16xi32>
      %add3A_159 = arith.constant 9 : i32
      %add3A_160 = vector.broadcast %add3A_159 : i32 to vector<16xi32>
      %add3A_161 = arith.addi %mul3A_158, %add3A_160 : vector<16xi32>
      %parallel_loop3A_162 = arith.constant 0 : i32
      %parallel_loop3A_163 = arith.constant 112 : i32
      %parallel_loop3A_164 = arith.constant 1 : i32
      %parallel_loop3A_165 = scf.for %parallel_loop3A_232 = %parallel_loop3A_162 to %parallel_loop3A_163 step %parallel_loop3A_164 iter_args(%parallel_loop3A_233 = %add3A_161) -> (vector<16xi32>)  : i32 {
        %parallel_loop3A_234 = arith.constant 16 : i32
        %parallel_loop3A_235 = arith.muli %parallel_loop3A_232, %parallel_loop3A_234 : i32
        %parallel_loop3A_236 = arith.constant 9 : i32
        %parallel_loop3A_237 = arith.index_cast %parallel_loop3A_236 : i32 to index
        %parallel_loop3A_238 = arith.index_cast %parallel_loop3A_235 : i32 to index
        %parallel_loop3A_239 = tpu.vector_load %arg4[%parallel_loop3A_237, %parallel_loop3A_238] {strides = array<i32>} : memref<16x2048xf32, #tpu.memory_space<vmem>>, vector<16xf32>,
        tpu.vector_store_idx %arg6[%parallel_loop3A_233], %parallel_loop3A_239 : memref<32768xf32, #tpu.memory_space<vmem>>[vector<16xi32>], vector<16xf32>,
        %parallel_loop3A_240 = arith.constant 256 : i32
        %parallel_loop3A_241 = vector.broadcast %parallel_loop3A_240 : i32 to vector<16xi32>
        %parallel_loop3A_242 = arith.addi %parallel_loop3A_233, %parallel_loop3A_241 : vector<16xi32>
        scf.yield %parallel_loop3A_242 : vector<16xi32>
      } {sc.loop_unroll_factor = 8 : i64, sc.parallel_access}
      %mul3A_166 = arith.constant 16 : i32
      %mul3A_167 = vector.broadcast %mul3A_166 : i32 to vector<16xi32>
      %mul3A_168 = arith.muli %iota3A, %mul3A_167 : vector<16xi32>
      %add3A_169 = arith.constant 10 : i32
      %add3A_170 = vector.broadcast %add3A_169 : i32 to vector<16xi32>
      %add3A_171 = arith.addi %mul3A_168, %add3A_170 : vector<16xi32>
      %parallel_loop3A_172 = arith.constant 0 : i32
      %parallel_loop3A_173 = arith.constant 112 : i32
      %parallel_loop3A_174 = arith.constant 1 : i32
      %parallel_loop3A_175 = scf.for %parallel_loop3A_232 = %parallel_loop3A_172 to %parallel_loop3A_173 step %parallel_loop3A_174 iter_args(%parallel_loop3A_233 = %add3A_171) -> (vector<16xi32>)  : i32 {
        %parallel_loop3A_234 = arith.constant 16 : i32
        %parallel_loop3A_235 = arith.muli %parallel_loop3A_232, %parallel_loop3A_234 : i32
        %parallel_loop3A_236 = arith.constant 10 : i32
        %parallel_loop3A_237 = arith.index_cast %parallel_loop3A_236 : i32 to index
        %parallel_loop3A_238 = arith.index_cast %parallel_loop3A_235 : i32 to index
        %parallel_loop3A_239 = tpu.vector_load %arg4[%parallel_loop3A_237, %parallel_loop3A_238] {strides = array<i32>} : memref<16x2048xf32, #tpu.memory_space<vmem>>, vector<16xf32>,
        tpu.vector_store_idx %arg6[%parallel_loop3A_233], %parallel_loop3A_239 : memref<32768xf32, #tpu.memory_space<vmem>>[vector<16xi32>], vector<16xf32>,
        %parallel_loop3A_240 = arith.constant 256 : i32
        %parallel_loop3A_241 = vector.broadcast %parallel_loop3A_240 : i32 to vector<16xi32>
        %parallel_loop3A_242 = arith.addi %parallel_loop3A_233, %parallel_loop3A_241 : vector<16xi32>
        scf.yield %parallel_loop3A_242 : vector<16xi32>
      } {sc.loop_unroll_factor = 8 : i64, sc.parallel_access}
      %mul3A_176 = arith.constant 16 : i32
      %mul3A_177 = vector.broadcast %mul3A_176 : i32 to vector<16xi32>
      %mul3A_178 = arith.muli %iota3A, %mul3A_177 : vector<16xi32>
      %add3A_179 = arith.constant 11 : i32
      %add3A_180 = vector.broadcast %add3A_179 : i32 to vector<16xi32>
      %add3A_181 = arith.addi %mul3A_178, %add3A_180 : vector<16xi32>
      %parallel_loop3A_182 = arith.constant 0 : i32
      %parallel_loop3A_183 = arith.constant 112 : i32
      %parallel_loop3A_184 = arith.constant 1 : i32
      %parallel_loop3A_185 = scf.for %parallel_loop3A_232 = %parallel_loop3A_182 to %parallel_loop3A_183 step %parallel_loop3A_184 iter_args(%parallel_loop3A_233 = %add3A_181) -> (vector<16xi32>)  : i32 {
        %parallel_loop3A_234 = arith.constant 16 : i32
        %parallel_loop3A_235 = arith.muli %parallel_loop3A_232, %parallel_loop3A_234 : i32
        %parallel_loop3A_236 = arith.constant 11 : i32
        %parallel_loop3A_237 = arith.index_cast %parallel_loop3A_236 : i32 to index
        %parallel_loop3A_238 = arith.index_cast %parallel_loop3A_235 : i32 to index
        %parallel_loop3A_239 = tpu.vector_load %arg4[%parallel_loop3A_237, %parallel_loop3A_238] {strides = array<i32>} : memref<16x2048xf32, #tpu.memory_space<vmem>>, vector<16xf32>,
        tpu.vector_store_idx %arg6[%parallel_loop3A_233], %parallel_loop3A_239 : memref<32768xf32, #tpu.memory_space<vmem>>[vector<16xi32>], vector<16xf32>,
        %parallel_loop3A_240 = arith.constant 256 : i32
        %parallel_loop3A_241 = vector.broadcast %parallel_loop3A_240 : i32 to vector<16xi32>
        %parallel_loop3A_242 = arith.addi %parallel_loop3A_233, %parallel_loop3A_241 : vector<16xi32>
        scf.yield %parallel_loop3A_242 : vector<16xi32>
      } {sc.loop_unroll_factor = 8 : i64, sc.parallel_access}
      %mul3A_186 = arith.constant 16 : i32
      %mul3A_187 = vector.broadcast %mul3A_186 : i32 to vector<16xi32>
      %mul3A_188 = arith.muli %iota3A, %mul3A_187 : vector<16xi32>
      %add3A_189 = arith.constant 12 : i32
      %add3A_190 = vector.broadcast %add3A_189 : i32 to vector<16xi32>
      %add3A_191 = arith.addi %mul3A_188, %add3A_190 : vector<16xi32>
      %parallel_loop3A_192 = arith.constant 0 : i32
      %parallel_loop3A_193 = arith.constant 112 : i32
      %parallel_loop3A_194 = arith.constant 1 : i32
      %parallel_loop3A_195 = scf.for %parallel_loop3A_232 = %parallel_loop3A_192 to %parallel_loop3A_193 step %parallel_loop3A_194 iter_args(%parallel_loop3A_233 = %add3A_191) -> (vector<16xi32>)  : i32 {
        %parallel_loop3A_234 = arith.constant 16 : i32
        %parallel_loop3A_235 = arith.muli %parallel_loop3A_232, %parallel_loop3A_234 : i32
        %parallel_loop3A_236 = arith.constant 12 : i32
        %parallel_loop3A_237 = arith.index_cast %parallel_loop3A_236 : i32 to index
        %parallel_loop3A_238 = arith.index_cast %parallel_loop3A_235 : i32 to index
        %parallel_loop3A_239 = tpu.vector_load %arg4[%parallel_loop3A_237, %parallel_loop3A_238] {strides = array<i32>} : memref<16x2048xf32, #tpu.memory_space<vmem>>, vector<16xf32>,
        tpu.vector_store_idx %arg6[%parallel_loop3A_233], %parallel_loop3A_239 : memref<32768xf32, #tpu.memory_space<vmem>>[vector<16xi32>], vector<16xf32>,
        %parallel_loop3A_240 = arith.constant 256 : i32
        %parallel_loop3A_241 = vector.broadcast %parallel_loop3A_240 : i32 to vector<16xi32>
        %parallel_loop3A_242 = arith.addi %parallel_loop3A_233, %parallel_loop3A_241 : vector<16xi32>
        scf.yield %parallel_loop3A_242 : vector<16xi32>
      } {sc.loop_unroll_factor = 8 : i64, sc.parallel_access}
      %mul3A_196 = arith.constant 16 : i32
      %mul3A_197 = vector.broadcast %mul3A_196 : i32 to vector<16xi32>
      %mul3A_198 = arith.muli %iota3A, %mul3A_197 : vector<16xi32>
      %add3A_199 = arith.constant 13 : i32
      %add3A_200 = vector.broadcast %add3A_199 : i32 to vector<16xi32>
      %add3A_201 = arith.addi %mul3A_198, %add3A_200 : vector<16xi32>
      %parallel_loop3A_202 = arith.constant 0 : i32
      %parallel_loop3A_203 = arith.constant 112 : i32
      %parallel_loop3A_204 = arith.constant 1 : i32
      %parallel_loop3A_205 = scf.for %parallel_loop3A_232 = %parallel_loop3A_202 to %parallel_loop3A_203 step %parallel_loop3A_204 iter_args(%parallel_loop3A_233 = %add3A_201) -> (vector<16xi32>)  : i32 {
        %parallel_loop3A_234 = arith.constant 16 : i32
        %parallel_loop3A_235 = arith.muli %parallel_loop3A_232, %parallel_loop3A_234 : i32
        %parallel_loop3A_236 = arith.constant 13 : i32
        %parallel_loop3A_237 = arith.index_cast %parallel_loop3A_236 : i32 to index
        %parallel_loop3A_238 = arith.index_cast %parallel_loop3A_235 : i32 to index
        %parallel_loop3A_239 = tpu.vector_load %arg4[%parallel_loop3A_237, %parallel_loop3A_238] {strides = array<i32>} : memref<16x2048xf32, #tpu.memory_space<vmem>>, vector<16xf32>,
        tpu.vector_store_idx %arg6[%parallel_loop3A_233], %parallel_loop3A_239 : memref<32768xf32, #tpu.memory_space<vmem>>[vector<16xi32>], vector<16xf32>,
        %parallel_loop3A_240 = arith.constant 256 : i32
        %parallel_loop3A_241 = vector.broadcast %parallel_loop3A_240 : i32 to vector<16xi32>
        %parallel_loop3A_242 = arith.addi %parallel_loop3A_233, %parallel_loop3A_241 : vector<16xi32>
        scf.yield %parallel_loop3A_242 : vector<16xi32>
      } {sc.loop_unroll_factor = 8 : i64, sc.parallel_access}
      %mul3A_206 = arith.constant 16 : i32
      %mul3A_207 = vector.broadcast %mul3A_206 : i32 to vector<16xi32>
      %mul3A_208 = arith.muli %iota3A, %mul3A_207 : vector<16xi32>
      %add3A_209 = arith.constant 14 : i32
      %add3A_210 = vector.broadcast %add3A_209 : i32 to vector<16xi32>
      %add3A_211 = arith.addi %mul3A_208, %add3A_210 : vector<16xi32>
      %parallel_loop3A_212 = arith.constant 0 : i32
      %parallel_loop3A_213 = arith.constant 112 : i32
      %parallel_loop3A_214 = arith.constant 1 : i32
      %parallel_loop3A_215 = scf.for %parallel_loop3A_232 = %parallel_loop3A_212 to %parallel_loop3A_213 step %parallel_loop3A_214 iter_args(%parallel_loop3A_233 = %add3A_211) -> (vector<16xi32>)  : i32 {
        %parallel_loop3A_234 = arith.constant 16 : i32
        %parallel_loop3A_235 = arith.muli %parallel_loop3A_232, %parallel_loop3A_234 : i32
        %parallel_loop3A_236 = arith.constant 14 : i32
        %parallel_loop3A_237 = arith.index_cast %parallel_loop3A_236 : i32 to index
        %parallel_loop3A_238 = arith.index_cast %parallel_loop3A_235 : i32 to index
        %parallel_loop3A_239 = tpu.vector_load %arg4[%parallel_loop3A_237, %parallel_loop3A_238] {strides = array<i32>} : memref<16x2048xf32, #tpu.memory_space<vmem>>, vector<16xf32>,
        tpu.vector_store_idx %arg6[%parallel_loop3A_233], %parallel_loop3A_239 : memref<32768xf32, #tpu.memory_space<vmem>>[vector<16xi32>], vector<16xf32>,
        %parallel_loop3A_240 = arith.constant 256 : i32
        %parallel_loop3A_241 = vector.broadcast %parallel_loop3A_240 : i32 to vector<16xi32>
        %parallel_loop3A_242 = arith.addi %parallel_loop3A_233, %parallel_loop3A_241 : vector<16xi32>
        scf.yield %parallel_loop3A_242 : vector<16xi32>
      } {sc.loop_unroll_factor = 8 : i64, sc.parallel_access}
      %mul3A_216 = arith.constant 16 : i32
      %mul3A_217 = vector.broadcast %mul3A_216 : i32 to vector<16xi32>
      %mul3A_218 = arith.muli %iota3A, %mul3A_217 : vector<16xi32>
      %add3A_219 = arith.constant 15 : i32
      %add3A_220 = vector.broadcast %add3A_219 : i32 to vector<16xi32>
      %add3A_221 = arith.addi %mul3A_218, %add3A_220 : vector<16xi32>
      %parallel_loop3A_222 = arith.constant 0 : i32
      %parallel_loop3A_223 = arith.constant 112 : i32
      %parallel_loop3A_224 = arith.constant 1 : i32
      %parallel_loop3A_225 = scf.for %parallel_loop3A_232 = %parallel_loop3A_222 to %parallel_loop3A_223 step %parallel_loop3A_224 iter_args(%parallel_loop3A_233 = %add3A_221) -> (vector<16xi32>)  : i32 {
        %parallel_loop3A_234 = arith.constant 16 : i32
        %parallel_loop3A_235 = arith.muli %parallel_loop3A_232, %parallel_loop3A_234 : i32
        %parallel_loop3A_236 = arith.constant 15 : i32
        %parallel_loop3A_237 = arith.index_cast %parallel_loop3A_236 : i32 to index
        %parallel_loop3A_238 = arith.index_cast %parallel_loop3A_235 : i32 to index
        %parallel_loop3A_239 = tpu.vector_load %arg4[%parallel_loop3A_237, %parallel_loop3A_238] {strides = array<i32>} : memref<16x2048xf32, #tpu.memory_space<vmem>>, vector<16xf32>,
        tpu.vector_store_idx %arg6[%parallel_loop3A_233], %parallel_loop3A_239 : memref<32768xf32, #tpu.memory_space<vmem>>[vector<16xi32>], vector<16xf32>,
        %parallel_loop3A_240 = arith.constant 256 : i32
        %parallel_loop3A_241 = vector.broadcast %parallel_loop3A_240 : i32 to vector<16xi32>
        %parallel_loop3A_242 = arith.addi %parallel_loop3A_233, %parallel_loop3A_241 : vector<16xi32>
        scf.yield %parallel_loop3A_242 : vector<16xi32>
      } {sc.loop_unroll_factor = 8 : i64, sc.parallel_access}
      %mul3A_226 = arith.constant 100096 : i32
      %mul3A_227 = arith.muli %select_n3A, %mul3A_226 : i32
      %add3A_228 = arith.addi %mul3A_227, %add3A_65 : i32
      %mul3A_229 = arith.constant 16 : i32
      %mul3A_230 = arith.muli %add3A_228, %mul3A_229 : i32
      %multiple_of3A_231 = tpu.assume_multiple %mul3A_230, 1024 : i32
      "tpu.region"() ({
        %run_scoped3A = tpu.sem_alloc : memref<!tpu.dma_semaphore, #tpu.memory_space<semaphore_mem>>
        %dma_start3A_232 = arith.constant 0 : i32
        %dma_start3A_233 = tpu.memref_slice %arg6[%dma_start3A_232] : memref<32768xf32, #tpu.memory_space<vmem>> -> memref<28672xf32, #tpu.memory_space<vmem>>
        %dma_start3A_234 = tpu.memref_slice %arg3[%multiple_of3A_231] : memref<12812288xf32, #tpu.memory_space<hbm>> -> memref<28672xf32, #tpu.memory_space<hbm>>
        %dma_start3A_235 = tpu.memref_slice %arg3[%multiple_of3A_231] : memref<12812288xf32, #tpu.memory_space<hbm>> -> memref<28672xf32, #tpu.memory_space<hbm>>
        %dma_start3A_236 = arith.constant 0 : i32
        %dma_start3A_237 = tpu.memref_slice %arg6[%dma_start3A_236] : memref<32768xf32, #tpu.memory_space<vmem>> -> memref<28672xf32, #tpu.memory_space<vmem>>
        tpu.enqueue_dma source(%dma_start3A_237 : memref<28672xf32, #tpu.memory_space<vmem>>) target(%dma_start3A_235 : memref<28672xf32, #tpu.memory_space<hbm>>) target_semaphore(%run_scoped3A : memref<!tpu.dma_semaphore, #tpu.memory_space<semaphore_mem>>)
        %dma_wait3A = arith.constant 0 : i32
        %dma_wait3A_238 = tpu.memref_slice %arg6[%dma_wait3A] : memref<32768xf32, #tpu.memory_space<vmem>> -> memref<28672xf32, #tpu.memory_space<vmem>>
        %dma_wait3A_239 = tpu.memref_slice %arg3[%multiple_of3A_231] : memref<12812288xf32, #tpu.memory_space<hbm>> -> memref<28672xf32, #tpu.memory_space<hbm>>
        %dma_wait3A_240 = tpu.memref_slice %arg3[%multiple_of3A_231] : memref<12812288xf32, #tpu.memory_space<hbm>> -> memref<28672xf32, #tpu.memory_space<hbm>>
        %dma_wait3A_241 = arith.constant 0 : i32
        %dma_wait3A_242 = tpu.memref_slice %arg6[%dma_wait3A_241] : memref<32768xf32, #tpu.memory_space<vmem>> -> memref<28672xf32, #tpu.memory_space<vmem>>
        tpu.wait_dma2 semaphore(%run_scoped3A : memref<!tpu.dma_semaphore, #tpu.memory_space<semaphore_mem>>) src(%dma_wait3A_242 : memref<28672xf32, #tpu.memory_space<vmem>>) dst(%dma_wait3A_240 : memref<28672xf32, #tpu.memory_space<hbm>>)
        tpu.yield
      }) : () -> ()
    } else {
    }
    return
  }
}

</mosaic_0001>

<sc_bundles>
// kernel: kernel.4.cloned.1.call-start
scs
__scs_entry_jumppad:
0x0: {  	(pc) =	sbr.rel $0x88, $3  }
0x1: {  	(tag) =	ssettag $0x0;
	lr =	simm.s32 $0x1  }
0x2: {  	[smem:$0x3F9F] =	sst lr;
	_ =	strace $0xD0000000  }
0x3: {  	_ = 	snop  }
0x4: {  	_ = 	snop  }
0x5: {  	_ = 	snop  }
0x6: {  	_ = 	snop  }
0x7: {  	_ = 	snop  }
__scs_overlays_trampoline_lowered:
0x8: {  	[smem:$0x3FAE] =	sst s0  }
0x9: {  	[smem:$0x3FAF] =	sst s1  }
0xa: {  	[smem:$0x3FB0] =	sst s2  }
0xb: {  	[smem:$0x3FB1] =	sst s3  }
0xc: {  	[smem:$0x3FB2] =	sst s4  }
0xd: {  	[smem:$0x3FB3] =	sst s5  }
0xe: {  	[smem:$0x3FB4] =	sst s6  }
0xf: {  	[smem:$0x3FB5] =	sst s7  }
0x10: {  	[smem:$0x3FB6] =	sst s8  }
0x11: {  	[smem:$0x3FB7] =	sst s9;
	s0 =	simm.s32 @!p0 $0x0  }
0x12: {  	s1 =	sld [smem:$0x3F9D];
	s0 =	simm.s32 @p0 $0x1  }
0x13: {  	[smem:$0x3FB8] =	sst s0;
	s0 =	simm.s32 @!p1 $0x0  }
0x14: {  	s2 =	sld [smem:$0x3F9C];
	s0 =	simm.s32 @p1 $0x1  }
0x15: {  	[smem:$0x3FB9] =	sst s0;
	s0 =	simm.s32 @!p2 $0x0  }
0x16: {  	s3 =	sld [smem:$0x3FDB];
	s0 =	simm.s32 @p2 $0x1  }
0x17: {  	s4 =	simm.s32 $0x1BF5;
	[smem:$0x3FBB] =	sst s0  }
0x18: {  	s0 =	sld [smem:$0x3F9E];
	_ =	swait.ge [sflag:s4], $0x0  }
0x19: {  	s7 =	sld [smem:$0x3F9F]  }
0x1a: {  	s8 =	sadd.s32 $0xFFFFE003, lr  }
0x1b: {  	s9 =	sadd.s32 $0xFFFFFEF7, lr;
	s5 =	simm.s32 $0xFFFFFFFF;
	p2 =	slt.u32 s8, $0xFFFFF086  }
0x1c: {  	p1 =	slt.u32 s9, $0xF7A;
	s5 =	simm.s32 @!p2 $0x0  }
0x1d: {  	s5 =	simm.s32 @p1 $0x1;
	p0 =	seq.s32 s7, s2  }
0x1e: {  	s7 =	smul.u32 @!p0 $0xF7A, s2;
	p2 =	seq.s32 @!p0 s5, $0x0  }
0x1f: {  	s9 =	smul.u32 $0xF7A, s1;
	s8 =	simm.s32 @!p0 $0x1BF5;
	p2 =	por !p2, p0  }
0x20: {  	[sflag:s8] =	ssyncset.s32 @!p0 $0xFFFFF086;
	s6 =	sadd.s32 @!p0 s3, s7;
	s7 =	simm.s32 @!p0 $0x108  }
0x21: {  	s3 =	sadd.s32 s3, s9;
	s6 =	sadd.s32 @!p0 $0x88, s6;
	s7 =	simm.s32 @p2 $0x1082  }
0x22: {  	[simem:s7], [sflag:s8] =	dma.local @!p0 [hbm:s6], $0xF7A  }
0x23: {  	s9 =	sor.u32 $0xD0000000, s2;
	s6 =	simm.s32 $0x108;
	_ =	swait.ge @!p0 [sflag:s8], $0x0  }
0x24: {  	s3 =	sadd.s32 $0x88, s3;
	s6 =	simm.s32 @!p1 $0x1082;
	[sflag:s4] =	ssyncset.s32 $0xFFFFF086  }
0x25: {  	[simem:s6], [sflag:s4] =	dma.local [hbm:s3], $0xF7A  }
0x26: {  	[smem:$0x3F9F] =	sst s1;
	(tag) =	ssettag s2;
	_ =	strace s9  }
0x27: {  	s1 =	sld [smem:$0x3FAF]  }
0x28: {  	s2 =	sld [smem:$0x3FB0]  }
0x29: {  	s4 =	sld [smem:$0x3FB2]  }
0x2a: {  	p0 =	seq.s32 s5, $0x0;
	s5 =	sld [smem:$0x3FB3]  }
0x2b: {  	s6 =	sld [smem:$0x3FB4]  }
0x2c: {  	s7 =	sld [smem:$0x3FB5]  }
0x2d: {  	s3 =	simm.s32 $0x108;
	s8 =	sld [smem:$0x3FB6]  }
0x2e: {  	s3 =	simm.s32 @!p0 $0x1082;
	s9 =	sld [smem:$0x3FB7]  }
0x2f: {  	lr =	sadd.s32 s0, s3;
	s0 =	sld [smem:$0x3FAE]  }
0x30: {  	s3 =	sld [smem:$0x3FB1]  }
0x31: {  	[smem:$0x3FBA] =	sst s10  }
0x32: {  	s10 =	sld [smem:$0x3FB8];
	_ =	sdelay $0x3  }
0x33: {  	p0 =	seq.s32 s10, $0x1;
	s10 =	sld [smem:$0x3FBA];
	_ =	sdelay $0x3  }
0x34: {  	[smem:$0x3FBA] =	sst s10  }
0x35: {  	s10 =	sld [smem:$0x3FB9];
	_ =	sdelay $0x3  }
0x36: {  	p1 =	seq.s32 s10, $0x1;
	s10 =	sld [smem:$0x3FBA];
	_ =	sdelay $0x3  }
0x37: {  	[smem:$0x3FBA] =	sst s10  }
0x38: {  	s10 =	sld [smem:$0x3FBB]  }
0x39: {  	_ = 	snop;
	(pc) =	sbr.ind lr, $3  }
0x3a: {  	_ = 	snop  }
0x3b: {  	_ = 	snop  }
0x3c: {  	p2 =	seq.s32 s10, $0x1;
	s10 =	sld [smem:$0x3FBA]  }
0x3d: {  	_ =	shalt  }
0x3e: {  	_ =	shalt  }
0x3f: {  	_ =	shalt  }
0x40: {  	_ =	shalt  }
0x41: {  	_ =	shalt  }
0x42: {  	_ =	shalt  }
0x43: {  	_ =	shalt  }
0x44: {  	_ =	shalt  }
0x45: {  	_ =	shalt  }
0x46: {  	_ =	shalt  }
0x47: {  	_ =	shalt  }
0x48: {  	_ =	shalt  }
0x49: {  	_ =	shalt  }
0x4a: {  	_ =	shalt  }
0x4b: {  	_ =	shalt  }
0x4c: {  	_ =	shalt  }
0x4d: {  	_ =	shalt  }
0x4e: {  	_ =	shalt  }
0x4f: {  	_ =	shalt  }
0x50: {  	_ =	shalt  }
0x51: {  	_ =	shalt  }
0x52: {  	_ =	shalt  }
0x53: {  	_ =	shalt  }
0x54: {  	_ =	shalt  }
0x55: {  	_ =	shalt  }
0x56: {  	_ =	shalt  }
0x57: {  	_ =	shalt  }
0x58: {  	_ =	shalt  }
0x59: {  	_ =	shalt  }
0x5a: {  	_ =	shalt  }
0x5b: {  	_ =	shalt  }
0x5c: {  	_ =	shalt  }
0x5d: {  	_ =	shalt  }
0x5e: {  	_ =	shalt  }
0x5f: {  	_ =	shalt  }
0x60: {  	_ =	shalt  }
0x61: {  	_ =	shalt  }
0x62: {  	_ =	shalt  }
0x63: {  	_ =	shalt  }
0x64: {  	_ =	shalt  }
0x65: {  	_ =	shalt  }
0x66: {  	_ =	shalt  }
0x67: {  	_ =	shalt  }
0x68: {  	_ =	shalt  }
0x69: {  	_ =	shalt  }
0x6a: {  	_ =	shalt  }
0x6b: {  	_ =	shalt  }
0x6c: {  	_ =	shalt  }
0x6d: {  	_ =	shalt  }
0x6e: {  	_ =	shalt  }
0x6f: {  	_ =	shalt  }
0x70: {  	_ =	shalt  }
0x71: {  	_ =	shalt  }
0x72: {  	_ =	shalt  }
0x73: {  	_ =	shalt  }
0x74: {  	_ =	shalt  }
0x75: {  	_ =	shalt  }
0x76: {  	_ =	shalt  }
0x77: {  	_ =	shalt  }
0x78: {  	_ =	shalt  }
0x79: {  	_ =	shalt  }
0x7a: {  	_ =	shalt  }
0x7b: {  	_ =	shalt  }
0x7c: {  	_ =	shalt  }
0x7d: {  	_ =	shalt  }
0x7e: {  	_ =	shalt  }
0x7f: {  	_ =	shalt  }
0x80: {  	_ =	shalt  }
0x81: {  	_ =	shalt  }
0x82: {  	_ =	shalt  }
0x83: {  	_ =	shalt  }
0x84: {  	_ =	shalt  }
0x85: {  	_ =	shalt  }
0x86: {  	_ =	shalt  }
0x87: {  	_ =	shalt  }
.Lfunc_end0:
.L_simem_size_0:
called_computation_lowered:
.L_overlay_start_0:
0x88: {  	s2 =	sld [smem:$0x3FD9]  }
0x89: {  	s3 =	sld [smem:$0x3FFE];
	_ =	sdelay $0x1  }
0x8a: {  	s1 =	srdreg.scid  }
0x8b: {  	s0 =	sand.u32 $0x1, s1  }
0x8c: {  	s17 =	sshll.u32 s0, $0xA;
	s2 =	sadd.s32 s3, s2  }
0x8d: {  	s2 =	sadd.s32 s2, s17  }
0x8e: {  	[smem:$0x3FC6] =	sst s2  }
0x8f: {  	_ = 	snop  }
0x90: {  	s2 =	sld [smem:$0x3FC8];
	(tm) =	ssettm $0x1  }
0x91: {  	s18 =	sld [smem:$0x3FFB];
	_ =	sdelay $0x3  }
0x92: {  	_ =	strace s18  }
0x93: {  	s3 =	sld [smem:$0x3FFC];
	_ =	sdelay $0x3  }
0x94: {  	_ =	strace s3  }
0x95: {  	s3 =	sld [smem:$0x3FFD];
	_ =	sdelay $0x3  }
0x96: {  	_ =	strace s3  }
0x97: {  	_ =	strace $0x8FFFFFFF  }
0x98: {  	s19 =	sld [smem:$0x3FDB];
	_ =	sdelay $0x1  }
0x99: {  	s4 =	simm.s32 $_scs_section_size  }
0x9a: {  	s5 =	simm.s32 $_size__tile_overlayer_lowered;
	s6 =	simm.s32 $_tile_overlayer_lowered  }
0x9b: {  	s22 =	simm.s32 $0x1BFF;
	s21 =	sshll.u32 s6, $0x1;
	s3 =	sadd.s32 s4, s19  }
0x9c: {  	s7 =	simm.s32 $0x0;
	s20 =	sshll.u32 s5, $0x1;
	s5 =	sadd.s32 s21, s3  }
0x9d: {  	[timem:s7], [sflag:s22] =	dma.local [hbm:s5], s20  }
0x9e: {  	_ =	swait.ge [sflag:s22], s20  }
0x9f: {  	s4 =	ssub.s32 $0x0, s20;
	[sflag:s22] =	ssyncset.done $0x0  }
0xa0: {  	[sflag:s22] =	ssyncadd.s32 s4;
	_ =	sdelay $0x1  }
0xa1: {  	s23 =	simm.s32 $0x1B8B  }
0xa2: {  	_ =	swait.ge [sflag:s23], $0x1  }
0xa3: {  	[sflag:s23] =	ssyncset.done $0x0  }
0xa4: {  	s25 =	simm.s32 $0x1B8E;
	s24 =	sld [smem:$0x3FFE];
	[sflag:s23] =	ssyncadd.s32 $0xFFFFFFFF  }
0xa5: {  	s26 =	simm.s32 $execute0_lowered;
	[smem:$0x3FD2] =	sst s25  }
0xa6: {  	s5 =	sshll.u32 s26, $0x1;
	_ =	strace $0x80000046;
	[dreg:$0x1] =	wrdreg $0xFFFFFFFF  }
0xa7: {  	s28 =	simm.s32 $_size_execute0_lowered;
	s3 =	sadd.s32 s3, s5;
	[dreg:$0x0] =	wrdreg $0x0  }
0xa8: {  	s5 =	sshll.u32 s28, $0x1;
	[dreg:$0x2] =	wrdreg s3  }
0xa9: {  	[dreg:$0x3] =	wrdreg s5  }
0xaa: {  	[dreg:$0x4] =	wrdreg $0xC0  }
0xab: {  	_ =	task [dreg:s7], $0x5FFFF  }
0xac: {  	[dreg:$0x1] =	wrdreg $0xFFFFFFFF  }
0xad: {  	[dreg:$0x0] =	wrdreg $0x60  }
0xae: {  	[dreg:$0x2] =	wrdreg s2  }
0xaf: {  	[dreg:$0x3] =	wrdreg s24  }
0xb0: {  	[dreg:$0x4] =	wrdreg $0x9  }
0xb1: {  	_ =	task.clear_ibuf [dreg:s7], $0x5FFFF;
	_ =	strace $0x90000046  }
0xb2: {  	s29 =	simm.s32 $0x9;
	_ =	strace $0x80000048  }
0xb3: {  	_ =	swait.ge [sflag:s29], $0x1  }
0xb4: {  	[sflag:s29] =	ssyncadd.s32 $0xFFFFFFFF  }
0xb5: {  	_ =	strace $0x90000048  }
0xb6: {  	_ =	sfence  }
0xb7: {  	s30 =	sld [smem:$0x0];
	_ =	sdelay $0x2  }
0xb8: {  	s31 =	sshll.u32 s1, $0xD;
	s1 =	sshrl.u32 s1, $0x2  }
0xb9: {  	s3 =	sand.u32 $0x4000, s31;
	s1 =	sadd.s32 s1, s30  }
0xba: {  	s0 =	sor.u32 s3, s0;
	s1 =	sshll.u32 s1, $0x11  }
0xbb: {  	s0 =	sor.u32 s1, s0  }
0xbc: {  	s0 =	sadd.s32 $0x8F2B, s0  }
0xbd: {  	[sflag:s0] =	ssyncadd.remote.s32 $0x1  }
0xbe: {  	_ =	sfence.sel $0xFFFF  }
0xbf: {  	[dreg:$0x0] =	wrdreg $0xFFFFFFFF;
	(pc) =	sbr.abs _section_cstart, $3  }
0xc0: {  	[dreg:$0x1] =	wrdreg $0xFFFFFFFF  }
0xc1: {  	_ =	task.clear_ibuf [dreg:s7], $0x2FFFF;
	_ =	strace $0x9FFFFFFF  }
0xc2: {  	(tm) =	ssettm $0x7FFFFFFF  }
0xc3: {  	_ =	shalt  }
tec
execute0_lowered:
.L_overlay_start_1:
0x0: {  	(tag) =	ssettag $0x1  }
0x1: {  	s2 =	rddreg [dreg:$0x0]  }
0x2: {  	s5 =	rddreg [dreg:$0x1]  }
0x3: {  	s1 =	stileid.u32;
	s0 =	rddreg [dreg:$0x2]  }
0x4: {  	s3 =	srdreg.scid;
	s13 =	simm.s32 $0x4000;
	s14 =	simm.s32 $0xC3800  }
0x5: {  	s15 =	simm.s32 $0x8000;
	s16 =	simm.s32 $0x1;
	s17 =	simm.s32 $0x10000  }
0x6: {  	s18 =	simm.s32 $0x3;
	s19 =	simm.s32 $0x2;
	s4 =	sshll.u32 s1, $0x1  }
0x7: {  	s6 =	sand.u32 $0x1, s3;
	s7 =	sshrl.u32 s1, $0x1;
	s3 =	simm.s32 $0x0  }
0x8: {  	s5 =	sadd.s32 $0xA00, s5;
	s4 =	sand.u32 $0x2, s4;
	s8 =	smul.u32 $0x187000, s7  }
0x9: {  	v0 =	vlaneseq.u32;
	[smem:$0x7FF] =	sst s3;
	s31 =	smul.u32 $0x30E00, s7;
	s20 =	sor.u32 s6, s4  }
0xa: {  	v0 =	vmul.u32 $0x10, v0;
	s6 =	ssub.s32 $0x2, s6;
	_ =	strace $0x80000047;
	s4 =	sshll.u32 s20, $0xE  }
0xb: {  	s9 =	sshrl.u32 s6, $0x1;
	s10 =	sshll.u32 s20, $0xC;
	s12 =	sadd.s32 s31, s5  }
.Ltmp0:
0xc: {  	v1 =	vor.u32 $0x1, v0;
	v2 =	vor.u32 $0x2, v0;
	v3 =	vor.u32 $0x3, v0;
	p0 =	sne.s32 s20, $0x0;
	s20 =	simm.s32 $0x0;
	(pc) =	sbr.rel .LBB2_1-.Ltmp0, $4  }
0xd: {  	v4 =	vor.u32 $0x4, v0;
	v5 =	vor.u32 $0x5, v0;
	v6 =	vor.u32 $0x6, v0;
	s4 =	sadd.s32 s8, s4;
	s11 =	ssub.s32 s6, s9;
	s8 =	sshrl.u32 s8, $0x3  }
0xe: {  	v7 =	vor.u32 $0x7, v0;
	v8 =	vor.u32 $0x8, v0;
	v9 =	vor.u32 $0x9, v0;
	s9 =	sadd.s32 s31, s10;
	s10 =	sadd.s32 $0x30000, s12;
	s30 =	sshrl.u32 s4, $0x3  }
0xf: {  	v10 =	vor.u32 $0xA, v0;
	v11 =	vor.u32 $0xB, v0;
	v12 =	vor.u32 $0xC, v0;
	[tilespmem:$0x1FFF0] =	vst v0;
	s7 =	sadd.s32 $0x20000, s4;
	s8 =	sadd.s32 s2, s8;
	s11 =	smax.u32 s11, $0x1  }
0x10: {  	v13 =	vor.u32 $0xD, v0;
	v14 =	vor.u32 $0xE, v0;
	v60 =	vor.u32 $0xF, v0;
	[tilespmem:$0x1FFE0] =	vst v1;
	s12 =	sadd.s32 s5, s9;
	s6 =	sadd.s32 s2, s30;
	s8 =	sadd.s32 $0x18000, s8  }
.LBB2_101:
0x11: {  	s20 =	sadd.s32 $0x1, s20  }
0x12: {  	p1 =	sne.s32 s20, s11  }
.Ltmp1:
0x13: {  	_ = 	snop;
	(pc) =	sbr.rel @!p1 .LBB2_102-.Ltmp1, $1  }
0x14: {  	_ =	sdelay $0x3  }
.LBB2_1:
0x15: {  	[tilespmem:s3], [sflag:$0x1] =	stream.strided.gather [hbm4b:s6+s13], $0x8000, s14, s13, $0x38;
	[tilespmem:$0x18000] =	vst v63  }
0x16: {  	s21 =	simm.s32 $0x0  }
.LBB2_2:
0x17: {  	s22 =	sshllo.u32 s21, $0x1  }
0x18: {  	s23 =	sshll.u32 s22, $0x10  }
0x19: {  	s23 =	sadd.s32 s23, s4  }
0x1a: {  	s23 =	sshrl.u32 s23, $0x3  }
0x1b: {  	s23 =	sadd.s32 s2, s23  }
0x1c: {  	[tilespmem:s15], [sflag:$0x2] =	stream.strided.gather [hbm4b:s23+s13], $0x8000, s14, s13, $0x38;
	[tilespmem:$0x18000] =	vst v63  }
0x1d: {  	_ =	swait.ge [sflag:s16], $0x8000  }
0x1e: {  	v24 =	vld [tilespmem:$0x1FFF0];
	_ =	sdelay $0x1  }
0x1f: {  	[sflag:s16] =	ssyncset.done $0x0  }
0x20: {  	s25 =	simm.s32 $0x40;
	[sflag:s16] =	ssyncadd.s32 $0xFFFF8000  }
0x21: {  	v15 =	vld [tilespmem:s25+$0x30]  }
0x22: {  	v18 =	vld [tilespmem:s25+$0xFFFFFFD0];
	v0 =	vadd.s32 $0x700, v24  }
0x23: {  	v22 =	vld [tilespmem:s25+$0xFFFFFFE0]  }
0x24: {  	v21 =	vld [tilespmem:s25+$0xFFFFFFF0];
	v23 =	vadd.s32 $0x100, v24  }
0x25: {  	v20 =	vld [tilespmem:s25+$0x0];
	v1 =	vadd.s32 $0x200, v24  }
0x26: {  	v19 =	vld [tilespmem:s25+$0x10];
	[tilespmem:$0x1FFC0] =	vst v0  }
0x27: {  	[tilespmem:v0+s17+$0x0] =	vst.idx.msk $0xffff, v15  }
0x28: {  	v15 =	vadd.s32 $0x300, v24;
	[tilespmem:$0x1FFD0] =	vst v23  }
0x29: {  	v16 =	vadd.s32 $0x500, v24;
	[tilespmem:v23+s17+$0x0] =	vst.idx.msk $0xffff, v18;
	v18 =	vadd.s32 $0x400, v24  }
0x2a: {  	v17 =	vadd.s32 $0x600, v24;
	[tilespmem:v1+s17+$0x0] =	vst.idx.msk $0xffff, v22;
	v22 =	vmov v16  }
0x2b: {  	v25 =	vld [tilespmem:s25+$0x20];
	v23 =	vmov v17  }
0x2c: {  	s24 =	simm.s32 $0x0;
	s23 =	simm.s32 $0xF0;
	v26 =	vadd.s32 $0x800, v24;
	v27 =	vld [tilespmem:s25+$0xFFFFFFC0];
	s25 =	simm.s32 $0x440  }
.LBB2_3:
0x2d: {  	v28 =	vadd.s32 $0x100, v26;
	v29 =	vadd.s32 $0x200, v26;
	v30 =	vadd.s32 $0x700, v26;
	v31 =	vld [tilespmem:s25+$0x30];
	s24 =	sadd.s32 $0x8, s24;
	[tilespmem:v15+s17+$0x0] =	vst.idx.msk $0xffff, v21  }
0x2e: {  	v15 =	vadd.s32 $0x300, v26;
	v21 =	vadd.s32 $0x500, v26;
	v32 =	vld [tilespmem:s25+$0xFFFFFFD0];
	p1 =	slt.u32 s24, $0x78;
	[tilespmem:v18+s17+$0x0] =	vst.idx.msk $0xffff, v20;
	v18 =	vadd.s32 $0x400, v26  }
0x2f: {  	v20 =	vadd.s32 $0x600, v26;
	v33 =	vld [tilespmem:s25+$0xFFFFFFE0];
	[tilespmem:v22+s17+$0x0] =	vst.idx.msk $0xffff, v19;
	v22 =	vmov v21  }
.Ltmp2:
0x30: {  	v21 =	vld [tilespmem:s25+$0xFFFFFFF0];
	[tilespmem:v23+s17+$0x0] =	vst.idx.msk $0xffff, v25;
	v23 =	vmov v20;
	(pc) =	sbr.rel @p1 .LBB2_3-.Ltmp2, $4  }
0x31: {  	v20 =	vld [tilespmem:s25+$0x0];
	[tilespmem:v24+s17+$0x0] =	vst.idx.msk $0xffff, v27;
	v24 =	vmov v26  }
0x32: {  	v19 =	vld [tilespmem:s25+$0x10];
	[tilespmem:v30+s17+$0x0] =	vst.idx.msk $0xffff, v31  }
0x33: {  	[tilespmem:v28+s17+$0x0] =	vst.idx.msk $0xffff, v32;
	v25 =	vld [tilespmem:s25+$0x20]  }
0x34: {  	v26 =	vadd.s32 $0x800, v26;
	v27 =	vld [tilespmem:s25+$0xFFFFFFC0];
	[tilespmem:v29+s17+$0x0] =	vst.idx.msk $0xffff, v33;
	s25 =	sadd.s32 $0x400, s25  }
0x35: {  	_ =	sdelay $0x3  }
0x36: {  	[tilespmem:v15+s17+$0x0] =	vst.idx.msk $0xffff, v21  }
0x37: {  	[tilespmem:v18+s17+$0x0] =	vst.idx.msk $0xffff, v20  }
0x38: {  	[tilespmem:v22+s17+$0x0] =	vst.idx.msk $0xffff, v19  }
0x39: {  	[tilespmem:v23+s17+$0x0] =	vst.idx.msk $0xffff, v25  }
0x3a: {  	[tilespmem:v24+s17+$0x0] =	vst.idx.msk $0xffff, v27  }
0x3b: {  	v26 =	vld [tilespmem:$0x1FFE0];
	_ =	sdelay $0x3  }
0x3c: {  	v15 =	vld [tilespmem:s23+$0x0]  }
0x3d: {  	v20 =	vld [tilespmem:s23+$0xFFFFFFA0];
	v18 =	vadd.s32 $0x700, v26  }
0x3e: {  	v24 =	vld [tilespmem:s23+$0xFFFFFFB0]  }
0x3f: {  	v23 =	vld [tilespmem:s23+$0xFFFFFFC0];
	v25 =	vadd.s32 $0x100, v26  }
0x40: {  	v22 =	vld [tilespmem:s23+$0xFFFFFFD0]  }
0x41: {  	v21 =	vld [tilespmem:s23+$0xFFFFFFE0];
	v0 =	vadd.s32 $0x200, v26;
	[tilespmem:$0x1FF90] =	vst v18  }
0x42: {  	[tilespmem:v18+s17+$0x0] =	vst.idx.msk $0xffff, v15  }
0x43: {  	[tilespmem:$0x1FFA0] =	vst v25  }
0x44: {  	v15 =	vadd.s32 $0x300, v26;
	[tilespmem:v25+s17+$0x0] =	vst.idx.msk $0xffff, v20;
	v27 =	vld [tilespmem:s23+$0xFFFFFFF0]  }
0x45: {  	v18 =	vadd.s32 $0x500, v26;
	v20 =	vadd.s32 $0x400, v26;
	v29 =	vld [tilespmem:s23+$0xFFFFFF90];
	[tilespmem:$0x1FFB0] =	vst v0  }
0x46: {  	v19 =	vadd.s32 $0x600, v26;
	[tilespmem:v0+s17+$0x0] =	vst.idx.msk $0xffff, v24;
	v24 =	vmov v18  }
0x47: {  	v25 =	vmov v19  }
0x48: {  	s25 =	simm.s32 $0x0;
	s24 =	simm.s32 $0x170;
	v28 =	vadd.s32 $0x800, v26;
	s23 =	simm.s32 $0x4F0  }
.LBB2_5:
0x49: {  	v30 =	vadd.s32 $0x100, v28;
	v31 =	vadd.s32 $0x200, v28;
	v32 =	vadd.s32 $0x700, v28;
	v33 =	vld [tilespmem:s23+$0x0];
	s25 =	sadd.s32 $0x8, s25;
	[tilespmem:v15+s17+$0x0] =	vst.idx.msk $0xffff, v23  }
0x4a: {  	v15 =	vadd.s32 $0x300, v28;
	v23 =	vadd.s32 $0x500, v28;
	v34 =	vld [tilespmem:s23+$0xFFFFFFA0];
	p1 =	slt.u32 s25, $0x78;
	[tilespmem:v20+s17+$0x0] =	vst.idx.msk $0xffff, v22;
	v20 =	vadd.s32 $0x400, v28  }
0x4b: {  	v22 =	vadd.s32 $0x600, v28;
	v35 =	vld [tilespmem:s23+$0xFFFFFFB0];
	[tilespmem:v24+s17+$0x0] =	vst.idx.msk $0xffff, v21;
	v24 =	vmov v23  }
.Ltmp3:
0x4c: {  	v23 =	vld [tilespmem:s23+$0xFFFFFFC0];
	[tilespmem:v25+s17+$0x0] =	vst.idx.msk $0xffff, v27;
	v25 =	vmov v22;
	(pc) =	sbr.rel @p1 .LBB2_5-.Ltmp3, $4  }
0x4d: {  	v22 =	vld [tilespmem:s23+$0xFFFFFFD0];
	[tilespmem:v26+s17+$0x0] =	vst.idx.msk $0xffff, v29;
	v26 =	vmov v28  }
0x4e: {  	v21 =	vld [tilespmem:s23+$0xFFFFFFE0];
	[tilespmem:v32+s17+$0x0] =	vst.idx.msk $0xffff, v33  }
0x4f: {  	[tilespmem:v30+s17+$0x0] =	vst.idx.msk $0xffff, v34;
	v27 =	vld [tilespmem:s23+$0xFFFFFFF0]  }
0x50: {  	v28 =	vadd.s32 $0x800, v28;
	v29 =	vld [tilespmem:s23+$0xFFFFFF90];
	[tilespmem:v31+s17+$0x0] =	vst.idx.msk $0xffff, v35;
	s23 =	sadd.s32 $0x400, s23  }
0x51: {  	_ =	sdelay $0x3  }
0x52: {  	[tilespmem:v15+s17+$0x0] =	vst.idx.msk $0xffff, v23  }
0x53: {  	[tilespmem:v20+s17+$0x0] =	vst.idx.msk $0xffff, v22  }
0x54: {  	[tilespmem:v24+s17+$0x0] =	vst.idx.msk $0xffff, v21  }
0x55: {  	[tilespmem:v25+s17+$0x0] =	vst.idx.msk $0xffff, v27  }
0x56: {  	[tilespmem:v26+s17+$0x0] =	vst.idx.msk $0xffff, v29  }
0x57: {  	v15 =	vld [tilespmem:s24+$0x0]  }
0x58: {  	v20 =	vadd.s32 $0x700, v2;
	v22 =	vld [tilespmem:s24+$0xFFFFFFA0]  }
0x59: {  	v26 =	vld [tilespmem:s24+$0xFFFFFFB0]  }
0x5a: {  	v27 =	vadd.s32 $0x100, v2;
	v25 =	vld [tilespmem:s24+$0xFFFFFFC0]  }
0x5b: {  	v24 =	vld [tilespmem:s24+$0xFFFFFFD0]  }
0x5c: {  	v0 =	vadd.s32 $0x200, v2;
	v23 =	vld [tilespmem:s24+$0xFFFFFFE0];
	[tilespmem:$0x1FF60] =	vst v20  }
0x5d: {  	[tilespmem:v20+s17+$0x0] =	vst.idx.msk $0xffff, v15  }
0x5e: {  	[tilespmem:$0x1FF70] =	vst v27  }
0x5f: {  	v15 =	vadd.s32 $0x300, v2;
	[tilespmem:v27+s17+$0x0] =	vst.idx.msk $0xffff, v22;
	v29 =	vld [tilespmem:s24+$0xFFFFFFF0]  }
0x60: {  	v20 =	vadd.s32 $0x500, v2;
	v22 =	vadd.s32 $0x400, v2;
	v31 =	vld [tilespmem:s24+$0xFFFFFF90];
	[tilespmem:$0x1FF80] =	vst v0  }
0x61: {  	v21 =	vadd.s32 $0x600, v2;
	[tilespmem:v0+s17+$0x0] =	vst.idx.msk $0xffff, v26;
	v26 =	vmov v20  }
0x62: {  	v27 =	vmov v21  }
0x63: {  	s25 =	simm.s32 $0x0;
	s23 =	simm.s32 $0x1F0;
	v30 =	vadd.s32 $0x800, v2;
	v28 =	vmov v2;
	s24 =	simm.s32 $0x570  }
.LBB2_7:
0x64: {  	v32 =	vadd.s32 $0x100, v30;
	v33 =	vadd.s32 $0x200, v30;
	v34 =	vadd.s32 $0x700, v30;
	v35 =	vld [tilespmem:s24+$0x0];
	s25 =	sadd.s32 $0x8, s25;
	[tilespmem:v15+s17+$0x0] =	vst.idx.msk $0xffff, v25  }
0x65: {  	v15 =	vadd.s32 $0x300, v30;
	v25 =	vadd.s32 $0x500, v30;
	v36 =	vld [tilespmem:s24+$0xFFFFFFA0];
	p1 =	slt.u32 s25, $0x78;
	[tilespmem:v22+s17+$0x0] =	vst.idx.msk $0xffff, v24;
	v22 =	vadd.s32 $0x400, v30  }
0x66: {  	v24 =	vadd.s32 $0x600, v30;
	v37 =	vld [tilespmem:s24+$0xFFFFFFB0];
	[tilespmem:v26+s17+$0x0] =	vst.idx.msk $0xffff, v23;
	v26 =	vmov v25  }
.Ltmp4:
0x67: {  	v25 =	vld [tilespmem:s24+$0xFFFFFFC0];
	[tilespmem:v27+s17+$0x0] =	vst.idx.msk $0xffff, v29;
	v27 =	vmov v24;
	(pc) =	sbr.rel @p1 .LBB2_7-.Ltmp4, $4  }
0x68: {  	v24 =	vld [tilespmem:s24+$0xFFFFFFD0];
	[tilespmem:v28+s17+$0x0] =	vst.idx.msk $0xffff, v31;
	v28 =	vmov v30  }
0x69: {  	v23 =	vld [tilespmem:s24+$0xFFFFFFE0];
	[tilespmem:v34+s17+$0x0] =	vst.idx.msk $0xffff, v35  }
0x6a: {  	[tilespmem:v32+s17+$0x0] =	vst.idx.msk $0xffff, v36;
	v29 =	vld [tilespmem:s24+$0xFFFFFFF0]  }
0x6b: {  	v30 =	vadd.s32 $0x800, v30;
	v31 =	vld [tilespmem:s24+$0xFFFFFF90];
	[tilespmem:v33+s17+$0x0] =	vst.idx.msk $0xffff, v37;
	s24 =	sadd.s32 $0x400, s24  }
0x6c: {  	_ =	sdelay $0x3  }
0x6d: {  	[tilespmem:v15+s17+$0x0] =	vst.idx.msk $0xffff, v25  }
0x6e: {  	[tilespmem:v22+s17+$0x0] =	vst.idx.msk $0xffff, v24  }
0x6f: {  	[tilespmem:v26+s17+$0x0] =	vst.idx.msk $0xffff, v23  }
0x70: {  	[tilespmem:v27+s17+$0x0] =	vst.idx.msk $0xffff, v29  }
0x71: {  	[tilespmem:v28+s17+$0x0] =	vst.idx.msk $0xffff, v31  }
0x72: {  	v15 =	vld [tilespmem:s23+$0x0]  }
0x73: {  	v22 =	vadd.s32 $0x700, v3;
	v24 =	vld [tilespmem:s23+$0xFFFFFFA0]  }
0x74: {  	v28 =	vld [tilespmem:s23+$0xFFFFFFB0]  }
0x75: {  	v29 =	vadd.s32 $0x100, v3;
	v27 =	vld [tilespmem:s23+$0xFFFFFFC0]  }
0x76: {  	v26 =	vld [tilespmem:s23+$0xFFFFFFD0]  }
0x77: {  	v0 =	vadd.s32 $0x200, v3;
	v25 =	vld [tilespmem:s23+$0xFFFFFFE0];
	[tilespmem:$0x1FF30] =	vst v22  }
0x78: {  	[tilespmem:v22+s17+$0x0] =	vst.idx.msk $0xffff, v15  }
0x79: {  	[tilespmem:$0x1FF40] =	vst v29  }
0x7a: {  	v15 =	vadd.s32 $0x300, v3;
	[tilespmem:v29+s17+$0x0] =	vst.idx.msk $0xffff, v24;
	v31 =	vld [tilespmem:s23+$0xFFFFFFF0]  }
0x7b: {  	v22 =	vadd.s32 $0x500, v3;
	v24 =	vadd.s32 $0x400, v3;
	v33 =	vld [tilespmem:s23+$0xFFFFFF90];
	[tilespmem:$0x1FF50] =	vst v0  }
0x7c: {  	v23 =	vadd.s32 $0x600, v3;
	[tilespmem:v0+s17+$0x0] =	vst.idx.msk $0xffff, v28;
	v28 =	vmov v22  }
0x7d: {  	v29 =	vmov v23  }
0x7e: {  	s25 =	simm.s32 $0x0;
	s24 =	simm.s32 $0x270;
	v32 =	vadd.s32 $0x800, v3;
	v30 =	vmov v3;
	s23 =	simm.s32 $0x5F0  }
.LBB2_9:
0x7f: {  	v34 =	vadd.s32 $0x100, v32;
	v35 =	vadd.s32 $0x200, v32;
	v36 =	vadd.s32 $0x700, v32;
	v37 =	vld [tilespmem:s23+$0x0];
	s25 =	sadd.s32 $0x8, s25;
	[tilespmem:v15+s17+$0x0] =	vst.idx.msk $0xffff, v27  }
0x80: {  	v15 =	vadd.s32 $0x300, v32;
	v27 =	vadd.s32 $0x500, v32;
	v38 =	vld [tilespmem:s23+$0xFFFFFFA0];
	p1 =	slt.u32 s25, $0x78;
	[tilespmem:v24+s17+$0x0] =	vst.idx.msk $0xffff, v26;
	v24 =	vadd.s32 $0x400, v32  }
0x81: {  	v26 =	vadd.s32 $0x600, v32;
	v39 =	vld [tilespmem:s23+$0xFFFFFFB0];
	[tilespmem:v28+s17+$0x0] =	vst.idx.msk $0xffff, v25;
	v28 =	vmov v27  }
.Ltmp5:
0x82: {  	v27 =	vld [tilespmem:s23+$0xFFFFFFC0];
	[tilespmem:v29+s17+$0x0] =	vst.idx.msk $0xffff, v31;
	v29 =	vmov v26;
	(pc) =	sbr.rel @p1 .LBB2_9-.Ltmp5, $4  }
0x83: {  	v26 =	vld [tilespmem:s23+$0xFFFFFFD0];
	[tilespmem:v30+s17+$0x0] =	vst.idx.msk $0xffff, v33;
	v30 =	vmov v32  }
0x84: {  	v25 =	vld [tilespmem:s23+$0xFFFFFFE0];
	[tilespmem:v36+s17+$0x0] =	vst.idx.msk $0xffff, v37  }
0x85: {  	[tilespmem:v34+s17+$0x0] =	vst.idx.msk $0xffff, v38;
	v31 =	vld [tilespmem:s23+$0xFFFFFFF0]  }
0x86: {  	v32 =	vadd.s32 $0x800, v32;
	v33 =	vld [tilespmem:s23+$0xFFFFFF90];
	[tilespmem:v35+s17+$0x0] =	vst.idx.msk $0xffff, v39;
	s23 =	sadd.s32 $0x400, s23  }
0x87: {  	_ =	sdelay $0x3  }
0x88: {  	[tilespmem:v15+s17+$0x0] =	vst.idx.msk $0xffff, v27  }
0x89: {  	[tilespmem:v24+s17+$0x0] =	vst.idx.msk $0xffff, v26  }
0x8a: {  	[tilespmem:v28+s17+$0x0] =	vst.idx.msk $0xffff, v25  }
0x8b: {  	[tilespmem:v29+s17+$0x0] =	vst.idx.msk $0xffff, v31  }
0x8c: {  	[tilespmem:v30+s17+$0x0] =	vst.idx.msk $0xffff, v33  }
0x8d: {  	v15 =	vld [tilespmem:s24+$0x0]  }
0x8e: {  	v24 =	vadd.s32 $0x700, v4;
	v26 =	vld [tilespmem:s24+$0xFFFFFFA0]  }
0x8f: {  	v30 =	vld [tilespmem:s24+$0xFFFFFFB0]  }
0x90: {  	v31 =	vadd.s32 $0x100, v4;
	v29 =	vld [tilespmem:s24+$0xFFFFFFC0]  }
0x91: {  	v28 =	vld [tilespmem:s24+$0xFFFFFFD0]  }
0x92: {  	v0 =	vadd.s32 $0x200, v4;
	v27 =	vld [tilespmem:s24+$0xFFFFFFE0];
	[tilespmem:$0x1FF00] =	vst v24  }
0x93: {  	[tilespmem:v24+s17+$0x0] =	vst.idx.msk $0xffff, v15  }
0x94: {  	[tilespmem:$0x1FF10] =	vst v31  }
0x95: {  	v15 =	vadd.s32 $0x300, v4;
	[tilespmem:v31+s17+$0x0] =	vst.idx.msk $0xffff, v26;
	v33 =	vld [tilespmem:s24+$0xFFFFFFF0]  }
0x96: {  	v24 =	vadd.s32 $0x500, v4;
	v26 =	vadd.s32 $0x400, v4;
	v35 =	vld [tilespmem:s24+$0xFFFFFF90];
	[tilespmem:$0x1FF20] =	vst v0  }
0x97: {  	v25 =	vadd.s32 $0x600, v4;
	[tilespmem:v0+s17+$0x0] =	vst.idx.msk $0xffff, v30;
	v30 =	vmov v24  }
0x98: {  	v31 =	vmov v25  }
0x99: {  	s25 =	simm.s32 $0x0;
	s23 =	simm.s32 $0x2F0;
	v34 =	vadd.s32 $0x800, v4;
	v32 =	vmov v4;
	s24 =	simm.s32 $0x670  }
.LBB2_11:
0x9a: {  	v36 =	vadd.s32 $0x100, v34;
	v37 =	vadd.s32 $0x200, v34;
	v38 =	vadd.s32 $0x700, v34;
	v39 =	vld [tilespmem:s24+$0x0];
	s25 =	sadd.s32 $0x8, s25;
	[tilespmem:v15+s17+$0x0] =	vst.idx.msk $0xffff, v29  }
0x9b: {  	v15 =	vadd.s32 $0x300, v34;
	v29 =	vadd.s32 $0x500, v34;
	v40 =	vld [tilespmem:s24+$0xFFFFFFA0];
	p1 =	slt.u32 s25, $0x78;
	[tilespmem:v26+s17+$0x0] =	vst.idx.msk $0xffff, v28;
	v26 =	vadd.s32 $0x400, v34  }
0x9c: {  	v28 =	vadd.s32 $0x600, v34;
	v41 =	vld [tilespmem:s24+$0xFFFFFFB0];
	[tilespmem:v30+s17+$0x0] =	vst.idx.msk $0xffff, v27;
	v30 =	vmov v29  }
.Ltmp6:
0x9d: {  	v29 =	vld [tilespmem:s24+$0xFFFFFFC0];
	[tilespmem:v31+s17+$0x0] =	vst.idx.msk $0xffff, v33;
	v31 =	vmov v28;
	(pc) =	sbr.rel @p1 .LBB2_11-.Ltmp6, $4  }
0x9e: {  	v28 =	vld [tilespmem:s24+$0xFFFFFFD0];
	[tilespmem:v32+s17+$0x0] =	vst.idx.msk $0xffff, v35;
	v32 =	vmov v34  }
0x9f: {  	v27 =	vld [tilespmem:s24+$0xFFFFFFE0];
	[tilespmem:v38+s17+$0x0] =	vst.idx.msk $0xffff, v39  }
0xa0: {  	[tilespmem:v36+s17+$0x0] =	vst.idx.msk $0xffff, v40;
	v33 =	vld [tilespmem:s24+$0xFFFFFFF0]  }
0xa1: {  	v34 =	vadd.s32 $0x800, v34;
	v35 =	vld [tilespmem:s24+$0xFFFFFF90];
	[tilespmem:v37+s17+$0x0] =	vst.idx.msk $0xffff, v41;
	s24 =	sadd.s32 $0x400, s24  }
0xa2: {  	_ =	sdelay $0x3  }
0xa3: {  	[tilespmem:v15+s17+$0x0] =	vst.idx.msk $0xffff, v29  }
0xa4: {  	[tilespmem:v26+s17+$0x0] =	vst.idx.msk $0xffff, v28  }
0xa5: {  	[tilespmem:v30+s17+$0x0] =	vst.idx.msk $0xffff, v27  }
0xa6: {  	[tilespmem:v31+s17+$0x0] =	vst.idx.msk $0xffff, v33  }
0xa7: {  	[tilespmem:v32+s17+$0x0] =	vst.idx.msk $0xffff, v35  }
0xa8: {  	v15 =	vld [tilespmem:s23+$0x0]  }
0xa9: {  	v26 =	vadd.s32 $0x700, v5;
	v28 =	vld [tilespmem:s23+$0xFFFFFFA0]  }
0xaa: {  	v32 =	vld [tilespmem:s23+$0xFFFFFFB0]  }
0xab: {  	v63 =	vadd.s32 $0x100, v5;
	v31 =	vld [tilespmem:s23+$0xFFFFFFC0]  }
0xac: {  	v30 =	vld [tilespmem:s23+$0xFFFFFFD0]  }
0xad: {  	v0 =	vadd.s32 $0x200, v5;
	v29 =	vld [tilespmem:s23+$0xFFFFFFE0];
	[tilespmem:$0x1FED0] =	vst v26  }
0xae: {  	[tilespmem:v26+s17+$0x0] =	vst.idx.msk $0xffff, v15  }
0xaf: {  	[tilespmem:$0x1FEE0] =	vst v63  }
0xb0: {  	v15 =	vadd.s32 $0x300, v5;
	[tilespmem:v63+s17+$0x0] =	vst.idx.msk $0xffff, v28;
	v35 =	vld [tilespmem:s23+$0xFFFFFFF0]  }
0xb1: {  	v26 =	vadd.s32 $0x500, v5;
	v28 =	vadd.s32 $0x400, v5;
	v37 =	vld [tilespmem:s23+$0xFFFFFF90];
	[tilespmem:$0x1FEF0] =	vst v0  }
0xb2: {  	v27 =	vadd.s32 $0x600, v5;
	[tilespmem:v0+s17+$0x0] =	vst.idx.msk $0xffff, v32;
	v32 =	vmov v26  }
0xb3: {  	v33 =	vmov v27  }
0xb4: {  	s25 =	simm.s32 $0x0;
	s24 =	simm.s32 $0x370;
	v36 =	vadd.s32 $0x800, v5;
	v34 =	vmov v5;
	s23 =	simm.s32 $0x6F0  }
.LBB2_13:
0xb5: {  	v38 =	vadd.s32 $0x100, v36;
	v39 =	vadd.s32 $0x200, v36;
	v40 =	vadd.s32 $0x700, v36;
	v41 =	vld [tilespmem:s23+$0x0];
	s25 =	sadd.s32 $0x8, s25;
	[tilespmem:v15+s17+$0x0] =	vst.idx.msk $0xffff, v31  }
0xb6: {  	v15 =	vadd.s32 $0x300, v36;
	v31 =	vadd.s32 $0x500, v36;
	v42 =	vld [tilespmem:s23+$0xFFFFFFA0];
	p1 =	slt.u32 s25, $0x78;
	[tilespmem:v28+s17+$0x0] =	vst.idx.msk $0xffff, v30;
	v28 =	vadd.s32 $0x400, v36  }
0xb7: {  	v30 =	vadd.s32 $0x600, v36;
	v43 =	vld [tilespmem:s23+$0xFFFFFFB0];
	[tilespmem:v32+s17+$0x0] =	vst.idx.msk $0xffff, v29;
	v32 =	vmov v31  }
.Ltmp7:
0xb8: {  	v31 =	vld [tilespmem:s23+$0xFFFFFFC0];
	[tilespmem:v33+s17+$0x0] =	vst.idx.msk $0xffff, v35;
	v33 =	vmov v30;
	(pc) =	sbr.rel @p1 .LBB2_13-.Ltmp7, $4  }
0xb9: {  	v30 =	vld [tilespmem:s23+$0xFFFFFFD0];
	[tilespmem:v34+s17+$0x0] =	vst.idx.msk $0xffff, v37;
	v34 =	vmov v36  }
0xba: {  	v29 =	vld [tilespmem:s23+$0xFFFFFFE0];
	[tilespmem:v40+s17+$0x0] =	vst.idx.msk $0xffff, v41  }
0xbb: {  	[tilespmem:v38+s17+$0x0] =	vst.idx.msk $0xffff, v42;
	v35 =	vld [tilespmem:s23+$0xFFFFFFF0]  }
0xbc: {  	v36 =	vadd.s32 $0x800, v36;
	v37 =	vld [tilespmem:s23+$0xFFFFFF90];
	[tilespmem:v39+s17+$0x0] =	vst.idx.msk $0xffff, v43;
	s23 =	sadd.s32 $0x400, s23  }
0xbd: {  	_ =	sdelay $0x3  }
0xbe: {  	[tilespmem:v15+s17+$0x0] =	vst.idx.msk $0xffff, v31  }
0xbf: {  	[tilespmem:v28+s17+$0x0] =	vst.idx.msk $0xffff, v30  }
0xc0: {  	[tilespmem:v32+s17+$0x0] =	vst.idx.msk $0xffff, v29  }
0xc1: {  	[tilespmem:v33+s17+$0x0] =	vst.idx.msk $0xffff, v35  }
0xc2: {  	[tilespmem:v34+s17+$0x0] =	vst.idx.msk $0xffff, v37  }
0xc3: {  	v15 =	vld [tilespmem:s24+$0x0]  }
0xc4: {  	v28 =	vadd.s32 $0x700, v6;
	v30 =	vld [tilespmem:s24+$0xFFFFFFA0]  }
0xc5: {  	v34 =	vld [tilespmem:s24+$0xFFFFFFB0]  }
0xc6: {  	v63 =	vadd.s32 $0x100, v6;
	v33 =	vld [tilespmem:s24+$0xFFFFFFC0]  }
0xc7: {  	v32 =	vld [tilespmem:s24+$0xFFFFFFD0]  }
0xc8: {  	v0 =	vadd.s32 $0x200, v6;
	v31 =	vld [tilespmem:s24+$0xFFFFFFE0];
	[tilespmem:$0x1FEA0] =	vst v28  }
0xc9: {  	[tilespmem:v28+s17+$0x0] =	vst.idx.msk $0xffff, v15  }
0xca: {  	[tilespmem:$0x1FEB0] =	vst v63  }
0xcb: {  	v15 =	vadd.s32 $0x300, v6;
	[tilespmem:v63+s17+$0x0] =	vst.idx.msk $0xffff, v30;
	v37 =	vld [tilespmem:s24+$0xFFFFFFF0]  }
0xcc: {  	v28 =	vadd.s32 $0x500, v6;
	v30 =	vadd.s32 $0x400, v6;
	v39 =	vld [tilespmem:s24+$0xFFFFFF90];
	[tilespmem:$0x1FEC0] =	vst v0  }
0xcd: {  	v29 =	vadd.s32 $0x600, v6;
	[tilespmem:v0+s17+$0x0] =	vst.idx.msk $0xffff, v34;
	v34 =	vmov v28  }
0xce: {  	v35 =	vmov v29  }
0xcf: {  	s25 =	simm.s32 $0x0;
	s23 =	simm.s32 $0x3F0;
	v38 =	vadd.s32 $0x800, v6;
	v36 =	vmov v6;
	s24 =	simm.s32 $0x770  }
.LBB2_15:
0xd0: {  	v40 =	vadd.s32 $0x100, v38;
	v41 =	vadd.s32 $0x200, v38;
	v42 =	vadd.s32 $0x700, v38;
	v43 =	vld [tilespmem:s24+$0x0];
	s25 =	sadd.s32 $0x8, s25;
	[tilespmem:v15+s17+$0x0] =	vst.idx.msk $0xffff, v33  }
0xd1: {  	v15 =	vadd.s32 $0x300, v38;
	v33 =	vadd.s32 $0x500, v38;
	v44 =	vld [tilespmem:s24+$0xFFFFFFA0];
	p1 =	slt.u32 s25, $0x78;
	[tilespmem:v30+s17+$0x0] =	vst.idx.msk $0xffff, v32;
	v30 =	vadd.s32 $0x400, v38  }
0xd2: {  	v32 =	vadd.s32 $0x600, v38;
	v45 =	vld [tilespmem:s24+$0xFFFFFFB0];
	[tilespmem:v34+s17+$0x0] =	vst.idx.msk $0xffff, v31;
	v34 =	vmov v33  }
.Ltmp8:
0xd3: {  	v33 =	vld [tilespmem:s24+$0xFFFFFFC0];
	[tilespmem:v35+s17+$0x0] =	vst.idx.msk $0xffff, v37;
	v35 =	vmov v32;
	(pc) =	sbr.rel @p1 .LBB2_15-.Ltmp8, $4  }
0xd4: {  	v32 =	vld [tilespmem:s24+$0xFFFFFFD0];
	[tilespmem:v36+s17+$0x0] =	vst.idx.msk $0xffff, v39;
	v36 =	vmov v38  }
0xd5: {  	v31 =	vld [tilespmem:s24+$0xFFFFFFE0];
	[tilespmem:v42+s17+$0x0] =	vst.idx.msk $0xffff, v43  }
0xd6: {  	[tilespmem:v40+s17+$0x0] =	vst.idx.msk $0xffff, v44;
	v37 =	vld [tilespmem:s24+$0xFFFFFFF0]  }
0xd7: {  	v38 =	vadd.s32 $0x800, v38;
	v39 =	vld [tilespmem:s24+$0xFFFFFF90];
	[tilespmem:v41+s17+$0x0] =	vst.idx.msk $0xffff, v45;
	s24 =	sadd.s32 $0x400, s24  }
0xd8: {  	_ =	sdelay $0x3  }
0xd9: {  	[tilespmem:v15+s17+$0x0] =	vst.idx.msk $0xffff, v33  }
0xda: {  	[tilespmem:v30+s17+$0x0] =	vst.idx.msk $0xffff, v32  }
0xdb: {  	[tilespmem:v34+s17+$0x0] =	vst.idx.msk $0xffff, v31  }
0xdc: {  	[tilespmem:v35+s17+$0x0] =	vst.idx.msk $0xffff, v37  }
0xdd: {  	[tilespmem:v36+s17+$0x0] =	vst.idx.msk $0xffff, v39  }
0xde: {  	v15 =	vld [tilespmem:s23+$0x0]  }
0xdf: {  	v62 =	vadd.s32 $0x700, v7;
	v30 =	vld [tilespmem:s23+$0xFFFFFFA0]  }
0xe0: {  	v36 =	vld [tilespmem:s23+$0xFFFFFFB0]  }
0xe1: {  	v63 =	vadd.s32 $0x100, v7;
	v35 =	vld [tilespmem:s23+$0xFFFFFFC0]  }
0xe2: {  	v32 =	vld [tilespmem:s23+$0xFFFFFFD0]  }
0xe3: {  	v0 =	vadd.s32 $0x200, v7;
	v31 =	vld [tilespmem:s23+$0xFFFFFFE0];
	[tilespmem:$0x1FE70] =	vst v62  }
0xe4: {  	[tilespmem:v62+s17+$0x0] =	vst.idx.msk $0xffff, v15  }
0xe5: {  	[tilespmem:$0x1FE80] =	vst v63  }
0xe6: {  	v15 =	vadd.s32 $0x300, v7;
	[tilespmem:v63+s17+$0x0] =	vst.idx.msk $0xffff, v30;
	v39 =	vld [tilespmem:s23+$0xFFFFFFF0]  }
0xe7: {  	v33 =	vadd.s32 $0x500, v7;
	v30 =	vadd.s32 $0x400, v7;
	v41 =	vld [tilespmem:s23+$0xFFFFFF90];
	[tilespmem:$0x1FE90] =	vst v0  }
0xe8: {  	v34 =	vadd.s32 $0x600, v7;
	[tilespmem:v0+s17+$0x0] =	vst.idx.msk $0xffff, v36;
	v36 =	vmov v33  }
0xe9: {  	v37 =	vmov v34  }
0xea: {  	s25 =	simm.s32 $0x0;
	s24 =	simm.s32 $0x4070;
	v40 =	vadd.s32 $0x800, v7;
	v38 =	vmov v7;
	s23 =	simm.s32 $0x7F0  }
.LBB2_17:
0xeb: {  	v42 =	vadd.s32 $0x100, v40;
	v43 =	vadd.s32 $0x200, v40;
	v44 =	vadd.s32 $0x700, v40;
	v45 =	vld [tilespmem:s23+$0x0];
	s25 =	sadd.s32 $0x8, s25;
	[tilespmem:v15+s17+$0x0] =	vst.idx.msk $0xffff, v35  }
0xec: {  	v15 =	vadd.s32 $0x300, v40;
	v35 =	vadd.s32 $0x500, v40;
	v46 =	vld [tilespmem:s23+$0xFFFFFFA0];
	p1 =	slt.u32 s25, $0x78;
	[tilespmem:v30+s17+$0x0] =	vst.idx.msk $0xffff, v32;
	v30 =	vadd.s32 $0x400, v40  }
0xed: {  	v32 =	vadd.s32 $0x600, v40;
	v47 =	vld [tilespmem:s23+$0xFFFFFFB0];
	[tilespmem:v36+s17+$0x0] =	vst.idx.msk $0xffff, v31;
	v36 =	vmov v35  }
.Ltmp9:
0xee: {  	v35 =	vld [tilespmem:s23+$0xFFFFFFC0];
	[tilespmem:v37+s17+$0x0] =	vst.idx.msk $0xffff, v39;
	v37 =	vmov v32;
	(pc) =	sbr.rel @p1 .LBB2_17-.Ltmp9, $4  }
0xef: {  	v32 =	vld [tilespmem:s23+$0xFFFFFFD0];
	[tilespmem:v38+s17+$0x0] =	vst.idx.msk $0xffff, v41;
	v38 =	vmov v40  }
0xf0: {  	v31 =	vld [tilespmem:s23+$0xFFFFFFE0];
	[tilespmem:v44+s17+$0x0] =	vst.idx.msk $0xffff, v45  }
0xf1: {  	[tilespmem:v42+s17+$0x0] =	vst.idx.msk $0xffff, v46;
	v39 =	vld [tilespmem:s23+$0xFFFFFFF0]  }
0xf2: {  	v40 =	vadd.s32 $0x800, v40;
	v41 =	vld [tilespmem:s23+$0xFFFFFF90];
	[tilespmem:v43+s17+$0x0] =	vst.idx.msk $0xffff, v47;
	s23 =	sadd.s32 $0x400, s23  }
0xf3: {  	_ =	sdelay $0x3  }
0xf4: {  	[tilespmem:v15+s17+$0x0] =	vst.idx.msk $0xffff, v35  }
0xf5: {  	[tilespmem:v30+s17+$0x0] =	vst.idx.msk $0xffff, v32  }
0xf6: {  	[tilespmem:v36+s17+$0x0] =	vst.idx.msk $0xffff, v31  }
0xf7: {  	[tilespmem:v37+s17+$0x0] =	vst.idx.msk $0xffff, v39  }
0xf8: {  	[tilespmem:v38+s17+$0x0] =	vst.idx.msk $0xffff, v41  }
0xf9: {  	v15 =	vld [tilespmem:s24+$0x0]  }
0xfa: {  	v63 =	vadd.s32 $0x700, v8;
	v30 =	vld [tilespmem:s24+$0xFFFFFFA0]  }
0xfb: {  	v36 =	vld [tilespmem:s24+$0xFFFFFFB0]  }
0xfc: {  	v40 =	vadd.s32 $0x100, v8;
	v35 =	vld [tilespmem:s24+$0xFFFFFFC0]  }
0xfd: {  	v32 =	vld [tilespmem:s24+$0xFFFFFFD0]  }
0xfe: {  	v0 =	vadd.s32 $0x200, v8;
	v31 =	vld [tilespmem:s24+$0xFFFFFFE0];
	[tilespmem:$0x1FE40] =	vst v63  }
0xff: {  	[tilespmem:v63+s17+$0x0] =	vst.idx.msk $0xffff, v15  }
0x100: {  	[tilespmem:$0x1FE50] =	vst v40  }
0x101: {  	v15 =	vadd.s32 $0x300, v8;
	[tilespmem:v40+s17+$0x0] =	vst.idx.msk $0xffff, v30;
	v41 =	vld [tilespmem:s24+$0xFFFFFFF0]  }
0x102: {  	v38 =	vadd.s32 $0x500, v8;
	v30 =	vadd.s32 $0x400, v8;
	v43 =	vld [tilespmem:s24+$0xFFFFFF90];
	[tilespmem:$0x1FE60] =	vst v0  }
0x103: {  	v39 =	vadd.s32 $0x600, v8;
	[tilespmem:v0+s17+$0x0] =	vst.idx.msk $0xffff, v36;
	v36 =	vmov v38  }
0x104: {  	v37 =	vmov v39  }
0x105: {  	s25 =	simm.s32 $0x0;
	s23 =	simm.s32 $0x40F0;
	v42 =	vadd.s32 $0x800, v8;
	s24 =	simm.s32 $0x4470;
	v40 =	vmov v8  }
.LBB2_19:
0x106: {  	v44 =	vadd.s32 $0x100, v42;
	v45 =	vadd.s32 $0x200, v42;
	v46 =	vadd.s32 $0x700, v42;
	v47 =	vld [tilespmem:s24+$0x0];
	s25 =	sadd.s32 $0x8, s25;
	[tilespmem:v15+s17+$0x0] =	vst.idx.msk $0xffff, v35  }
0x107: {  	v15 =	vadd.s32 $0x300, v42;
	v35 =	vadd.s32 $0x500, v42;
	v48 =	vld [tilespmem:s24+$0xFFFFFFA0];
	p1 =	slt.u32 s25, $0x78;
	[tilespmem:v30+s17+$0x0] =	vst.idx.msk $0xffff, v32;
	v30 =	vadd.s32 $0x400, v42  }
0x108: {  	v32 =	vadd.s32 $0x600, v42;
	v49 =	vld [tilespmem:s24+$0xFFFFFFB0];
	[tilespmem:v36+s17+$0x0] =	vst.idx.msk $0xffff, v31;
	v36 =	vmov v35  }
.Ltmp10:
0x109: {  	v35 =	vld [tilespmem:s24+$0xFFFFFFC0];
	[tilespmem:v37+s17+$0x0] =	vst.idx.msk $0xffff, v41;
	v37 =	vmov v32;
	(pc) =	sbr.rel @p1 .LBB2_19-.Ltmp10, $4  }
0x10a: {  	v32 =	vld [tilespmem:s24+$0xFFFFFFD0];
	[tilespmem:v40+s17+$0x0] =	vst.idx.msk $0xffff, v43;
	v40 =	vmov v42  }
0x10b: {  	v31 =	vld [tilespmem:s24+$0xFFFFFFE0];
	[tilespmem:v46+s17+$0x0] =	vst.idx.msk $0xffff, v47  }
0x10c: {  	[tilespmem:v44+s17+$0x0] =	vst.idx.msk $0xffff, v48;
	v41 =	vld [tilespmem:s24+$0xFFFFFFF0]  }
0x10d: {  	v42 =	vadd.s32 $0x800, v42;
	v43 =	vld [tilespmem:s24+$0xFFFFFF90];
	[tilespmem:v45+s17+$0x0] =	vst.idx.msk $0xffff, v49;
	s24 =	sadd.s32 $0x400, s24  }
0x10e: {  	_ =	sdelay $0x3  }
0x10f: {  	[tilespmem:v15+s17+$0x0] =	vst.idx.msk $0xffff, v35  }
0x110: {  	[tilespmem:v30+s17+$0x0] =	vst.idx.msk $0xffff, v32  }
0x111: {  	[tilespmem:v36+s17+$0x0] =	vst.idx.msk $0xffff, v31  }
0x112: {  	[tilespmem:v37+s17+$0x0] =	vst.idx.msk $0xffff, v41  }
0x113: {  	[tilespmem:v40+s17+$0x0] =	vst.idx.msk $0xffff, v43  }
0x114: {  	v15 =	vld [tilespmem:s23+$0x0]  }
0x115: {  	v62 =	vadd.s32 $0x700, v9;
	v30 =	vld [tilespmem:s23+$0xFFFFFFA0]  }
0x116: {  	v36 =	vld [tilespmem:s23+$0xFFFFFFB0]  }
0x117: {  	v63 =	vadd.s32 $0x100, v9;
	v35 =	vld [tilespmem:s23+$0xFFFFFFC0]  }
0x118: {  	v32 =	vld [tilespmem:s23+$0xFFFFFFD0]  }
0x119: {  	v0 =	vadd.s32 $0x200, v9;
	v31 =	vld [tilespmem:s23+$0xFFFFFFE0];
	[tilespmem:$0x1FE10] =	vst v62  }
0x11a: {  	[tilespmem:v62+s17+$0x0] =	vst.idx.msk $0xffff, v15  }
0x11b: {  	[tilespmem:$0x1FE20] =	vst v63  }
0x11c: {  	v15 =	vadd.s32 $0x300, v9;
	[tilespmem:v63+s17+$0x0] =	vst.idx.msk $0xffff, v30;
	v41 =	vld [tilespmem:s23+$0xFFFFFFF0]  }
0x11d: {  	v43 =	vadd.s32 $0x500, v9;
	v30 =	vadd.s32 $0x400, v9;
	v45 =	vld [tilespmem:s23+$0xFFFFFF90];
	[tilespmem:$0x1FE30] =	vst v0  }
0x11e: {  	v44 =	vadd.s32 $0x600, v9;
	[tilespmem:v0+s17+$0x0] =	vst.idx.msk $0xffff, v36;
	v36 =	vmov v43  }
0x11f: {  	v37 =	vmov v44  }
0x120: {  	s25 =	simm.s32 $0x0;
	s24 =	simm.s32 $0x4170;
	v42 =	vadd.s32 $0x800, v9;
	v40 =	vmov v9;
	s23 =	simm.s32 $0x44F0  }
.LBB2_21:
0x121: {  	v46 =	vadd.s32 $0x100, v42;
	v47 =	vadd.s32 $0x200, v42;
	v48 =	vadd.s32 $0x700, v42;
	v49 =	vld [tilespmem:s23+$0x0];
	s25 =	sadd.s32 $0x8, s25;
	[tilespmem:v15+s17+$0x0] =	vst.idx.msk $0xffff, v35  }
0x122: {  	v15 =	vadd.s32 $0x300, v42;
	v35 =	vadd.s32 $0x500, v42;
	v50 =	vld [tilespmem:s23+$0xFFFFFFA0];
	p1 =	slt.u32 s25, $0x78;
	[tilespmem:v30+s17+$0x0] =	vst.idx.msk $0xffff, v32;
	v30 =	vadd.s32 $0x400, v42  }
0x123: {  	v32 =	vadd.s32 $0x600, v42;
	v51 =	vld [tilespmem:s23+$0xFFFFFFB0];
	[tilespmem:v36+s17+$0x0] =	vst.idx.msk $0xffff, v31;
	v36 =	vmov v35  }
.Ltmp11:
0x124: {  	v35 =	vld [tilespmem:s23+$0xFFFFFFC0];
	[tilespmem:v37+s17+$0x0] =	vst.idx.msk $0xffff, v41;
	v37 =	vmov v32;
	(pc) =	sbr.rel @p1 .LBB2_21-.Ltmp11, $4  }
0x125: {  	v32 =	vld [tilespmem:s23+$0xFFFFFFD0];
	[tilespmem:v40+s17+$0x0] =	vst.idx.msk $0xffff, v45;
	v40 =	vmov v42  }
0x126: {  	v31 =	vld [tilespmem:s23+$0xFFFFFFE0];
	[tilespmem:v48+s17+$0x0] =	vst.idx.msk $0xffff, v49  }
0x127: {  	[tilespmem:v46+s17+$0x0] =	vst.idx.msk $0xffff, v50;
	v41 =	vld [tilespmem:s23+$0xFFFFFFF0]  }
0x128: {  	v42 =	vadd.s32 $0x800, v42;
	v45 =	vld [tilespmem:s23+$0xFFFFFF90];
	[tilespmem:v47+s17+$0x0] =	vst.idx.msk $0xffff, v51;
	s23 =	sadd.s32 $0x400, s23  }
0x129: {  	_ =	sdelay $0x3  }
0x12a: {  	[tilespmem:v15+s17+$0x0] =	vst.idx.msk $0xffff, v35  }
0x12b: {  	[tilespmem:v30+s17+$0x0] =	vst.idx.msk $0xffff, v32  }
0x12c: {  	[tilespmem:v36+s17+$0x0] =	vst.idx.msk $0xffff, v31  }
0x12d: {  	[tilespmem:v37+s17+$0x0] =	vst.idx.msk $0xffff, v41  }
0x12e: {  	[tilespmem:v40+s17+$0x0] =	vst.idx.msk $0xffff, v45  }
0x12f: {  	v15 =	vld [tilespmem:s24+$0x0]  }
0x130: {  	v62 =	vadd.s32 $0x700, v10;
	v30 =	vld [tilespmem:s24+$0xFFFFFFA0]  }
0x131: {  	v36 =	vld [tilespmem:s24+$0xFFFFFFB0]  }
0x132: {  	v63 =	vadd.s32 $0x100, v10;
	v35 =	vld [tilespmem:s24+$0xFFFFFFC0]  }
0x133: {  	v32 =	vld [tilespmem:s24+$0xFFFFFFD0]  }
0x134: {  	v0 =	vadd.s32 $0x200, v10;
	v31 =	vld [tilespmem:s24+$0xFFFFFFE0];
	[tilespmem:$0x1FDE0] =	vst v62  }
0x135: {  	[tilespmem:v62+s17+$0x0] =	vst.idx.msk $0xffff, v15  }
0x136: {  	[tilespmem:$0x1FDF0] =	vst v63  }
0x137: {  	v15 =	vadd.s32 $0x300, v10;
	[tilespmem:v63+s17+$0x0] =	vst.idx.msk $0xffff, v30;
	v41 =	vld [tilespmem:s24+$0xFFFFFFF0]  }
0x138: {  	v48 =	vadd.s32 $0x500, v10;
	v30 =	vadd.s32 $0x400, v10;
	v45 =	vld [tilespmem:s24+$0xFFFFFF90];
	[tilespmem:$0x1FE00] =	vst v0  }
0x139: {  	v49 =	vadd.s32 $0x600, v10;
	[tilespmem:v0+s17+$0x0] =	vst.idx.msk $0xffff, v36;
	v36 =	vmov v48  }
0x13a: {  	v37 =	vmov v49  }
0x13b: {  	s25 =	simm.s32 $0x0;
	s23 =	simm.s32 $0x41F0;
	v42 =	vadd.s32 $0x800, v10;
	v40 =	vmov v10;
	s24 =	simm.s32 $0x4570  }
.LBB2_23:
0x13c: {  	v46 =	vadd.s32 $0x100, v42;
	v47 =	vadd.s32 $0x200, v42;
	v50 =	vadd.s32 $0x700, v42;
	v51 =	vld [tilespmem:s24+$0x0];
	s25 =	sadd.s32 $0x8, s25;
	[tilespmem:v15+s17+$0x0] =	vst.idx.msk $0xffff, v35  }
0x13d: {  	v15 =	vadd.s32 $0x300, v42;
	v35 =	vadd.s32 $0x500, v42;
	v52 =	vld [tilespmem:s24+$0xFFFFFFA0];
	p1 =	slt.u32 s25, $0x78;
	[tilespmem:v30+s17+$0x0] =	vst.idx.msk $0xffff, v32;
	v30 =	vadd.s32 $0x400, v42  }
0x13e: {  	v32 =	vadd.s32 $0x600, v42;
	v53 =	vld [tilespmem:s24+$0xFFFFFFB0];
	[tilespmem:v36+s17+$0x0] =	vst.idx.msk $0xffff, v31;
	v36 =	vmov v35  }
.Ltmp12:
0x13f: {  	v35 =	vld [tilespmem:s24+$0xFFFFFFC0];
	[tilespmem:v37+s17+$0x0] =	vst.idx.msk $0xffff, v41;
	v37 =	vmov v32;
	(pc) =	sbr.rel @p1 .LBB2_23-.Ltmp12, $4  }
0x140: {  	v32 =	vld [tilespmem:s24+$0xFFFFFFD0];
	[tilespmem:v40+s17+$0x0] =	vst.idx.msk $0xffff, v45;
	v40 =	vmov v42  }
0x141: {  	v31 =	vld [tilespmem:s24+$0xFFFFFFE0];
	[tilespmem:v50+s17+$0x0] =	vst.idx.msk $0xffff, v51  }
0x142: {  	[tilespmem:v46+s17+$0x0] =	vst.idx.msk $0xffff, v52;
	v41 =	vld [tilespmem:s24+$0xFFFFFFF0]  }
0x143: {  	v42 =	vadd.s32 $0x800, v42;
	v45 =	vld [tilespmem:s24+$0xFFFFFF90];
	[tilespmem:v47+s17+$0x0] =	vst.idx.msk $0xffff, v53;
	s24 =	sadd.s32 $0x400, s24  }
0x144: {  	_ =	sdelay $0x3  }
0x145: {  	[tilespmem:v15+s17+$0x0] =	vst.idx.msk $0xffff, v35  }
0x146: {  	[tilespmem:v30+s17+$0x0] =	vst.idx.msk $0xffff, v32  }
0x147: {  	[tilespmem:v36+s17+$0x0] =	vst.idx.msk $0xffff, v31  }
0x148: {  	[tilespmem:v37+s17+$0x0] =	vst.idx.msk $0xffff, v41  }
0x149: {  	[tilespmem:v40+s17+$0x0] =	vst.idx.msk $0xffff, v45  }
0x14a: {  	v15 =	vld [tilespmem:s23+$0x0]  }
0x14b: {  	v62 =	vadd.s32 $0x700, v11;
	v30 =	vld [tilespmem:s23+$0xFFFFFFA0]  }
0x14c: {  	v36 =	vld [tilespmem:s23+$0xFFFFFFB0]  }
0x14d: {  	v63 =	vadd.s32 $0x100, v11;
	v35 =	vld [tilespmem:s23+$0xFFFFFFC0]  }
0x14e: {  	v32 =	vld [tilespmem:s23+$0xFFFFFFD0]  }
0x14f: {  	v0 =	vadd.s32 $0x200, v11;
	v31 =	vld [tilespmem:s23+$0xFFFFFFE0];
	[tilespmem:$0x1FDB0] =	vst v62  }
0x150: {  	[tilespmem:v62+s17+$0x0] =	vst.idx.msk $0xffff, v15  }
0x151: {  	[tilespmem:$0x1FDC0] =	vst v63  }
0x152: {  	v15 =	vadd.s32 $0x300, v11;
	[tilespmem:v63+s17+$0x0] =	vst.idx.msk $0xffff, v30;
	v41 =	vld [tilespmem:s23+$0xFFFFFFF0]  }
0x153: {  	v53 =	vadd.s32 $0x500, v11;
	v30 =	vadd.s32 $0x400, v11;
	v45 =	vld [tilespmem:s23+$0xFFFFFF90];
	[tilespmem:$0x1FDD0] =	vst v0  }
0x154: {  	v54 =	vadd.s32 $0x600, v11;
	[tilespmem:v0+s17+$0x0] =	vst.idx.msk $0xffff, v36;
	v36 =	vmov v53  }
0x155: {  	v37 =	vmov v54  }
0x156: {  	s25 =	simm.s32 $0x0;
	s24 =	simm.s32 $0x4270;
	v42 =	vadd.s32 $0x800, v11;
	v40 =	vmov v11;
	s23 =	simm.s32 $0x45F0  }
.LBB2_25:
0x157: {  	v46 =	vadd.s32 $0x100, v42;
	v47 =	vadd.s32 $0x200, v42;
	v50 =	vadd.s32 $0x700, v42;
	v51 =	vld [tilespmem:s23+$0x0];
	s25 =	sadd.s32 $0x8, s25;
	[tilespmem:v15+s17+$0x0] =	vst.idx.msk $0xffff, v35  }
0x158: {  	v15 =	vadd.s32 $0x300, v42;
	v35 =	vadd.s32 $0x500, v42;
	v52 =	vld [tilespmem:s23+$0xFFFFFFA0];
	p1 =	slt.u32 s25, $0x78;
	[tilespmem:v30+s17+$0x0] =	vst.idx.msk $0xffff, v32;
	v30 =	vadd.s32 $0x400, v42  }
0x159: {  	v32 =	vadd.s32 $0x600, v42;
	v55 =	vld [tilespmem:s23+$0xFFFFFFB0];
	[tilespmem:v36+s17+$0x0] =	vst.idx.msk $0xffff, v31;
	v36 =	vmov v35  }
.Ltmp13:
0x15a: {  	v35 =	vld [tilespmem:s23+$0xFFFFFFC0];
	[tilespmem:v37+s17+$0x0] =	vst.idx.msk $0xffff, v41;
	v37 =	vmov v32;
	(pc) =	sbr.rel @p1 .LBB2_25-.Ltmp13, $4  }
0x15b: {  	v32 =	vld [tilespmem:s23+$0xFFFFFFD0];
	[tilespmem:v40+s17+$0x0] =	vst.idx.msk $0xffff, v45;
	v40 =	vmov v42  }
0x15c: {  	v31 =	vld [tilespmem:s23+$0xFFFFFFE0];
	[tilespmem:v50+s17+$0x0] =	vst.idx.msk $0xffff, v51  }
0x15d: {  	[tilespmem:v46+s17+$0x0] =	vst.idx.msk $0xffff, v52;
	v41 =	vld [tilespmem:s23+$0xFFFFFFF0]  }
0x15e: {  	v42 =	vadd.s32 $0x800, v42;
	v45 =	vld [tilespmem:s23+$0xFFFFFF90];
	[tilespmem:v47+s17+$0x0] =	vst.idx.msk $0xffff, v55;
	s23 =	sadd.s32 $0x400, s23  }
0x15f: {  	_ =	sdelay $0x3  }
0x160: {  	[tilespmem:v15+s17+$0x0] =	vst.idx.msk $0xffff, v35  }
0x161: {  	[tilespmem:v30+s17+$0x0] =	vst.idx.msk $0xffff, v32  }
0x162: {  	[tilespmem:v36+s17+$0x0] =	vst.idx.msk $0xffff, v31  }
0x163: {  	[tilespmem:v37+s17+$0x0] =	vst.idx.msk $0xffff, v41  }
0x164: {  	[tilespmem:v40+s17+$0x0] =	vst.idx.msk $0xffff, v45  }
0x165: {  	v15 =	vld [tilespmem:s24+$0x0]  }
0x166: {  	v62 =	vadd.s32 $0x700, v12;
	v30 =	vld [tilespmem:s24+$0xFFFFFFA0]  }
0x167: {  	v32 =	vld [tilespmem:s24+$0xFFFFFFB0]  }
0x168: {  	v63 =	vadd.s32 $0x100, v12;
	v31 =	vld [tilespmem:s24+$0xFFFFFFC0]  }
0x169: {  	v36 =	vld [tilespmem:s24+$0xFFFFFFD0]  }
0x16a: {  	v0 =	vadd.s32 $0x200, v12;
	v35 =	vld [tilespmem:s24+$0xFFFFFFE0];
	[tilespmem:$0x1FD80] =	vst v62  }
0x16b: {  	[tilespmem:v62+s17+$0x0] =	vst.idx.msk $0xffff, v15  }
0x16c: {  	[tilespmem:$0x1FD90] =	vst v63  }
0x16d: {  	v15 =	vadd.s32 $0x300, v12;
	[tilespmem:v63+s17+$0x0] =	vst.idx.msk $0xffff, v30;
	v41 =	vld [tilespmem:s24+$0xFFFFFFF0]  }
0x16e: {  	v58 =	vadd.s32 $0x500, v12;
	v30 =	vadd.s32 $0x400, v12;
	v45 =	vld [tilespmem:s24+$0xFFFFFF90];
	[tilespmem:$0x1FDA0] =	vst v0  }
0x16f: {  	v59 =	vadd.s32 $0x600, v12;
	[tilespmem:v0+s17+$0x0] =	vst.idx.msk $0xffff, v32;
	v32 =	vmov v58  }
0x170: {  	v37 =	vmov v59  }
0x171: {  	s25 =	simm.s32 $0x0;
	s23 =	simm.s32 $0x42F0;
	v42 =	vadd.s32 $0x800, v12;
	v40 =	vmov v12;
	s24 =	simm.s32 $0x4670  }
.LBB2_27:
0x172: {  	v46 =	vadd.s32 $0x100, v42;
	v47 =	vadd.s32 $0x200, v42;
	v50 =	vadd.s32 $0x700, v42;
	v51 =	vld [tilespmem:s24+$0x0];
	s25 =	sadd.s32 $0x8, s25;
	[tilespmem:v15+s17+$0x0] =	vst.idx.msk $0xffff, v31  }
0x173: {  	v15 =	vadd.s32 $0x300, v42;
	v31 =	vadd.s32 $0x500, v42;
	v52 =	vld [tilespmem:s24+$0xFFFFFFA0];
	p1 =	slt.u32 s25, $0x78;
	[tilespmem:v30+s17+$0x0] =	vst.idx.msk $0xffff, v36;
	v30 =	vadd.s32 $0x400, v42  }
0x174: {  	v36 =	vadd.s32 $0x600, v42;
	v55 =	vld [tilespmem:s24+$0xFFFFFFB0];
	[tilespmem:v32+s17+$0x0] =	vst.idx.msk $0xffff, v35;
	v32 =	vmov v31  }
.Ltmp14:
0x175: {  	v31 =	vld [tilespmem:s24+$0xFFFFFFC0];
	[tilespmem:v37+s17+$0x0] =	vst.idx.msk $0xffff, v41;
	v37 =	vmov v36;
	(pc) =	sbr.rel @p1 .LBB2_27-.Ltmp14, $4  }
0x176: {  	v36 =	vld [tilespmem:s24+$0xFFFFFFD0];
	[tilespmem:v40+s17+$0x0] =	vst.idx.msk $0xffff, v45;
	v40 =	vmov v42  }
0x177: {  	v35 =	vld [tilespmem:s24+$0xFFFFFFE0];
	[tilespmem:v50+s17+$0x0] =	vst.idx.msk $0xffff, v51  }
0x178: {  	[tilespmem:v46+s17+$0x0] =	vst.idx.msk $0xffff, v52;
	v41 =	vld [tilespmem:s24+$0xFFFFFFF0]  }
0x179: {  	v42 =	vadd.s32 $0x800, v42;
	v45 =	vld [tilespmem:s24+$0xFFFFFF90];
	[tilespmem:v47+s17+$0x0] =	vst.idx.msk $0xffff, v55;
	s24 =	sadd.s32 $0x400, s24  }
0x17a: {  	_ =	sdelay $0x3  }
0x17b: {  	[tilespmem:v15+s17+$0x0] =	vst.idx.msk $0xffff, v31  }
0x17c: {  	[tilespmem:v30+s17+$0x0] =	vst.idx.msk $0xffff, v36  }
0x17d: {  	[tilespmem:v32+s17+$0x0] =	vst.idx.msk $0xffff, v35  }
0x17e: {  	[tilespmem:v37+s17+$0x0] =	vst.idx.msk $0xffff, v41  }
0x17f: {  	[tilespmem:v40+s17+$0x0] =	vst.idx.msk $0xffff, v45  }
0x180: {  	v15 =	vld [tilespmem:s23+$0x0]  }
0x181: {  	v30 =	vadd.s32 $0x700, v13;
	v32 =	vld [tilespmem:s23+$0xFFFFFFA0]  }
0x182: {  	v35 =	vld [tilespmem:s23+$0xFFFFFFB0]  }
0x183: {  	v57 =	vadd.s32 $0x100, v13;
	v31 =	vld [tilespmem:s23+$0xFFFFFFC0]  }
0x184: {  	v42 =	vld [tilespmem:s23+$0xFFFFFFD0]  }
0x185: {  	v0 =	vadd.s32 $0x200, v13;
	v37 =	vld [tilespmem:s23+$0xFFFFFFE0];
	[tilespmem:$0x1FD50] =	vst v30  }
0x186: {  	[tilespmem:v30+s17+$0x0] =	vst.idx.msk $0xffff, v15  }
0x187: {  	v15 =	vadd.s32 $0x300, v13;
	[tilespmem:$0x1FD60] =	vst v57  }
0x188: {  	v63 =	vadd.s32 $0x500, v13;
	v36 =	vadd.s32 $0x400, v13;
	[tilespmem:v57+s17+$0x0] =	vst.idx.msk $0xffff, v32;
	v45 =	vld [tilespmem:s23+$0xFFFFFFF0]  }
0x189: {  	v30 =	vadd.s32 $0x600, v13;
	v46 =	vld [tilespmem:s23+$0xFFFFFF90];
	v32 =	vmov v63;
	[tilespmem:$0x1FD70] =	vst v0  }
0x18a: {  	[tilespmem:v0+s17+$0x0] =	vst.idx.msk $0xffff, v35;
	v35 =	vmov v30  }
0x18b: {  	s25 =	simm.s32 $0x0;
	s24 =	simm.s32 $0x4370;
	v41 =	vadd.s32 $0x800, v13;
	v40 =	vmov v13;
	s23 =	simm.s32 $0x46F0  }
.LBB2_29:
0x18c: {  	v47 =	vadd.s32 $0x100, v41;
	v50 =	vadd.s32 $0x200, v41;
	v51 =	vadd.s32 $0x700, v41;
	v52 =	vld [tilespmem:s23+$0x0];
	s25 =	sadd.s32 $0x8, s25;
	[tilespmem:v15+s17+$0x0] =	vst.idx.msk $0xffff, v31  }
0x18d: {  	v15 =	vadd.s32 $0x300, v41;
	v31 =	vadd.s32 $0x500, v41;
	v55 =	vld [tilespmem:s23+$0xFFFFFFA0];
	p1 =	slt.u32 s25, $0x78;
	[tilespmem:v36+s17+$0x0] =	vst.idx.msk $0xffff, v42;
	v36 =	vadd.s32 $0x400, v41  }
0x18e: {  	v42 =	vadd.s32 $0x600, v41;
	v56 =	vld [tilespmem:s23+$0xFFFFFFB0];
	[tilespmem:v32+s17+$0x0] =	vst.idx.msk $0xffff, v37;
	v32 =	vmov v31  }
.Ltmp15:
0x18f: {  	v31 =	vld [tilespmem:s23+$0xFFFFFFC0];
	[tilespmem:v35+s17+$0x0] =	vst.idx.msk $0xffff, v45;
	v35 =	vmov v42;
	(pc) =	sbr.rel @p1 .LBB2_29-.Ltmp15, $4  }
0x190: {  	v42 =	vld [tilespmem:s23+$0xFFFFFFD0];
	[tilespmem:v40+s17+$0x0] =	vst.idx.msk $0xffff, v46;
	v40 =	vmov v41  }
0x191: {  	v37 =	vld [tilespmem:s23+$0xFFFFFFE0];
	[tilespmem:v51+s17+$0x0] =	vst.idx.msk $0xffff, v52  }
0x192: {  	[tilespmem:v47+s17+$0x0] =	vst.idx.msk $0xffff, v55;
	v45 =	vld [tilespmem:s23+$0xFFFFFFF0]  }
0x193: {  	v41 =	vadd.s32 $0x800, v41;
	v46 =	vld [tilespmem:s23+$0xFFFFFF90];
	[tilespmem:v50+s17+$0x0] =	vst.idx.msk $0xffff, v56;
	s23 =	sadd.s32 $0x400, s23  }
0x194: {  	_ =	sdelay $0x3  }
0x195: {  	[tilespmem:v15+s17+$0x0] =	vst.idx.msk $0xffff, v31  }
0x196: {  	[tilespmem:v36+s17+$0x0] =	vst.idx.msk $0xffff, v42  }
0x197: {  	[tilespmem:v32+s17+$0x0] =	vst.idx.msk $0xffff, v37  }
0x198: {  	[tilespmem:v35+s17+$0x0] =	vst.idx.msk $0xffff, v45  }
0x199: {  	[tilespmem:v40+s17+$0x0] =	vst.idx.msk $0xffff, v46  }
0x19a: {  	v15 =	vld [tilespmem:s24+$0x0]  }
0x19b: {  	v61 =	vadd.s32 $0x700, v14;
	v32 =	vld [tilespmem:s24+$0xFFFFFFA0]  }
0x19c: {  	v35 =	vld [tilespmem:s24+$0xFFFFFFB0]  }
0x19d: {  	v62 =	vadd.s32 $0x100, v14;
	v31 =	vld [tilespmem:s24+$0xFFFFFFC0]  }
0x19e: {  	v51 =	vld [tilespmem:s24+$0xFFFFFFD0]  }
0x19f: {  	v0 =	vadd.s32 $0x200, v14;
	v47 =	vld [tilespmem:s24+$0xFFFFFFE0];
	[tilespmem:$0x1FD20] =	vst v61  }
0x1a0: {  	[tilespmem:v61+s17+$0x0] =	vst.idx.msk $0xffff, v15  }
0x1a1: {  	v15 =	vadd.s32 $0x300, v14;
	[tilespmem:$0x1FD30] =	vst v62  }
0x1a2: {  	v36 =	vadd.s32 $0x500, v14;
	v46 =	vadd.s32 $0x400, v14;
	[tilespmem:v62+s17+$0x0] =	vst.idx.msk $0xffff, v32;
	v52 =	vld [tilespmem:s24+$0xFFFFFFF0]  }
0x1a3: {  	v37 =	vadd.s32 $0x600, v14;
	v42 =	vld [tilespmem:s24+$0xFFFFFF90];
	v32 =	vmov v36;
	[tilespmem:$0x1FD40] =	vst v0  }
0x1a4: {  	[tilespmem:v0+s17+$0x0] =	vst.idx.msk $0xffff, v35;
	v35 =	vmov v37  }
0x1a5: {  	s25 =	simm.s32 $0x0;
	s23 =	simm.s32 $0x43F0;
	v41 =	vadd.s32 $0x800, v14;
	v40 =	vmov v14;
	s24 =	simm.s32 $0x4770  }
.LBB2_31:
0x1a6: {  	v55 =	vadd.s32 $0x100, v41;
	v56 =	vadd.s32 $0x200, v41;
	v57 =	vadd.s32 $0x700, v41;
	v61 =	vld [tilespmem:s24+$0x0];
	s25 =	sadd.s32 $0x8, s25;
	[tilespmem:v15+s17+$0x0] =	vst.idx.msk $0xffff, v31  }
0x1a7: {  	v15 =	vadd.s32 $0x300, v41;
	v31 =	vadd.s32 $0x500, v41;
	v62 =	vld [tilespmem:s24+$0xFFFFFFA0];
	p1 =	slt.u32 s25, $0x78;
	[tilespmem:v46+s17+$0x0] =	vst.idx.msk $0xffff, v51;
	v46 =	vadd.s32 $0x400, v41  }
0x1a8: {  	v51 =	vadd.s32 $0x600, v41;
	v45 =	vld [tilespmem:s24+$0xFFFFFFB0];
	[tilespmem:v32+s17+$0x0] =	vst.idx.msk $0xffff, v47;
	v32 =	vmov v31  }
.Ltmp16:
0x1a9: {  	v31 =	vld [tilespmem:s24+$0xFFFFFFC0];
	[tilespmem:v35+s17+$0x0] =	vst.idx.msk $0xffff, v52;
	v35 =	vmov v51;
	(pc) =	sbr.rel @p1 .LBB2_31-.Ltmp16, $4  }
0x1aa: {  	v51 =	vld [tilespmem:s24+$0xFFFFFFD0];
	[tilespmem:v40+s17+$0x0] =	vst.idx.msk $0xffff, v42;
	v40 =	vmov v41  }
0x1ab: {  	v47 =	vld [tilespmem:s24+$0xFFFFFFE0];
	[tilespmem:v57+s17+$0x0] =	vst.idx.msk $0xffff, v61  }
0x1ac: {  	[tilespmem:v55+s17+$0x0] =	vst.idx.msk $0xffff, v62;
	v52 =	vld [tilespmem:s24+$0xFFFFFFF0]  }
0x1ad: {  	v41 =	vadd.s32 $0x800, v41;
	v42 =	vld [tilespmem:s24+$0xFFFFFF90];
	[tilespmem:v56+s17+$0x0] =	vst.idx.msk $0xffff, v45;
	s24 =	sadd.s32 $0x400, s24  }
0x1ae: {  	_ =	sdelay $0x3  }
0x1af: {  	[tilespmem:v15+s17+$0x0] =	vst.idx.msk $0xffff, v31  }
0x1b0: {  	[tilespmem:v46+s17+$0x0] =	vst.idx.msk $0xffff, v51  }
0x1b1: {  	[tilespmem:v32+s17+$0x0] =	vst.idx.msk $0xffff, v47  }
0x1b2: {  	[tilespmem:v35+s17+$0x0] =	vst.idx.msk $0xffff, v52  }
0x1b3: {  	[tilespmem:v40+s17+$0x0] =	vst.idx.msk $0xffff, v42  }
0x1b4: {  	v15 =	vld [tilespmem:s23+$0x0]  }
0x1b5: {  	v52 =	vadd.s32 $0x700, v60;
	v35 =	vld [tilespmem:s23+$0xFFFFFFA0]  }
0x1b6: {  	v42 =	vld [tilespmem:s23+$0xFFFFFFB0]  }
0x1b7: {  	v55 =	vadd.s32 $0x100, v60;
	v41 =	vld [tilespmem:s23+$0xFFFFFFC0]  }
0x1b8: {  	v31 =	vld [tilespmem:s23+$0xFFFFFFD0]  }
0x1b9: {  	v0 =	vadd.s32 $0x200, v60;
	v57 =	vld [tilespmem:s23+$0xFFFFFFE0];
	[tilespmem:$0x1FCF0] =	vst v52  }
0x1ba: {  	v62 =	vadd.s32 $0x300, v60;
	[tilespmem:v52+s17+$0x0] =	vst.idx.msk $0xffff, v15  }
0x1bb: {  	v56 =	vadd.s32 $0x400, v60;
	v32 =	vadd.s32 $0x500, v60;
	[tilespmem:$0x1FD00] =	vst v55  }
0x1bc: {  	v61 =	vadd.s32 $0x600, v60;
	v46 =	vmov v32;
	[tilespmem:v55+s17+$0x0] =	vst.idx.msk $0xffff, v35;
	v35 =	vld [tilespmem:s23+$0xFFFFFFF0]  }
0x1bd: {  	v47 =	vmov v61;
	v40 =	vld [tilespmem:s23+$0xFFFFFF90];
	[tilespmem:$0x1FD10] =	vst v0  }
0x1be: {  	s24 =	simm.s32 $0x0;
	v15 =	vmov v60;
	s23 =	simm.s32 $0x47F0;
	[tilespmem:v0+s17+$0x0] =	vst.idx.msk $0xffff, v42;
	v42 =	vadd.s32 $0x800, v60  }
.LBB2_33:
0x1bf: {  	v45 =	vadd.s32 $0x100, v42;
	v50 =	vadd.s32 $0x200, v42;
	v51 =	vadd.s32 $0x700, v42;
	v52 =	vld [tilespmem:s23+$0x0];
	s24 =	sadd.s32 $0x8, s24;
	[tilespmem:v62+s17+$0x0] =	vst.idx.msk $0xffff, v41  }
0x1c0: {  	v62 =	vadd.s32 $0x300, v42;
	v41 =	vadd.s32 $0x500, v42;
	v55 =	vld [tilespmem:s23+$0xFFFFFFA0];
	p1 =	slt.u32 s24, $0x78;
	[tilespmem:v56+s17+$0x0] =	vst.idx.msk $0xffff, v31;
	v56 =	vadd.s32 $0x400, v42  }
0x1c1: {  	v31 =	vadd.s32 $0x600, v42;
	v0 =	vld [tilespmem:s23+$0xFFFFFFB0];
	[tilespmem:v46+s17+$0x0] =	vst.idx.msk $0xffff, v57;
	v46 =	vmov v41  }
.Ltmp17:
0x1c2: {  	v41 =	vld [tilespmem:s23+$0xFFFFFFC0];
	[tilespmem:v47+s17+$0x0] =	vst.idx.msk $0xffff, v35;
	v47 =	vmov v31;
	(pc) =	sbr.rel @p1 .LBB2_33-.Ltmp17, $4  }
0x1c3: {  	v31 =	vld [tilespmem:s23+$0xFFFFFFD0];
	[tilespmem:v15+s17+$0x0] =	vst.idx.msk $0xffff, v40;
	v15 =	vmov v42  }
0x1c4: {  	v57 =	vld [tilespmem:s23+$0xFFFFFFE0];
	[tilespmem:v51+s17+$0x0] =	vst.idx.msk $0xffff, v52  }
0x1c5: {  	[tilespmem:v45+s17+$0x0] =	vst.idx.msk $0xffff, v55;
	v35 =	vld [tilespmem:s23+$0xFFFFFFF0]  }
0x1c6: {  	v42 =	vadd.s32 $0x800, v42;
	v40 =	vld [tilespmem:s23+$0xFFFFFF90];
	[tilespmem:v50+s17+$0x0] =	vst.idx.msk $0xffff, v0;
	s23 =	sadd.s32 $0x400, s23  }
0x1c7: {  	_ =	sdelay $0x3  }
0x1c8: {  	[tilespmem:v62+s17+$0x0] =	vst.idx.msk $0xffff, v41  }
0x1c9: {  	s23 =	sshll.u32 s21, $0xF;
	[tilespmem:v56+s17+$0x0] =	vst.idx.msk $0xffff, v31  }
0x1ca: {  	s23 =	sadd.s32 s9, s23;
	[tilespmem:v46+s17+$0x0] =	vst.idx.msk $0xffff, v57  }
0x1cb: {  	s23 =	sand.u32 $0x1FFFFE00, s23;
	[tilespmem:v47+s17+$0x0] =	vst.idx.msk $0xffff, v35  }
0x1cc: {  	p1 =	seq.s32 s21, $0x5;
	s23 =	sadd.s32 s5, s23;
	[tilespmem:v15+s17+$0x0] =	vst.idx.msk $0xffff, v40  }
0x1cd: {  	[hbm4b:s23+s3] =	stream.linear.scatter [tilespmem:s17], [sflag:$0x3], $0x8000, $0x38;
	[tilespmem:$0x18000] =	vst v63  }
0x1ce: {  	s23 =	sshll.u32 @!p1 s21, $0x11  }
0x1cf: {  	s24 =	simm.s32 @!p1 $0x4000;
	_ =	swait.ge [sflag:s18], $0x8000;
	s23 =	sadd.s32 @!p1 s23, s7  }
0x1d0: {  	s25 =	simm.s32 @!p1 $0xC3800;
	[sflag:s18] =	ssyncset.done $0x0;
	s23 =	sshrl.u32 @!p1 s23, $0x3  }
0x1d1: {  	s26 =	simm.s32 @!p1 $0x0;
	[sflag:s18] =	ssyncadd.s32 $0xFFFF8000;
	s23 =	sadd.s32 @!p1 s2, s23  }
0x1d2: {  	[tilespmem:s26], [sflag:$0x1] =	stream.strided.gather @!p1 [hbm4b:s23+s24], $0x8000, s25, s24, $0x38;
	[tilespmem:$0x18000] =	vst v63  }
0x1d3: {  	_ =	swait.ge [sflag:s19], $0x8000  }
0x1d4: {  	v62 =	vld [tilespmem:$0x1FFC0]  }
0x1d5: {  	[sflag:s19] =	ssyncset.done $0x0  }
0x1d6: {  	s31 =	simm.s32 $0x8040;
	[sflag:s19] =	ssyncadd.s32 $0xFFFF8000  }
0x1d7: {  	v0 =	vld [tilespmem:s31+$0x30];
	_ =	sdelay $0x4  }
0x1d8: {  	[tilespmem:v62+s17+$0x0] =	vst.idx.msk $0xffff, v0  }
0x1d9: {  	v0 =	vld [tilespmem:$0x1FFD0];
	_ =	sdelay $0x2  }
0x1da: {  	v15 =	vld [tilespmem:s31+$0xFFFFFFD0];
	_ =	sdelay $0x4  }
0x1db: {  	[tilespmem:v0+s17+$0x0] =	vst.idx.msk $0xffff, v15  }
0x1dc: {  	v47 =	vld [tilespmem:$0x1FFF0];
	_ =	sdelay $0x2  }
0x1dd: {  	v52 =	vld [tilespmem:s31+$0xFFFFFFE0]  }
0x1de: {  	v57 =	vld [tilespmem:s31+$0xFFFFFFF0]  }
0x1df: {  	v35 =	vld [tilespmem:s31+$0x0];
	v15 =	vadd.s32 $0x300, v47  }
0x1e0: {  	v31 =	vld [tilespmem:s31+$0x10];
	v56 =	vadd.s32 $0x400, v47  }
0x1e1: {  	v40 =	vmov v16;
	v41 =	vld [tilespmem:s31+$0x20]  }
0x1e2: {  	v46 =	vmov v17;
	v62 =	vld [tilespmem:s31+$0xFFFFFFC0];
	[tilespmem:$0x1FCE0] =	vst v1  }
0x1e3: {  	s24 =	simm.s32 $0x0;
	s23 =	simm.s32 $0x80F0;
	s25 =	simm.s32 $0x8440;
	[tilespmem:v1+s17+$0x0] =	vst.idx.msk $0xffff, v52;
	v42 =	vadd.s32 $0x800, v47  }
.LBB2_35:
0x1e4: {  	v0 =	vadd.s32 $0x100, v42;
	v45 =	vadd.s32 $0x200, v42;
	v50 =	vadd.s32 $0x700, v42;
	v51 =	vld [tilespmem:s25+$0x30];
	s24 =	sadd.s32 $0x8, s24;
	[tilespmem:v15+s17+$0x0] =	vst.idx.msk $0xffff, v57  }
0x1e5: {  	v15 =	vadd.s32 $0x300, v42;
	v55 =	vadd.s32 $0x500, v42;
	v52 =	vld [tilespmem:s25+$0xFFFFFFD0];
	p1 =	slt.u32 s24, $0x78;
	[tilespmem:v56+s17+$0x0] =	vst.idx.msk $0xffff, v35;
	v56 =	vadd.s32 $0x400, v42  }
0x1e6: {  	v35 =	vadd.s32 $0x600, v42;
	v1 =	vld [tilespmem:s25+$0xFFFFFFE0];
	[tilespmem:v40+s17+$0x0] =	vst.idx.msk $0xffff, v31;
	v40 =	vmov v55  }
.Ltmp18:
0x1e7: {  	v57 =	vld [tilespmem:s25+$0xFFFFFFF0];
	[tilespmem:v46+s17+$0x0] =	vst.idx.msk $0xffff, v41;
	v46 =	vmov v35;
	(pc) =	sbr.rel @p1 .LBB2_35-.Ltmp18, $4  }
0x1e8: {  	v35 =	vld [tilespmem:s25+$0x0];
	[tilespmem:v47+s17+$0x0] =	vst.idx.msk $0xffff, v62;
	v47 =	vmov v42  }
0x1e9: {  	v31 =	vld [tilespmem:s25+$0x10];
	[tilespmem:v50+s17+$0x0] =	vst.idx.msk $0xffff, v51  }
0x1ea: {  	[tilespmem:v0+s17+$0x0] =	vst.idx.msk $0xffff, v52;
	v41 =	vld [tilespmem:s25+$0x20]  }
0x1eb: {  	v42 =	vadd.s32 $0x800, v42;
	v62 =	vld [tilespmem:s25+$0xFFFFFFC0];
	[tilespmem:v45+s17+$0x0] =	vst.idx.msk $0xffff, v1;
	s25 =	sadd.s32 $0x400, s25  }
0x1ec: {  	_ =	sdelay $0x3  }
0x1ed: {  	[tilespmem:v15+s17+$0x0] =	vst.idx.msk $0xffff, v57  }
0x1ee: {  	[tilespmem:v56+s17+$0x0] =	vst.idx.msk $0xffff, v35  }
0x1ef: {  	[tilespmem:v40+s17+$0x0] =	vst.idx.msk $0xffff, v31  }
0x1f0: {  	[tilespmem:v46+s17+$0x0] =	vst.idx.msk $0xffff, v41  }
0x1f1: {  	[tilespmem:v47+s17+$0x0] =	vst.idx.msk $0xffff, v62  }
0x1f2: {  	v15 =	vld [tilespmem:$0x1FF90];
	_ =	sdelay $0x2  }
0x1f3: {  	v0 =	vld [tilespmem:s23+$0x0];
	_ =	sdelay $0x4  }
0x1f4: {  	[tilespmem:v15+s17+$0x0] =	vst.idx.msk $0xffff, v0  }
0x1f5: {  	v0 =	vld [tilespmem:$0x1FFA0];
	_ =	sdelay $0x2  }
0x1f6: {  	v1 =	vld [tilespmem:s23+$0xFFFFFFA0];
	_ =	sdelay $0x4  }
0x1f7: {  	[tilespmem:v0+s17+$0x0] =	vst.idx.msk $0xffff, v1  }
0x1f8: {  	v0 =	vld [tilespmem:$0x1FFB0]  }
0x1f9: {  	v47 =	vld [tilespmem:$0x1FFE0];
	_ =	sdelay $0x1  }
0x1fa: {  	v40 =	vld [tilespmem:s23+$0xFFFFFFB0];
	_ =	sdelay $0x2  }
0x1fb: {  	v57 =	vld [tilespmem:s23+$0xFFFFFFC0];
	v15 =	vadd.s32 $0x300, v47  }
0x1fc: {  	v35 =	vld [tilespmem:s23+$0xFFFFFFD0];
	v56 =	vadd.s32 $0x400, v47  }
0x1fd: {  	v31 =	vld [tilespmem:s23+$0xFFFFFFE0];
	[tilespmem:v0+s17+$0x0] =	vst.idx.msk $0xffff, v40;
	v40 =	vmov v18  }
0x1fe: {  	v46 =	vmov v19;
	v41 =	vld [tilespmem:s23+$0xFFFFFFF0]  }
0x1ff: {  	s25 =	simm.s32 $0x0;
	s24 =	simm.s32 $0x8170;
	v62 =	vld [tilespmem:s23+$0xFFFFFF90];
	s23 =	simm.s32 $0x84F0;
	v42 =	vadd.s32 $0x800, v47  }
.LBB2_37:
0x200: {  	v0 =	vadd.s32 $0x100, v42;
	v1 =	vadd.s32 $0x200, v42;
	v45 =	vadd.s32 $0x700, v42;
	v50 =	vld [tilespmem:s23+$0x0];
	s25 =	sadd.s32 $0x8, s25;
	[tilespmem:v15+s17+$0x0] =	vst.idx.msk $0xffff, v57  }
0x201: {  	v15 =	vadd.s32 $0x300, v42;
	v52 =	vadd.s32 $0x500, v42;
	v51 =	vld [tilespmem:s23+$0xFFFFFFA0];
	p1 =	slt.u32 s25, $0x78;
	[tilespmem:v56+s17+$0x0] =	vst.idx.msk $0xffff, v35;
	v56 =	vadd.s32 $0x400, v42  }
0x202: {  	v35 =	vadd.s32 $0x600, v42;
	v55 =	vld [tilespmem:s23+$0xFFFFFFB0];
	[tilespmem:v40+s17+$0x0] =	vst.idx.msk $0xffff, v31;
	v40 =	vmov v52  }
.Ltmp19:
0x203: {  	v57 =	vld [tilespmem:s23+$0xFFFFFFC0];
	[tilespmem:v46+s17+$0x0] =	vst.idx.msk $0xffff, v41;
	v46 =	vmov v35;
	(pc) =	sbr.rel @p1 .LBB2_37-.Ltmp19, $4  }
0x204: {  	v35 =	vld [tilespmem:s23+$0xFFFFFFD0];
	[tilespmem:v47+s17+$0x0] =	vst.idx.msk $0xffff, v62;
	v47 =	vmov v42  }
0x205: {  	v31 =	vld [tilespmem:s23+$0xFFFFFFE0];
	[tilespmem:v45+s17+$0x0] =	vst.idx.msk $0xffff, v50  }
0x206: {  	[tilespmem:v0+s17+$0x0] =	vst.idx.msk $0xffff, v51;
	v41 =	vld [tilespmem:s23+$0xFFFFFFF0]  }
0x207: {  	v42 =	vadd.s32 $0x800, v42;
	v62 =	vld [tilespmem:s23+$0xFFFFFF90];
	[tilespmem:v1+s17+$0x0] =	vst.idx.msk $0xffff, v55;
	s23 =	sadd.s32 $0x400, s23  }
0x208: {  	_ =	sdelay $0x3  }
0x209: {  	[tilespmem:v15+s17+$0x0] =	vst.idx.msk $0xffff, v57  }
0x20a: {  	[tilespmem:v56+s17+$0x0] =	vst.idx.msk $0xffff, v35  }
0x20b: {  	[tilespmem:v40+s17+$0x0] =	vst.idx.msk $0xffff, v31  }
0x20c: {  	[tilespmem:v46+s17+$0x0] =	vst.idx.msk $0xffff, v41  }
0x20d: {  	[tilespmem:v47+s17+$0x0] =	vst.idx.msk $0xffff, v62  }
0x20e: {  	v15 =	vld [tilespmem:$0x1FF60];
	_ =	sdelay $0x2  }
0x20f: {  	v0 =	vld [tilespmem:s24+$0x0];
	_ =	sdelay $0x4  }
0x210: {  	[tilespmem:v15+s17+$0x0] =	vst.idx.msk $0xffff, v0  }
0x211: {  	v0 =	vld [tilespmem:$0x1FF70];
	_ =	sdelay $0x2  }
0x212: {  	v1 =	vld [tilespmem:s24+$0xFFFFFFA0];
	_ =	sdelay $0x4  }
0x213: {  	[tilespmem:v0+s17+$0x0] =	vst.idx.msk $0xffff, v1  }
0x214: {  	v0 =	vld [tilespmem:$0x1FF80];
	_ =	sdelay $0x2  }
0x215: {  	v40 =	vld [tilespmem:s24+$0xFFFFFFB0];
	_ =	sdelay $0x2  }
0x216: {  	v57 =	vld [tilespmem:s24+$0xFFFFFFC0];
	v15 =	vadd.s32 $0x300, v2  }
0x217: {  	v56 =	vadd.s32 $0x400, v2;
	v35 =	vld [tilespmem:s24+$0xFFFFFFD0]  }
0x218: {  	v31 =	vld [tilespmem:s24+$0xFFFFFFE0];
	[tilespmem:v0+s17+$0x0] =	vst.idx.msk $0xffff, v40;
	v40 =	vmov v20  }
0x219: {  	v46 =	vmov v21;
	v41 =	vld [tilespmem:s24+$0xFFFFFFF0]  }
0x21a: {  	s25 =	simm.s32 $0x0;
	s23 =	simm.s32 $0x81F0;
	v42 =	vadd.s32 $0x800, v2;
	v47 =	vmov v2;
	v62 =	vld [tilespmem:s24+$0xFFFFFF90];
	s24 =	simm.s32 $0x8570  }
.LBB2_39:
0x21b: {  	v0 =	vadd.s32 $0x100, v42;
	v1 =	vadd.s32 $0x200, v42;
	v45 =	vadd.s32 $0x700, v42;
	v50 =	vld [tilespmem:s24+$0x0];
	s25 =	sadd.s32 $0x8, s25;
	[tilespmem:v15+s17+$0x0] =	vst.idx.msk $0xffff, v57  }
0x21c: {  	v15 =	vadd.s32 $0x300, v42;
	v52 =	vadd.s32 $0x500, v42;
	v51 =	vld [tilespmem:s24+$0xFFFFFFA0];
	p1 =	slt.u32 s25, $0x78;
	[tilespmem:v56+s17+$0x0] =	vst.idx.msk $0xffff, v35;
	v56 =	vadd.s32 $0x400, v42  }
0x21d: {  	v35 =	vadd.s32 $0x600, v42;
	v55 =	vld [tilespmem:s24+$0xFFFFFFB0];
	[tilespmem:v40+s17+$0x0] =	vst.idx.msk $0xffff, v31;
	v40 =	vmov v52  }
.Ltmp20:
0x21e: {  	v57 =	vld [tilespmem:s24+$0xFFFFFFC0];
	[tilespmem:v46+s17+$0x0] =	vst.idx.msk $0xffff, v41;
	v46 =	vmov v35;
	(pc) =	sbr.rel @p1 .LBB2_39-.Ltmp20, $4  }
0x21f: {  	v35 =	vld [tilespmem:s24+$0xFFFFFFD0];
	[tilespmem:v47+s17+$0x0] =	vst.idx.msk $0xffff, v62;
	v47 =	vmov v42  }
0x220: {  	v31 =	vld [tilespmem:s24+$0xFFFFFFE0];
	[tilespmem:v45+s17+$0x0] =	vst.idx.msk $0xffff, v50  }
0x221: {  	[tilespmem:v0+s17+$0x0] =	vst.idx.msk $0xffff, v51;
	v41 =	vld [tilespmem:s24+$0xFFFFFFF0]  }
0x222: {  	v42 =	vadd.s32 $0x800, v42;
	v62 =	vld [tilespmem:s24+$0xFFFFFF90];
	[tilespmem:v1+s17+$0x0] =	vst.idx.msk $0xffff, v55;
	s24 =	sadd.s32 $0x400, s24  }
0x223: {  	_ =	sdelay $0x3  }
0x224: {  	[tilespmem:v15+s17+$0x0] =	vst.idx.msk $0xffff, v57  }
0x225: {  	[tilespmem:v56+s17+$0x0] =	vst.idx.msk $0xffff, v35  }
0x226: {  	[tilespmem:v40+s17+$0x0] =	vst.idx.msk $0xffff, v31  }
0x227: {  	[tilespmem:v46+s17+$0x0] =	vst.idx.msk $0xffff, v41  }
0x228: {  	[tilespmem:v47+s17+$0x0] =	vst.idx.msk $0xffff, v62  }
0x229: {  	v15 =	vld [tilespmem:$0x1FF30];
	_ =	sdelay $0x2  }
0x22a: {  	v0 =	vld [tilespmem:s23+$0x0];
	_ =	sdelay $0x4  }
0x22b: {  	[tilespmem:v15+s17+$0x0] =	vst.idx.msk $0xffff, v0  }
0x22c: {  	v0 =	vld [tilespmem:$0x1FF40];
	_ =	sdelay $0x2  }
0x22d: {  	v1 =	vld [tilespmem:s23+$0xFFFFFFA0];
	_ =	sdelay $0x4  }
0x22e: {  	[tilespmem:v0+s17+$0x0] =	vst.idx.msk $0xffff, v1  }
0x22f: {  	v0 =	vld [tilespmem:$0x1FF50];
	_ =	sdelay $0x2  }
0x230: {  	v40 =	vld [tilespmem:s23+$0xFFFFFFB0];
	_ =	sdelay $0x2  }
0x231: {  	v57 =	vld [tilespmem:s23+$0xFFFFFFC0];
	v15 =	vadd.s32 $0x300, v3  }
0x232: {  	v56 =	vadd.s32 $0x400, v3;
	v35 =	vld [tilespmem:s23+$0xFFFFFFD0]  }
0x233: {  	v31 =	vld [tilespmem:s23+$0xFFFFFFE0];
	[tilespmem:v0+s17+$0x0] =	vst.idx.msk $0xffff, v40;
	v40 =	vmov v22  }
0x234: {  	v46 =	vmov v23;
	v41 =	vld [tilespmem:s23+$0xFFFFFFF0]  }
0x235: {  	s25 =	simm.s32 $0x0;
	s24 =	simm.s32 $0x8270;
	v42 =	vadd.s32 $0x800, v3;
	v47 =	vmov v3;
	v62 =	vld [tilespmem:s23+$0xFFFFFF90];
	s23 =	simm.s32 $0x85F0  }
.LBB2_41:
0x236: {  	v0 =	vadd.s32 $0x100, v42;
	v1 =	vadd.s32 $0x200, v42;
	v45 =	vadd.s32 $0x700, v42;
	v50 =	vld [tilespmem:s23+$0x0];
	s25 =	sadd.s32 $0x8, s25;
	[tilespmem:v15+s17+$0x0] =	vst.idx.msk $0xffff, v57  }
0x237: {  	v15 =	vadd.s32 $0x300, v42;
	v52 =	vadd.s32 $0x500, v42;
	v51 =	vld [tilespmem:s23+$0xFFFFFFA0];
	p1 =	slt.u32 s25, $0x78;
	[tilespmem:v56+s17+$0x0] =	vst.idx.msk $0xffff, v35;
	v56 =	vadd.s32 $0x400, v42  }
0x238: {  	v35 =	vadd.s32 $0x600, v42;
	v55 =	vld [tilespmem:s23+$0xFFFFFFB0];
	[tilespmem:v40+s17+$0x0] =	vst.idx.msk $0xffff, v31;
	v40 =	vmov v52  }
.Ltmp21:
0x239: {  	v57 =	vld [tilespmem:s23+$0xFFFFFFC0];
	[tilespmem:v46+s17+$0x0] =	vst.idx.msk $0xffff, v41;
	v46 =	vmov v35;
	(pc) =	sbr.rel @p1 .LBB2_41-.Ltmp21, $4  }
0x23a: {  	v35 =	vld [tilespmem:s23+$0xFFFFFFD0];
	[tilespmem:v47+s17+$0x0] =	vst.idx.msk $0xffff, v62;
	v47 =	vmov v42  }
0x23b: {  	v31 =	vld [tilespmem:s23+$0xFFFFFFE0];
	[tilespmem:v45+s17+$0x0] =	vst.idx.msk $0xffff, v50  }
0x23c: {  	[tilespmem:v0+s17+$0x0] =	vst.idx.msk $0xffff, v51;
	v41 =	vld [tilespmem:s23+$0xFFFFFFF0]  }
0x23d: {  	v42 =	vadd.s32 $0x800, v42;
	v62 =	vld [tilespmem:s23+$0xFFFFFF90];
	[tilespmem:v1+s17+$0x0] =	vst.idx.msk $0xffff, v55;
	s23 =	sadd.s32 $0x400, s23  }
0x23e: {  	_ =	sdelay $0x3  }
0x23f: {  	[tilespmem:v15+s17+$0x0] =	vst.idx.msk $0xffff, v57  }
0x240: {  	[tilespmem:v56+s17+$0x0] =	vst.idx.msk $0xffff, v35  }
0x241: {  	[tilespmem:v40+s17+$0x0] =	vst.idx.msk $0xffff, v31  }
0x242: {  	[tilespmem:v46+s17+$0x0] =	vst.idx.msk $0xffff, v41  }
0x243: {  	[tilespmem:v47+s17+$0x0] =	vst.idx.msk $0xffff, v62  }
0x244: {  	v15 =	vld [tilespmem:$0x1FF00];
	_ =	sdelay $0x2  }
0x245: {  	v0 =	vld [tilespmem:s24+$0x0];
	_ =	sdelay $0x4  }
0x246: {  	[tilespmem:v15+s17+$0x0] =	vst.idx.msk $0xffff, v0  }
0x247: {  	v0 =	vld [tilespmem:$0x1FF10];
	_ =	sdelay $0x2  }
0x248: {  	v1 =	vld [tilespmem:s24+$0xFFFFFFA0];
	_ =	sdelay $0x4  }
0x249: {  	[tilespmem:v0+s17+$0x0] =	vst.idx.msk $0xffff, v1  }
0x24a: {  	v0 =	vld [tilespmem:$0x1FF20];
	_ =	sdelay $0x2  }
0x24b: {  	v40 =	vld [tilespmem:s24+$0xFFFFFFB0];
	_ =	sdelay $0x2  }
0x24c: {  	v57 =	vld [tilespmem:s24+$0xFFFFFFC0];
	v15 =	vadd.s32 $0x300, v4  }
0x24d: {  	v56 =	vadd.s32 $0x400, v4;
	v35 =	vld [tilespmem:s24+$0xFFFFFFD0]  }
0x24e: {  	v31 =	vld [tilespmem:s24+$0xFFFFFFE0];
	[tilespmem:v0+s17+$0x0] =	vst.idx.msk $0xffff, v40;
	v40 =	vmov v24  }
0x24f: {  	v46 =	vmov v25;
	v41 =	vld [tilespmem:s24+$0xFFFFFFF0]  }
0x250: {  	s25 =	simm.s32 $0x0;
	s23 =	simm.s32 $0x82F0;
	v42 =	vadd.s32 $0x800, v4;
	v47 =	vmov v4;
	v62 =	vld [tilespmem:s24+$0xFFFFFF90];
	s24 =	simm.s32 $0x8670  }
.LBB2_43:
0x251: {  	v0 =	vadd.s32 $0x100, v42;
	v1 =	vadd.s32 $0x200, v42;
	v45 =	vadd.s32 $0x700, v42;
	v50 =	vld [tilespmem:s24+$0x0];
	s25 =	sadd.s32 $0x8, s25;
	[tilespmem:v15+s17+$0x0] =	vst.idx.msk $0xffff, v57  }
0x252: {  	v15 =	vadd.s32 $0x300, v42;
	v52 =	vadd.s32 $0x500, v42;
	v51 =	vld [tilespmem:s24+$0xFFFFFFA0];
	p1 =	slt.u32 s25, $0x78;
	[tilespmem:v56+s17+$0x0] =	vst.idx.msk $0xffff, v35;
	v56 =	vadd.s32 $0x400, v42  }
0x253: {  	v35 =	vadd.s32 $0x600, v42;
	v55 =	vld [tilespmem:s24+$0xFFFFFFB0];
	[tilespmem:v40+s17+$0x0] =	vst.idx.msk $0xffff, v31;
	v40 =	vmov v52  }
.Ltmp22:
0x254: {  	v57 =	vld [tilespmem:s24+$0xFFFFFFC0];
	[tilespmem:v46+s17+$0x0] =	vst.idx.msk $0xffff, v41;
	v46 =	vmov v35;
	(pc) =	sbr.rel @p1 .LBB2_43-.Ltmp22, $4  }
0x255: {  	v35 =	vld [tilespmem:s24+$0xFFFFFFD0];
	[tilespmem:v47+s17+$0x0] =	vst.idx.msk $0xffff, v62;
	v47 =	vmov v42  }
0x256: {  	v31 =	vld [tilespmem:s24+$0xFFFFFFE0];
	[tilespmem:v45+s17+$0x0] =	vst.idx.msk $0xffff, v50  }
0x257: {  	[tilespmem:v0+s17+$0x0] =	vst.idx.msk $0xffff, v51;
	v41 =	vld [tilespmem:s24+$0xFFFFFFF0]  }
0x258: {  	v42 =	vadd.s32 $0x800, v42;
	v62 =	vld [tilespmem:s24+$0xFFFFFF90];
	[tilespmem:v1+s17+$0x0] =	vst.idx.msk $0xffff, v55;
	s24 =	sadd.s32 $0x400, s24  }
0x259: {  	_ =	sdelay $0x3  }
0x25a: {  	[tilespmem:v15+s17+$0x0] =	vst.idx.msk $0xffff, v57  }
0x25b: {  	[tilespmem:v56+s17+$0x0] =	vst.idx.msk $0xffff, v35  }
0x25c: {  	[tilespmem:v40+s17+$0x0] =	vst.idx.msk $0xffff, v31  }
0x25d: {  	[tilespmem:v46+s17+$0x0] =	vst.idx.msk $0xffff, v41  }
0x25e: {  	[tilespmem:v47+s17+$0x0] =	vst.idx.msk $0xffff, v62  }
0x25f: {  	v15 =	vld [tilespmem:$0x1FED0];
	_ =	sdelay $0x2  }
0x260: {  	v0 =	vld [tilespmem:s23+$0x0];
	_ =	sdelay $0x4  }
0x261: {  	[tilespmem:v15+s17+$0x0] =	vst.idx.msk $0xffff, v0  }
0x262: {  	v0 =	vld [tilespmem:$0x1FEE0];
	_ =	sdelay $0x2  }
0x263: {  	v1 =	vld [tilespmem:s23+$0xFFFFFFA0];
	_ =	sdelay $0x4  }
0x264: {  	[tilespmem:v0+s17+$0x0] =	vst.idx.msk $0xffff, v1  }
0x265: {  	v0 =	vld [tilespmem:$0x1FEF0];
	_ =	sdelay $0x2  }
0x266: {  	v40 =	vld [tilespmem:s23+$0xFFFFFFB0];
	_ =	sdelay $0x2  }
0x267: {  	v57 =	vld [tilespmem:s23+$0xFFFFFFC0];
	v15 =	vadd.s32 $0x300, v5  }
0x268: {  	v56 =	vadd.s32 $0x400, v5;
	v35 =	vld [tilespmem:s23+$0xFFFFFFD0]  }
0x269: {  	v31 =	vld [tilespmem:s23+$0xFFFFFFE0];
	[tilespmem:v0+s17+$0x0] =	vst.idx.msk $0xffff, v40;
	v40 =	vmov v26  }
0x26a: {  	v46 =	vmov v27;
	v41 =	vld [tilespmem:s23+$0xFFFFFFF0]  }
0x26b: {  	s25 =	simm.s32 $0x0;
	s24 =	simm.s32 $0x8370;
	v42 =	vadd.s32 $0x800, v5;
	v47 =	vmov v5;
	v62 =	vld [tilespmem:s23+$0xFFFFFF90];
	s23 =	simm.s32 $0x86F0  }
.LBB2_45:
0x26c: {  	v0 =	vadd.s32 $0x100, v42;
	v1 =	vadd.s32 $0x200, v42;
	v45 =	vadd.s32 $0x700, v42;
	v50 =	vld [tilespmem:s23+$0x0];
	s25 =	sadd.s32 $0x8, s25;
	[tilespmem:v15+s17+$0x0] =	vst.idx.msk $0xffff, v57  }
0x26d: {  	v15 =	vadd.s32 $0x300, v42;
	v52 =	vadd.s32 $0x500, v42;
	v51 =	vld [tilespmem:s23+$0xFFFFFFA0];
	p1 =	slt.u32 s25, $0x78;
	[tilespmem:v56+s17+$0x0] =	vst.idx.msk $0xffff, v35;
	v56 =	vadd.s32 $0x400, v42  }
0x26e: {  	v35 =	vadd.s32 $0x600, v42;
	v55 =	vld [tilespmem:s23+$0xFFFFFFB0];
	[tilespmem:v40+s17+$0x0] =	vst.idx.msk $0xffff, v31;
	v40 =	vmov v52  }
.Ltmp23:
0x26f: {  	v57 =	vld [tilespmem:s23+$0xFFFFFFC0];
	[tilespmem:v46+s17+$0x0] =	vst.idx.msk $0xffff, v41;
	v46 =	vmov v35;
	(pc) =	sbr.rel @p1 .LBB2_45-.Ltmp23, $4  }
0x270: {  	v35 =	vld [tilespmem:s23+$0xFFFFFFD0];
	[tilespmem:v47+s17+$0x0] =	vst.idx.msk $0xffff, v62;
	v47 =	vmov v42  }
0x271: {  	v31 =	vld [tilespmem:s23+$0xFFFFFFE0];
	[tilespmem:v45+s17+$0x0] =	vst.idx.msk $0xffff, v50  }
0x272: {  	[tilespmem:v0+s17+$0x0] =	vst.idx.msk $0xffff, v51;
	v41 =	vld [tilespmem:s23+$0xFFFFFFF0]  }
0x273: {  	v42 =	vadd.s32 $0x800, v42;
	v62 =	vld [tilespmem:s23+$0xFFFFFF90];
	[tilespmem:v1+s17+$0x0] =	vst.idx.msk $0xffff, v55;
	s23 =	sadd.s32 $0x400, s23  }
0x274: {  	_ =	sdelay $0x3  }
0x275: {  	[tilespmem:v15+s17+$0x0] =	vst.idx.msk $0xffff, v57  }
0x276: {  	[tilespmem:v56+s17+$0x0] =	vst.idx.msk $0xffff, v35  }
0x277: {  	[tilespmem:v40+s17+$0x0] =	vst.idx.msk $0xffff, v31  }
0x278: {  	[tilespmem:v46+s17+$0x0] =	vst.idx.msk $0xffff, v41  }
0x279: {  	[tilespmem:v47+s17+$0x0] =	vst.idx.msk $0xffff, v62  }
0x27a: {  	v15 =	vld [tilespmem:$0x1FEA0];
	_ =	sdelay $0x2  }
0x27b: {  	v0 =	vld [tilespmem:s24+$0x0];
	_ =	sdelay $0x4  }
0x27c: {  	[tilespmem:v15+s17+$0x0] =	vst.idx.msk $0xffff, v0  }
0x27d: {  	v0 =	vld [tilespmem:$0x1FEB0];
	_ =	sdelay $0x2  }
0x27e: {  	v1 =	vld [tilespmem:s24+$0xFFFFFFA0];
	_ =	sdelay $0x4  }
0x27f: {  	[tilespmem:v0+s17+$0x0] =	vst.idx.msk $0xffff, v1  }
0x280: {  	v0 =	vld [tilespmem:$0x1FEC0];
	_ =	sdelay $0x2  }
0x281: {  	v40 =	vld [tilespmem:s24+$0xFFFFFFB0];
	_ =	sdelay $0x2  }
0x282: {  	v57 =	vld [tilespmem:s24+$0xFFFFFFC0];
	v15 =	vadd.s32 $0x300, v6  }
0x283: {  	v56 =	vadd.s32 $0x400, v6;
	v35 =	vld [tilespmem:s24+$0xFFFFFFD0]  }
0x284: {  	v31 =	vld [tilespmem:s24+$0xFFFFFFE0];
	[tilespmem:v0+s17+$0x0] =	vst.idx.msk $0xffff, v40;
	v40 =	vmov v28  }
0x285: {  	v46 =	vmov v29;
	v41 =	vld [tilespmem:s24+$0xFFFFFFF0]  }
0x286: {  	s25 =	simm.s32 $0x0;
	s23 =	simm.s32 $0x83F0;
	v42 =	vadd.s32 $0x800, v6;
	v47 =	vmov v6;
	v62 =	vld [tilespmem:s24+$0xFFFFFF90];
	s24 =	simm.s32 $0x8770  }
.LBB2_47:
0x287: {  	v0 =	vadd.s32 $0x100, v42;
	v1 =	vadd.s32 $0x200, v42;
	v45 =	vadd.s32 $0x700, v42;
	v50 =	vld [tilespmem:s24+$0x0];
	s25 =	sadd.s32 $0x8, s25;
	[tilespmem:v15+s17+$0x0] =	vst.idx.msk $0xffff, v57  }
0x288: {  	v15 =	vadd.s32 $0x300, v42;
	v52 =	vadd.s32 $0x500, v42;
	v51 =	vld [tilespmem:s24+$0xFFFFFFA0];
	p1 =	slt.u32 s25, $0x78;
	[tilespmem:v56+s17+$0x0] =	vst.idx.msk $0xffff, v35;
	v56 =	vadd.s32 $0x400, v42  }
0x289: {  	v35 =	vadd.s32 $0x600, v42;
	v55 =	vld [tilespmem:s24+$0xFFFFFFB0];
	[tilespmem:v40+s17+$0x0] =	vst.idx.msk $0xffff, v31;
	v40 =	vmov v52  }
.Ltmp24:
0x28a: {  	v57 =	vld [tilespmem:s24+$0xFFFFFFC0];
	[tilespmem:v46+s17+$0x0] =	vst.idx.msk $0xffff, v41;
	v46 =	vmov v35;
	(pc) =	sbr.rel @p1 .LBB2_47-.Ltmp24, $4  }
0x28b: {  	v35 =	vld [tilespmem:s24+$0xFFFFFFD0];
	[tilespmem:v47+s17+$0x0] =	vst.idx.msk $0xffff, v62;
	v47 =	vmov v42  }
0x28c: {  	v31 =	vld [tilespmem:s24+$0xFFFFFFE0];
	[tilespmem:v45+s17+$0x0] =	vst.idx.msk $0xffff, v50  }
0x28d: {  	[tilespmem:v0+s17+$0x0] =	vst.idx.msk $0xffff, v51;
	v41 =	vld [tilespmem:s24+$0xFFFFFFF0]  }
0x28e: {  	v42 =	vadd.s32 $0x800, v42;
	v62 =	vld [tilespmem:s24+$0xFFFFFF90];
	[tilespmem:v1+s17+$0x0] =	vst.idx.msk $0xffff, v55;
	s24 =	sadd.s32 $0x400, s24  }
0x28f: {  	_ =	sdelay $0x3  }
0x290: {  	[tilespmem:v15+s17+$0x0] =	vst.idx.msk $0xffff, v57  }
0x291: {  	[tilespmem:v56+s17+$0x0] =	vst.idx.msk $0xffff, v35  }
0x292: {  	[tilespmem:v40+s17+$0x0] =	vst.idx.msk $0xffff, v31  }
0x293: {  	[tilespmem:v46+s17+$0x0] =	vst.idx.msk $0xffff, v41  }
0x294: {  	[tilespmem:v47+s17+$0x0] =	vst.idx.msk $0xffff, v62  }
0x295: {  	v15 =	vld [tilespmem:$0x1FE70];
	_ =	sdelay $0x2  }
0x296: {  	v0 =	vld [tilespmem:s23+$0x0];
	_ =	sdelay $0x4  }
0x297: {  	[tilespmem:v15+s17+$0x0] =	vst.idx.msk $0xffff, v0  }
0x298: {  	v0 =	vld [tilespmem:$0x1FE80];
	_ =	sdelay $0x2  }
0x299: {  	v1 =	vld [tilespmem:s23+$0xFFFFFFA0];
	_ =	sdelay $0x4  }
0x29a: {  	[tilespmem:v0+s17+$0x0] =	vst.idx.msk $0xffff, v1  }
0x29b: {  	v0 =	vld [tilespmem:$0x1FE90];
	_ =	sdelay $0x2  }
0x29c: {  	v40 =	vld [tilespmem:s23+$0xFFFFFFB0];
	_ =	sdelay $0x2  }
0x29d: {  	v57 =	vld [tilespmem:s23+$0xFFFFFFC0];
	v15 =	vadd.s32 $0x300, v7  }
0x29e: {  	v56 =	vadd.s32 $0x400, v7;
	v35 =	vld [tilespmem:s23+$0xFFFFFFD0]  }
0x29f: {  	v31 =	vld [tilespmem:s23+$0xFFFFFFE0];
	[tilespmem:v0+s17+$0x0] =	vst.idx.msk $0xffff, v40;
	v40 =	vmov v33  }
0x2a0: {  	v46 =	vmov v34;
	v41 =	vld [tilespmem:s23+$0xFFFFFFF0]  }
0x2a1: {  	s25 =	simm.s32 $0x0;
	s24 =	simm.s32 $0xC070;
	v42 =	vadd.s32 $0x800, v7;
	v47 =	vmov v7;
	v62 =	vld [tilespmem:s23+$0xFFFFFF90];
	s23 =	simm.s32 $0x87F0  }
.LBB2_49:
0x2a2: {  	v0 =	vadd.s32 $0x100, v42;
	v1 =	vadd.s32 $0x200, v42;
	v45 =	vadd.s32 $0x700, v42;
	v50 =	vld [tilespmem:s23+$0x0];
	s25 =	sadd.s32 $0x8, s25;
	[tilespmem:v15+s17+$0x0] =	vst.idx.msk $0xffff, v57  }
0x2a3: {  	v15 =	vadd.s32 $0x300, v42;
	v52 =	vadd.s32 $0x500, v42;
	v51 =	vld [tilespmem:s23+$0xFFFFFFA0];
	p1 =	slt.u32 s25, $0x78;
	[tilespmem:v56+s17+$0x0] =	vst.idx.msk $0xffff, v35;
	v56 =	vadd.s32 $0x400, v42  }
0x2a4: {  	v35 =	vadd.s32 $0x600, v42;
	v55 =	vld [tilespmem:s23+$0xFFFFFFB0];
	[tilespmem:v40+s17+$0x0] =	vst.idx.msk $0xffff, v31;
	v40 =	vmov v52  }
.Ltmp25:
0x2a5: {  	v57 =	vld [tilespmem:s23+$0xFFFFFFC0];
	[tilespmem:v46+s17+$0x0] =	vst.idx.msk $0xffff, v41;
	v46 =	vmov v35;
	(pc) =	sbr.rel @p1 .LBB2_49-.Ltmp25, $4  }
0x2a6: {  	v35 =	vld [tilespmem:s23+$0xFFFFFFD0];
	[tilespmem:v47+s17+$0x0] =	vst.idx.msk $0xffff, v62;
	v47 =	vmov v42  }
0x2a7: {  	v31 =	vld [tilespmem:s23+$0xFFFFFFE0];
	[tilespmem:v45+s17+$0x0] =	vst.idx.msk $0xffff, v50  }
0x2a8: {  	[tilespmem:v0+s17+$0x0] =	vst.idx.msk $0xffff, v51;
	v41 =	vld [tilespmem:s23+$0xFFFFFFF0]  }
0x2a9: {  	v42 =	vadd.s32 $0x800, v42;
	v62 =	vld [tilespmem:s23+$0xFFFFFF90];
	[tilespmem:v1+s17+$0x0] =	vst.idx.msk $0xffff, v55;
	s23 =	sadd.s32 $0x400, s23  }
0x2aa: {  	_ =	sdelay $0x3  }
0x2ab: {  	[tilespmem:v15+s17+$0x0] =	vst.idx.msk $0xffff, v57  }
0x2ac: {  	[tilespmem:v56+s17+$0x0] =	vst.idx.msk $0xffff, v35  }
0x2ad: {  	[tilespmem:v40+s17+$0x0] =	vst.idx.msk $0xffff, v31  }
0x2ae: {  	[tilespmem:v46+s17+$0x0] =	vst.idx.msk $0xffff, v41  }
0x2af: {  	[tilespmem:v47+s17+$0x0] =	vst.idx.msk $0xffff, v62  }
0x2b0: {  	v15 =	vld [tilespmem:$0x1FE40];
	_ =	sdelay $0x2  }
0x2b1: {  	v0 =	vld [tilespmem:s24+$0x0];
	_ =	sdelay $0x4  }
0x2b2: {  	[tilespmem:v15+s17+$0x0] =	vst.idx.msk $0xffff, v0  }
0x2b3: {  	v0 =	vld [tilespmem:$0x1FE50];
	_ =	sdelay $0x2  }
0x2b4: {  	v1 =	vld [tilespmem:s24+$0xFFFFFFA0];
	_ =	sdelay $0x4  }
0x2b5: {  	[tilespmem:v0+s17+$0x0] =	vst.idx.msk $0xffff, v1  }
0x2b6: {  	v0 =	vld [tilespmem:$0x1FE60];
	_ =	sdelay $0x2  }
0x2b7: {  	v40 =	vld [tilespmem:s24+$0xFFFFFFB0];
	_ =	sdelay $0x2  }
0x2b8: {  	v57 =	vld [tilespmem:s24+$0xFFFFFFC0];
	v15 =	vadd.s32 $0x300, v8  }
0x2b9: {  	v56 =	vadd.s32 $0x400, v8;
	v35 =	vld [tilespmem:s24+$0xFFFFFFD0]  }
0x2ba: {  	v31 =	vld [tilespmem:s24+$0xFFFFFFE0];
	[tilespmem:v0+s17+$0x0] =	vst.idx.msk $0xffff, v40;
	v40 =	vmov v38  }
0x2bb: {  	v46 =	vmov v39;
	v41 =	vld [tilespmem:s24+$0xFFFFFFF0]  }
0x2bc: {  	s25 =	simm.s32 $0x0;
	s23 =	simm.s32 $0xC0F0;
	v42 =	vadd.s32 $0x800, v8;
	v47 =	vmov v8;
	v62 =	vld [tilespmem:s24+$0xFFFFFF90];
	s24 =	simm.s32 $0xC470  }
.LBB2_51:
0x2bd: {  	v0 =	vadd.s32 $0x100, v42;
	v1 =	vadd.s32 $0x200, v42;
	v45 =	vadd.s32 $0x700, v42;
	v50 =	vld [tilespmem:s24+$0x0];
	s25 =	sadd.s32 $0x8, s25;
	[tilespmem:v15+s17+$0x0] =	vst.idx.msk $0xffff, v57  }
0x2be: {  	v15 =	vadd.s32 $0x300, v42;
	v52 =	vadd.s32 $0x500, v42;
	v51 =	vld [tilespmem:s24+$0xFFFFFFA0];
	p1 =	slt.u32 s25, $0x78;
	[tilespmem:v56+s17+$0x0] =	vst.idx.msk $0xffff, v35;
	v56 =	vadd.s32 $0x400, v42  }
0x2bf: {  	v35 =	vadd.s32 $0x600, v42;
	v55 =	vld [tilespmem:s24+$0xFFFFFFB0];
	[tilespmem:v40+s17+$0x0] =	vst.idx.msk $0xffff, v31;
	v40 =	vmov v52  }
.Ltmp26:
0x2c0: {  	v57 =	vld [tilespmem:s24+$0xFFFFFFC0];
	[tilespmem:v46+s17+$0x0] =	vst.idx.msk $0xffff, v41;
	v46 =	vmov v35;
	(pc) =	sbr.rel @p1 .LBB2_51-.Ltmp26, $4  }
0x2c1: {  	v35 =	vld [tilespmem:s24+$0xFFFFFFD0];
	[tilespmem:v47+s17+$0x0] =	vst.idx.msk $0xffff, v62;
	v47 =	vmov v42  }
0x2c2: {  	v31 =	vld [tilespmem:s24+$0xFFFFFFE0];
	[tilespmem:v45+s17+$0x0] =	vst.idx.msk $0xffff, v50  }
0x2c3: {  	[tilespmem:v0+s17+$0x0] =	vst.idx.msk $0xffff, v51;
	v41 =	vld [tilespmem:s24+$0xFFFFFFF0]  }
0x2c4: {  	v42 =	vadd.s32 $0x800, v42;
	v62 =	vld [tilespmem:s24+$0xFFFFFF90];
	[tilespmem:v1+s17+$0x0] =	vst.idx.msk $0xffff, v55;
	s24 =	sadd.s32 $0x400, s24  }
0x2c5: {  	_ =	sdelay $0x3  }
0x2c6: {  	[tilespmem:v15+s17+$0x0] =	vst.idx.msk $0xffff, v57  }
0x2c7: {  	[tilespmem:v56+s17+$0x0] =	vst.idx.msk $0xffff, v35  }
0x2c8: {  	[tilespmem:v40+s17+$0x0] =	vst.idx.msk $0xffff, v31  }
0x2c9: {  	[tilespmem:v46+s17+$0x0] =	vst.idx.msk $0xffff, v41  }
0x2ca: {  	[tilespmem:v47+s17+$0x0] =	vst.idx.msk $0xffff, v62  }
0x2cb: {  	v15 =	vld [tilespmem:$0x1FE10];
	_ =	sdelay $0x2  }
0x2cc: {  	v0 =	vld [tilespmem:s23+$0x0];
	_ =	sdelay $0x4  }
0x2cd: {  	[tilespmem:v15+s17+$0x0] =	vst.idx.msk $0xffff, v0  }
0x2ce: {  	v0 =	vld [tilespmem:$0x1FE20];
	_ =	sdelay $0x2  }
0x2cf: {  	v1 =	vld [tilespmem:s23+$0xFFFFFFA0];
	_ =	sdelay $0x4  }
0x2d0: {  	[tilespmem:v0+s17+$0x0] =	vst.idx.msk $0xffff, v1  }
0x2d1: {  	v0 =	vld [tilespmem:$0x1FE30];
	_ =	sdelay $0x2  }
0x2d2: {  	v40 =	vld [tilespmem:s23+$0xFFFFFFB0];
	_ =	sdelay $0x2  }
0x2d3: {  	v57 =	vld [tilespmem:s23+$0xFFFFFFC0];
	v15 =	vadd.s32 $0x300, v9  }
0x2d4: {  	v56 =	vadd.s32 $0x400, v9;
	v35 =	vld [tilespmem:s23+$0xFFFFFFD0]  }
0x2d5: {  	v31 =	vld [tilespmem:s23+$0xFFFFFFE0];
	[tilespmem:v0+s17+$0x0] =	vst.idx.msk $0xffff, v40;
	v40 =	vmov v43  }
0x2d6: {  	v46 =	vmov v44;
	v41 =	vld [tilespmem:s23+$0xFFFFFFF0]  }
0x2d7: {  	s25 =	simm.s32 $0x0;
	s24 =	simm.s32 $0xC170;
	v42 =	vadd.s32 $0x800, v9;
	v47 =	vmov v9;
	v62 =	vld [tilespmem:s23+$0xFFFFFF90];
	s23 =	simm.s32 $0xC4F0  }
.LBB2_53:
0x2d8: {  	v0 =	vadd.s32 $0x100, v42;
	v1 =	vadd.s32 $0x200, v42;
	v45 =	vadd.s32 $0x700, v42;
	v50 =	vld [tilespmem:s23+$0x0];
	s25 =	sadd.s32 $0x8, s25;
	[tilespmem:v15+s17+$0x0] =	vst.idx.msk $0xffff, v57  }
0x2d9: {  	v15 =	vadd.s32 $0x300, v42;
	v52 =	vadd.s32 $0x500, v42;
	v51 =	vld [tilespmem:s23+$0xFFFFFFA0];
	p1 =	slt.u32 s25, $0x78;
	[tilespmem:v56+s17+$0x0] =	vst.idx.msk $0xffff, v35;
	v56 =	vadd.s32 $0x400, v42  }
0x2da: {  	v35 =	vadd.s32 $0x600, v42;
	v55 =	vld [tilespmem:s23+$0xFFFFFFB0];
	[tilespmem:v40+s17+$0x0] =	vst.idx.msk $0xffff, v31;
	v40 =	vmov v52  }
.Ltmp27:
0x2db: {  	v57 =	vld [tilespmem:s23+$0xFFFFFFC0];
	[tilespmem:v46+s17+$0x0] =	vst.idx.msk $0xffff, v41;
	v46 =	vmov v35;
	(pc) =	sbr.rel @p1 .LBB2_53-.Ltmp27, $4  }
0x2dc: {  	v35 =	vld [tilespmem:s23+$0xFFFFFFD0];
	[tilespmem:v47+s17+$0x0] =	vst.idx.msk $0xffff, v62;
	v47 =	vmov v42  }
0x2dd: {  	v31 =	vld [tilespmem:s23+$0xFFFFFFE0];
	[tilespmem:v45+s17+$0x0] =	vst.idx.msk $0xffff, v50  }
0x2de: {  	[tilespmem:v0+s17+$0x0] =	vst.idx.msk $0xffff, v51;
	v41 =	vld [tilespmem:s23+$0xFFFFFFF0]  }
0x2df: {  	v42 =	vadd.s32 $0x800, v42;
	v62 =	vld [tilespmem:s23+$0xFFFFFF90];
	[tilespmem:v1+s17+$0x0] =	vst.idx.msk $0xffff, v55;
	s23 =	sadd.s32 $0x400, s23  }
0x2e0: {  	_ =	sdelay $0x3  }
0x2e1: {  	[tilespmem:v15+s17+$0x0] =	vst.idx.msk $0xffff, v57  }
0x2e2: {  	[tilespmem:v56+s17+$0x0] =	vst.idx.msk $0xffff, v35  }
0x2e3: {  	[tilespmem:v40+s17+$0x0] =	vst.idx.msk $0xffff, v31  }
0x2e4: {  	[tilespmem:v46+s17+$0x0] =	vst.idx.msk $0xffff, v41  }
0x2e5: {  	[tilespmem:v47+s17+$0x0] =	vst.idx.msk $0xffff, v62  }
0x2e6: {  	v15 =	vld [tilespmem:$0x1FDE0];
	_ =	sdelay $0x2  }
0x2e7: {  	v0 =	vld [tilespmem:s24+$0x0];
	_ =	sdelay $0x4  }
0x2e8: {  	[tilespmem:v15+s17+$0x0] =	vst.idx.msk $0xffff, v0  }
0x2e9: {  	v0 =	vld [tilespmem:$0x1FDF0];
	_ =	sdelay $0x2  }
0x2ea: {  	v1 =	vld [tilespmem:s24+$0xFFFFFFA0];
	_ =	sdelay $0x4  }
0x2eb: {  	[tilespmem:v0+s17+$0x0] =	vst.idx.msk $0xffff, v1  }
0x2ec: {  	v0 =	vld [tilespmem:$0x1FE00];
	_ =	sdelay $0x2  }
0x2ed: {  	v40 =	vld [tilespmem:s24+$0xFFFFFFB0];
	_ =	sdelay $0x2  }
0x2ee: {  	v57 =	vld [tilespmem:s24+$0xFFFFFFC0];
	v15 =	vadd.s32 $0x300, v10  }
0x2ef: {  	v56 =	vadd.s32 $0x400, v10;
	v35 =	vld [tilespmem:s24+$0xFFFFFFD0]  }
0x2f0: {  	v31 =	vld [tilespmem:s24+$0xFFFFFFE0];
	[tilespmem:v0+s17+$0x0] =	vst.idx.msk $0xffff, v40;
	v40 =	vmov v48  }
0x2f1: {  	v46 =	vmov v49;
	v41 =	vld [tilespmem:s24+$0xFFFFFFF0]  }
0x2f2: {  	s25 =	simm.s32 $0x0;
	s23 =	simm.s32 $0xC1F0;
	v42 =	vadd.s32 $0x800, v10;
	v47 =	vmov v10;
	v62 =	vld [tilespmem:s24+$0xFFFFFF90];
	s24 =	simm.s32 $0xC570  }
.LBB2_55:
0x2f3: {  	v0 =	vadd.s32 $0x100, v42;
	v1 =	vadd.s32 $0x200, v42;
	v45 =	vadd.s32 $0x700, v42;
	v50 =	vld [tilespmem:s24+$0x0];
	s25 =	sadd.s32 $0x8, s25;
	[tilespmem:v15+s17+$0x0] =	vst.idx.msk $0xffff, v57  }
0x2f4: {  	v15 =	vadd.s32 $0x300, v42;
	v52 =	vadd.s32 $0x500, v42;
	v51 =	vld [tilespmem:s24+$0xFFFFFFA0];
	p1 =	slt.u32 s25, $0x78;
	[tilespmem:v56+s17+$0x0] =	vst.idx.msk $0xffff, v35;
	v56 =	vadd.s32 $0x400, v42  }
0x2f5: {  	v35 =	vadd.s32 $0x600, v42;
	v55 =	vld [tilespmem:s24+$0xFFFFFFB0];
	[tilespmem:v40+s17+$0x0] =	vst.idx.msk $0xffff, v31;
	v40 =	vmov v52  }
.Ltmp28:
0x2f6: {  	v57 =	vld [tilespmem:s24+$0xFFFFFFC0];
	[tilespmem:v46+s17+$0x0] =	vst.idx.msk $0xffff, v41;
	v46 =	vmov v35;
	(pc) =	sbr.rel @p1 .LBB2_55-.Ltmp28, $4  }
0x2f7: {  	v35 =	vld [tilespmem:s24+$0xFFFFFFD0];
	[tilespmem:v47+s17+$0x0] =	vst.idx.msk $0xffff, v62;
	v47 =	vmov v42  }
0x2f8: {  	v31 =	vld [tilespmem:s24+$0xFFFFFFE0];
	[tilespmem:v45+s17+$0x0] =	vst.idx.msk $0xffff, v50  }
0x2f9: {  	[tilespmem:v0+s17+$0x0] =	vst.idx.msk $0xffff, v51;
	v41 =	vld [tilespmem:s24+$0xFFFFFFF0]  }
0x2fa: {  	v42 =	vadd.s32 $0x800, v42;
	v62 =	vld [tilespmem:s24+$0xFFFFFF90];
	[tilespmem:v1+s17+$0x0] =	vst.idx.msk $0xffff, v55;
	s24 =	sadd.s32 $0x400, s24  }
0x2fb: {  	_ =	sdelay $0x3  }
0x2fc: {  	[tilespmem:v15+s17+$0x0] =	vst.idx.msk $0xffff, v57  }
0x2fd: {  	[tilespmem:v56+s17+$0x0] =	vst.idx.msk $0xffff, v35  }
0x2fe: {  	[tilespmem:v40+s17+$0x0] =	vst.idx.msk $0xffff, v31  }
0x2ff: {  	[tilespmem:v46+s17+$0x0] =	vst.idx.msk $0xffff, v41  }
0x300: {  	[tilespmem:v47+s17+$0x0] =	vst.idx.msk $0xffff, v62  }
0x301: {  	v15 =	vld [tilespmem:$0x1FDB0];
	_ =	sdelay $0x2  }
0x302: {  	v0 =	vld [tilespmem:s23+$0x0];
	_ =	sdelay $0x4  }
0x303: {  	[tilespmem:v15+s17+$0x0] =	vst.idx.msk $0xffff, v0  }
0x304: {  	v0 =	vld [tilespmem:$0x1FDC0];
	_ =	sdelay $0x2  }
0x305: {  	v1 =	vld [tilespmem:s23+$0xFFFFFFA0];
	_ =	sdelay $0x4  }
0x306: {  	[tilespmem:v0+s17+$0x0] =	vst.idx.msk $0xffff, v1  }
0x307: {  	v0 =	vld [tilespmem:$0x1FDD0];
	_ =	sdelay $0x2  }
0x308: {  	v40 =	vld [tilespmem:s23+$0xFFFFFFB0];
	_ =	sdelay $0x2  }
0x309: {  	v57 =	vld [tilespmem:s23+$0xFFFFFFC0];
	v15 =	vadd.s32 $0x300, v11  }
0x30a: {  	v56 =	vadd.s32 $0x400, v11;
	v35 =	vld [tilespmem:s23+$0xFFFFFFD0]  }
0x30b: {  	v31 =	vld [tilespmem:s23+$0xFFFFFFE0];
	[tilespmem:v0+s17+$0x0] =	vst.idx.msk $0xffff, v40;
	v40 =	vmov v53  }
0x30c: {  	v46 =	vmov v54;
	v41 =	vld [tilespmem:s23+$0xFFFFFFF0]  }
0x30d: {  	s25 =	simm.s32 $0x0;
	s24 =	simm.s32 $0xC270;
	v42 =	vadd.s32 $0x800, v11;
	v47 =	vmov v11;
	v62 =	vld [tilespmem:s23+$0xFFFFFF90];
	s23 =	simm.s32 $0xC5F0  }
.LBB2_57:
0x30e: {  	v0 =	vadd.s32 $0x100, v42;
	v1 =	vadd.s32 $0x200, v42;
	v45 =	vadd.s32 $0x700, v42;
	v50 =	vld [tilespmem:s23+$0x0];
	s25 =	sadd.s32 $0x8, s25;
	[tilespmem:v15+s17+$0x0] =	vst.idx.msk $0xffff, v57  }
0x30f: {  	v15 =	vadd.s32 $0x300, v42;
	v52 =	vadd.s32 $0x500, v42;
	v51 =	vld [tilespmem:s23+$0xFFFFFFA0];
	p1 =	slt.u32 s25, $0x78;
	[tilespmem:v56+s17+$0x0] =	vst.idx.msk $0xffff, v35;
	v56 =	vadd.s32 $0x400, v42  }
0x310: {  	v35 =	vadd.s32 $0x600, v42;
	v55 =	vld [tilespmem:s23+$0xFFFFFFB0];
	[tilespmem:v40+s17+$0x0] =	vst.idx.msk $0xffff, v31;
	v40 =	vmov v52  }
.Ltmp29:
0x311: {  	v57 =	vld [tilespmem:s23+$0xFFFFFFC0];
	[tilespmem:v46+s17+$0x0] =	vst.idx.msk $0xffff, v41;
	v46 =	vmov v35;
	(pc) =	sbr.rel @p1 .LBB2_57-.Ltmp29, $4  }
0x312: {  	v35 =	vld [tilespmem:s23+$0xFFFFFFD0];
	[tilespmem:v47+s17+$0x0] =	vst.idx.msk $0xffff, v62;
	v47 =	vmov v42  }
0x313: {  	v31 =	vld [tilespmem:s23+$0xFFFFFFE0];
	[tilespmem:v45+s17+$0x0] =	vst.idx.msk $0xffff, v50  }
0x314: {  	[tilespmem:v0+s17+$0x0] =	vst.idx.msk $0xffff, v51;
	v41 =	vld [tilespmem:s23+$0xFFFFFFF0]  }
0x315: {  	v42 =	vadd.s32 $0x800, v42;
	v62 =	vld [tilespmem:s23+$0xFFFFFF90];
	[tilespmem:v1+s17+$0x0] =	vst.idx.msk $0xffff, v55;
	s23 =	sadd.s32 $0x400, s23  }
0x316: {  	_ =	sdelay $0x3  }
0x317: {  	[tilespmem:v15+s17+$0x0] =	vst.idx.msk $0xffff, v57  }
0x318: {  	[tilespmem:v56+s17+$0x0] =	vst.idx.msk $0xffff, v35  }
0x319: {  	[tilespmem:v40+s17+$0x0] =	vst.idx.msk $0xffff, v31  }
0x31a: {  	[tilespmem:v46+s17+$0x0] =	vst.idx.msk $0xffff, v41  }
0x31b: {  	[tilespmem:v47+s17+$0x0] =	vst.idx.msk $0xffff, v62  }
0x31c: {  	v15 =	vld [tilespmem:$0x1FD80];
	_ =	sdelay $0x2  }
0x31d: {  	v0 =	vld [tilespmem:s24+$0x0];
	_ =	sdelay $0x4  }
0x31e: {  	[tilespmem:v15+s17+$0x0] =	vst.idx.msk $0xffff, v0  }
0x31f: {  	v0 =	vld [tilespmem:$0x1FD90];
	_ =	sdelay $0x2  }
0x320: {  	v1 =	vld [tilespmem:s24+$0xFFFFFFA0];
	_ =	sdelay $0x4  }
0x321: {  	[tilespmem:v0+s17+$0x0] =	vst.idx.msk $0xffff, v1  }
0x322: {  	v0 =	vld [tilespmem:$0x1FDA0];
	_ =	sdelay $0x2  }
0x323: {  	v40 =	vld [tilespmem:s24+$0xFFFFFFB0];
	_ =	sdelay $0x2  }
0x324: {  	v57 =	vld [tilespmem:s24+$0xFFFFFFC0];
	v15 =	vadd.s32 $0x300, v12  }
0x325: {  	v56 =	vadd.s32 $0x400, v12;
	v35 =	vld [tilespmem:s24+$0xFFFFFFD0]  }
0x326: {  	v31 =	vld [tilespmem:s24+$0xFFFFFFE0];
	[tilespmem:v0+s17+$0x0] =	vst.idx.msk $0xffff, v40;
	v40 =	vmov v58  }
0x327: {  	v46 =	vmov v59;
	v41 =	vld [tilespmem:s24+$0xFFFFFFF0]  }
0x328: {  	s25 =	simm.s32 $0x0;
	s23 =	simm.s32 $0xC2F0;
	v42 =	vadd.s32 $0x800, v12;
	v47 =	vmov v12;
	v62 =	vld [tilespmem:s24+$0xFFFFFF90];
	s24 =	simm.s32 $0xC670  }
.LBB2_59:
0x329: {  	v0 =	vadd.s32 $0x100, v42;
	v1 =	vadd.s32 $0x200, v42;
	v45 =	vadd.s32 $0x700, v42;
	v50 =	vld [tilespmem:s24+$0x0];
	s25 =	sadd.s32 $0x8, s25;
	[tilespmem:v15+s17+$0x0] =	vst.idx.msk $0xffff, v57  }
0x32a: {  	v15 =	vadd.s32 $0x300, v42;
	v52 =	vadd.s32 $0x500, v42;
	v51 =	vld [tilespmem:s24+$0xFFFFFFA0];
	p1 =	slt.u32 s25, $0x78;
	[tilespmem:v56+s17+$0x0] =	vst.idx.msk $0xffff, v35;
	v56 =	vadd.s32 $0x400, v42  }
0x32b: {  	v35 =	vadd.s32 $0x600, v42;
	v55 =	vld [tilespmem:s24+$0xFFFFFFB0];
	[tilespmem:v40+s17+$0x0] =	vst.idx.msk $0xffff, v31;
	v40 =	vmov v52  }
.Ltmp30:
0x32c: {  	v57 =	vld [tilespmem:s24+$0xFFFFFFC0];
	[tilespmem:v46+s17+$0x0] =	vst.idx.msk $0xffff, v41;
	v46 =	vmov v35;
	(pc) =	sbr.rel @p1 .LBB2_59-.Ltmp30, $4  }
0x32d: {  	v35 =	vld [tilespmem:s24+$0xFFFFFFD0];
	[tilespmem:v47+s17+$0x0] =	vst.idx.msk $0xffff, v62;
	v47 =	vmov v42  }
0x32e: {  	v31 =	vld [tilespmem:s24+$0xFFFFFFE0];
	[tilespmem:v45+s17+$0x0] =	vst.idx.msk $0xffff, v50  }
0x32f: {  	[tilespmem:v0+s17+$0x0] =	vst.idx.msk $0xffff, v51;
	v41 =	vld [tilespmem:s24+$0xFFFFFFF0]  }
0x330: {  	v42 =	vadd.s32 $0x800, v42;
	v62 =	vld [tilespmem:s24+$0xFFFFFF90];
	[tilespmem:v1+s17+$0x0] =	vst.idx.msk $0xffff, v55;
	s24 =	sadd.s32 $0x400, s24  }
0x331: {  	_ =	sdelay $0x3  }
0x332: {  	[tilespmem:v15+s17+$0x0] =	vst.idx.msk $0xffff, v57  }
0x333: {  	[tilespmem:v56+s17+$0x0] =	vst.idx.msk $0xffff, v35  }
0x334: {  	[tilespmem:v40+s17+$0x0] =	vst.idx.msk $0xffff, v31  }
0x335: {  	[tilespmem:v46+s17+$0x0] =	vst.idx.msk $0xffff, v41  }
0x336: {  	[tilespmem:v47+s17+$0x0] =	vst.idx.msk $0xffff, v62  }
0x337: {  	v15 =	vld [tilespmem:$0x1FD50];
	_ =	sdelay $0x2  }
0x338: {  	v0 =	vld [tilespmem:s23+$0x0];
	_ =	sdelay $0x4  }
0x339: {  	[tilespmem:v15+s17+$0x0] =	vst.idx.msk $0xffff, v0  }
0x33a: {  	v0 =	vld [tilespmem:$0x1FD60];
	_ =	sdelay $0x2  }
0x33b: {  	v1 =	vld [tilespmem:s23+$0xFFFFFFA0];
	_ =	sdelay $0x4  }
0x33c: {  	[tilespmem:v0+s17+$0x0] =	vst.idx.msk $0xffff, v1  }
0x33d: {  	v0 =	vld [tilespmem:$0x1FD70];
	_ =	sdelay $0x2  }
0x33e: {  	v40 =	vld [tilespmem:s23+$0xFFFFFFB0];
	_ =	sdelay $0x2  }
0x33f: {  	v57 =	vld [tilespmem:s23+$0xFFFFFFC0];
	v15 =	vadd.s32 $0x300, v13  }
0x340: {  	v56 =	vadd.s32 $0x400, v13;
	v35 =	vld [tilespmem:s23+$0xFFFFFFD0]  }
0x341: {  	v31 =	vld [tilespmem:s23+$0xFFFFFFE0];
	[tilespmem:v0+s17+$0x0] =	vst.idx.msk $0xffff, v40;
	v40 =	vmov v63  }
0x342: {  	v46 =	vmov v30;
	v41 =	vld [tilespmem:s23+$0xFFFFFFF0]  }
0x343: {  	s25 =	simm.s32 $0x0;
	s24 =	simm.s32 $0xC370;
	v42 =	vadd.s32 $0x800, v13;
	v47 =	vmov v13;
	v62 =	vld [tilespmem:s23+$0xFFFFFF90];
	s23 =	simm.s32 $0xC6F0  }
.LBB2_61:
0x344: {  	v0 =	vadd.s32 $0x100, v42;
	v1 =	vadd.s32 $0x200, v42;
	v45 =	vadd.s32 $0x700, v42;
	v50 =	vld [tilespmem:s23+$0x0];
	s25 =	sadd.s32 $0x8, s25;
	[tilespmem:v15+s17+$0x0] =	vst.idx.msk $0xffff, v57  }
0x345: {  	v15 =	vadd.s32 $0x300, v42;
	v52 =	vadd.s32 $0x500, v42;
	v51 =	vld [tilespmem:s23+$0xFFFFFFA0];
	p1 =	slt.u32 s25, $0x78;
	[tilespmem:v56+s17+$0x0] =	vst.idx.msk $0xffff, v35;
	v56 =	vadd.s32 $0x400, v42  }
0x346: {  	v35 =	vadd.s32 $0x600, v42;
	v55 =	vld [tilespmem:s23+$0xFFFFFFB0];
	[tilespmem:v40+s17+$0x0] =	vst.idx.msk $0xffff, v31;
	v40 =	vmov v52  }
.Ltmp31:
0x347: {  	v57 =	vld [tilespmem:s23+$0xFFFFFFC0];
	[tilespmem:v46+s17+$0x0] =	vst.idx.msk $0xffff, v41;
	v46 =	vmov v35;
	(pc) =	sbr.rel @p1 .LBB2_61-.Ltmp31, $4  }
0x348: {  	v35 =	vld [tilespmem:s23+$0xFFFFFFD0];
	[tilespmem:v47+s17+$0x0] =	vst.idx.msk $0xffff, v62;
	v47 =	vmov v42  }
0x349: {  	v31 =	vld [tilespmem:s23+$0xFFFFFFE0];
	[tilespmem:v45+s17+$0x0] =	vst.idx.msk $0xffff, v50  }
0x34a: {  	[tilespmem:v0+s17+$0x0] =	vst.idx.msk $0xffff, v51;
	v41 =	vld [tilespmem:s23+$0xFFFFFFF0]  }
0x34b: {  	v42 =	vadd.s32 $0x800, v42;
	v62 =	vld [tilespmem:s23+$0xFFFFFF90];
	[tilespmem:v1+s17+$0x0] =	vst.idx.msk $0xffff, v55;
	s23 =	sadd.s32 $0x400, s23  }
0x34c: {  	_ =	sdelay $0x3  }
0x34d: {  	[tilespmem:v15+s17+$0x0] =	vst.idx.msk $0xffff, v57  }
0x34e: {  	[tilespmem:v56+s17+$0x0] =	vst.idx.msk $0xffff, v35  }
0x34f: {  	[tilespmem:v40+s17+$0x0] =	vst.idx.msk $0xffff, v31  }
0x350: {  	[tilespmem:v46+s17+$0x0] =	vst.idx.msk $0xffff, v41  }
0x351: {  	[tilespmem:v47+s17+$0x0] =	vst.idx.msk $0xffff, v62  }
0x352: {  	v15 =	vld [tilespmem:$0x1FD20];
	_ =	sdelay $0x2  }
0x353: {  	v0 =	vld [tilespmem:s24+$0x0];
	_ =	sdelay $0x4  }
0x354: {  	[tilespmem:v15+s17+$0x0] =	vst.idx.msk $0xffff, v0  }
0x355: {  	v0 =	vld [tilespmem:$0x1FD30];
	_ =	sdelay $0x2  }
0x356: {  	v1 =	vld [tilespmem:s24+$0xFFFFFFA0];
	_ =	sdelay $0x4  }
0x357: {  	[tilespmem:v0+s17+$0x0] =	vst.idx.msk $0xffff, v1  }
0x358: {  	v0 =	vld [tilespmem:$0x1FD40];
	_ =	sdelay $0x2  }
0x359: {  	v40 =	vld [tilespmem:s24+$0xFFFFFFB0];
	_ =	sdelay $0x2  }
0x35a: {  	v57 =	vld [tilespmem:s24+$0xFFFFFFC0];
	v15 =	vadd.s32 $0x300, v14  }
0x35b: {  	v56 =	vadd.s32 $0x400, v14;
	v35 =	vld [tilespmem:s24+$0xFFFFFFD0]  }
0x35c: {  	v31 =	vld [tilespmem:s24+$0xFFFFFFE0];
	[tilespmem:v0+s17+$0x0] =	vst.idx.msk $0xffff, v40;
	v40 =	vmov v36  }
0x35d: {  	v46 =	vmov v37;
	v41 =	vld [tilespmem:s24+$0xFFFFFFF0]  }
0x35e: {  	s25 =	simm.s32 $0x0;
	s23 =	simm.s32 $0xC3F0;
	v42 =	vadd.s32 $0x800, v14;
	v47 =	vmov v14;
	v62 =	vld [tilespmem:s24+$0xFFFFFF90];
	s24 =	simm.s32 $0xC770  }
.LBB2_63:
0x35f: {  	v0 =	vadd.s32 $0x100, v42;
	v1 =	vadd.s32 $0x200, v42;
	v45 =	vadd.s32 $0x700, v42;
	v50 =	vld [tilespmem:s24+$0x0];
	s25 =	sadd.s32 $0x8, s25;
	[tilespmem:v15+s17+$0x0] =	vst.idx.msk $0xffff, v57  }
0x360: {  	v15 =	vadd.s32 $0x300, v42;
	v52 =	vadd.s32 $0x500, v42;
	v51 =	vld [tilespmem:s24+$0xFFFFFFA0];
	p1 =	slt.u32 s25, $0x78;
	[tilespmem:v56+s17+$0x0] =	vst.idx.msk $0xffff, v35;
	v56 =	vadd.s32 $0x400, v42  }
0x361: {  	v35 =	vadd.s32 $0x600, v42;
	v55 =	vld [tilespmem:s24+$0xFFFFFFB0];
	[tilespmem:v40+s17+$0x0] =	vst.idx.msk $0xffff, v31;
	v40 =	vmov v52  }
.Ltmp32:
0x362: {  	v57 =	vld [tilespmem:s24+$0xFFFFFFC0];
	[tilespmem:v46+s17+$0x0] =	vst.idx.msk $0xffff, v41;
	v46 =	vmov v35;
	(pc) =	sbr.rel @p1 .LBB2_63-.Ltmp32, $4  }
0x363: {  	v35 =	vld [tilespmem:s24+$0xFFFFFFD0];
	[tilespmem:v47+s17+$0x0] =	vst.idx.msk $0xffff, v62;
	v47 =	vmov v42  }
0x364: {  	v31 =	vld [tilespmem:s24+$0xFFFFFFE0];
	[tilespmem:v45+s17+$0x0] =	vst.idx.msk $0xffff, v50  }
0x365: {  	[tilespmem:v0+s17+$0x0] =	vst.idx.msk $0xffff, v51;
	v41 =	vld [tilespmem:s24+$0xFFFFFFF0]  }
0x366: {  	v42 =	vadd.s32 $0x800, v42;
	v62 =	vld [tilespmem:s24+$0xFFFFFF90];
	[tilespmem:v1+s17+$0x0] =	vst.idx.msk $0xffff, v55;
	s24 =	sadd.s32 $0x400, s24  }
0x367: {  	_ =	sdelay $0x3  }
0x368: {  	[tilespmem:v15+s17+$0x0] =	vst.idx.msk $0xffff, v57  }
0x369: {  	[tilespmem:v56+s17+$0x0] =	vst.idx.msk $0xffff, v35  }
0x36a: {  	[tilespmem:v40+s17+$0x0] =	vst.idx.msk $0xffff, v31  }
0x36b: {  	[tilespmem:v46+s17+$0x0] =	vst.idx.msk $0xffff, v41  }
0x36c: {  	[tilespmem:v47+s17+$0x0] =	vst.idx.msk $0xffff, v62  }
0x36d: {  	v15 =	vld [tilespmem:$0x1FCF0];
	_ =	sdelay $0x2  }
0x36e: {  	v0 =	vld [tilespmem:s23+$0x0];
	_ =	sdelay $0x4  }
0x36f: {  	[tilespmem:v15+s17+$0x0] =	vst.idx.msk $0xffff, v0  }
0x370: {  	v0 =	vld [tilespmem:$0x1FD00];
	_ =	sdelay $0x2  }
0x371: {  	v1 =	vld [tilespmem:s23+$0xFFFFFFA0];
	_ =	sdelay $0x4  }
0x372: {  	[tilespmem:v0+s17+$0x0] =	vst.idx.msk $0xffff, v1  }
0x373: {  	v0 =	vld [tilespmem:$0x1FD10];
	_ =	sdelay $0x2  }
0x374: {  	v31 =	vld [tilespmem:s23+$0xFFFFFFB0]  }
0x375: {  	v62 =	vld [tilespmem:s23+$0xFFFFFFC0];
	v15 =	vadd.s32 $0x300, v60  }
0x376: {  	v56 =	vadd.s32 $0x400, v60;
	v41 =	vld [tilespmem:s23+$0xFFFFFFD0]  }
0x377: {  	v40 =	vmov v32;
	v35 =	vld [tilespmem:s23+$0xFFFFFFE0]  }
0x378: {  	v46 =	vmov v61;
	v47 =	vld [tilespmem:s23+$0xFFFFFFF0]  }
0x379: {  	s24 =	simm.s32 $0x0;
	v42 =	vadd.s32 $0x800, v60;
	v57 =	vld [tilespmem:s23+$0xFFFFFF90];
	s23 =	simm.s32 $0xC7F0;
	[tilespmem:v0+s17+$0x0] =	vst.idx.msk $0xffff, v31;
	v31 =	vmov v60  }
.LBB2_65:
0x37a: {  	v0 =	vadd.s32 $0x100, v42;
	v1 =	vadd.s32 $0x200, v42;
	v45 =	vadd.s32 $0x700, v42;
	v50 =	vld [tilespmem:s23+$0x0];
	s24 =	sadd.s32 $0x8, s24;
	[tilespmem:v15+s17+$0x0] =	vst.idx.msk $0xffff, v62  }
0x37b: {  	v15 =	vadd.s32 $0x300, v42;
	v52 =	vadd.s32 $0x500, v42;
	v51 =	vld [tilespmem:s23+$0xFFFFFFA0];
	p1 =	slt.u32 s24, $0x78;
	[tilespmem:v56+s17+$0x0] =	vst.idx.msk $0xffff, v41;
	v56 =	vadd.s32 $0x400, v42  }
0x37c: {  	v41 =	vadd.s32 $0x600, v42;
	v55 =	vld [tilespmem:s23+$0xFFFFFFB0];
	[tilespmem:v40+s17+$0x0] =	vst.idx.msk $0xffff, v35;
	v40 =	vmov v52  }
.Ltmp33:
0x37d: {  	v62 =	vld [tilespmem:s23+$0xFFFFFFC0];
	[tilespmem:v46+s17+$0x0] =	vst.idx.msk $0xffff, v47;
	v46 =	vmov v41;
	(pc) =	sbr.rel @p1 .LBB2_65-.Ltmp33, $4  }
0x37e: {  	v41 =	vld [tilespmem:s23+$0xFFFFFFD0];
	[tilespmem:v31+s17+$0x0] =	vst.idx.msk $0xffff, v57;
	v31 =	vmov v42  }
0x37f: {  	v35 =	vld [tilespmem:s23+$0xFFFFFFE0];
	[tilespmem:v45+s17+$0x0] =	vst.idx.msk $0xffff, v50  }
0x380: {  	[tilespmem:v0+s17+$0x0] =	vst.idx.msk $0xffff, v51;
	v47 =	vld [tilespmem:s23+$0xFFFFFFF0]  }
0x381: {  	v42 =	vadd.s32 $0x800, v42;
	v57 =	vld [tilespmem:s23+$0xFFFFFF90];
	[tilespmem:v1+s17+$0x0] =	vst.idx.msk $0xffff, v55;
	s23 =	sadd.s32 $0x400, s23  }
0x382: {  	_ =	sdelay $0x3  }
0x383: {  	[tilespmem:v15+s17+$0x0] =	vst.idx.msk $0xffff, v62  }
0x384: {  	[tilespmem:v56+s17+$0x0] =	vst.idx.msk $0xffff, v41  }
0x385: {  	s21 =	sadd.s32 $0x1, s21;
	[tilespmem:v40+s17+$0x0] =	vst.idx.msk $0xffff, v35  }
0x386: {  	s22 =	sshll.u32 s22, $0xE;
	p1 =	sne.s32 s21, $0x6;
	[tilespmem:v46+s17+$0x0] =	vst.idx.msk $0xffff, v47  }
.Ltmp34:
0x387: {  	s22 =	sadd.s32 s12, s22;
	[tilespmem:v31+s17+$0x0] =	vst.idx.msk $0xffff, v57;
	(pc) =	sbr.rel @p1 .LBB2_2-.Ltmp34, $4  }
0x388: {  	[hbm4b:s22+s3] =	stream.linear.scatter [tilespmem:s17], [sflag:$0x3], $0x8000, $0x38;
	[tilespmem:$0x18000] =	vst v63  }
0x389: {  	_ =	swait.ge [sflag:s18], $0x8000  }
0x38a: {  	[sflag:s18] =	ssyncset.done $0x0  }
0x38b: {  	[sflag:s18] =	ssyncadd.s32 $0xFFFF8000  }
.Ltmp35:
0x38c: {  	(pc) =	sbr.rel @p0 .LBB2_101-.Ltmp35, $1  }
0x38d: {  	_ =	sdelay $0x3  }
0x38e: {  	[tilespmem:s3], [sflag:$0x3] =	stream.linear.gather [hbm4b:s8+s3], $0x3800, $0x38;
	[tilespmem:$0x18000] =	vst v63  }
0x38f: {  	s21 =	sadd.s32 $0x18700, s8  }
0x390: {  	[tilespmem:s13], [sflag:$0x3] =	stream.linear.gather [hbm4b:s21+s3], $0x3800, $0x38;
	[tilespmem:$0x18000] =	vst v63  }
0x391: {  	_ =	swait.ge [sflag:s18], $0x7000  }
0x392: {  	v15 =	vld [tilespmem:$0x1FFC0]  }
0x393: {  	[sflag:s18] =	ssyncset.done $0x0  }
0x394: {  	s22 =	simm.s32 $0x40;
	[sflag:s18] =	ssyncadd.s32 $0xFFFF9000  }
0x395: {  	v0 =	vld [tilespmem:s22+$0x30];
	_ =	sdelay $0x4  }
0x396: {  	[tilespmem:v15+s17+$0x0] =	vst.idx.msk $0xffff, v0  }
0x397: {  	v0 =	vld [tilespmem:$0x1FFD0];
	_ =	sdelay $0x2  }
0x398: {  	v1 =	vld [tilespmem:s22+$0xFFFFFFD0];
	_ =	sdelay $0x4  }
0x399: {  	[tilespmem:v0+s17+$0x0] =	vst.idx.msk $0xffff, v1  }
0x39a: {  	v0 =	vld [tilespmem:$0x1FFF0]  }
0x39b: {  	v1 =	vld [tilespmem:$0x1FCE0];
	_ =	sdelay $0x2  }
0x39c: {  	v31 =	vld [tilespmem:s22+$0xFFFFFFE0]  }
0x39d: {  	v46 =	vld [tilespmem:s22+$0xFFFFFFF0];
	v35 =	vadd.s32 $0x300, v0  }
0x39e: {  	v41 =	vld [tilespmem:s22+$0x0];
	v15 =	vadd.s32 $0x400, v0  }
0x39f: {  	v40 =	vld [tilespmem:s22+$0x10]  }
0x3a0: {  	v47 =	vld [tilespmem:s22+$0x20]  }
0x3a1: {  	s21 =	simm.s32 $0x0;
	v56 =	vld [tilespmem:s22+$0xFFFFFFC0];
	s22 =	simm.s32 $0x440;
	v42 =	vadd.s32 $0x800, v0;
	[tilespmem:v1+s17+$0x0] =	vst.idx.msk $0xffff, v31;
	v31 =	vmov v0  }
.LBB2_69:
0x3a2: {  	v0 =	vadd.s32 $0x100, v42;
	v1 =	vadd.s32 $0x200, v42;
	v45 =	vadd.s32 $0x700, v42;
	v50 =	vld [tilespmem:s22+$0x30];
	s21 =	sadd.s32 $0x8, s21;
	[tilespmem:v35+s17+$0x0] =	vst.idx.msk $0xffff, v46  }
0x3a3: {  	v35 =	vadd.s32 $0x300, v42;
	v46 =	vadd.s32 $0x500, v42;
	v51 =	vld [tilespmem:s22+$0xFFFFFFD0];
	p1 =	slt.u32 s21, $0x68;
	[tilespmem:v15+s17+$0x0] =	vst.idx.msk $0xffff, v41;
	v15 =	vadd.s32 $0x400, v42  }
0x3a4: {  	v41 =	vadd.s32 $0x600, v42;
	v52 =	vld [tilespmem:s22+$0xFFFFFFE0];
	[tilespmem:v16+s17+$0x0] =	vst.idx.msk $0xffff, v40;
	v16 =	vmov v46  }
.Ltmp36:
0x3a5: {  	v46 =	vld [tilespmem:s22+$0xFFFFFFF0];
	[tilespmem:v17+s17+$0x0] =	vst.idx.msk $0xffff, v47;
	v17 =	vmov v41;
	(pc) =	sbr.rel @p1 .LBB2_69-.Ltmp36, $4  }
0x3a6: {  	v41 =	vld [tilespmem:s22+$0x0];
	[tilespmem:v31+s17+$0x0] =	vst.idx.msk $0xffff, v56;
	v31 =	vmov v42  }
0x3a7: {  	s23 =	simm.s32 $0xF0;
	v40 =	vld [tilespmem:s22+$0x10];
	[tilespmem:v45+s17+$0x0] =	vst.idx.msk $0xffff, v50  }
0x3a8: {  	[tilespmem:v0+s17+$0x0] =	vst.idx.msk $0xffff, v51;
	v47 =	vld [tilespmem:s22+$0x20]  }
0x3a9: {  	v42 =	vadd.s32 $0x800, v42;
	v56 =	vld [tilespmem:s22+$0xFFFFFFC0];
	[tilespmem:v1+s17+$0x0] =	vst.idx.msk $0xffff, v52;
	s22 =	sadd.s32 $0x400, s22  }
0x3aa: {  	_ =	sdelay $0x3  }
0x3ab: {  	[tilespmem:v35+s17+$0x0] =	vst.idx.msk $0xffff, v46  }
0x3ac: {  	[tilespmem:v15+s17+$0x0] =	vst.idx.msk $0xffff, v41  }
0x3ad: {  	[tilespmem:v16+s17+$0x0] =	vst.idx.msk $0xffff, v40  }
0x3ae: {  	[tilespmem:v17+s17+$0x0] =	vst.idx.msk $0xffff, v47  }
0x3af: {  	[tilespmem:v31+s17+$0x0] =	vst.idx.msk $0xffff, v56  }
0x3b0: {  	v15 =	vld [tilespmem:$0x1FF90];
	_ =	sdelay $0x2  }
0x3b1: {  	v0 =	vld [tilespmem:s23+$0x0];
	_ =	sdelay $0x4  }
0x3b2: {  	[tilespmem:v15+s17+$0x0] =	vst.idx.msk $0xffff, v0  }
0x3b3: {  	v0 =	vld [tilespmem:$0x1FFA0];
	_ =	sdelay $0x2  }
0x3b4: {  	v1 =	vld [tilespmem:s23+$0xFFFFFFA0];
	_ =	sdelay $0x4  }
0x3b5: {  	[tilespmem:v0+s17+$0x0] =	vst.idx.msk $0xffff, v1  }
0x3b6: {  	v0 =	vld [tilespmem:$0x1FFE0]  }
0x3b7: {  	v1 =	vld [tilespmem:$0x1FFB0];
	_ =	sdelay $0x2  }
0x3b8: {  	v16 =	vld [tilespmem:s23+$0xFFFFFFB0]  }
0x3b9: {  	v41 =	vld [tilespmem:s23+$0xFFFFFFC0];
	v17 =	vadd.s32 $0x300, v0  }
0x3ba: {  	v35 =	vld [tilespmem:s23+$0xFFFFFFD0];
	v15 =	vadd.s32 $0x400, v0  }
0x3bb: {  	v31 =	vld [tilespmem:s23+$0xFFFFFFE0]  }
0x3bc: {  	v42 =	vld [tilespmem:s23+$0xFFFFFFF0]  }
0x3bd: {  	s21 =	simm.s32 $0x0;
	s22 =	simm.s32 $0x4F0;
	v46 =	vld [tilespmem:s23+$0xFFFFFF90];
	v40 =	vadd.s32 $0x800, v0;
	[tilespmem:v1+s17+$0x0] =	vst.idx.msk $0xffff, v16;
	v16 =	vmov v0  }
.LBB2_71:
0x3be: {  	v0 =	vadd.s32 $0x100, v40;
	v1 =	vadd.s32 $0x200, v40;
	v45 =	vadd.s32 $0x700, v40;
	v47 =	vld [tilespmem:s22+$0x0];
	s21 =	sadd.s32 $0x8, s21;
	[tilespmem:v17+s17+$0x0] =	vst.idx.msk $0xffff, v41  }
0x3bf: {  	v17 =	vadd.s32 $0x300, v40;
	v41 =	vadd.s32 $0x500, v40;
	v50 =	vld [tilespmem:s22+$0xFFFFFFA0];
	p1 =	slt.u32 s21, $0x68;
	[tilespmem:v15+s17+$0x0] =	vst.idx.msk $0xffff, v35;
	v15 =	vadd.s32 $0x400, v40  }
0x3c0: {  	v35 =	vadd.s32 $0x600, v40;
	v51 =	vld [tilespmem:s22+$0xFFFFFFB0];
	[tilespmem:v18+s17+$0x0] =	vst.idx.msk $0xffff, v31;
	v18 =	vmov v41  }
.Ltmp37:
0x3c1: {  	v41 =	vld [tilespmem:s22+$0xFFFFFFC0];
	[tilespmem:v19+s17+$0x0] =	vst.idx.msk $0xffff, v42;
	v19 =	vmov v35;
	(pc) =	sbr.rel @p1 .LBB2_71-.Ltmp37, $4  }
0x3c2: {  	v35 =	vld [tilespmem:s22+$0xFFFFFFD0];
	[tilespmem:v16+s17+$0x0] =	vst.idx.msk $0xffff, v46;
	v16 =	vmov v40  }
0x3c3: {  	s23 =	simm.s32 $0x170;
	v31 =	vld [tilespmem:s22+$0xFFFFFFE0];
	[tilespmem:v45+s17+$0x0] =	vst.idx.msk $0xffff, v47  }
0x3c4: {  	[tilespmem:v0+s17+$0x0] =	vst.idx.msk $0xffff, v50;
	v42 =	vld [tilespmem:s22+$0xFFFFFFF0]  }
0x3c5: {  	v40 =	vadd.s32 $0x800, v40;
	v46 =	vld [tilespmem:s22+$0xFFFFFF90];
	[tilespmem:v1+s17+$0x0] =	vst.idx.msk $0xffff, v51;
	s22 =	sadd.s32 $0x400, s22  }
0x3c6: {  	_ =	sdelay $0x3  }
0x3c7: {  	[tilespmem:v17+s17+$0x0] =	vst.idx.msk $0xffff, v41  }
0x3c8: {  	[tilespmem:v15+s17+$0x0] =	vst.idx.msk $0xffff, v35  }
0x3c9: {  	[tilespmem:v18+s17+$0x0] =	vst.idx.msk $0xffff, v31  }
0x3ca: {  	[tilespmem:v19+s17+$0x0] =	vst.idx.msk $0xffff, v42  }
0x3cb: {  	[tilespmem:v16+s17+$0x0] =	vst.idx.msk $0xffff, v46  }
0x3cc: {  	v15 =	vld [tilespmem:$0x1FF60];
	_ =	sdelay $0x2  }
0x3cd: {  	v0 =	vld [tilespmem:s23+$0x0];
	_ =	sdelay $0x4  }
0x3ce: {  	[tilespmem:v15+s17+$0x0] =	vst.idx.msk $0xffff, v0  }
0x3cf: {  	v0 =	vld [tilespmem:$0x1FF70];
	_ =	sdelay $0x2  }
0x3d0: {  	v1 =	vld [tilespmem:s23+$0xFFFFFFA0];
	_ =	sdelay $0x4  }
0x3d1: {  	[tilespmem:v0+s17+$0x0] =	vst.idx.msk $0xffff, v1  }
0x3d2: {  	v0 =	vld [tilespmem:$0x1FF80];
	_ =	sdelay $0x2  }
0x3d3: {  	v16 =	vld [tilespmem:s23+$0xFFFFFFB0]  }
0x3d4: {  	v17 =	vadd.s32 $0x300, v2;
	v35 =	vld [tilespmem:s23+$0xFFFFFFC0]  }
0x3d5: {  	v19 =	vld [tilespmem:s23+$0xFFFFFFD0];
	v15 =	vadd.s32 $0x400, v2  }
0x3d6: {  	v18 =	vld [tilespmem:s23+$0xFFFFFFE0]  }
0x3d7: {  	v40 =	vld [tilespmem:s23+$0xFFFFFFF0]  }
0x3d8: {  	s21 =	simm.s32 $0x0;
	s22 =	simm.s32 $0x570;
	v31 =	vadd.s32 $0x800, v2;
	v41 =	vld [tilespmem:s23+$0xFFFFFF90];
	[tilespmem:v0+s17+$0x0] =	vst.idx.msk $0xffff, v16;
	v16 =	vmov v2  }
.LBB2_73:
0x3d9: {  	v0 =	vadd.s32 $0x100, v31;
	v1 =	vadd.s32 $0x200, v31;
	v42 =	vadd.s32 $0x700, v31;
	v45 =	vld [tilespmem:s22+$0x0];
	s21 =	sadd.s32 $0x8, s21;
	[tilespmem:v17+s17+$0x0] =	vst.idx.msk $0xffff, v35  }
0x3da: {  	v17 =	vadd.s32 $0x300, v31;
	v35 =	vadd.s32 $0x500, v31;
	v46 =	vld [tilespmem:s22+$0xFFFFFFA0];
	p1 =	slt.u32 s21, $0x68;
	[tilespmem:v15+s17+$0x0] =	vst.idx.msk $0xffff, v19;
	v15 =	vadd.s32 $0x400, v31  }
0x3db: {  	v19 =	vadd.s32 $0x600, v31;
	v47 =	vld [tilespmem:s22+$0xFFFFFFB0];
	[tilespmem:v20+s17+$0x0] =	vst.idx.msk $0xffff, v18;
	v20 =	vmov v35  }
.Ltmp38:
0x3dc: {  	v35 =	vld [tilespmem:s22+$0xFFFFFFC0];
	[tilespmem:v21+s17+$0x0] =	vst.idx.msk $0xffff, v40;
	v21 =	vmov v19;
	(pc) =	sbr.rel @p1 .LBB2_73-.Ltmp38, $4  }
0x3dd: {  	v19 =	vld [tilespmem:s22+$0xFFFFFFD0];
	[tilespmem:v16+s17+$0x0] =	vst.idx.msk $0xffff, v41;
	v16 =	vmov v31  }
0x3de: {  	s23 =	simm.s32 $0x1F0;
	v18 =	vld [tilespmem:s22+$0xFFFFFFE0];
	[tilespmem:v42+s17+$0x0] =	vst.idx.msk $0xffff, v45  }
0x3df: {  	[tilespmem:v0+s17+$0x0] =	vst.idx.msk $0xffff, v46;
	v40 =	vld [tilespmem:s22+$0xFFFFFFF0]  }
0x3e0: {  	v31 =	vadd.s32 $0x800, v31;
	v41 =	vld [tilespmem:s22+$0xFFFFFF90];
	[tilespmem:v1+s17+$0x0] =	vst.idx.msk $0xffff, v47;
	s22 =	sadd.s32 $0x400, s22  }
0x3e1: {  	_ =	sdelay $0x3  }
0x3e2: {  	[tilespmem:v17+s17+$0x0] =	vst.idx.msk $0xffff, v35  }
0x3e3: {  	[tilespmem:v15+s17+$0x0] =	vst.idx.msk $0xffff, v19  }
0x3e4: {  	[tilespmem:v20+s17+$0x0] =	vst.idx.msk $0xffff, v18  }
0x3e5: {  	[tilespmem:v21+s17+$0x0] =	vst.idx.msk $0xffff, v40  }
0x3e6: {  	[tilespmem:v16+s17+$0x0] =	vst.idx.msk $0xffff, v41  }
0x3e7: {  	v15 =	vld [tilespmem:$0x1FF30];
	_ =	sdelay $0x2  }
0x3e8: {  	v0 =	vld [tilespmem:s23+$0x0];
	_ =	sdelay $0x4  }
0x3e9: {  	[tilespmem:v15+s17+$0x0] =	vst.idx.msk $0xffff, v0  }
0x3ea: {  	v0 =	vld [tilespmem:$0x1FF40];
	_ =	sdelay $0x2  }
0x3eb: {  	v1 =	vld [tilespmem:s23+$0xFFFFFFA0];
	_ =	sdelay $0x4  }
0x3ec: {  	[tilespmem:v0+s17+$0x0] =	vst.idx.msk $0xffff, v1  }
0x3ed: {  	v0 =	vld [tilespmem:$0x1FF50];
	_ =	sdelay $0x2  }
0x3ee: {  	v16 =	vld [tilespmem:s23+$0xFFFFFFB0]  }
0x3ef: {  	v17 =	vadd.s32 $0x300, v3;
	v21 =	vld [tilespmem:s23+$0xFFFFFFC0]  }
0x3f0: {  	v19 =	vld [tilespmem:s23+$0xFFFFFFD0];
	v15 =	vadd.s32 $0x400, v3  }
0x3f1: {  	v18 =	vld [tilespmem:s23+$0xFFFFFFE0]  }
0x3f2: {  	v31 =	vld [tilespmem:s23+$0xFFFFFFF0]  }
0x3f3: {  	s21 =	simm.s32 $0x0;
	s22 =	simm.s32 $0x5F0;
	v20 =	vadd.s32 $0x800, v3;
	v35 =	vld [tilespmem:s23+$0xFFFFFF90];
	[tilespmem:v0+s17+$0x0] =	vst.idx.msk $0xffff, v16;
	v16 =	vmov v3  }
.LBB2_75:
0x3f4: {  	v0 =	vadd.s32 $0x100, v20;
	v1 =	vadd.s32 $0x200, v20;
	v40 =	vadd.s32 $0x700, v20;
	v41 =	vld [tilespmem:s22+$0x0];
	s21 =	sadd.s32 $0x8, s21;
	[tilespmem:v17+s17+$0x0] =	vst.idx.msk $0xffff, v21  }
0x3f5: {  	v17 =	vadd.s32 $0x300, v20;
	v21 =	vadd.s32 $0x500, v20;
	v42 =	vld [tilespmem:s22+$0xFFFFFFA0];
	p1 =	slt.u32 s21, $0x68;
	[tilespmem:v15+s17+$0x0] =	vst.idx.msk $0xffff, v19;
	v15 =	vadd.s32 $0x400, v20  }
0x3f6: {  	v19 =	vadd.s32 $0x600, v20;
	v45 =	vld [tilespmem:s22+$0xFFFFFFB0];
	[tilespmem:v22+s17+$0x0] =	vst.idx.msk $0xffff, v18;
	v22 =	vmov v21  }
.Ltmp39:
0x3f7: {  	v21 =	vld [tilespmem:s22+$0xFFFFFFC0];
	[tilespmem:v23+s17+$0x0] =	vst.idx.msk $0xffff, v31;
	v23 =	vmov v19;
	(pc) =	sbr.rel @p1 .LBB2_75-.Ltmp39, $4  }
0x3f8: {  	v19 =	vld [tilespmem:s22+$0xFFFFFFD0];
	[tilespmem:v16+s17+$0x0] =	vst.idx.msk $0xffff, v35;
	v16 =	vmov v20  }
0x3f9: {  	s23 =	simm.s32 $0x270;
	v18 =	vld [tilespmem:s22+$0xFFFFFFE0];
	[tilespmem:v40+s17+$0x0] =	vst.idx.msk $0xffff, v41  }
0x3fa: {  	[tilespmem:v0+s17+$0x0] =	vst.idx.msk $0xffff, v42;
	v31 =	vld [tilespmem:s22+$0xFFFFFFF0]  }
0x3fb: {  	v20 =	vadd.s32 $0x800, v20;
	v35 =	vld [tilespmem:s22+$0xFFFFFF90];
	[tilespmem:v1+s17+$0x0] =	vst.idx.msk $0xffff, v45;
	s22 =	sadd.s32 $0x400, s22  }
0x3fc: {  	_ =	sdelay $0x3  }
0x3fd: {  	[tilespmem:v17+s17+$0x0] =	vst.idx.msk $0xffff, v21  }
0x3fe: {  	[tilespmem:v15+s17+$0x0] =	vst.idx.msk $0xffff, v19  }
0x3ff: {  	[tilespmem:v22+s17+$0x0] =	vst.idx.msk $0xffff, v18  }
0x400: {  	[tilespmem:v23+s17+$0x0] =	vst.idx.msk $0xffff, v31  }
0x401: {  	[tilespmem:v16+s17+$0x0] =	vst.idx.msk $0xffff, v35  }
0x402: {  	v15 =	vld [tilespmem:$0x1FF00];
	_ =	sdelay $0x2  }
0x403: {  	v0 =	vld [tilespmem:s23+$0x0];
	_ =	sdelay $0x4  }
0x404: {  	[tilespmem:v15+s17+$0x0] =	vst.idx.msk $0xffff, v0  }
0x405: {  	v0 =	vld [tilespmem:$0x1FF10];
	_ =	sdelay $0x2  }
0x406: {  	v1 =	vld [tilespmem:s23+$0xFFFFFFA0];
	_ =	sdelay $0x4  }
0x407: {  	[tilespmem:v0+s17+$0x0] =	vst.idx.msk $0xffff, v1  }
0x408: {  	v0 =	vld [tilespmem:$0x1FF20];
	_ =	sdelay $0x2  }
0x409: {  	v16 =	vld [tilespmem:s23+$0xFFFFFFB0]  }
0x40a: {  	v17 =	vadd.s32 $0x300, v4;
	v21 =	vld [tilespmem:s23+$0xFFFFFFC0]  }
0x40b: {  	v19 =	vld [tilespmem:s23+$0xFFFFFFD0];
	v15 =	vadd.s32 $0x400, v4  }
0x40c: {  	v18 =	vld [tilespmem:s23+$0xFFFFFFE0]  }
0x40d: {  	v22 =	vld [tilespmem:s23+$0xFFFFFFF0]  }
0x40e: {  	s21 =	simm.s32 $0x0;
	v20 =	vadd.s32 $0x800, v4;
	s22 =	simm.s32 $0x670;
	v23 =	vld [tilespmem:s23+$0xFFFFFF90];
	[tilespmem:v0+s17+$0x0] =	vst.idx.msk $0xffff, v16;
	v16 =	vmov v4  }
.LBB2_77:
0x40f: {  	v0 =	vadd.s32 $0x100, v20;
	v1 =	vadd.s32 $0x200, v20;
	v31 =	vadd.s32 $0x700, v20;
	v35 =	vld [tilespmem:s22+$0x0];
	s21 =	sadd.s32 $0x8, s21;
	[tilespmem:v17+s17+$0x0] =	vst.idx.msk $0xffff, v21  }
0x410: {  	v17 =	vadd.s32 $0x300, v20;
	v21 =	vadd.s32 $0x500, v20;
	v40 =	vld [tilespmem:s22+$0xFFFFFFA0];
	p1 =	slt.u32 s21, $0x68;
	[tilespmem:v15+s17+$0x0] =	vst.idx.msk $0xffff, v19;
	v15 =	vadd.s32 $0x400, v20  }
0x411: {  	v19 =	vadd.s32 $0x600, v20;
	v41 =	vld [tilespmem:s22+$0xFFFFFFB0];
	[tilespmem:v24+s17+$0x0] =	vst.idx.msk $0xffff, v18;
	v24 =	vmov v21  }
.Ltmp40:
0x412: {  	v21 =	vld [tilespmem:s22+$0xFFFFFFC0];
	[tilespmem:v25+s17+$0x0] =	vst.idx.msk $0xffff, v22;
	v25 =	vmov v19;
	(pc) =	sbr.rel @p1 .LBB2_77-.Ltmp40, $4  }
0x413: {  	v19 =	vld [tilespmem:s22+$0xFFFFFFD0];
	[tilespmem:v16+s17+$0x0] =	vst.idx.msk $0xffff, v23;
	v16 =	vmov v20  }
0x414: {  	s23 =	simm.s32 $0x2F0;
	v18 =	vld [tilespmem:s22+$0xFFFFFFE0];
	[tilespmem:v31+s17+$0x0] =	vst.idx.msk $0xffff, v35  }
0x415: {  	[tilespmem:v0+s17+$0x0] =	vst.idx.msk $0xffff, v40;
	v22 =	vld [tilespmem:s22+$0xFFFFFFF0]  }
0x416: {  	v20 =	vadd.s32 $0x800, v20;
	v23 =	vld [tilespmem:s22+$0xFFFFFF90];
	[tilespmem:v1+s17+$0x0] =	vst.idx.msk $0xffff, v41;
	s22 =	sadd.s32 $0x400, s22  }
0x417: {  	_ =	sdelay $0x3  }
0x418: {  	[tilespmem:v17+s17+$0x0] =	vst.idx.msk $0xffff, v21  }
0x419: {  	[tilespmem:v15+s17+$0x0] =	vst.idx.msk $0xffff, v19  }
0x41a: {  	[tilespmem:v24+s17+$0x0] =	vst.idx.msk $0xffff, v18  }
0x41b: {  	[tilespmem:v25+s17+$0x0] =	vst.idx.msk $0xffff, v22  }
0x41c: {  	[tilespmem:v16+s17+$0x0] =	vst.idx.msk $0xffff, v23  }
0x41d: {  	v15 =	vld [tilespmem:$0x1FED0];
	_ =	sdelay $0x2  }
0x41e: {  	v0 =	vld [tilespmem:s23+$0x0];
	_ =	sdelay $0x4  }
0x41f: {  	[tilespmem:v15+s17+$0x0] =	vst.idx.msk $0xffff, v0  }
0x420: {  	v0 =	vld [tilespmem:$0x1FEE0];
	_ =	sdelay $0x2  }
0x421: {  	v1 =	vld [tilespmem:s23+$0xFFFFFFA0];
	_ =	sdelay $0x4  }
0x422: {  	[tilespmem:v0+s17+$0x0] =	vst.idx.msk $0xffff, v1  }
0x423: {  	v0 =	vld [tilespmem:$0x1FEF0];
	_ =	sdelay $0x2  }
0x424: {  	v16 =	vld [tilespmem:s23+$0xFFFFFFB0]  }
0x425: {  	v17 =	vadd.s32 $0x300, v5;
	v21 =	vld [tilespmem:s23+$0xFFFFFFC0]  }
0x426: {  	v19 =	vld [tilespmem:s23+$0xFFFFFFD0];
	v15 =	vadd.s32 $0x400, v5  }
0x427: {  	v18 =	vld [tilespmem:s23+$0xFFFFFFE0]  }
0x428: {  	v22 =	vld [tilespmem:s23+$0xFFFFFFF0]  }
0x429: {  	s21 =	simm.s32 $0x0;
	v20 =	vadd.s32 $0x800, v5;
	s22 =	simm.s32 $0x6F0;
	v23 =	vld [tilespmem:s23+$0xFFFFFF90];
	[tilespmem:v0+s17+$0x0] =	vst.idx.msk $0xffff, v16;
	v16 =	vmov v5  }
.LBB2_79:
0x42a: {  	v0 =	vadd.s32 $0x100, v20;
	v1 =	vadd.s32 $0x200, v20;
	v24 =	vadd.s32 $0x700, v20;
	v25 =	vld [tilespmem:s22+$0x0];
	s21 =	sadd.s32 $0x8, s21;
	[tilespmem:v17+s17+$0x0] =	vst.idx.msk $0xffff, v21  }
0x42b: {  	v17 =	vadd.s32 $0x300, v20;
	v21 =	vadd.s32 $0x500, v20;
	v31 =	vld [tilespmem:s22+$0xFFFFFFA0];
	p1 =	slt.u32 s21, $0x68;
	[tilespmem:v15+s17+$0x0] =	vst.idx.msk $0xffff, v19;
	v15 =	vadd.s32 $0x400, v20  }
0x42c: {  	v19 =	vadd.s32 $0x600, v20;
	v35 =	vld [tilespmem:s22+$0xFFFFFFB0];
	[tilespmem:v26+s17+$0x0] =	vst.idx.msk $0xffff, v18;
	v26 =	vmov v21  }
.Ltmp41:
0x42d: {  	v21 =	vld [tilespmem:s22+$0xFFFFFFC0];
	[tilespmem:v27+s17+$0x0] =	vst.idx.msk $0xffff, v22;
	v27 =	vmov v19;
	(pc) =	sbr.rel @p1 .LBB2_79-.Ltmp41, $4  }
0x42e: {  	v19 =	vld [tilespmem:s22+$0xFFFFFFD0];
	[tilespmem:v16+s17+$0x0] =	vst.idx.msk $0xffff, v23;
	v16 =	vmov v20  }
0x42f: {  	s23 =	simm.s32 $0x370;
	v18 =	vld [tilespmem:s22+$0xFFFFFFE0];
	[tilespmem:v24+s17+$0x0] =	vst.idx.msk $0xffff, v25  }
0x430: {  	[tilespmem:v0+s17+$0x0] =	vst.idx.msk $0xffff, v31;
	v22 =	vld [tilespmem:s22+$0xFFFFFFF0]  }
0x431: {  	v20 =	vadd.s32 $0x800, v20;
	v23 =	vld [tilespmem:s22+$0xFFFFFF90];
	[tilespmem:v1+s17+$0x0] =	vst.idx.msk $0xffff, v35;
	s22 =	sadd.s32 $0x400, s22  }
0x432: {  	_ =	sdelay $0x3  }
0x433: {  	[tilespmem:v17+s17+$0x0] =	vst.idx.msk $0xffff, v21  }
0x434: {  	[tilespmem:v15+s17+$0x0] =	vst.idx.msk $0xffff, v19  }
0x435: {  	[tilespmem:v26+s17+$0x0] =	vst.idx.msk $0xffff, v18  }
0x436: {  	[tilespmem:v27+s17+$0x0] =	vst.idx.msk $0xffff, v22  }
0x437: {  	[tilespmem:v16+s17+$0x0] =	vst.idx.msk $0xffff, v23  }
0x438: {  	v15 =	vld [tilespmem:$0x1FEA0];
	_ =	sdelay $0x2  }
0x439: {  	v0 =	vld [tilespmem:s23+$0x0];
	_ =	sdelay $0x4  }
0x43a: {  	[tilespmem:v15+s17+$0x0] =	vst.idx.msk $0xffff, v0  }
0x43b: {  	v0 =	vld [tilespmem:$0x1FEB0];
	_ =	sdelay $0x2  }
0x43c: {  	v1 =	vld [tilespmem:s23+$0xFFFFFFA0];
	_ =	sdelay $0x4  }
0x43d: {  	[tilespmem:v0+s17+$0x0] =	vst.idx.msk $0xffff, v1  }
0x43e: {  	v0 =	vld [tilespmem:$0x1FEC0];
	_ =	sdelay $0x2  }
0x43f: {  	v16 =	vld [tilespmem:s23+$0xFFFFFFB0]  }
0x440: {  	v17 =	vadd.s32 $0x300, v6;
	v21 =	vld [tilespmem:s23+$0xFFFFFFC0]  }
0x441: {  	v19 =	vld [tilespmem:s23+$0xFFFFFFD0];
	v15 =	vadd.s32 $0x400, v6  }
0x442: {  	v18 =	vld [tilespmem:s23+$0xFFFFFFE0]  }
0x443: {  	v22 =	vld [tilespmem:s23+$0xFFFFFFF0]  }
0x444: {  	s21 =	simm.s32 $0x0;
	v20 =	vadd.s32 $0x800, v6;
	s22 =	simm.s32 $0x770;
	v23 =	vld [tilespmem:s23+$0xFFFFFF90];
	[tilespmem:v0+s17+$0x0] =	vst.idx.msk $0xffff, v16;
	v16 =	vmov v6  }
.LBB2_81:
0x445: {  	v0 =	vadd.s32 $0x100, v20;
	v1 =	vadd.s32 $0x200, v20;
	v24 =	vadd.s32 $0x700, v20;
	v25 =	vld [tilespmem:s22+$0x0];
	s21 =	sadd.s32 $0x8, s21;
	[tilespmem:v17+s17+$0x0] =	vst.idx.msk $0xffff, v21  }
0x446: {  	v17 =	vadd.s32 $0x300, v20;
	v21 =	vadd.s32 $0x500, v20;
	v26 =	vld [tilespmem:s22+$0xFFFFFFA0];
	p1 =	slt.u32 s21, $0x68;
	[tilespmem:v15+s17+$0x0] =	vst.idx.msk $0xffff, v19;
	v15 =	vadd.s32 $0x400, v20  }
0x447: {  	v19 =	vadd.s32 $0x600, v20;
	v27 =	vld [tilespmem:s22+$0xFFFFFFB0];
	[tilespmem:v28+s17+$0x0] =	vst.idx.msk $0xffff, v18;
	v28 =	vmov v21  }
.Ltmp42:
0x448: {  	v21 =	vld [tilespmem:s22+$0xFFFFFFC0];
	[tilespmem:v29+s17+$0x0] =	vst.idx.msk $0xffff, v22;
	v29 =	vmov v19;
	(pc) =	sbr.rel @p1 .LBB2_81-.Ltmp42, $4  }
0x449: {  	v19 =	vld [tilespmem:s22+$0xFFFFFFD0];
	[tilespmem:v16+s17+$0x0] =	vst.idx.msk $0xffff, v23;
	v16 =	vmov v20  }
0x44a: {  	s23 =	simm.s32 $0x3F0;
	v18 =	vld [tilespmem:s22+$0xFFFFFFE0];
	[tilespmem:v24+s17+$0x0] =	vst.idx.msk $0xffff, v25  }
0x44b: {  	[tilespmem:v0+s17+$0x0] =	vst.idx.msk $0xffff, v26;
	v22 =	vld [tilespmem:s22+$0xFFFFFFF0]  }
0x44c: {  	v20 =	vadd.s32 $0x800, v20;
	v23 =	vld [tilespmem:s22+$0xFFFFFF90];
	[tilespmem:v1+s17+$0x0] =	vst.idx.msk $0xffff, v27;
	s22 =	sadd.s32 $0x400, s22  }
0x44d: {  	_ =	sdelay $0x3  }
0x44e: {  	[tilespmem:v17+s17+$0x0] =	vst.idx.msk $0xffff, v21  }
0x44f: {  	[tilespmem:v15+s17+$0x0] =	vst.idx.msk $0xffff, v19  }
0x450: {  	[tilespmem:v28+s17+$0x0] =	vst.idx.msk $0xffff, v18  }
0x451: {  	[tilespmem:v29+s17+$0x0] =	vst.idx.msk $0xffff, v22  }
0x452: {  	[tilespmem:v16+s17+$0x0] =	vst.idx.msk $0xffff, v23  }
0x453: {  	v15 =	vld [tilespmem:$0x1FE70];
	_ =	sdelay $0x2  }
0x454: {  	v0 =	vld [tilespmem:s23+$0x0];
	_ =	sdelay $0x4  }
0x455: {  	[tilespmem:v15+s17+$0x0] =	vst.idx.msk $0xffff, v0  }
0x456: {  	v0 =	vld [tilespmem:$0x1FE80];
	_ =	sdelay $0x2  }
0x457: {  	v1 =	vld [tilespmem:s23+$0xFFFFFFA0];
	_ =	sdelay $0x4  }
0x458: {  	[tilespmem:v0+s17+$0x0] =	vst.idx.msk $0xffff, v1  }
0x459: {  	v0 =	vld [tilespmem:$0x1FE90];
	_ =	sdelay $0x2  }
0x45a: {  	v16 =	vld [tilespmem:s23+$0xFFFFFFB0]  }
0x45b: {  	v17 =	vadd.s32 $0x300, v7;
	v21 =	vld [tilespmem:s23+$0xFFFFFFC0]  }
0x45c: {  	v19 =	vld [tilespmem:s23+$0xFFFFFFD0];
	v15 =	vadd.s32 $0x400, v7  }
0x45d: {  	v18 =	vld [tilespmem:s23+$0xFFFFFFE0]  }
0x45e: {  	v22 =	vld [tilespmem:s23+$0xFFFFFFF0]  }
0x45f: {  	s21 =	simm.s32 $0x0;
	v20 =	vadd.s32 $0x800, v7;
	s22 =	simm.s32 $0x7F0;
	v23 =	vld [tilespmem:s23+$0xFFFFFF90];
	[tilespmem:v0+s17+$0x0] =	vst.idx.msk $0xffff, v16;
	v16 =	vmov v7  }
.LBB2_83:
0x460: {  	v0 =	vadd.s32 $0x100, v20;
	v1 =	vadd.s32 $0x200, v20;
	v24 =	vadd.s32 $0x700, v20;
	v25 =	vld [tilespmem:s22+$0x0];
	s21 =	sadd.s32 $0x8, s21;
	[tilespmem:v17+s17+$0x0] =	vst.idx.msk $0xffff, v21  }
0x461: {  	v17 =	vadd.s32 $0x300, v20;
	v21 =	vadd.s32 $0x500, v20;
	v26 =	vld [tilespmem:s22+$0xFFFFFFA0];
	p1 =	slt.u32 s21, $0x68;
	[tilespmem:v15+s17+$0x0] =	vst.idx.msk $0xffff, v19;
	v15 =	vadd.s32 $0x400, v20  }
0x462: {  	v19 =	vadd.s32 $0x600, v20;
	v27 =	vld [tilespmem:s22+$0xFFFFFFB0];
	[tilespmem:v33+s17+$0x0] =	vst.idx.msk $0xffff, v18;
	v33 =	vmov v21  }
.Ltmp43:
0x463: {  	v21 =	vld [tilespmem:s22+$0xFFFFFFC0];
	[tilespmem:v34+s17+$0x0] =	vst.idx.msk $0xffff, v22;
	v34 =	vmov v19;
	(pc) =	sbr.rel @p1 .LBB2_83-.Ltmp43, $4  }
0x464: {  	v19 =	vld [tilespmem:s22+$0xFFFFFFD0];
	[tilespmem:v16+s17+$0x0] =	vst.idx.msk $0xffff, v23;
	v16 =	vmov v20  }
0x465: {  	s23 =	simm.s32 $0x4070;
	v18 =	vld [tilespmem:s22+$0xFFFFFFE0];
	[tilespmem:v24+s17+$0x0] =	vst.idx.msk $0xffff, v25  }
0x466: {  	[tilespmem:v0+s17+$0x0] =	vst.idx.msk $0xffff, v26;
	v22 =	vld [tilespmem:s22+$0xFFFFFFF0]  }
0x467: {  	v20 =	vadd.s32 $0x800, v20;
	v23 =	vld [tilespmem:s22+$0xFFFFFF90];
	[tilespmem:v1+s17+$0x0] =	vst.idx.msk $0xffff, v27;
	s22 =	sadd.s32 $0x400, s22  }
0x468: {  	_ =	sdelay $0x3  }
0x469: {  	[tilespmem:v17+s17+$0x0] =	vst.idx.msk $0xffff, v21  }
0x46a: {  	[tilespmem:v15+s17+$0x0] =	vst.idx.msk $0xffff, v19  }
0x46b: {  	[tilespmem:v33+s17+$0x0] =	vst.idx.msk $0xffff, v18  }
0x46c: {  	[tilespmem:v34+s17+$0x0] =	vst.idx.msk $0xffff, v22  }
0x46d: {  	[tilespmem:v16+s17+$0x0] =	vst.idx.msk $0xffff, v23  }
0x46e: {  	v15 =	vld [tilespmem:$0x1FE40];
	_ =	sdelay $0x2  }
0x46f: {  	v0 =	vld [tilespmem:s23+$0x0];
	_ =	sdelay $0x4  }
0x470: {  	[tilespmem:v15+s17+$0x0] =	vst.idx.msk $0xffff, v0  }
0x471: {  	v0 =	vld [tilespmem:$0x1FE50];
	_ =	sdelay $0x2  }
0x472: {  	v1 =	vld [tilespmem:s23+$0xFFFFFFA0];
	_ =	sdelay $0x4  }
0x473: {  	[tilespmem:v0+s17+$0x0] =	vst.idx.msk $0xffff, v1  }
0x474: {  	v0 =	vld [tilespmem:$0x1FE60];
	_ =	sdelay $0x2  }
0x475: {  	v16 =	vld [tilespmem:s23+$0xFFFFFFB0]  }
0x476: {  	v17 =	vadd.s32 $0x300, v8;
	v21 =	vld [tilespmem:s23+$0xFFFFFFC0]  }
0x477: {  	v19 =	vld [tilespmem:s23+$0xFFFFFFD0];
	v15 =	vadd.s32 $0x400, v8  }
0x478: {  	v18 =	vld [tilespmem:s23+$0xFFFFFFE0]  }
0x479: {  	v22 =	vld [tilespmem:s23+$0xFFFFFFF0]  }
0x47a: {  	s21 =	simm.s32 $0x0;
	v20 =	vadd.s32 $0x800, v8;
	s22 =	simm.s32 $0x4470;
	v23 =	vld [tilespmem:s23+$0xFFFFFF90];
	[tilespmem:v0+s17+$0x0] =	vst.idx.msk $0xffff, v16;
	v16 =	vmov v8  }
.LBB2_85:
0x47b: {  	v0 =	vadd.s32 $0x100, v20;
	v1 =	vadd.s32 $0x200, v20;
	v24 =	vadd.s32 $0x700, v20;
	v25 =	vld [tilespmem:s22+$0x0];
	s21 =	sadd.s32 $0x8, s21;
	[tilespmem:v17+s17+$0x0] =	vst.idx.msk $0xffff, v21  }
0x47c: {  	v17 =	vadd.s32 $0x300, v20;
	v21 =	vadd.s32 $0x500, v20;
	v26 =	vld [tilespmem:s22+$0xFFFFFFA0];
	p1 =	slt.u32 s21, $0x68;
	[tilespmem:v15+s17+$0x0] =	vst.idx.msk $0xffff, v19;
	v15 =	vadd.s32 $0x400, v20  }
0x47d: {  	v19 =	vadd.s32 $0x600, v20;
	v27 =	vld [tilespmem:s22+$0xFFFFFFB0];
	[tilespmem:v38+s17+$0x0] =	vst.idx.msk $0xffff, v18;
	v38 =	vmov v21  }
.Ltmp44:
0x47e: {  	v21 =	vld [tilespmem:s22+$0xFFFFFFC0];
	[tilespmem:v39+s17+$0x0] =	vst.idx.msk $0xffff, v22;
	v39 =	vmov v19;
	(pc) =	sbr.rel @p1 .LBB2_85-.Ltmp44, $4  }
0x47f: {  	v19 =	vld [tilespmem:s22+$0xFFFFFFD0];
	[tilespmem:v16+s17+$0x0] =	vst.idx.msk $0xffff, v23;
	v16 =	vmov v20  }
0x480: {  	s23 =	simm.s32 $0x40F0;
	v18 =	vld [tilespmem:s22+$0xFFFFFFE0];
	[tilespmem:v24+s17+$0x0] =	vst.idx.msk $0xffff, v25  }
0x481: {  	[tilespmem:v0+s17+$0x0] =	vst.idx.msk $0xffff, v26;
	v22 =	vld [tilespmem:s22+$0xFFFFFFF0]  }
0x482: {  	v20 =	vadd.s32 $0x800, v20;
	v23 =	vld [tilespmem:s22+$0xFFFFFF90];
	[tilespmem:v1+s17+$0x0] =	vst.idx.msk $0xffff, v27;
	s22 =	sadd.s32 $0x400, s22  }
0x483: {  	_ =	sdelay $0x3  }
0x484: {  	[tilespmem:v17+s17+$0x0] =	vst.idx.msk $0xffff, v21  }
0x485: {  	[tilespmem:v15+s17+$0x0] =	vst.idx.msk $0xffff, v19  }
0x486: {  	[tilespmem:v38+s17+$0x0] =	vst.idx.msk $0xffff, v18  }
0x487: {  	[tilespmem:v39+s17+$0x0] =	vst.idx.msk $0xffff, v22  }
0x488: {  	[tilespmem:v16+s17+$0x0] =	vst.idx.msk $0xffff, v23  }
0x489: {  	v15 =	vld [tilespmem:$0x1FE10];
	_ =	sdelay $0x2  }
0x48a: {  	v0 =	vld [tilespmem:s23+$0x0];
	_ =	sdelay $0x4  }
0x48b: {  	[tilespmem:v15+s17+$0x0] =	vst.idx.msk $0xffff, v0  }
0x48c: {  	v0 =	vld [tilespmem:$0x1FE20];
	_ =	sdelay $0x2  }
0x48d: {  	v1 =	vld [tilespmem:s23+$0xFFFFFFA0];
	_ =	sdelay $0x4  }
0x48e: {  	[tilespmem:v0+s17+$0x0] =	vst.idx.msk $0xffff, v1  }
0x48f: {  	v0 =	vld [tilespmem:$0x1FE30];
	_ =	sdelay $0x2  }
0x490: {  	v16 =	vld [tilespmem:s23+$0xFFFFFFB0]  }
0x491: {  	v17 =	vadd.s32 $0x300, v9;
	v21 =	vld [tilespmem:s23+$0xFFFFFFC0]  }
0x492: {  	v19 =	vld [tilespmem:s23+$0xFFFFFFD0];
	v15 =	vadd.s32 $0x400, v9  }
0x493: {  	v18 =	vld [tilespmem:s23+$0xFFFFFFE0]  }
0x494: {  	v22 =	vld [tilespmem:s23+$0xFFFFFFF0]  }
0x495: {  	s21 =	simm.s32 $0x0;
	v20 =	vadd.s32 $0x800, v9;
	s22 =	simm.s32 $0x44F0;
	v23 =	vld [tilespmem:s23+$0xFFFFFF90];
	[tilespmem:v0+s17+$0x0] =	vst.idx.msk $0xffff, v16;
	v16 =	vmov v9  }
.LBB2_87:
0x496: {  	v0 =	vadd.s32 $0x100, v20;
	v1 =	vadd.s32 $0x200, v20;
	v24 =	vadd.s32 $0x700, v20;
	v25 =	vld [tilespmem:s22+$0x0];
	s21 =	sadd.s32 $0x8, s21;
	[tilespmem:v17+s17+$0x0] =	vst.idx.msk $0xffff, v21  }
0x497: {  	v17 =	vadd.s32 $0x300, v20;
	v21 =	vadd.s32 $0x500, v20;
	v26 =	vld [tilespmem:s22+$0xFFFFFFA0];
	p1 =	slt.u32 s21, $0x68;
	[tilespmem:v15+s17+$0x0] =	vst.idx.msk $0xffff, v19;
	v15 =	vadd.s32 $0x400, v20  }
0x498: {  	v19 =	vadd.s32 $0x600, v20;
	v27 =	vld [tilespmem:s22+$0xFFFFFFB0];
	[tilespmem:v43+s17+$0x0] =	vst.idx.msk $0xffff, v18;
	v43 =	vmov v21  }
.Ltmp45:
0x499: {  	v21 =	vld [tilespmem:s22+$0xFFFFFFC0];
	[tilespmem:v44+s17+$0x0] =	vst.idx.msk $0xffff, v22;
	v44 =	vmov v19;
	(pc) =	sbr.rel @p1 .LBB2_87-.Ltmp45, $4  }
0x49a: {  	v19 =	vld [tilespmem:s22+$0xFFFFFFD0];
	[tilespmem:v16+s17+$0x0] =	vst.idx.msk $0xffff, v23;
	v16 =	vmov v20  }
0x49b: {  	s23 =	simm.s32 $0x4170;
	v18 =	vld [tilespmem:s22+$0xFFFFFFE0];
	[tilespmem:v24+s17+$0x0] =	vst.idx.msk $0xffff, v25  }
0x49c: {  	[tilespmem:v0+s17+$0x0] =	vst.idx.msk $0xffff, v26;
	v22 =	vld [tilespmem:s22+$0xFFFFFFF0]  }
0x49d: {  	v20 =	vadd.s32 $0x800, v20;
	v23 =	vld [tilespmem:s22+$0xFFFFFF90];
	[tilespmem:v1+s17+$0x0] =	vst.idx.msk $0xffff, v27;
	s22 =	sadd.s32 $0x400, s22  }
0x49e: {  	_ =	sdelay $0x3  }
0x49f: {  	[tilespmem:v17+s17+$0x0] =	vst.idx.msk $0xffff, v21  }
0x4a0: {  	[tilespmem:v15+s17+$0x0] =	vst.idx.msk $0xffff, v19  }
0x4a1: {  	[tilespmem:v43+s17+$0x0] =	vst.idx.msk $0xffff, v18  }
0x4a2: {  	[tilespmem:v44+s17+$0x0] =	vst.idx.msk $0xffff, v22  }
0x4a3: {  	[tilespmem:v16+s17+$0x0] =	vst.idx.msk $0xffff, v23  }
0x4a4: {  	v15 =	vld [tilespmem:$0x1FDE0];
	_ =	sdelay $0x2  }
0x4a5: {  	v0 =	vld [tilespmem:s23+$0x0];
	_ =	sdelay $0x4  }
0x4a6: {  	[tilespmem:v15+s17+$0x0] =	vst.idx.msk $0xffff, v0  }
0x4a7: {  	v0 =	vld [tilespmem:$0x1FDF0];
	_ =	sdelay $0x2  }
0x4a8: {  	v1 =	vld [tilespmem:s23+$0xFFFFFFA0];
	_ =	sdelay $0x4  }
0x4a9: {  	[tilespmem:v0+s17+$0x0] =	vst.idx.msk $0xffff, v1  }
0x4aa: {  	v0 =	vld [tilespmem:$0x1FE00];
	_ =	sdelay $0x2  }
0x4ab: {  	v16 =	vld [tilespmem:s23+$0xFFFFFFB0]  }
0x4ac: {  	v17 =	vadd.s32 $0x300, v10;
	v21 =	vld [tilespmem:s23+$0xFFFFFFC0]  }
0x4ad: {  	v19 =	vld [tilespmem:s23+$0xFFFFFFD0];
	v15 =	vadd.s32 $0x400, v10  }
0x4ae: {  	v18 =	vld [tilespmem:s23+$0xFFFFFFE0]  }
0x4af: {  	v22 =	vld [tilespmem:s23+$0xFFFFFFF0]  }
0x4b0: {  	s21 =	simm.s32 $0x0;
	v20 =	vadd.s32 $0x800, v10;
	s22 =	simm.s32 $0x4570;
	v23 =	vld [tilespmem:s23+$0xFFFFFF90];
	[tilespmem:v0+s17+$0x0] =	vst.idx.msk $0xffff, v16;
	v16 =	vmov v10  }
.LBB2_89:
0x4b1: {  	v0 =	vadd.s32 $0x100, v20;
	v1 =	vadd.s32 $0x200, v20;
	v24 =	vadd.s32 $0x700, v20;
	v25 =	vld [tilespmem:s22+$0x0];
	s21 =	sadd.s32 $0x8, s21;
	[tilespmem:v17+s17+$0x0] =	vst.idx.msk $0xffff, v21  }
0x4b2: {  	v17 =	vadd.s32 $0x300, v20;
	v21 =	vadd.s32 $0x500, v20;
	v26 =	vld [tilespmem:s22+$0xFFFFFFA0];
	p1 =	slt.u32 s21, $0x68;
	[tilespmem:v15+s17+$0x0] =	vst.idx.msk $0xffff, v19;
	v15 =	vadd.s32 $0x400, v20  }
0x4b3: {  	v19 =	vadd.s32 $0x600, v20;
	v27 =	vld [tilespmem:s22+$0xFFFFFFB0];
	[tilespmem:v48+s17+$0x0] =	vst.idx.msk $0xffff, v18;
	v48 =	vmov v21  }
.Ltmp46:
0x4b4: {  	v21 =	vld [tilespmem:s22+$0xFFFFFFC0];
	[tilespmem:v49+s17+$0x0] =	vst.idx.msk $0xffff, v22;
	v49 =	vmov v19;
	(pc) =	sbr.rel @p1 .LBB2_89-.Ltmp46, $4  }
0x4b5: {  	v19 =	vld [tilespmem:s22+$0xFFFFFFD0];
	[tilespmem:v16+s17+$0x0] =	vst.idx.msk $0xffff, v23;
	v16 =	vmov v20  }
0x4b6: {  	s23 =	simm.s32 $0x41F0;
	v18 =	vld [tilespmem:s22+$0xFFFFFFE0];
	[tilespmem:v24+s17+$0x0] =	vst.idx.msk $0xffff, v25  }
0x4b7: {  	[tilespmem:v0+s17+$0x0] =	vst.idx.msk $0xffff, v26;
	v22 =	vld [tilespmem:s22+$0xFFFFFFF0]  }
0x4b8: {  	v20 =	vadd.s32 $0x800, v20;
	v23 =	vld [tilespmem:s22+$0xFFFFFF90];
	[tilespmem:v1+s17+$0x0] =	vst.idx.msk $0xffff, v27;
	s22 =	sadd.s32 $0x400, s22  }
0x4b9: {  	_ =	sdelay $0x3  }
0x4ba: {  	[tilespmem:v17+s17+$0x0] =	vst.idx.msk $0xffff, v21  }
0x4bb: {  	[tilespmem:v15+s17+$0x0] =	vst.idx.msk $0xffff, v19  }
0x4bc: {  	[tilespmem:v48+s17+$0x0] =	vst.idx.msk $0xffff, v18  }
0x4bd: {  	[tilespmem:v49+s17+$0x0] =	vst.idx.msk $0xffff, v22  }
0x4be: {  	[tilespmem:v16+s17+$0x0] =	vst.idx.msk $0xffff, v23  }
0x4bf: {  	v15 =	vld [tilespmem:$0x1FDB0];
	_ =	sdelay $0x2  }
0x4c0: {  	v0 =	vld [tilespmem:s23+$0x0];
	_ =	sdelay $0x4  }
0x4c1: {  	[tilespmem:v15+s17+$0x0] =	vst.idx.msk $0xffff, v0  }
0x4c2: {  	v0 =	vld [tilespmem:$0x1FDC0];
	_ =	sdelay $0x2  }
0x4c3: {  	v1 =	vld [tilespmem:s23+$0xFFFFFFA0];
	_ =	sdelay $0x4  }
0x4c4: {  	[tilespmem:v0+s17+$0x0] =	vst.idx.msk $0xffff, v1  }
0x4c5: {  	v0 =	vld [tilespmem:$0x1FDD0];
	_ =	sdelay $0x2  }
0x4c6: {  	v16 =	vld [tilespmem:s23+$0xFFFFFFB0]  }
0x4c7: {  	v17 =	vadd.s32 $0x300, v11;
	v21 =	vld [tilespmem:s23+$0xFFFFFFC0]  }
0x4c8: {  	v19 =	vld [tilespmem:s23+$0xFFFFFFD0];
	v15 =	vadd.s32 $0x400, v11  }
0x4c9: {  	v18 =	vld [tilespmem:s23+$0xFFFFFFE0]  }
0x4ca: {  	v22 =	vld [tilespmem:s23+$0xFFFFFFF0]  }
0x4cb: {  	s21 =	simm.s32 $0x0;
	v20 =	vadd.s32 $0x800, v11;
	s22 =	simm.s32 $0x45F0;
	v23 =	vld [tilespmem:s23+$0xFFFFFF90];
	[tilespmem:v0+s17+$0x0] =	vst.idx.msk $0xffff, v16;
	v16 =	vmov v11  }
.LBB2_91:
0x4cc: {  	v0 =	vadd.s32 $0x100, v20;
	v1 =	vadd.s32 $0x200, v20;
	v24 =	vadd.s32 $0x700, v20;
	v25 =	vld [tilespmem:s22+$0x0];
	s21 =	sadd.s32 $0x8, s21;
	[tilespmem:v17+s17+$0x0] =	vst.idx.msk $0xffff, v21  }
0x4cd: {  	v17 =	vadd.s32 $0x300, v20;
	v21 =	vadd.s32 $0x500, v20;
	v26 =	vld [tilespmem:s22+$0xFFFFFFA0];
	p1 =	slt.u32 s21, $0x68;
	[tilespmem:v15+s17+$0x0] =	vst.idx.msk $0xffff, v19;
	v15 =	vadd.s32 $0x400, v20  }
0x4ce: {  	v19 =	vadd.s32 $0x600, v20;
	v27 =	vld [tilespmem:s22+$0xFFFFFFB0];
	[tilespmem:v53+s17+$0x0] =	vst.idx.msk $0xffff, v18;
	v53 =	vmov v21  }
.Ltmp47:
0x4cf: {  	v21 =	vld [tilespmem:s22+$0xFFFFFFC0];
	[tilespmem:v54+s17+$0x0] =	vst.idx.msk $0xffff, v22;
	v54 =	vmov v19;
	(pc) =	sbr.rel @p1 .LBB2_91-.Ltmp47, $4  }
0x4d0: {  	v19 =	vld [tilespmem:s22+$0xFFFFFFD0];
	[tilespmem:v16+s17+$0x0] =	vst.idx.msk $0xffff, v23;
	v16 =	vmov v20  }
0x4d1: {  	s23 =	simm.s32 $0x4270;
	v18 =	vld [tilespmem:s22+$0xFFFFFFE0];
	[tilespmem:v24+s17+$0x0] =	vst.idx.msk $0xffff, v25  }
0x4d2: {  	[tilespmem:v0+s17+$0x0] =	vst.idx.msk $0xffff, v26;
	v22 =	vld [tilespmem:s22+$0xFFFFFFF0]  }
0x4d3: {  	v20 =	vadd.s32 $0x800, v20;
	v23 =	vld [tilespmem:s22+$0xFFFFFF90];
	[tilespmem:v1+s17+$0x0] =	vst.idx.msk $0xffff, v27;
	s22 =	sadd.s32 $0x400, s22  }
0x4d4: {  	_ =	sdelay $0x3  }
0x4d5: {  	[tilespmem:v17+s17+$0x0] =	vst.idx.msk $0xffff, v21  }
0x4d6: {  	[tilespmem:v15+s17+$0x0] =	vst.idx.msk $0xffff, v19  }
0x4d7: {  	[tilespmem:v53+s17+$0x0] =	vst.idx.msk $0xffff, v18  }
0x4d8: {  	[tilespmem:v54+s17+$0x0] =	vst.idx.msk $0xffff, v22  }
0x4d9: {  	[tilespmem:v16+s17+$0x0] =	vst.idx.msk $0xffff, v23  }
0x4da: {  	v15 =	vld [tilespmem:$0x1FD80];
	_ =	sdelay $0x2  }
0x4db: {  	v0 =	vld [tilespmem:s23+$0x0];
	_ =	sdelay $0x4  }
0x4dc: {  	[tilespmem:v15+s17+$0x0] =	vst.idx.msk $0xffff, v0  }
0x4dd: {  	v0 =	vld [tilespmem:$0x1FD90];
	_ =	sdelay $0x2  }
0x4de: {  	v1 =	vld [tilespmem:s23+$0xFFFFFFA0];
	_ =	sdelay $0x4  }
0x4df: {  	[tilespmem:v0+s17+$0x0] =	vst.idx.msk $0xffff, v1  }
0x4e0: {  	v0 =	vld [tilespmem:$0x1FDA0];
	_ =	sdelay $0x2  }
0x4e1: {  	v16 =	vld [tilespmem:s23+$0xFFFFFFB0]  }
0x4e2: {  	v17 =	vadd.s32 $0x300, v12;
	v21 =	vld [tilespmem:s23+$0xFFFFFFC0]  }
0x4e3: {  	v19 =	vld [tilespmem:s23+$0xFFFFFFD0];
	v15 =	vadd.s32 $0x400, v12  }
0x4e4: {  	v18 =	vld [tilespmem:s23+$0xFFFFFFE0]  }
0x4e5: {  	v22 =	vld [tilespmem:s23+$0xFFFFFFF0]  }
0x4e6: {  	s21 =	simm.s32 $0x0;
	v20 =	vadd.s32 $0x800, v12;
	s22 =	simm.s32 $0x4670;
	v23 =	vld [tilespmem:s23+$0xFFFFFF90];
	[tilespmem:v0+s17+$0x0] =	vst.idx.msk $0xffff, v16;
	v16 =	vmov v12  }
.LBB2_93:
0x4e7: {  	v0 =	vadd.s32 $0x100, v20;
	v1 =	vadd.s32 $0x200, v20;
	v24 =	vadd.s32 $0x700, v20;
	v25 =	vld [tilespmem:s22+$0x0];
	s21 =	sadd.s32 $0x8, s21;
	[tilespmem:v17+s17+$0x0] =	vst.idx.msk $0xffff, v21  }
0x4e8: {  	v17 =	vadd.s32 $0x300, v20;
	v21 =	vadd.s32 $0x500, v20;
	v26 =	vld [tilespmem:s22+$0xFFFFFFA0];
	p1 =	slt.u32 s21, $0x68;
	[tilespmem:v15+s17+$0x0] =	vst.idx.msk $0xffff, v19;
	v15 =	vadd.s32 $0x400, v20  }
0x4e9: {  	v19 =	vadd.s32 $0x600, v20;
	v27 =	vld [tilespmem:s22+$0xFFFFFFB0];
	[tilespmem:v58+s17+$0x0] =	vst.idx.msk $0xffff, v18;
	v58 =	vmov v21  }
.Ltmp48:
0x4ea: {  	v21 =	vld [tilespmem:s22+$0xFFFFFFC0];
	[tilespmem:v59+s17+$0x0] =	vst.idx.msk $0xffff, v22;
	v59 =	vmov v19;
	(pc) =	sbr.rel @p1 .LBB2_93-.Ltmp48, $4  }
0x4eb: {  	v19 =	vld [tilespmem:s22+$0xFFFFFFD0];
	[tilespmem:v16+s17+$0x0] =	vst.idx.msk $0xffff, v23;
	v16 =	vmov v20  }
0x4ec: {  	s23 =	simm.s32 $0x42F0;
	v18 =	vld [tilespmem:s22+$0xFFFFFFE0];
	[tilespmem:v24+s17+$0x0] =	vst.idx.msk $0xffff, v25  }
0x4ed: {  	[tilespmem:v0+s17+$0x0] =	vst.idx.msk $0xffff, v26;
	v22 =	vld [tilespmem:s22+$0xFFFFFFF0]  }
0x4ee: {  	v20 =	vadd.s32 $0x800, v20;
	v23 =	vld [tilespmem:s22+$0xFFFFFF90];
	[tilespmem:v1+s17+$0x0] =	vst.idx.msk $0xffff, v27;
	s22 =	sadd.s32 $0x400, s22  }
0x4ef: {  	_ =	sdelay $0x3  }
0x4f0: {  	[tilespmem:v17+s17+$0x0] =	vst.idx.msk $0xffff, v21  }
0x4f1: {  	[tilespmem:v15+s17+$0x0] =	vst.idx.msk $0xffff, v19  }
0x4f2: {  	[tilespmem:v58+s17+$0x0] =	vst.idx.msk $0xffff, v18  }
0x4f3: {  	[tilespmem:v59+s17+$0x0] =	vst.idx.msk $0xffff, v22  }
0x4f4: {  	[tilespmem:v16+s17+$0x0] =	vst.idx.msk $0xffff, v23  }
0x4f5: {  	v15 =	vld [tilespmem:$0x1FD50];
	_ =	sdelay $0x2  }
0x4f6: {  	v0 =	vld [tilespmem:s23+$0x0];
	_ =	sdelay $0x4  }
0x4f7: {  	[tilespmem:v15+s17+$0x0] =	vst.idx.msk $0xffff, v0  }
0x4f8: {  	v0 =	vld [tilespmem:$0x1FD60];
	_ =	sdelay $0x2  }
0x4f9: {  	v1 =	vld [tilespmem:s23+$0xFFFFFFA0];
	_ =	sdelay $0x4  }
0x4fa: {  	[tilespmem:v0+s17+$0x0] =	vst.idx.msk $0xffff, v1  }
0x4fb: {  	v0 =	vld [tilespmem:$0x1FD70];
	_ =	sdelay $0x2  }
0x4fc: {  	v16 =	vld [tilespmem:s23+$0xFFFFFFB0]  }
0x4fd: {  	v17 =	vadd.s32 $0x300, v13;
	v21 =	vld [tilespmem:s23+$0xFFFFFFC0]  }
0x4fe: {  	v19 =	vld [tilespmem:s23+$0xFFFFFFD0];
	v15 =	vadd.s32 $0x400, v13  }
0x4ff: {  	v18 =	vld [tilespmem:s23+$0xFFFFFFE0]  }
0x500: {  	v22 =	vld [tilespmem:s23+$0xFFFFFFF0]  }
0x501: {  	s21 =	simm.s32 $0x0;
	v20 =	vadd.s32 $0x800, v13;
	s22 =	simm.s32 $0x46F0;
	v23 =	vld [tilespmem:s23+$0xFFFFFF90];
	[tilespmem:v0+s17+$0x0] =	vst.idx.msk $0xffff, v16;
	v16 =	vmov v13  }
.LBB2_95:
0x502: {  	v0 =	vadd.s32 $0x100, v20;
	v1 =	vadd.s32 $0x200, v20;
	v24 =	vadd.s32 $0x700, v20;
	v25 =	vld [tilespmem:s22+$0x0];
	s21 =	sadd.s32 $0x8, s21;
	[tilespmem:v17+s17+$0x0] =	vst.idx.msk $0xffff, v21  }
0x503: {  	v17 =	vadd.s32 $0x300, v20;
	v21 =	vadd.s32 $0x500, v20;
	v26 =	vld [tilespmem:s22+$0xFFFFFFA0];
	p1 =	slt.u32 s21, $0x68;
	[tilespmem:v15+s17+$0x0] =	vst.idx.msk $0xffff, v19;
	v15 =	vadd.s32 $0x400, v20  }
0x504: {  	v19 =	vadd.s32 $0x600, v20;
	v27 =	vld [tilespmem:s22+$0xFFFFFFB0];
	[tilespmem:v63+s17+$0x0] =	vst.idx.msk $0xffff, v18;
	v63 =	vmov v21  }
.Ltmp49:
0x505: {  	v21 =	vld [tilespmem:s22+$0xFFFFFFC0];
	[tilespmem:v30+s17+$0x0] =	vst.idx.msk $0xffff, v22;
	v30 =	vmov v19;
	(pc) =	sbr.rel @p1 .LBB2_95-.Ltmp49, $4  }
0x506: {  	v19 =	vld [tilespmem:s22+$0xFFFFFFD0];
	[tilespmem:v16+s17+$0x0] =	vst.idx.msk $0xffff, v23;
	v16 =	vmov v20  }
0x507: {  	s23 =	simm.s32 $0x4370;
	v18 =	vld [tilespmem:s22+$0xFFFFFFE0];
	[tilespmem:v24+s17+$0x0] =	vst.idx.msk $0xffff, v25  }
0x508: {  	[tilespmem:v0+s17+$0x0] =	vst.idx.msk $0xffff, v26;
	v22 =	vld [tilespmem:s22+$0xFFFFFFF0]  }
0x509: {  	v20 =	vadd.s32 $0x800, v20;
	v23 =	vld [tilespmem:s22+$0xFFFFFF90];
	[tilespmem:v1+s17+$0x0] =	vst.idx.msk $0xffff, v27;
	s22 =	sadd.s32 $0x400, s22  }
0x50a: {  	_ =	sdelay $0x3  }
0x50b: {  	[tilespmem:v17+s17+$0x0] =	vst.idx.msk $0xffff, v21  }
0x50c: {  	[tilespmem:v15+s17+$0x0] =	vst.idx.msk $0xffff, v19  }
0x50d: {  	[tilespmem:v63+s17+$0x0] =	vst.idx.msk $0xffff, v18  }
0x50e: {  	[tilespmem:v30+s17+$0x0] =	vst.idx.msk $0xffff, v22  }
0x50f: {  	[tilespmem:v16+s17+$0x0] =	vst.idx.msk $0xffff, v23  }
0x510: {  	v15 =	vld [tilespmem:$0x1FD20];
	_ =	sdelay $0x2  }
0x511: {  	v0 =	vld [tilespmem:s23+$0x0];
	_ =	sdelay $0x4  }
0x512: {  	[tilespmem:v15+s17+$0x0] =	vst.idx.msk $0xffff, v0  }
0x513: {  	v0 =	vld [tilespmem:$0x1FD30];
	_ =	sdelay $0x2  }
0x514: {  	v1 =	vld [tilespmem:s23+$0xFFFFFFA0];
	_ =	sdelay $0x4  }
0x515: {  	[tilespmem:v0+s17+$0x0] =	vst.idx.msk $0xffff, v1  }
0x516: {  	v0 =	vld [tilespmem:$0x1FD40];
	_ =	sdelay $0x2  }
0x517: {  	v16 =	vld [tilespmem:s23+$0xFFFFFFB0]  }
0x518: {  	v17 =	vadd.s32 $0x300, v14;
	v21 =	vld [tilespmem:s23+$0xFFFFFFC0]  }
0x519: {  	v19 =	vld [tilespmem:s23+$0xFFFFFFD0];
	v15 =	vadd.s32 $0x400, v14  }
0x51a: {  	v18 =	vld [tilespmem:s23+$0xFFFFFFE0]  }
0x51b: {  	v22 =	vld [tilespmem:s23+$0xFFFFFFF0]  }
0x51c: {  	s21 =	simm.s32 $0x0;
	v20 =	vadd.s32 $0x800, v14;
	s22 =	simm.s32 $0x4770;
	v23 =	vld [tilespmem:s23+$0xFFFFFF90];
	[tilespmem:v0+s17+$0x0] =	vst.idx.msk $0xffff, v16;
	v16 =	vmov v14  }
.LBB2_97:
0x51d: {  	v0 =	vadd.s32 $0x100, v20;
	v1 =	vadd.s32 $0x200, v20;
	v24 =	vadd.s32 $0x700, v20;
	v25 =	vld [tilespmem:s22+$0x0];
	s21 =	sadd.s32 $0x8, s21;
	[tilespmem:v17+s17+$0x0] =	vst.idx.msk $0xffff, v21  }
0x51e: {  	v17 =	vadd.s32 $0x300, v20;
	v21 =	vadd.s32 $0x500, v20;
	v26 =	vld [tilespmem:s22+$0xFFFFFFA0];
	p1 =	slt.u32 s21, $0x68;
	[tilespmem:v15+s17+$0x0] =	vst.idx.msk $0xffff, v19;
	v15 =	vadd.s32 $0x400, v20  }
0x51f: {  	v19 =	vadd.s32 $0x600, v20;
	v27 =	vld [tilespmem:s22+$0xFFFFFFB0];
	[tilespmem:v36+s17+$0x0] =	vst.idx.msk $0xffff, v18;
	v36 =	vmov v21  }
.Ltmp50:
0x520: {  	v21 =	vld [tilespmem:s22+$0xFFFFFFC0];
	[tilespmem:v37+s17+$0x0] =	vst.idx.msk $0xffff, v22;
	v37 =	vmov v19;
	(pc) =	sbr.rel @p1 .LBB2_97-.Ltmp50, $4  }
0x521: {  	v19 =	vld [tilespmem:s22+$0xFFFFFFD0];
	[tilespmem:v16+s17+$0x0] =	vst.idx.msk $0xffff, v23;
	v16 =	vmov v20  }
0x522: {  	s23 =	simm.s32 $0x43F0;
	v18 =	vld [tilespmem:s22+$0xFFFFFFE0];
	[tilespmem:v24+s17+$0x0] =	vst.idx.msk $0xffff, v25  }
0x523: {  	[tilespmem:v0+s17+$0x0] =	vst.idx.msk $0xffff, v26;
	v22 =	vld [tilespmem:s22+$0xFFFFFFF0]  }
0x524: {  	v20 =	vadd.s32 $0x800, v20;
	v23 =	vld [tilespmem:s22+$0xFFFFFF90];
	[tilespmem:v1+s17+$0x0] =	vst.idx.msk $0xffff, v27;
	s22 =	sadd.s32 $0x400, s22  }
0x525: {  	_ =	sdelay $0x3  }
0x526: {  	[tilespmem:v17+s17+$0x0] =	vst.idx.msk $0xffff, v21  }
0x527: {  	[tilespmem:v15+s17+$0x0] =	vst.idx.msk $0xffff, v19  }
0x528: {  	[tilespmem:v36+s17+$0x0] =	vst.idx.msk $0xffff, v18  }
0x529: {  	[tilespmem:v37+s17+$0x0] =	vst.idx.msk $0xffff, v22  }
0x52a: {  	[tilespmem:v16+s17+$0x0] =	vst.idx.msk $0xffff, v23  }
0x52b: {  	v15 =	vld [tilespmem:$0x1FCF0];
	_ =	sdelay $0x2  }
0x52c: {  	v0 =	vld [tilespmem:s23+$0x0];
	_ =	sdelay $0x4  }
0x52d: {  	[tilespmem:v15+s17+$0x0] =	vst.idx.msk $0xffff, v0  }
0x52e: {  	v0 =	vld [tilespmem:$0x1FD00];
	_ =	sdelay $0x2  }
0x52f: {  	v1 =	vld [tilespmem:s23+$0xFFFFFFA0];
	_ =	sdelay $0x4  }
0x530: {  	[tilespmem:v0+s17+$0x0] =	vst.idx.msk $0xffff, v1  }
0x531: {  	v0 =	vld [tilespmem:$0x1FD10];
	_ =	sdelay $0x2  }
0x532: {  	v16 =	vld [tilespmem:s23+$0xFFFFFFB0]  }
0x533: {  	v17 =	vadd.s32 $0x300, v60;
	v22 =	vld [tilespmem:s23+$0xFFFFFFC0]  }
0x534: {  	v19 =	vld [tilespmem:s23+$0xFFFFFFD0];
	v15 =	vadd.s32 $0x400, v60  }
0x535: {  	v18 =	vld [tilespmem:s23+$0xFFFFFFE0]  }
0x536: {  	v21 =	vld [tilespmem:s23+$0xFFFFFFF0]  }
0x537: {  	s21 =	simm.s32 $0x0;
	v20 =	vadd.s32 $0x800, v60;
	s22 =	simm.s32 $0x47F0;
	v23 =	vld [tilespmem:s23+$0xFFFFFF90];
	[tilespmem:v0+s17+$0x0] =	vst.idx.msk $0xffff, v16;
	v16 =	vmov v60  }
.LBB2_99:
0x538: {  	v0 =	vadd.s32 $0x100, v20;
	v1 =	vadd.s32 $0x200, v20;
	v24 =	vadd.s32 $0x700, v20;
	v25 =	vld [tilespmem:s22+$0x0];
	s21 =	sadd.s32 $0x8, s21;
	[tilespmem:v17+s17+$0x0] =	vst.idx.msk $0xffff, v22  }
0x539: {  	v17 =	vadd.s32 $0x300, v20;
	v22 =	vadd.s32 $0x500, v20;
	v26 =	vld [tilespmem:s22+$0xFFFFFFA0];
	p1 =	slt.u32 s21, $0x68;
	[tilespmem:v15+s17+$0x0] =	vst.idx.msk $0xffff, v19;
	v15 =	vadd.s32 $0x400, v20  }
0x53a: {  	v19 =	vadd.s32 $0x600, v20;
	v27 =	vld [tilespmem:s22+$0xFFFFFFB0];
	[tilespmem:v32+s17+$0x0] =	vst.idx.msk $0xffff, v18;
	v32 =	vmov v22  }
.Ltmp51:
0x53b: {  	v22 =	vld [tilespmem:s22+$0xFFFFFFC0];
	[tilespmem:v61+s17+$0x0] =	vst.idx.msk $0xffff, v21;
	v61 =	vmov v19;
	(pc) =	sbr.rel @p1 .LBB2_99-.Ltmp51, $4  }
0x53c: {  	v19 =	vld [tilespmem:s22+$0xFFFFFFD0];
	[tilespmem:v16+s17+$0x0] =	vst.idx.msk $0xffff, v23;
	v16 =	vmov v20  }
0x53d: {  	v18 =	vld [tilespmem:s22+$0xFFFFFFE0];
	[tilespmem:v24+s17+$0x0] =	vst.idx.msk $0xffff, v25  }
0x53e: {  	[tilespmem:v0+s17+$0x0] =	vst.idx.msk $0xffff, v26;
	v21 =	vld [tilespmem:s22+$0xFFFFFFF0]  }
0x53f: {  	v20 =	vadd.s32 $0x800, v20;
	v23 =	vld [tilespmem:s22+$0xFFFFFF90];
	[tilespmem:v1+s17+$0x0] =	vst.idx.msk $0xffff, v27;
	s22 =	sadd.s32 $0x400, s22  }
0x540: {  	_ =	sdelay $0x3  }
0x541: {  	[tilespmem:v17+s17+$0x0] =	vst.idx.msk $0xffff, v22  }
0x542: {  	[tilespmem:v15+s17+$0x0] =	vst.idx.msk $0xffff, v19  }
0x543: {  	[tilespmem:v32+s17+$0x0] =	vst.idx.msk $0xffff, v18  }
0x544: {  	[tilespmem:v61+s17+$0x0] =	vst.idx.msk $0xffff, v21  }
.Ltmp52:
0x545: {  	[tilespmem:v16+s17+$0x0] =	vst.idx.msk $0xffff, v23;
	(pc) =	sbr.rel .LBB2_101-.Ltmp52, $4  }
0x546: {  	[hbm4b:s10+s3] =	stream.linear.scatter [tilespmem:s17], [sflag:$0x3], $0x7000, $0x38;
	[tilespmem:$0x18000] =	vst v63  }
0x547: {  	_ =	swait.ge [sflag:s18], $0x7000  }
0x548: {  	[sflag:s18] =	ssyncset.done $0x0  }
0x549: {  	[sflag:s18] =	ssyncadd.s32 $0xFFFF9000  }
.LBB2_102:
0x54a: {  	_ =	sfence.sel $0x180000  }
0x54b: {  	[bflag:$0x0] =	sbarrier.arrive $0xFFFF  }
0x54c: {  	p0 =	sne.s32 s1, $0x0;
	_ =	strace $0x90000047  }
0x54d: {  	s0 =	sadd.s32 @!p0 $0x100000, s0;
	[bflag:$0x2] =	sbarrier.arrive $0xFFFF  }
0x54e: {  	[sflag:s0] =	ssyncadd.tile.s32 @!p0 $0x1;
	_ =	shalt  }
.Lfunc_end2:
_tile_overlayer_lowered:
.L_overlay_start_2:
0x54f: {  	(tag) =	ssettag $0x2  }
0x550: {  	s0 =	rddreg [dreg:$0x0];
	s2 =	stileid.u32  }
0x551: {  	s1 =	rddreg [dreg:$0x1];
	p0 =	sne.s32 s2, $0x0  }
0x552: {  	s3 =	rddreg [dreg:$0x2];
	[bflag:$0x3] =	sbarrier.arrive $0xFFFF;
	s2 =	simm.s32 @!p0 $0x1C03  }
0x553: {  	[timem:s3], [sflag:s2] =	dma.local @!p0 [hbm:s0], s1  }
0x554: {  	s0 =	simm.s32 @!p0 $0x3  }
0x555: {  	_ =	swait.ge @!p0 [sflag:s0], s1  }
0x556: {  	s1 =	ssub.s32 @!p0 $0x0, s1;
	[sflag:s0] =	ssyncset.done @!p0 $0x0  }
0x557: {  	[sflag:s0] =	ssyncadd.s32 @!p0 s1  }
0x558: {  	[bflag:$0x3] =	sbarrier.arrive $0xFFFF  }
0x559: {  	_ =	shalt  }

// kernel: kernel.7.cloned.1.call-start
scs
__scs_entry_jumppad:
0x0: {  	(pc) =	sbr.rel $0x88, $3  }
0x1: {  	(tag) =	ssettag $0x0;
	lr =	simm.s32 $0x1  }
0x2: {  	[smem:$0x3F9F] =	sst lr;
	_ =	strace $0xD0000000  }
0x3: {  	_ = 	snop  }
0x4: {  	_ = 	snop  }
0x5: {  	_ = 	snop  }
0x6: {  	_ = 	snop  }
0x7: {  	_ = 	snop  }
__scs_overlays_trampoline_lowered:
0x8: {  	[smem:$0x3FAE] =	sst s0  }
0x9: {  	[smem:$0x3FAF] =	sst s1  }
0xa: {  	[smem:$0x3FB0] =	sst s2  }
0xb: {  	[smem:$0x3FB1] =	sst s3  }
0xc: {  	[smem:$0x3FB2] =	sst s4  }
0xd: {  	[smem:$0x3FB3] =	sst s5  }
0xe: {  	[smem:$0x3FB4] =	sst s6  }
0xf: {  	[smem:$0x3FB5] =	sst s7  }
0x10: {  	[smem:$0x3FB6] =	sst s8  }
0x11: {  	[smem:$0x3FB7] =	sst s9;
	s0 =	simm.s32 @!p0 $0x0  }
0x12: {  	s1 =	sld [smem:$0x3F9D];
	s0 =	simm.s32 @p0 $0x1  }
0x13: {  	[smem:$0x3FB8] =	sst s0;
	s0 =	simm.s32 @!p1 $0x0  }
0x14: {  	s2 =	sld [smem:$0x3F9C];
	s0 =	simm.s32 @p1 $0x1  }
0x15: {  	[smem:$0x3FB9] =	sst s0;
	s0 =	simm.s32 @!p2 $0x0  }
0x16: {  	s3 =	sld [smem:$0x3FDB];
	s0 =	simm.s32 @p2 $0x1  }
0x17: {  	s4 =	simm.s32 $0x1BF5;
	[smem:$0x3FBB] =	sst s0  }
0x18: {  	s0 =	sld [smem:$0x3F9E];
	_ =	swait.ge [sflag:s4], $0x0  }
0x19: {  	s7 =	sld [smem:$0x3F9F]  }
0x1a: {  	s8 =	sadd.s32 $0xFFFFE003, lr  }
0x1b: {  	s9 =	sadd.s32 $0xFFFFFEF7, lr;
	s5 =	simm.s32 $0xFFFFFFFF;
	p2 =	slt.u32 s8, $0xFFFFF086  }
0x1c: {  	p1 =	slt.u32 s9, $0xF7A;
	s5 =	simm.s32 @!p2 $0x0  }
0x1d: {  	s5 =	simm.s32 @p1 $0x1;
	p0 =	seq.s32 s7, s2  }
0x1e: {  	s7 =	smul.u32 @!p0 $0xF7A, s2;
	p2 =	seq.s32 @!p0 s5, $0x0  }
0x1f: {  	s9 =	smul.u32 $0xF7A, s1;
	s8 =	simm.s32 @!p0 $0x1BF5;
	p2 =	por !p2, p0  }
0x20: {  	[sflag:s8] =	ssyncset.s32 @!p0 $0xFFFFF086;
	s6 =	sadd.s32 @!p0 s3, s7;
	s7 =	simm.s32 @!p0 $0x108  }
0x21: {  	s3 =	sadd.s32 s3, s9;
	s6 =	sadd.s32 @!p0 $0x88, s6;
	s7 =	simm.s32 @p2 $0x1082  }
0x22: {  	[simem:s7], [sflag:s8] =	dma.local @!p0 [hbm:s6], $0xF7A  }
0x23: {  	s9 =	sor.u32 $0xD0000000, s2;
	s6 =	simm.s32 $0x108;
	_ =	swait.ge @!p0 [sflag:s8], $0x0  }
0x24: {  	s3 =	sadd.s32 $0x88, s3;
	s6 =	simm.s32 @!p1 $0x1082;
	[sflag:s4] =	ssyncset.s32 $0xFFFFF086  }
0x25: {  	[simem:s6], [sflag:s4] =	dma.local [hbm:s3], $0xF7A  }
0x26: {  	[smem:$0x3F9F] =	sst s1;
	(tag) =	ssettag s2;
	_ =	strace s9  }
0x27: {  	s1 =	sld [smem:$0x3FAF]  }
0x28: {  	s2 =	sld [smem:$0x3FB0]  }
0x29: {  	s4 =	sld [smem:$0x3FB2]  }
0x2a: {  	p0 =	seq.s32 s5, $0x0;
	s5 =	sld [smem:$0x3FB3]  }
0x2b: {  	s6 =	sld [smem:$0x3FB4]  }
0x2c: {  	s7 =	sld [smem:$0x3FB5]  }
0x2d: {  	s3 =	simm.s32 $0x108;
	s8 =	sld [smem:$0x3FB6]  }
0x2e: {  	s3 =	simm.s32 @!p0 $0x1082;
	s9 =	sld [smem:$0x3FB7]  }
0x2f: {  	lr =	sadd.s32 s0, s3;
	s0 =	sld [smem:$0x3FAE]  }
0x30: {  	s3 =	sld [smem:$0x3FB1]  }
0x31: {  	[smem:$0x3FBA] =	sst s10  }
0x32: {  	s10 =	sld [smem:$0x3FB8];
	_ =	sdelay $0x3  }
0x33: {  	p0 =	seq.s32 s10, $0x1;
	s10 =	sld [smem:$0x3FBA];
	_ =	sdelay $0x3  }
0x34: {  	[smem:$0x3FBA] =	sst s10  }
0x35: {  	s10 =	sld [smem:$0x3FB9];
	_ =	sdelay $0x3  }
0x36: {  	p1 =	seq.s32 s10, $0x1;
	s10 =	sld [smem:$0x3FBA];
	_ =	sdelay $0x3  }
0x37: {  	[smem:$0x3FBA] =	sst s10  }
0x38: {  	s10 =	sld [smem:$0x3FBB]  }
0x39: {  	_ = 	snop;
	(pc) =	sbr.ind lr, $3  }
0x3a: {  	_ = 	snop  }
0x3b: {  	_ = 	snop  }
0x3c: {  	p2 =	seq.s32 s10, $0x1;
	s10 =	sld [smem:$0x3FBA]  }
0x3d: {  	_ =	shalt  }
0x3e: {  	_ =	shalt  }
0x3f: {  	_ =	shalt  }
0x40: {  	_ =	shalt  }
0x41: {  	_ =	shalt  }
0x42: {  	_ =	shalt  }
0x43: {  	_ =	shalt  }
0x44: {  	_ =	shalt  }
0x45: {  	_ =	shalt  }
0x46: {  	_ =	shalt  }
0x47: {  	_ =	shalt  }
0x48: {  	_ =	shalt  }
0x49: {  	_ =	shalt  }
0x4a: {  	_ =	shalt  }
0x4b: {  	_ =	shalt  }
0x4c: {  	_ =	shalt  }
0x4d: {  	_ =	shalt  }
0x4e: {  	_ =	shalt  }
0x4f: {  	_ =	shalt  }
0x50: {  	_ =	shalt  }
0x51: {  	_ =	shalt  }
0x52: {  	_ =	shalt  }
0x53: {  	_ =	shalt  }
0x54: {  	_ =	shalt  }
0x55: {  	_ =	shalt  }
0x56: {  	_ =	shalt  }
0x57: {  	_ =	shalt  }
0x58: {  	_ =	shalt  }
0x59: {  	_ =	shalt  }
0x5a: {  	_ =	shalt  }
0x5b: {  	_ =	shalt  }
0x5c: {  	_ =	shalt  }
0x5d: {  	_ =	shalt  }
0x5e: {  	_ =	shalt  }
0x5f: {  	_ =	shalt  }
0x60: {  	_ =	shalt  }
0x61: {  	_ =	shalt  }
0x62: {  	_ =	shalt  }
0x63: {  	_ =	shalt  }
0x64: {  	_ =	shalt  }
0x65: {  	_ =	shalt  }
0x66: {  	_ =	shalt  }
0x67: {  	_ =	shalt  }
0x68: {  	_ =	shalt  }
0x69: {  	_ =	shalt  }
0x6a: {  	_ =	shalt  }
0x6b: {  	_ =	shalt  }
0x6c: {  	_ =	shalt  }
0x6d: {  	_ =	shalt  }
0x6e: {  	_ =	shalt  }
0x6f: {  	_ =	shalt  }
0x70: {  	_ =	shalt  }
0x71: {  	_ =	shalt  }
0x72: {  	_ =	shalt  }
0x73: {  	_ =	shalt  }
0x74: {  	_ =	shalt  }
0x75: {  	_ =	shalt  }
0x76: {  	_ =	shalt  }
0x77: {  	_ =	shalt  }
0x78: {  	_ =	shalt  }
0x79: {  	_ =	shalt  }
0x7a: {  	_ =	shalt  }
0x7b: {  	_ =	shalt  }
0x7c: {  	_ =	shalt  }
0x7d: {  	_ =	shalt  }
0x7e: {  	_ =	shalt  }
0x7f: {  	_ =	shalt  }
0x80: {  	_ =	shalt  }
0x81: {  	_ =	shalt  }
0x82: {  	_ =	shalt  }
0x83: {  	_ =	shalt  }
0x84: {  	_ =	shalt  }
0x85: {  	_ =	shalt  }
0x86: {  	_ =	shalt  }
0x87: {  	_ =	shalt  }
.Lfunc_end0:
.L_simem_size_0:
called_computation.1_lowered:
.L_overlay_start_0:
0x88: {  	s2 =	sld [smem:$0x3FD9]  }
0x89: {  	s3 =	sld [smem:$0x3FFE];
	_ =	sdelay $0x1  }
0x8a: {  	s1 =	srdreg.scid  }
0x8b: {  	s0 =	sand.u32 $0x1, s1  }
0x8c: {  	s17 =	sshll.u32 s0, $0xA;
	s2 =	sadd.s32 s3, s2  }
0x8d: {  	s2 =	sadd.s32 s2, s17  }
0x8e: {  	[smem:$0x3FC6] =	sst s2  }
0x8f: {  	_ = 	snop  }
0x90: {  	s2 =	sld [smem:$0x3FD0];
	(tm) =	ssettm $0x1  }
0x91: {  	s18 =	sld [smem:$0x3FFB];
	_ =	sdelay $0x3  }
0x92: {  	_ =	strace s18  }
0x93: {  	s3 =	sld [smem:$0x3FFC];
	_ =	sdelay $0x3  }
0x94: {  	_ =	strace s3  }
0x95: {  	s3 =	sld [smem:$0x3FFD];
	_ =	sdelay $0x3  }
0x96: {  	_ =	strace s3  }
0x97: {  	_ =	strace $0x8FFFFFFF  }
0x98: {  	s19 =	sld [smem:$0x3FDB];
	_ =	sdelay $0x1  }
0x99: {  	s4 =	simm.s32 $_scs_section_size  }
0x9a: {  	s5 =	simm.s32 $_size__tile_overlayer_lowered;
	s6 =	simm.s32 $_tile_overlayer_lowered  }
0x9b: {  	s22 =	simm.s32 $0x1BFF;
	s21 =	sshll.u32 s6, $0x1;
	s3 =	sadd.s32 s4, s19  }
0x9c: {  	s7 =	simm.s32 $0x0;
	s20 =	sshll.u32 s5, $0x1;
	s5 =	sadd.s32 s21, s3  }
0x9d: {  	[timem:s7], [sflag:s22] =	dma.local [hbm:s5], s20  }
0x9e: {  	_ =	swait.ge [sflag:s22], s20  }
0x9f: {  	s4 =	ssub.s32 $0x0, s20;
	[sflag:s22] =	ssyncset.done $0x0  }
0xa0: {  	[sflag:s22] =	ssyncadd.s32 s4;
	_ =	sdelay $0x1  }
0xa1: {  	s23 =	simm.s32 $0x1B8B  }
0xa2: {  	_ =	swait.ge [sflag:s23], $0x1  }
0xa3: {  	[sflag:s23] =	ssyncset.done $0x0  }
0xa4: {  	s25 =	simm.s32 $0x1B8E;
	s24 =	sld [smem:$0x3FFE];
	[sflag:s23] =	ssyncadd.s32 $0xFFFFFFFF  }
0xa5: {  	s26 =	simm.s32 $execute0_lowered;
	[smem:$0x3FD2] =	sst s25  }
0xa6: {  	s5 =	sshll.u32 s26, $0x1;
	_ =	strace $0x80000049;
	[dreg:$0x1] =	wrdreg $0xFFFFFFFF  }
0xa7: {  	s28 =	simm.s32 $_size_execute0_lowered;
	s3 =	sadd.s32 s3, s5;
	[dreg:$0x0] =	wrdreg $0x0  }
0xa8: {  	s5 =	sshll.u32 s28, $0x1;
	[dreg:$0x2] =	wrdreg s3  }
0xa9: {  	[dreg:$0x3] =	wrdreg s5  }
0xaa: {  	[dreg:$0x4] =	wrdreg $0xC0  }
0xab: {  	_ =	task [dreg:s7], $0x5FFFF  }
0xac: {  	[dreg:$0x1] =	wrdreg $0xFFFFFFFF  }
0xad: {  	[dreg:$0x0] =	wrdreg $0x60  }
0xae: {  	[dreg:$0x2] =	wrdreg s24  }
0xaf: {  	[dreg:$0x3] =	wrdreg s2  }
0xb0: {  	[dreg:$0x4] =	wrdreg $0x9  }
0xb1: {  	_ =	task.clear_ibuf [dreg:s7], $0x5FFFF;
	_ =	strace $0x90000049  }
0xb2: {  	s29 =	simm.s32 $0x9;
	_ =	strace $0x8000004B  }
0xb3: {  	_ =	swait.ge [sflag:s29], $0x1  }
0xb4: {  	[sflag:s29] =	ssyncadd.s32 $0xFFFFFFFF  }
0xb5: {  	_ =	strace $0x9000004B  }
0xb6: {  	_ =	sfence  }
0xb7: {  	s30 =	sld [smem:$0x0];
	_ =	sdelay $0x2  }
0xb8: {  	s31 =	sshll.u32 s1, $0xD;
	s1 =	sshrl.u32 s1, $0x2  }
0xb9: {  	s3 =	sand.u32 $0x4000, s31;
	s1 =	sadd.s32 s1, s30  }
0xba: {  	s0 =	sor.u32 s3, s0;
	s1 =	sshll.u32 s1, $0x11  }
0xbb: {  	s0 =	sor.u32 s1, s0  }
0xbc: {  	s0 =	sadd.s32 $0x8F2B, s0  }
0xbd: {  	[sflag:s0] =	ssyncadd.remote.s32 $0x1  }
0xbe: {  	_ =	sfence.sel $0xFFFF  }
0xbf: {  	[dreg:$0x0] =	wrdreg $0xFFFFFFFF;
	(pc) =	sbr.abs _section_cstart, $3  }
0xc0: {  	[dreg:$0x1] =	wrdreg $0xFFFFFFFF  }
0xc1: {  	_ =	task.clear_ibuf [dreg:s7], $0x2FFFF;
	_ =	strace $0x9FFFFFFF  }
0xc2: {  	(tm) =	ssettm $0x7FFFFFFF  }
0xc3: {  	_ =	shalt  }
tec
execute0_lowered:
.L_overlay_start_1:
0x0: {  	(tag) =	ssettag $0x1  }
0x1: {  	s0 =	srdreg.scid  }
0x2: {  	s15 =	stileid.u32;
	s2 =	rddreg [dreg:$0x0];
	s4 =	simm.s32 $0x1  }
0x3: {  	s3 =	simm.s32 $0x0;
	s30 =	simm.s32 $0x9;
	s29 =	simm.s32 $0x800  }
0x4: {  	s31 =	simm.s32 $0xC00;
	s28 =	simm.s32 $0x1400;
	s0 =	sand.u32 $0x1, s0  }
0x5: {  	[smem:$0x7FF] =	sst s3;
	s11 =	sshll.u32 s15, $0xE;
	s1 =	sor.u32 s0, s15  }
0x6: {  	p1 =	seq.s32 s0, $0x1;
	s7 =	sshll.u32 s0, $0xD;
	s20 =	ssub.s32 $0x2, s0  }
0x7: {  	s8 =	sshll.u32 s0, $0x2;
	s13 =	sshllo.u32 s0, $0x2;
	s25 =	smul.u32 $0xC3800, s0  }
0x8: {  	s0 =	sshll.u32 s0, $0x6;
	p0 =	seq.s32 s1, $0x0;
	s1 =	rddreg [dreg:$0x1]  }
0x9: {  	_ =	strace $0x8000004A;
	s9 =	sshrl.u32 s20, $0x1;
	s10 =	sor.u32 $0x1, s8  }
0xa: {  	s8 =	sor.u32 $0x2, s8;
	s14 =	sshll.u32 s13, $0xB;
	s18 =	smul.u32 $0x30E00, s13  }
0xb: {  	s19 =	sshll.u32 s13, $0x4;
	s13 =	simm.s32 $0x7;
	p0 =	por !p0, !p1  }
0xc: {  	s12 =	sshll.u32 s10, $0xB;
	s22 =	sshll.u32 s8, $0xB;
	s26 =	smul.u32 $0x30E00, s10  }
0xd: {  	s10 =	sshll.u32 s10, $0x4;
	s17 =	sshll.u32 s8, $0x4;
	p0 =	por !p0, !p0  }
0xe: {  	s21 =	sor.u32 s11, s12;
	s12 =	sor.u32 s11, s22;
	s11 =	sor.u32 s11, s14  }
0xf: {  	s4 =	simm.s32 @!p0 $0x0;
	s12 =	sshrl.u32 s12, $0x3;
	s24 =	sshrl.u32 s11, $0x3  }
0x10: {  	s11 =	sshll.u32 s15, $0x12;
	p0 =	por $0x0, $0x0;
	s5 =	ssub.s32 s15, s4  }
0x11: {  	s4 =	sadd.s32 $0xA00, s2;
	s2 =	sadd.s32 $0x187A00, s2;
	s15 =	sor.u32 s11, s10  }
0x12: {  	s10 =	simm.s32 $0x8;
	s6 =	sshll.u32 s5, $0xE;
	s23 =	sadd.s32 s2, s12  }
0x13: {  	s5 =	sshll.u32 s5, $0x12;
	s22 =	sadd.s32 s4, s25;
	s12 =	sadd.s32 $0x4000, s1  }
0x14: {  	s6 =	sor.u32 s7, s6;
	s7 =	ssub.s32 s20, s9;
	[dreg:$0x5] =	wrdreg s23  }
0x15: {  	s0 =	sor.u32 s0, s5;
	s9 =	smul.u32 $0x30E00, s8;
	s5 =	sshrl.u32 s15, $0x3  }
0x16: {  	s8 =	sor.u32 s11, s19;
	s15 =	sadd.s32 s4, s18;
	s18 =	simm.s32 $0x400  }
0x17: {  	s19 =	simm.s32 $0x2;
	s6 =	sshrl.u32 s6, $0x3;
	s0 =	sshrl.u32 s0, $0x3  }
0x18: {  	s16 =	sadd.s32 s1, s5;
	s5 =	sadd.s32 s5, s12;
	s25 =	smax.u32 s7, $0x1  }
0x19: {  	s7 =	simm.s32 $0xE000;
	s6 =	sadd.s32 s2, s6;
	[dreg:$0x9] =	wrdreg s16  }
0x1a: {  	s14 =	sadd.s32 s4, s9;
	[dreg:$0xa] =	wrdreg s5;
	s16 =	simm.s32 $0x6000  }
0x1b: {  	s9 =	simm.s32 $0x10;
	[dreg:$0x3] =	wrdreg s6;
	s6 =	sshrl.u32 s21, $0x3  }
0x1c: {  	p1 =	sne.s32 s25, $0x1;
	s21 =	sadd.s32 s4, s26;
	s6 =	sadd.s32 s2, s6  }
0x1d: {  	s26 =	simm.s32 $0x1000;
	[dreg:$0x4] =	wrdreg s6;
	s6 =	sadd.s32 s2, s24  }
0x1e: {  	s2 =	simm.s32 $0x1;
	s24 =	sshrl.u32 s8, $0x3;
	s8 =	simm.s32 $0x5  }
0x1f: {  	[dreg:$0x6] =	wrdreg s6;
	s6 =	sadd.s32 s1, s0;
	s0 =	sadd.s32 s0, s12  }
0x20: {  	s5 =	sadd.s32 s1, s24;
	s4 =	sadd.s32 s24, s12;
	[dreg:$0x7] =	wrdreg s6  }
0x21: {  	s24 =	simm.s32 $0x1800;
	[dreg:$0x8] =	wrdreg s0;
	s6 =	sor.u32 s11, s17  }
.Ltmp0:
0x22: {  	s17 =	simm.s32 $0x2000;
	s6 =	sshrl.u32 s6, $0x3;
	(pc) =	sbr.rel @!p1 .LBB2_3-.Ltmp0, $4  }
0x23: {  	s11 =	simm.s32 $0xA000;
	s0 =	rddreg [dreg:$0x3];
	s20 =	sadd.s32 s1, s6  }
0x24: {  	s23 =	sadd.s32 s6, s12;
	s12 =	simm.s32 $0x80;
	s6 =	simm.s32 $0x6  }
0x25: {  	s1 =	sadd.s32 $0xFFFFFFFF, s25;
	s25 =	simm.s32 $0x1C00;
	[dreg:$0xb] =	wrdreg s20  }
0x26: {  	[dreg:$0xc] =	wrdreg s23;
	s23 =	simm.s32 $0x3;
	s20 =	simm.s32 $0x4  }
0x27: {  	[tilespmem:s3], [sflag:$0x9] =	stream.linear.gather [hbm4b:s0+s3], $0x800, $0x38;
	[tilespmem:$0x12000] =	vst v63  }
0x28: {  	_ =	swait.ge [sflag:s30], $0x800  }
0x29: {  	[sflag:s30] =	ssyncset.done $0x0  }
0x2a: {  	s0 =	rddreg [dreg:$0x4];
	[sflag:s30] =	ssyncadd.s32 $0xFFFFF800  }
0x2b: {  	[tilespmem:s29], [sflag:$0x9] =	stream.linear.gather [hbm4b:s0+s3], $0x800, $0x38;
	[tilespmem:$0x12000] =	vst v63  }
0x2c: {  	_ =	swait.ge [sflag:s30], $0x800  }
0x2d: {  	[sflag:s30] =	ssyncset.done $0x0  }
0x2e: {  	s0 =	rddreg [dreg:$0x5];
	[sflag:s30] =	ssyncadd.s32 $0xFFFFF800  }
0x2f: {  	[tilespmem:s26], [sflag:$0x9] =	stream.linear.gather [hbm4b:s0+s3], $0x800, $0x38;
	[tilespmem:$0x12000] =	vst v63  }
0x30: {  	_ =	swait.ge [sflag:s30], $0x800  }
0x31: {  	[sflag:s30] =	ssyncset.done $0x0  }
0x32: {  	s0 =	rddreg [dreg:$0x6];
	[sflag:s30] =	ssyncadd.s32 $0xFFFFF800  }
0x33: {  	[tilespmem:s24], [sflag:$0x9] =	stream.linear.gather [hbm4b:s0+s3], $0x800, $0x38;
	[tilespmem:$0x12000] =	vst v63  }
0x34: {  	_ =	swait.ge [sflag:s30], $0x800  }
0x35: {  	[sflag:s30] =	ssyncset.done $0x0  }
0x36: {  	[sflag:s30] =	ssyncadd.s32 $0xFFFFF800  }
0x37: {  	[tilespmem:s17], [sflag:$0x1] =	stream.indirect.gather [hbm4b:s22+s18], $0x10, s3, s18, $0xb8;
	[tilespmem:$0x12000] =	vst v63  }
0x38: {  	_ = 	snop  }
0x39: {  	[tilespmem:s16], [sflag:$0x2] =	stream.indirect.gather [hbm4b:s22+s18], $0x10, s18, s18, $0xb8;
	[tilespmem:$0x12000] =	vst v63  }
0x3a: {  	_ = 	snop  }
0x3b: {  	[tilespmem:s11], [sflag:$0x3] =	stream.indirect.gather [hbm4b:s21+s18], $0x10, s29, s18, $0xb8;
	[tilespmem:$0x12000] =	vst v63  }
0x3c: {  	_ = 	snop  }
0x3d: {  	[tilespmem:s7], [sflag:$0x4] =	stream.indirect.gather [hbm4b:s21+s18], $0x10, s31, s18, $0xb8;
	[tilespmem:$0x12000] =	vst v63  }
0x3e: {  	_ =	swait.ge [sflag:s2], $0x4000  }
0x3f: {  	[sflag:s2] =	ssyncset.done $0x0  }
0x40: {  	s0 =	rddreg [dreg:$0x7];
	[sflag:s2] =	ssyncadd.s32 $0xFFFFC000  }
0x41: {  	[hbm4b:s0+s9] =	stream.strided.scatter [tilespmem:s17], [sflag:$0x5], $0x4000, s12, s9, $0x38;
	[tilespmem:$0x12000] =	vst v63  }
0x42: {  	_ =	swait.ge [sflag:s8], $0x4000  }
0x43: {  	[sflag:s8] =	ssyncset.done $0x0  }
0x44: {  	[sflag:s8] =	ssyncadd.s32 $0xFFFFC000  }
0x45: {  	[tilespmem:s17], [sflag:$0x1] =	stream.indirect.gather [hbm4b:s14+s18], $0x10, s26, s18, $0xb8;
	[tilespmem:$0x12000] =	vst v63  }
0x46: {  	_ =	swait.ge [sflag:s19], $0x4000  }
0x47: {  	[sflag:s19] =	ssyncset.done $0x0  }
0x48: {  	s0 =	rddreg [dreg:$0x8];
	[sflag:s19] =	ssyncadd.s32 $0xFFFFC000  }
0x49: {  	[hbm4b:s0+s9] =	stream.strided.scatter [tilespmem:s16], [sflag:$0x6], $0x4000, s12, s9, $0x38;
	[tilespmem:$0x12000] =	vst v63  }
0x4a: {  	_ =	swait.ge [sflag:s6], $0x4000  }
0x4b: {  	[sflag:s6] =	ssyncset.done $0x0  }
0x4c: {  	[sflag:s6] =	ssyncadd.s32 $0xFFFFC000  }
0x4d: {  	[tilespmem:s16], [sflag:$0x2] =	stream.indirect.gather [hbm4b:s14+s18], $0x10, s28, s18, $0xb8;
	[tilespmem:$0x12000] =	vst v63  }
0x4e: {  	_ =	swait.ge [sflag:s23], $0x4000  }
0x4f: {  	[sflag:s23] =	ssyncset.done $0x0  }
0x50: {  	s0 =	rddreg [dreg:$0x9];
	[sflag:s23] =	ssyncadd.s32 $0xFFFFC000  }
0x51: {  	[hbm4b:s0+s9] =	stream.strided.scatter [tilespmem:s11], [sflag:$0x7], $0x4000, s12, s9, $0x38;
	[tilespmem:$0x12000] =	vst v63  }
0x52: {  	_ =	swait.ge [sflag:s13], $0x4000  }
0x53: {  	[sflag:s13] =	ssyncset.done $0x0  }
0x54: {  	[sflag:s13] =	ssyncadd.s32 $0xFFFFC000  }
0x55: {  	[tilespmem:s11], [sflag:$0x3] =	stream.indirect.gather [hbm4b:s15+s18], $0x10, s24, s18, $0xb8;
	[tilespmem:$0x12000] =	vst v63  }
0x56: {  	_ =	swait.ge [sflag:s20], $0x4000  }
0x57: {  	[sflag:s20] =	ssyncset.done $0x0  }
0x58: {  	s0 =	rddreg [dreg:$0xa];
	[sflag:s20] =	ssyncadd.s32 $0xFFFFC000  }
0x59: {  	[hbm4b:s0+s9] =	stream.strided.scatter [tilespmem:s7], [sflag:$0x8], $0x4000, s12, s9, $0x38;
	[tilespmem:$0x12000] =	vst v63  }
0x5a: {  	_ =	swait.ge [sflag:s10], $0x4000  }
0x5b: {  	[sflag:s10] =	ssyncset.done $0x0  }
0x5c: {  	[sflag:s10] =	ssyncadd.s32 $0xFFFFC000  }
0x5d: {  	[tilespmem:s7], [sflag:$0x4] =	stream.indirect.gather [hbm4b:s15+s18], $0x10, s25, s18, $0xb8;
	[tilespmem:$0x12000] =	vst v63  }
0x5e: {  	_ =	swait.ge [sflag:s2], $0x4000  }
0x5f: {  	[sflag:s2] =	ssyncset.done $0x0  }
0x60: {  	s0 =	rddreg [dreg:$0xb];
	[sflag:s2] =	ssyncadd.s32 $0xFFFFC000  }
0x61: {  	[hbm4b:s0+s9] =	stream.strided.scatter [tilespmem:s17], [sflag:$0x5], $0x4000, s12, s9, $0x38;
	[tilespmem:$0x12000] =	vst v63  }
0x62: {  	_ =	swait.ge [sflag:s19], $0x4000  }
0x63: {  	[sflag:s19] =	ssyncset.done $0x0  }
0x64: {  	s0 =	rddreg [dreg:$0xc];
	[sflag:s19] =	ssyncadd.s32 $0xFFFFC000  }
0x65: {  	[hbm4b:s0+s9] =	stream.strided.scatter [tilespmem:s16], [sflag:$0x6], $0x4000, s12, s9, $0x38;
	[tilespmem:$0x12000] =	vst v63  }
0x66: {  	_ =	swait.ge [sflag:s23], $0x4000  }
0x67: {  	[sflag:s23] =	ssyncset.done $0x0  }
0x68: {  	[sflag:s23] =	ssyncadd.s32 $0xFFFFC000  }
0x69: {  	[hbm4b:s5+s9] =	stream.strided.scatter [tilespmem:s11], [sflag:$0x7], $0x4000, s12, s9, $0x38;
	[tilespmem:$0x12000] =	vst v63  }
0x6a: {  	_ =	swait.ge [sflag:s20], $0x4000  }
0x6b: {  	[sflag:s20] =	ssyncset.done $0x0  }
0x6c: {  	[sflag:s20] =	ssyncadd.s32 $0xFFFFC000  }
0x6d: {  	[hbm4b:s4+s9] =	stream.strided.scatter [tilespmem:s7], [sflag:$0x8], $0x4000, s12, s9, $0x38;
	[tilespmem:$0x12000] =	vst v63  }
0x6e: {  	_ =	swait.ge [sflag:s8], $0x4000  }
0x6f: {  	[sflag:s8] =	ssyncset.done $0x0  }
0x70: {  	[sflag:s8] =	ssyncadd.s32 $0xFFFFC000  }
0x71: {  	_ =	swait.ge [sflag:s6], $0x4000  }
0x72: {  	[sflag:s6] =	ssyncset.done $0x0  }
0x73: {  	p1 =	sne.s32 s1, $0x1;
	[sflag:s6] =	ssyncadd.s32 $0xFFFFC000  }
.Ltmp1:
0x74: {  	_ =	swait.ge [sflag:s13], $0x4000;
	(pc) =	sbr.rel @!p1 .LBB2_3-.Ltmp1, $4  }
0x75: {  	[sflag:s13] =	ssyncset.done $0x0  }
0x76: {  	[sflag:s13] =	ssyncadd.s32 $0xFFFFC000  }
0x77: {  	s1 =	sadd.s32 $0xFFFFFFFF, s1;
	_ =	swait.ge [sflag:s10], $0x4000  }
0x78: {  	p0 =	por $0x1, $0x1;
	s0 =	rddreg [dreg:$0x3];
	[sflag:s10] =	ssyncset.done $0x0  }
.LBB2_2:
0x79: {  	[sflag:s10] =	ssyncadd.s32 $0xFFFFC000  }
0x7a: {  	[tilespmem:s3], [sflag:$0x9] =	stream.linear.gather [hbm4b:s0+s3], $0x800, $0x38;
	[tilespmem:$0x12000] =	vst v63  }
0x7b: {  	_ =	swait.ge [sflag:s30], $0x800  }
0x7c: {  	[sflag:s30] =	ssyncset.done $0x0  }
0x7d: {  	s0 =	rddreg [dreg:$0x4];
	[sflag:s30] =	ssyncadd.s32 $0xFFFFF800  }
0x7e: {  	[tilespmem:s29], [sflag:$0x9] =	stream.linear.gather [hbm4b:s0+s3], $0x800, $0x38;
	[tilespmem:$0x12000] =	vst v63  }
0x7f: {  	_ =	swait.ge [sflag:s30], $0x800  }
0x80: {  	[sflag:s30] =	ssyncset.done $0x0  }
0x81: {  	s0 =	rddreg [dreg:$0x5];
	[sflag:s30] =	ssyncadd.s32 $0xFFFFF800  }
0x82: {  	[tilespmem:s26], [sflag:$0x9] =	stream.linear.gather [hbm4b:s0+s3], $0x800, $0x38;
	[tilespmem:$0x12000] =	vst v63  }
0x83: {  	_ =	swait.ge [sflag:s30], $0x800  }
0x84: {  	[sflag:s30] =	ssyncset.done $0x0  }
0x85: {  	s0 =	rddreg [dreg:$0x6];
	[sflag:s30] =	ssyncadd.s32 $0xFFFFF800  }
0x86: {  	[tilespmem:s24], [sflag:$0x9] =	stream.linear.gather [hbm4b:s0+s3], $0x800, $0x38;
	[tilespmem:$0x12000] =	vst v63  }
0x87: {  	_ =	swait.ge [sflag:s30], $0x800  }
0x88: {  	[sflag:s30] =	ssyncset.done $0x0  }
0x89: {  	[sflag:s30] =	ssyncadd.s32 $0xFFFFF800  }
0x8a: {  	[tilespmem:s17], [sflag:$0x1] =	stream.indirect.gather [hbm4b:s22+s18], $0x10, s3, s18, $0xb8;
	[tilespmem:$0x12000] =	vst v63  }
0x8b: {  	_ = 	snop  }
0x8c: {  	[tilespmem:s16], [sflag:$0x2] =	stream.indirect.gather [hbm4b:s22+s18], $0x10, s18, s18, $0xb8;
	[tilespmem:$0x12000] =	vst v63  }
0x8d: {  	_ = 	snop  }
0x8e: {  	[tilespmem:s11], [sflag:$0x3] =	stream.indirect.gather [hbm4b:s21+s18], $0x10, s29, s18, $0xb8;
	[tilespmem:$0x12000] =	vst v63  }
0x8f: {  	_ = 	snop  }
0x90: {  	[tilespmem:s7], [sflag:$0x4] =	stream.indirect.gather [hbm4b:s21+s18], $0x10, s31, s18, $0xb8;
	[tilespmem:$0x12000] =	vst v63  }
0x91: {  	_ =	swait.ge [sflag:s2], $0x4000  }
0x92: {  	[sflag:s2] =	ssyncset.done $0x0  }
0x93: {  	s0 =	rddreg [dreg:$0x7];
	[sflag:s2] =	ssyncadd.s32 $0xFFFFC000  }
0x94: {  	[hbm4b:s0+s9] =	stream.strided.scatter [tilespmem:s17], [sflag:$0x5], $0x4000, s12, s9, $0x38;
	[tilespmem:$0x12000] =	vst v63  }
0x95: {  	_ =	swait.ge [sflag:s8], $0x4000  }
0x96: {  	[sflag:s8] =	ssyncset.done $0x0  }
0x97: {  	[sflag:s8] =	ssyncadd.s32 $0xFFFFC000  }
0x98: {  	[tilespmem:s17], [sflag:$0x1] =	stream.indirect.gather [hbm4b:s14+s18], $0x10, s26, s18, $0xb8;
	[tilespmem:$0x12000] =	vst v63  }
0x99: {  	_ =	swait.ge [sflag:s19], $0x4000  }
0x9a: {  	[sflag:s19] =	ssyncset.done $0x0  }
0x9b: {  	s0 =	rddreg [dreg:$0x8];
	[sflag:s19] =	ssyncadd.s32 $0xFFFFC000  }
0x9c: {  	[hbm4b:s0+s9] =	stream.strided.scatter [tilespmem:s16], [sflag:$0x6], $0x4000, s12, s9, $0x38;
	[tilespmem:$0x12000] =	vst v63  }
0x9d: {  	_ =	swait.ge [sflag:s6], $0x4000  }
0x9e: {  	[sflag:s6] =	ssyncset.done $0x0  }
0x9f: {  	[sflag:s6] =	ssyncadd.s32 $0xFFFFC000  }
0xa0: {  	[tilespmem:s16], [sflag:$0x2] =	stream.indirect.gather [hbm4b:s14+s18], $0x10, s28, s18, $0xb8;
	[tilespmem:$0x12000] =	vst v63  }
0xa1: {  	_ =	swait.ge [sflag:s23], $0x4000  }
0xa2: {  	[sflag:s23] =	ssyncset.done $0x0  }
0xa3: {  	s0 =	rddreg [dreg:$0x9];
	[sflag:s23] =	ssyncadd.s32 $0xFFFFC000  }
0xa4: {  	[hbm4b:s0+s9] =	stream.strided.scatter [tilespmem:s11], [sflag:$0x7], $0x4000, s12, s9, $0x38;
	[tilespmem:$0x12000] =	vst v63  }
0xa5: {  	_ =	swait.ge [sflag:s13], $0x4000  }
0xa6: {  	[sflag:s13] =	ssyncset.done $0x0  }
0xa7: {  	[sflag:s13] =	ssyncadd.s32 $0xFFFFC000  }
0xa8: {  	[tilespmem:s11], [sflag:$0x3] =	stream.indirect.gather [hbm4b:s15+s18], $0x10, s24, s18, $0xb8;
	[tilespmem:$0x12000] =	vst v63  }
0xa9: {  	_ =	swait.ge [sflag:s20], $0x4000  }
0xaa: {  	[sflag:s20] =	ssyncset.done $0x0  }
0xab: {  	s0 =	rddreg [dreg:$0xa];
	[sflag:s20] =	ssyncadd.s32 $0xFFFFC000  }
0xac: {  	[hbm4b:s0+s9] =	stream.strided.scatter [tilespmem:s7], [sflag:$0x8], $0x4000, s12, s9, $0x38;
	[tilespmem:$0x12000] =	vst v63  }
0xad: {  	_ =	swait.ge [sflag:s10], $0x4000  }
0xae: {  	[sflag:s10] =	ssyncset.done $0x0  }
0xaf: {  	[sflag:s10] =	ssyncadd.s32 $0xFFFFC000  }
0xb0: {  	[tilespmem:s7], [sflag:$0x4] =	stream.indirect.gather [hbm4b:s15+s18], $0x10, s25, s18, $0xb8;
	[tilespmem:$0x12000] =	vst v63  }
0xb1: {  	_ =	swait.ge [sflag:s2], $0x4000  }
0xb2: {  	[sflag:s2] =	ssyncset.done $0x0  }
0xb3: {  	s0 =	rddreg [dreg:$0xb];
	[sflag:s2] =	ssyncadd.s32 $0xFFFFC000  }
0xb4: {  	[hbm4b:s0+s9] =	stream.strided.scatter [tilespmem:s17], [sflag:$0x5], $0x4000, s12, s9, $0x38;
	[tilespmem:$0x12000] =	vst v63  }
0xb5: {  	_ =	swait.ge [sflag:s19], $0x4000  }
0xb6: {  	[sflag:s19] =	ssyncset.done $0x0  }
0xb7: {  	s0 =	rddreg [dreg:$0xc];
	[sflag:s19] =	ssyncadd.s32 $0xFFFFC000  }
0xb8: {  	[hbm4b:s0+s9] =	stream.strided.scatter [tilespmem:s16], [sflag:$0x6], $0x4000, s12, s9, $0x38;
	[tilespmem:$0x12000] =	vst v63  }
0xb9: {  	_ =	swait.ge [sflag:s23], $0x4000  }
0xba: {  	[sflag:s23] =	ssyncset.done $0x0  }
0xbb: {  	[sflag:s23] =	ssyncadd.s32 $0xFFFFC000  }
0xbc: {  	[hbm4b:s5+s9] =	stream.strided.scatter [tilespmem:s11], [sflag:$0x7], $0x4000, s12, s9, $0x38;
	[tilespmem:$0x12000] =	vst v63  }
0xbd: {  	_ =	swait.ge [sflag:s20], $0x4000  }
0xbe: {  	[sflag:s20] =	ssyncset.done $0x0  }
0xbf: {  	[sflag:s20] =	ssyncadd.s32 $0xFFFFC000  }
0xc0: {  	[hbm4b:s4+s9] =	stream.strided.scatter [tilespmem:s7], [sflag:$0x8], $0x4000, s12, s9, $0x38;
	[tilespmem:$0x12000] =	vst v63  }
0xc1: {  	_ =	swait.ge [sflag:s8], $0x4000  }
0xc2: {  	[sflag:s8] =	ssyncset.done $0x0  }
0xc3: {  	[sflag:s8] =	ssyncadd.s32 $0xFFFFC000  }
0xc4: {  	_ =	swait.ge [sflag:s6], $0x4000  }
0xc5: {  	[sflag:s6] =	ssyncset.done $0x0  }
0xc6: {  	p1 =	sne.s32 s1, $0x1;
	[sflag:s6] =	ssyncadd.s32 $0xFFFFC000  }
.Ltmp2:
0xc7: {  	_ =	swait.ge [sflag:s13], $0x4000;
	(pc) =	sbr.rel @p1 .LBB2_2-.Ltmp2, $4  }
0xc8: {  	[sflag:s13] =	ssyncset.done $0x0  }
0xc9: {  	[sflag:s13] =	ssyncadd.s32 $0xFFFFC000  }
0xca: {  	_ =	swait.ge [sflag:s10], $0x4000  }
0xcb: {  	s1 =	sadd.s32 $0xFFFFFFFF, s1;
	s0 =	rddreg [dreg:$0x3];
	[sflag:s10] =	ssyncset.done $0x0  }
.LBB2_3:
0xcc: {  	[sflag:s10] =	ssyncadd.s32 @p0 $0xFFFFC000  }
0xcd: {  	[tilespmem:s3], [sflag:$0x9] =	stream.linear.gather [hbm4b:s0+s3], $0x800, $0x38;
	[tilespmem:$0x12000] =	vst v63  }
0xce: {  	_ =	swait.ge [sflag:s30], $0x800  }
0xcf: {  	[sflag:s30] =	ssyncset.done $0x0  }
0xd0: {  	s1 =	rddreg [dreg:$0x4];
	[sflag:s30] =	ssyncadd.s32 $0xFFFFF800  }
0xd1: {  	[tilespmem:s29], [sflag:$0x9] =	stream.linear.gather [hbm4b:s1+s3], $0x800, $0x38;
	[tilespmem:$0x12000] =	vst v63  }
0xd2: {  	_ =	swait.ge [sflag:s30], $0x800  }
0xd3: {  	[sflag:s30] =	ssyncset.done $0x0  }
0xd4: {  	s1 =	rddreg [dreg:$0x5];
	[sflag:s30] =	ssyncadd.s32 $0xFFFFF800  }
0xd5: {  	[tilespmem:s26], [sflag:$0x9] =	stream.linear.gather [hbm4b:s1+s3], $0x800, $0x38;
	[tilespmem:$0x12000] =	vst v63  }
0xd6: {  	_ =	swait.ge [sflag:s30], $0x800  }
0xd7: {  	[sflag:s30] =	ssyncset.done $0x0  }
0xd8: {  	s1 =	rddreg [dreg:$0x6];
	[sflag:s30] =	ssyncadd.s32 $0xFFFFF800  }
0xd9: {  	[tilespmem:s24], [sflag:$0x9] =	stream.linear.gather [hbm4b:s1+s3], $0x800, $0x38;
	[tilespmem:$0x12000] =	vst v63  }
0xda: {  	_ =	swait.ge [sflag:s30], $0x800  }
0xdb: {  	[sflag:s30] =	ssyncset.done $0x0  }
0xdc: {  	[sflag:s30] =	ssyncadd.s32 $0xFFFFF800  }
0xdd: {  	[tilespmem:s17], [sflag:$0x1] =	stream.indirect.gather [hbm4b:s22+s18], $0x10, s3, s18, $0xb8;
	[tilespmem:$0x12000] =	vst v63  }
0xde: {  	_ = 	snop  }
0xdf: {  	[tilespmem:s16], [sflag:$0x2] =	stream.indirect.gather [hbm4b:s22+s18], $0x10, s18, s18, $0xb8;
	[tilespmem:$0x12000] =	vst v63  }
0xe0: {  	_ = 	snop  }
0xe1: {  	[tilespmem:s11], [sflag:$0x3] =	stream.indirect.gather [hbm4b:s21+s18], $0x10, s29, s18, $0xb8;
	[tilespmem:$0x12000] =	vst v63  }
0xe2: {  	_ = 	snop  }
0xe3: {  	[tilespmem:s7], [sflag:$0x4] =	stream.indirect.gather [hbm4b:s21+s18], $0x10, s31, s18, $0xb8;
	[tilespmem:$0x12000] =	vst v63  }
0xe4: {  	_ =	swait.ge [sflag:s2], $0x4000  }
0xe5: {  	[sflag:s2] =	ssyncset.done $0x0  }
0xe6: {  	s21 =	rddreg [dreg:$0x7];
	[sflag:s2] =	ssyncadd.s32 $0xFFFFC000  }
0xe7: {  	[hbm4b:s21+s9] =	stream.strided.scatter [tilespmem:s17], [sflag:$0x5], $0x4000, s12, s9, $0x38;
	[tilespmem:$0x12000] =	vst v63  }
0xe8: {  	_ =	swait.ge [sflag:s8], $0x4000  }
0xe9: {  	[sflag:s8] =	ssyncset.done $0x0  }
0xea: {  	[sflag:s8] =	ssyncadd.s32 $0xFFFFC000  }
0xeb: {  	[tilespmem:s17], [sflag:$0x1] =	stream.indirect.gather [hbm4b:s14+s18], $0x10, s26, s18, $0xb8;
	[tilespmem:$0x12000] =	vst v63  }
0xec: {  	_ =	swait.ge [sflag:s19], $0x4000  }
0xed: {  	[sflag:s19] =	ssyncset.done $0x0  }
0xee: {  	s22 =	rddreg [dreg:$0x8];
	[sflag:s19] =	ssyncadd.s32 $0xFFFFC000  }
0xef: {  	[hbm4b:s22+s9] =	stream.strided.scatter [tilespmem:s16], [sflag:$0x6], $0x4000, s12, s9, $0x38;
	[tilespmem:$0x12000] =	vst v63  }
0xf0: {  	_ =	swait.ge [sflag:s6], $0x4000  }
0xf1: {  	[sflag:s6] =	ssyncset.done $0x0  }
0xf2: {  	[sflag:s6] =	ssyncadd.s32 $0xFFFFC000  }
0xf3: {  	[tilespmem:s16], [sflag:$0x2] =	stream.indirect.gather [hbm4b:s14+s18], $0x10, s28, s18, $0xb8;
	[tilespmem:$0x12000] =	vst v63  }
0xf4: {  	_ =	swait.ge [sflag:s23], $0x4000  }
0xf5: {  	[sflag:s23] =	ssyncset.done $0x0  }
0xf6: {  	s26 =	rddreg [dreg:$0x9];
	[sflag:s23] =	ssyncadd.s32 $0xFFFFC000  }
0xf7: {  	[hbm4b:s26+s9] =	stream.strided.scatter [tilespmem:s11], [sflag:$0x7], $0x4000, s12, s9, $0x38;
	[tilespmem:$0x12000] =	vst v63  }
0xf8: {  	_ =	swait.ge [sflag:s13], $0x4000  }
0xf9: {  	[sflag:s13] =	ssyncset.done $0x0  }
0xfa: {  	[sflag:s13] =	ssyncadd.s32 $0xFFFFC000  }
0xfb: {  	[tilespmem:s11], [sflag:$0x3] =	stream.indirect.gather [hbm4b:s15+s18], $0x10, s24, s18, $0xb8;
	[tilespmem:$0x12000] =	vst v63  }
0xfc: {  	_ =	swait.ge [sflag:s20], $0x4000  }
0xfd: {  	[sflag:s20] =	ssyncset.done $0x0  }
0xfe: {  	s28 =	rddreg [dreg:$0xa];
	[sflag:s20] =	ssyncadd.s32 $0xFFFFC000  }
0xff: {  	[hbm4b:s28+s9] =	stream.strided.scatter [tilespmem:s7], [sflag:$0x8], $0x4000, s12, s9, $0x38;
	[tilespmem:$0x12000] =	vst v63  }
0x100: {  	_ =	swait.ge [sflag:s10], $0x4000  }
0x101: {  	[sflag:s10] =	ssyncset.done $0x0  }
0x102: {  	[sflag:s10] =	ssyncadd.s32 $0xFFFFC000  }
0x103: {  	[tilespmem:s7], [sflag:$0x4] =	stream.indirect.gather [hbm4b:s15+s18], $0x10, s25, s18, $0xb8;
	[tilespmem:$0x12000] =	vst v63  }
0x104: {  	_ =	swait.ge [sflag:s2], $0x4000  }
0x105: {  	[sflag:s2] =	ssyncset.done $0x0  }
0x106: {  	s29 =	rddreg [dreg:$0xb];
	[sflag:s2] =	ssyncadd.s32 $0xFFFFC000  }
0x107: {  	[hbm4b:s29+s9] =	stream.strided.scatter [tilespmem:s17], [sflag:$0x5], $0x4000, s12, s9, $0x38;
	[tilespmem:$0x12000] =	vst v63  }
0x108: {  	_ =	swait.ge [sflag:s19], $0x4000  }
0x109: {  	[sflag:s19] =	ssyncset.done $0x0  }
0x10a: {  	s30 =	rddreg [dreg:$0xc];
	[sflag:s19] =	ssyncadd.s32 $0xFFFFC000  }
0x10b: {  	[hbm4b:s30+s9] =	stream.strided.scatter [tilespmem:s16], [sflag:$0x6], $0x4000, s12, s9, $0x38;
	[tilespmem:$0x12000] =	vst v63  }
0x10c: {  	_ =	swait.ge [sflag:s23], $0x4000  }
0x10d: {  	[sflag:s23] =	ssyncset.done $0x0  }
0x10e: {  	[sflag:s23] =	ssyncadd.s32 $0xFFFFC000  }
0x10f: {  	[hbm4b:s5+s9] =	stream.strided.scatter [tilespmem:s11], [sflag:$0x7], $0x4000, s12, s9, $0x38;
	[tilespmem:$0x12000] =	vst v63  }
0x110: {  	_ =	swait.ge [sflag:s20], $0x4000  }
0x111: {  	[sflag:s20] =	ssyncset.done $0x0  }
0x112: {  	[sflag:s20] =	ssyncadd.s32 $0xFFFFC000  }
0x113: {  	[hbm4b:s4+s9] =	stream.strided.scatter [tilespmem:s7], [sflag:$0x8], $0x4000, s12, s9, $0x38;
	[tilespmem:$0x12000] =	vst v63  }
0x114: {  	_ =	swait.ge [sflag:s8], $0x4000  }
0x115: {  	[sflag:s8] =	ssyncset.done $0x0  }
0x116: {  	[sflag:s8] =	ssyncadd.s32 $0xFFFFC000  }
0x117: {  	_ =	swait.ge [sflag:s6], $0x4000  }
0x118: {  	[sflag:s6] =	ssyncset.done $0x0  }
0x119: {  	[sflag:s6] =	ssyncadd.s32 $0xFFFFC000  }
0x11a: {  	_ =	swait.ge [sflag:s13], $0x4000  }
0x11b: {  	[sflag:s13] =	ssyncset.done $0x0  }
0x11c: {  	[sflag:s13] =	ssyncadd.s32 $0xFFFFC000  }
0x11d: {  	_ =	swait.ge [sflag:s10], $0x4000  }
0x11e: {  	[sflag:s10] =	ssyncset.done $0x0  }
0x11f: {  	[sflag:s10] =	ssyncadd.s32 $0xFFFFC000  }
0x120: {  	_ =	sfence.sel $0x180000  }
0x121: {  	[bflag:$0x0] =	sbarrier.arrive $0xFFFF  }
0x122: {  	_ =	strace $0x9000004A  }
0x123: {  	s31 =	stileid.u32;
	[bflag:$0x2] =	sbarrier.arrive $0xFFFF  }
0x124: {  	p0 =	sne.s32 s31, $0x0;
	s0 =	rddreg [dreg:$0x2]  }
0x125: {  	s0 =	sadd.s32 @!p0 $0x100000, s0  }
0x126: {  	[sflag:s0] =	ssyncadd.tile.s32 @!p0 $0x1;
	_ =	shalt  }
.Lfunc_end2:
_tile_overlayer_lowered:
.L_overlay_start_2:
0x127: {  	(tag) =	ssettag $0x2  }
0x128: {  	s0 =	rddreg [dreg:$0x0];
	s2 =	stileid.u32  }
0x129: {  	s1 =	rddreg [dreg:$0x1];
	p0 =	sne.s32 s2, $0x0  }
0x12a: {  	s3 =	rddreg [dreg:$0x2];
	[bflag:$0x3] =	sbarrier.arrive $0xFFFF;
	s2 =	simm.s32 @!p0 $0x1C09  }
0x12b: {  	[timem:s3], [sflag:s2] =	dma.local @!p0 [hbm:s0], s1  }
0x12c: {  	s0 =	simm.s32 @!p0 $0x9  }
0x12d: {  	_ =	swait.ge @!p0 [sflag:s0], s1  }
0x12e: {  	s1 =	ssub.s32 @!p0 $0x0, s1;
	[sflag:s0] =	ssyncset.done @!p0 $0x0  }
0x12f: {  	[sflag:s0] =	ssyncadd.s32 @!p0 s1  }
0x130: {  	[bflag:$0x3] =	sbarrier.arrive $0xFFFF  }
0x131: {  	_ =	shalt  }

</sc_bundles>
